<compile_context>
chip_gen: v7x
topology: tpu7x:2x2x1
jax: 0.10.2.dev20260603
libtpu: 0.0.44.dev20260713+nightly
codegen_flags: <defaults>
</compile_context>

<pallas_src>
import functools

import jax
import jax.numpy as jnp
from jax import lax
from jax.experimental import pallas as pl
from jax.experimental.pallas import tpu as pltpu
from jax.experimental.pallas import tpu_sc as plsc

_NUM_BINS = 32
_EMBED_DIM = 128
_LANES = 16
_CLIP_MAX = 1.0 - 1.0 / (2 * _NUM_BINS)

_NW = 32
_CHUNK = 128
_NBUF = 6


@functools.partial(jax.jit, static_argnums=(2,))
def _rounding_embed(u_flat, table, n_rows):
  chunks_per_w = n_rows // (_NW * _CHUNK)
  rounds = chunks_per_w // _NBUF
  tail = chunks_per_w - rounds * _NBUF
  mesh = plsc.VectorSubcoreMesh(core_axis_name="core",
                                subcore_axis_name="subcore")

  @functools.partial(
      pl.kernel,
      out_type=jax.ShapeDtypeStruct((n_rows, _EMBED_DIM), jnp.float32),
      mesh=mesh,
      scratch_types=[
          pltpu.VMEM((chunks_per_w * _CHUNK,), jnp.float32),
          pltpu.VMEM((chunks_per_w, _CHUNK), jnp.int32),
          pltpu.VMEM((_NBUF, _CHUNK, _EMBED_DIM), jnp.float32),
          pltpu.VMEM_SHARED((_NUM_BINS, _EMBED_DIM), jnp.float32),
          pltpu.SemaphoreType.DMA((_NBUF,)),
          pltpu.SemaphoreType.DMA((_NBUF,)),
          pltpu.SemaphoreType.DMA,
      ],
  )
  def kern(u_hbm, table_hbm, out_hbm, u_v, idx_v, rows_v, table_sp,
           gsem, osem, usem):
    wid = lax.axis_index("subcore") * 2 + lax.axis_index("core")
    chunk0 = wid * chunks_per_w
    n_per_w = chunks_per_w * _CHUNK

    @pl.when(lax.axis_index("subcore") == 0)
    def _():
      pltpu.sync_copy(table_hbm, table_sp)

    pltpu.async_copy(u_hbm.at[pl.ds(wid * n_per_w, n_per_w)], u_v, usem).wait()

    def compute_idx(r):
      for c in range(_CHUNK // _LANES):
        v = u_v[pl.ds(r * _CHUNK + c * _LANES, _LANES)]
        v = jnp.minimum(jnp.maximum(v, 0.0), _CLIP_MAX)
        idx_v[r, pl.ds(c * _LANES, _LANES)] = (
            v * float(_NUM_BINS)).astype(jnp.int32)

    plsc.subcore_barrier()

    def fire_gather(g, b):
      pltpu.make_async_copy(table_sp.at[idx_v.at[g]], rows_v.at[b],
                            gsem.at[b]).start()

    def wait_gather(g, b):
      pltpu.make_async_copy(table_sp.at[idx_v.at[g]], rows_v.at[b],
                            gsem.at[b]).wait()

    def fire_out(g, b):
      pltpu.make_async_copy(
          rows_v.at[b], out_hbm.at[pl.ds((chunk0 + g) * _CHUNK, _CHUNK)],
          osem.at[b]).start()

    def wait_out(g, b):
      pltpu.make_async_copy(
          rows_v.at[b], out_hbm.at[pl.ds((chunk0 + g) * _CHUNK, _CHUNK)],
          osem.at[b]).wait()

    for b in range(_NBUF):
      compute_idx(b)
      fire_gather(b, b)

    @pl.loop(0, rounds - 1)
    def _(i):
      g0 = i * _NBUF
      for b in range(_NBUF):
        compute_idx(g0 + _NBUF + b)
      for b in range(_NBUF):
        wait_gather(g0 + b, b)
        fire_out(g0 + b, b)
      for b in range(_NBUF):
        wait_out(g0 + b, b)
        fire_gather(g0 + _NBUF + b, b)

    g0 = (rounds - 1) * _NBUF
    for b in range(tail):
      compute_idx(g0 + _NBUF + b)
    for b in range(_NBUF):
      wait_gather(g0 + b, b)
      fire_out(g0 + b, b)
    for b in range(tail):
      wait_out(g0 + b, b)
      fire_gather(g0 + _NBUF + b, b)
    for b in range(tail):
      wait_gather(g0 + _NBUF + b, b)
      fire_out(g0 + _NBUF + b, b)
    for b in range(tail, _NBUF):
      wait_out(g0 + b, b)
    for b in range(tail):
      wait_out(g0 + _NBUF + b, b)

  return kern(u_flat, table)


def kernel(u, table):
  n_rows = u.shape[0] * u.shape[1]
  out = _rounding_embed(u.reshape(n_rows), table, n_rows)
  return out.reshape(u.shape[0], u.shape[1], _EMBED_DIM)

# --- scband reference (transcript-rebuilt; emitter-appended) ---
"""Pipeline reference for scband-rounding-embedding-84378927497668 (READ-ONLY COPY).

The authoritative reference and input builder live on the scoring server;
editing this copy changes nothing except your own understanding.
"""

import jax, jax.numpy as jnp
import numpy as np

NUM_BINS = 32
EMBED_DIM = 128

def setup_inputs(seed: int = 0) -> dict:
    key = jax.random.key(seed)
    k1, k2 = jax.random.split(key)
    u = jax.random.uniform(k1, (4096, 100), dtype=jnp.float32)
    table = jax.random.normal(k2, (NUM_BINS, EMBED_DIM), dtype=jnp.float32)
    return {"u": u, "table": table}

def reference(u, table):
    u = jnp.clip(u, 0.0, 1.0 - 1.0 / (2 * NUM_BINS))
    bin_indices = (u * NUM_BINS).astype(jnp.int32)
    return jnp.take(table, bin_indices, axis=0)

if __name__ == "__main__":
    import jax
    _d = setup_inputs()
    print(jax.jit(kernel)(*tuple(_d.values())))

</pallas_src>

<mosaic_0001>
#map = affine_map<(d0, d1) -> (0)>
#map1 = affine_map<(d0, d1) -> (0, 0)>
module attributes {stable_mosaic.version = 14 : i64} {
  func.func @kern(%arg0: i32, %arg1: i32, %arg2: memref<409600xf32, #tpu.memory_space<hbm>>, %arg3: memref<32x128xf32, #tpu.memory_space<hbm>>, %arg4: memref<409600x128xf32, #tpu.memory_space<hbm>>, %arg5: memref<12800xf32, #tpu.memory_space<vmem>>, %arg6: memref<100x128xi32, #tpu.memory_space<vmem>>, %arg7: memref<6x128x128xf32, #tpu.memory_space<vmem>>, %arg8: memref<32x128xf32, #tpu.memory_space<vmem_shared>>, %arg9: memref<6x!tpu.dma_semaphore, #tpu.memory_space<semaphore_mem>>, %arg10: memref<6x!tpu.dma_semaphore, #tpu.memory_space<semaphore_mem>>, %arg11: memref<!tpu.dma_semaphore, #tpu.memory_space<semaphore_mem>>) attributes {dimension_semantics = [#tpu.dimension_semantics<core_parallel>, #tpu.dimension_semantics<subcore_parallel>], iteration_bounds = array<i64: 2, 16>, scalar_prefetch = 0 : i64, scratch_operands = 7 : i64, tpu.core_type = #tpu.core_type<sc_vector_subcore>, window_params = [{transform_indices = #map}, {transform_indices = #map1}, {transform_indices = #map1}]} {
    %mul3A = arith.constant 2 : i32
    %mul3A_0 = arith.muli %arg1, %mul3A : i32
    %add3A = arith.addi %mul3A_0, %arg0 : i32
    %mul3A_1 = arith.constant 100 : i32
    %mul3A_2 = arith.muli %add3A, %mul3A_1 : i32
    %eq3A = arith.constant 0 : i32
    %eq3A_3 = arith.cmpi eq, %arg1, %eq3A : i32
    %convert_element_type3A = arith.extui %eq3A_3 : i1 to i32
    %cond3A = arith.constant 0 : i32
    %cond3A_4 = arith.cmpi ne, %convert_element_type3A, %cond3A : i32
    scf.if %cond3A_4 {
      "tpu.region"() ({
        %run_scoped3A = tpu.sem_alloc : memref<!tpu.dma_semaphore, #tpu.memory_space<semaphore_mem>>
        tpu.enqueue_dma source(%arg3 : memref<32x128xf32, #tpu.memory_space<hbm>>) target(%arg8 : memref<32x128xf32, #tpu.memory_space<vmem_shared>>) target_semaphore(%run_scoped3A : memref<!tpu.dma_semaphore, #tpu.memory_space<semaphore_mem>>)
        tpu.wait_dma2 semaphore(%run_scoped3A : memref<!tpu.dma_semaphore, #tpu.memory_space<semaphore_mem>>) src(%arg3 : memref<32x128xf32, #tpu.memory_space<hbm>>) dst(%arg8 : memref<32x128xf32, #tpu.memory_space<vmem_shared>>)
        tpu.yield
      }) : () -> ()
    } else {
    }
    %mul3A_5 = arith.constant 12800 : i32
    %mul3A_6 = arith.muli %add3A, %mul3A_5 : i32
    %dma_start3A = tpu.memref_slice %arg2[%mul3A_6] : memref<409600xf32, #tpu.memory_space<hbm>> -> memref<12800xf32, #tpu.memory_space<hbm>>
    %dma_start3A_7 = tpu.memref_slice %arg2[%mul3A_6] : memref<409600xf32, #tpu.memory_space<hbm>> -> memref<12800xf32, #tpu.memory_space<hbm>>
    tpu.enqueue_dma source(%dma_start3A_7 : memref<12800xf32, #tpu.memory_space<hbm>>) target(%arg5 : memref<12800xf32, #tpu.memory_space<vmem>>) target_semaphore(%arg11 : memref<!tpu.dma_semaphore, #tpu.memory_space<semaphore_mem>>)
    %dma_wait3A = tpu.memref_slice %arg2[%mul3A_6] : memref<409600xf32, #tpu.memory_space<hbm>> -> memref<12800xf32, #tpu.memory_space<hbm>>
    %dma_wait3A_8 = tpu.memref_slice %arg2[%mul3A_6] : memref<409600xf32, #tpu.memory_space<hbm>> -> memref<12800xf32, #tpu.memory_space<hbm>>
    tpu.wait_dma2 semaphore(%arg11 : memref<!tpu.dma_semaphore, #tpu.memory_space<semaphore_mem>>) src(%dma_wait3A_8 : memref<12800xf32, #tpu.memory_space<hbm>>) dst(%arg5 : memref<12800xf32, #tpu.memory_space<vmem>>)
    %barrier3A = arith.constant 0 : index
    tpu.barrier barrier_id(%barrier3A)
    %get3A = arith.constant 0 : index
    %get3A_9 = tpu.vector_load %arg5[%get3A] {strides = array<i32>} : memref<12800xf32, #tpu.memory_space<vmem>>, vector<16xf32>,
    %get3A_10 = vector.shape_cast %get3A_9 : vector<16xf32> to vector<16xf32>
    %max3A = arith.constant 0.000000e+00 : f32
    %max3A_11 = vector.broadcast %max3A : f32 to vector<16xf32>
    %max3A_12 = arith.maximumf %get3A_10, %max3A_11 : vector<16xf32>
    %min3A = arith.constant 9.843750e-01 : f32
    %min3A_13 = vector.broadcast %min3A : f32 to vector<16xf32>
    %min3A_14 = arith.minimumf %max3A_12, %min3A_13 : vector<16xf32>
    %mul3A_15 = arith.constant 3.200000e+01 : f32
    %mul3A_16 = vector.broadcast %mul3A_15 : f32 to vector<16xf32>
    %mul3A_17 = arith.mulf %min3A_14, %mul3A_16 : vector<16xf32>
    %convert_element_type3A_18 = arith.fptosi %mul3A_17 : vector<16xf32> to vector<16xi32>
    %swap3A = arith.constant 0 : i32
    %swap3A_19 = arith.index_cast %swap3A : i32 to index
    %swap3A_20 = arith.constant 0 : index
    %swap3A_21 = tpu.vector_load %arg6[%swap3A_19, %swap3A_20] {strides = array<i32>} : memref<100x128xi32, #tpu.memory_space<vmem>>, vector<1x16xi32>,
    %swap3A_22 = vector.shape_cast %swap3A_21 : vector<1x16xi32> to vector<16xi32>
    %swap3A_23 = vector.shape_cast %convert_element_type3A_18 : vector<16xi32> to vector<1x16xi32>
    tpu.vector_store %arg6[%swap3A_19, %swap3A_20], %swap3A_23 {strides = array<i32>} : memref<100x128xi32, #tpu.memory_space<vmem>>, vector<1x16xi32>,
    %get3A_24 = arith.constant 16 : index
    %get3A_25 = tpu.vector_load %arg5[%get3A_24] {strides = array<i32>} : memref<12800xf32, #tpu.memory_space<vmem>>, vector<16xf32>,
    %get3A_26 = vector.shape_cast %get3A_25 : vector<16xf32> to vector<16xf32>
    %max3A_27 = arith.constant 0.000000e+00 : f32
    %max3A_28 = vector.broadcast %max3A_27 : f32 to vector<16xf32>
    %max3A_29 = arith.maximumf %get3A_26, %max3A_28 : vector<16xf32>
    %min3A_30 = arith.constant 9.843750e-01 : f32
    %min3A_31 = vector.broadcast %min3A_30 : f32 to vector<16xf32>
    %min3A_32 = arith.minimumf %max3A_29, %min3A_31 : vector<16xf32>
    %mul3A_33 = arith.constant 3.200000e+01 : f32
    %mul3A_34 = vector.broadcast %mul3A_33 : f32 to vector<16xf32>
    %mul3A_35 = arith.mulf %min3A_32, %mul3A_34 : vector<16xf32>
    %convert_element_type3A_36 = arith.fptosi %mul3A_35 : vector<16xf32> to vector<16xi32>
    %swap3A_37 = arith.constant 0 : i32
    %swap3A_38 = arith.index_cast %swap3A_37 : i32 to index
    %swap3A_39 = arith.constant 16 : index
    %swap3A_40 = tpu.vector_load %arg6[%swap3A_38, %swap3A_39] {strides = array<i32>} : memref<100x128xi32, #tpu.memory_space<vmem>>, vector<1x16xi32>,
    %swap3A_41 = vector.shape_cast %swap3A_40 : vector<1x16xi32> to vector<16xi32>
    %swap3A_42 = vector.shape_cast %convert_element_type3A_36 : vector<16xi32> to vector<1x16xi32>
    tpu.vector_store %arg6[%swap3A_38, %swap3A_39], %swap3A_42 {strides = array<i32>} : memref<100x128xi32, #tpu.memory_space<vmem>>, vector<1x16xi32>,
    %get3A_43 = arith.constant 32 : index
    %get3A_44 = tpu.vector_load %arg5[%get3A_43] {strides = array<i32>} : memref<12800xf32, #tpu.memory_space<vmem>>, vector<16xf32>,
    %get3A_45 = vector.shape_cast %get3A_44 : vector<16xf32> to vector<16xf32>
    %max3A_46 = arith.constant 0.000000e+00 : f32
    %max3A_47 = vector.broadcast %max3A_46 : f32 to vector<16xf32>
    %max3A_48 = arith.maximumf %get3A_45, %max3A_47 : vector<16xf32>
    %min3A_49 = arith.constant 9.843750e-01 : f32
    %min3A_50 = vector.broadcast %min3A_49 : f32 to vector<16xf32>
    %min3A_51 = arith.minimumf %max3A_48, %min3A_50 : vector<16xf32>
    %mul3A_52 = arith.constant 3.200000e+01 : f32
    %mul3A_53 = vector.broadcast %mul3A_52 : f32 to vector<16xf32>
    %mul3A_54 = arith.mulf %min3A_51, %mul3A_53 : vector<16xf32>
    %convert_element_type3A_55 = arith.fptosi %mul3A_54 : vector<16xf32> to vector<16xi32>
    %swap3A_56 = arith.constant 0 : i32
    %swap3A_57 = arith.index_cast %swap3A_56 : i32 to index
    %swap3A_58 = arith.constant 32 : index
    %swap3A_59 = tpu.vector_load %arg6[%swap3A_57, %swap3A_58] {strides = array<i32>} : memref<100x128xi32, #tpu.memory_space<vmem>>, vector<1x16xi32>,
    %swap3A_60 = vector.shape_cast %swap3A_59 : vector<1x16xi32> to vector<16xi32>
    %swap3A_61 = vector.shape_cast %convert_element_type3A_55 : vector<16xi32> to vector<1x16xi32>
    tpu.vector_store %arg6[%swap3A_57, %swap3A_58], %swap3A_61 {strides = array<i32>} : memref<100x128xi32, #tpu.memory_space<vmem>>, vector<1x16xi32>,
    %get3A_62 = arith.constant 48 : index
    %get3A_63 = tpu.vector_load %arg5[%get3A_62] {strides = array<i32>} : memref<12800xf32, #tpu.memory_space<vmem>>, vector<16xf32>,
    %get3A_64 = vector.shape_cast %get3A_63 : vector<16xf32> to vector<16xf32>
    %max3A_65 = arith.constant 0.000000e+00 : f32
    %max3A_66 = vector.broadcast %max3A_65 : f32 to vector<16xf32>
    %max3A_67 = arith.maximumf %get3A_64, %max3A_66 : vector<16xf32>
    %min3A_68 = arith.constant 9.843750e-01 : f32
    %min3A_69 = vector.broadcast %min3A_68 : f32 to vector<16xf32>
    %min3A_70 = arith.minimumf %max3A_67, %min3A_69 : vector<16xf32>
    %mul3A_71 = arith.constant 3.200000e+01 : f32
    %mul3A_72 = vector.broadcast %mul3A_71 : f32 to vector<16xf32>
    %mul3A_73 = arith.mulf %min3A_70, %mul3A_72 : vector<16xf32>
    %convert_element_type3A_74 = arith.fptosi %mul3A_73 : vector<16xf32> to vector<16xi32>
    %swap3A_75 = arith.constant 0 : i32
    %swap3A_76 = arith.index_cast %swap3A_75 : i32 to index
    %swap3A_77 = arith.constant 48 : index
    %swap3A_78 = tpu.vector_load %arg6[%swap3A_76, %swap3A_77] {strides = array<i32>} : memref<100x128xi32, #tpu.memory_space<vmem>>, vector<1x16xi32>,
    %swap3A_79 = vector.shape_cast %swap3A_78 : vector<1x16xi32> to vector<16xi32>
    %swap3A_80 = vector.shape_cast %convert_element_type3A_74 : vector<16xi32> to vector<1x16xi32>
    tpu.vector_store %arg6[%swap3A_76, %swap3A_77], %swap3A_80 {strides = array<i32>} : memref<100x128xi32, #tpu.memory_space<vmem>>, vector<1x16xi32>,
    %get3A_81 = arith.constant 64 : index
    %get3A_82 = tpu.vector_load %arg5[%get3A_81] {strides = array<i32>} : memref<12800xf32, #tpu.memory_space<vmem>>, vector<16xf32>,
    %get3A_83 = vector.shape_cast %get3A_82 : vector<16xf32> to vector<16xf32>
    %max3A_84 = arith.constant 0.000000e+00 : f32
    %max3A_85 = vector.broadcast %max3A_84 : f32 to vector<16xf32>
    %max3A_86 = arith.maximumf %get3A_83, %max3A_85 : vector<16xf32>
    %min3A_87 = arith.constant 9.843750e-01 : f32
    %min3A_88 = vector.broadcast %min3A_87 : f32 to vector<16xf32>
    %min3A_89 = arith.minimumf %max3A_86, %min3A_88 : vector<16xf32>
    %mul3A_90 = arith.constant 3.200000e+01 : f32
    %mul3A_91 = vector.broadcast %mul3A_90 : f32 to vector<16xf32>
    %mul3A_92 = arith.mulf %min3A_89, %mul3A_91 : vector<16xf32>
    %convert_element_type3A_93 = arith.fptosi %mul3A_92 : vector<16xf32> to vector<16xi32>
    %swap3A_94 = arith.constant 0 : i32
    %swap3A_95 = arith.index_cast %swap3A_94 : i32 to index
    %swap3A_96 = arith.constant 64 : index
    %swap3A_97 = tpu.vector_load %arg6[%swap3A_95, %swap3A_96] {strides = array<i32>} : memref<100x128xi32, #tpu.memory_space<vmem>>, vector<1x16xi32>,
    %swap3A_98 = vector.shape_cast %swap3A_97 : vector<1x16xi32> to vector<16xi32>
    %swap3A_99 = vector.shape_cast %convert_element_type3A_93 : vector<16xi32> to vector<1x16xi32>
    tpu.vector_store %arg6[%swap3A_95, %swap3A_96], %swap3A_99 {strides = array<i32>} : memref<100x128xi32, #tpu.memory_space<vmem>>, vector<1x16xi32>,
    %get3A_100 = arith.constant 80 : index
    %get3A_101 = tpu.vector_load %arg5[%get3A_100] {strides = array<i32>} : memref<12800xf32, #tpu.memory_space<vmem>>, vector<16xf32>,
    %get3A_102 = vector.shape_cast %get3A_101 : vector<16xf32> to vector<16xf32>
    %max3A_103 = arith.constant 0.000000e+00 : f32
    %max3A_104 = vector.broadcast %max3A_103 : f32 to vector<16xf32>
    %max3A_105 = arith.maximumf %get3A_102, %max3A_104 : vector<16xf32>
    %min3A_106 = arith.constant 9.843750e-01 : f32
    %min3A_107 = vector.broadcast %min3A_106 : f32 to vector<16xf32>
    %min3A_108 = arith.minimumf %max3A_105, %min3A_107 : vector<16xf32>
    %mul3A_109 = arith.constant 3.200000e+01 : f32
    %mul3A_110 = vector.broadcast %mul3A_109 : f32 to vector<16xf32>
    %mul3A_111 = arith.mulf %min3A_108, %mul3A_110 : vector<16xf32>
    %convert_element_type3A_112 = arith.fptosi %mul3A_111 : vector<16xf32> to vector<16xi32>
    %swap3A_113 = arith.constant 0 : i32
    %swap3A_114 = arith.index_cast %swap3A_113 : i32 to index
    %swap3A_115 = arith.constant 80 : index
    %swap3A_116 = tpu.vector_load %arg6[%swap3A_114, %swap3A_115] {strides = array<i32>} : memref<100x128xi32, #tpu.memory_space<vmem>>, vector<1x16xi32>,
    %swap3A_117 = vector.shape_cast %swap3A_116 : vector<1x16xi32> to vector<16xi32>
    %swap3A_118 = vector.shape_cast %convert_element_type3A_112 : vector<16xi32> to vector<1x16xi32>
    tpu.vector_store %arg6[%swap3A_114, %swap3A_115], %swap3A_118 {strides = array<i32>} : memref<100x128xi32, #tpu.memory_space<vmem>>, vector<1x16xi32>,
    %get3A_119 = arith.constant 96 : index
    %get3A_120 = tpu.vector_load %arg5[%get3A_119] {strides = array<i32>} : memref<12800xf32, #tpu.memory_space<vmem>>, vector<16xf32>,
    %get3A_121 = vector.shape_cast %get3A_120 : vector<16xf32> to vector<16xf32>
    %max3A_122 = arith.constant 0.000000e+00 : f32
    %max3A_123 = vector.broadcast %max3A_122 : f32 to vector<16xf32>
    %max3A_124 = arith.maximumf %get3A_121, %max3A_123 : vector<16xf32>
    %min3A_125 = arith.constant 9.843750e-01 : f32
    %min3A_126 = vector.broadcast %min3A_125 : f32 to vector<16xf32>
    %min3A_127 = arith.minimumf %max3A_124, %min3A_126 : vector<16xf32>
    %mul3A_128 = arith.constant 3.200000e+01 : f32
    %mul3A_129 = vector.broadcast %mul3A_128 : f32 to vector<16xf32>
    %mul3A_130 = arith.mulf %min3A_127, %mul3A_129 : vector<16xf32>
    %convert_element_type3A_131 = arith.fptosi %mul3A_130 : vector<16xf32> to vector<16xi32>
    %swap3A_132 = arith.constant 0 : i32
    %swap3A_133 = arith.index_cast %swap3A_132 : i32 to index
    %swap3A_134 = arith.constant 96 : index
    %swap3A_135 = tpu.vector_load %arg6[%swap3A_133, %swap3A_134] {strides = array<i32>} : memref<100x128xi32, #tpu.memory_space<vmem>>, vector<1x16xi32>,
    %swap3A_136 = vector.shape_cast %swap3A_135 : vector<1x16xi32> to vector<16xi32>
    %swap3A_137 = vector.shape_cast %convert_element_type3A_131 : vector<16xi32> to vector<1x16xi32>
    tpu.vector_store %arg6[%swap3A_133, %swap3A_134], %swap3A_137 {strides = array<i32>} : memref<100x128xi32, #tpu.memory_space<vmem>>, vector<1x16xi32>,
    %get3A_138 = arith.constant 112 : index
    %get3A_139 = tpu.vector_load %arg5[%get3A_138] {strides = array<i32>} : memref<12800xf32, #tpu.memory_space<vmem>>, vector<16xf32>,
    %get3A_140 = vector.shape_cast %get3A_139 : vector<16xf32> to vector<16xf32>
    %max3A_141 = arith.constant 0.000000e+00 : f32
    %max3A_142 = vector.broadcast %max3A_141 : f32 to vector<16xf32>
    %max3A_143 = arith.maximumf %get3A_140, %max3A_142 : vector<16xf32>
    %min3A_144 = arith.constant 9.843750e-01 : f32
    %min3A_145 = vector.broadcast %min3A_144 : f32 to vector<16xf32>
    %min3A_146 = arith.minimumf %max3A_143, %min3A_145 : vector<16xf32>
    %mul3A_147 = arith.constant 3.200000e+01 : f32
    %mul3A_148 = vector.broadcast %mul3A_147 : f32 to vector<16xf32>
    %mul3A_149 = arith.mulf %min3A_146, %mul3A_148 : vector<16xf32>
    %convert_element_type3A_150 = arith.fptosi %mul3A_149 : vector<16xf32> to vector<16xi32>
    %swap3A_151 = arith.constant 0 : i32
    %swap3A_152 = arith.index_cast %swap3A_151 : i32 to index
    %swap3A_153 = arith.constant 112 : index
    %swap3A_154 = tpu.vector_load %arg6[%swap3A_152, %swap3A_153] {strides = array<i32>} : memref<100x128xi32, #tpu.memory_space<vmem>>, vector<1x16xi32>,
    %swap3A_155 = vector.shape_cast %swap3A_154 : vector<1x16xi32> to vector<16xi32>
    %swap3A_156 = vector.shape_cast %convert_element_type3A_150 : vector<16xi32> to vector<1x16xi32>
    tpu.vector_store %arg6[%swap3A_152, %swap3A_153], %swap3A_156 {strides = array<i32>} : memref<100x128xi32, #tpu.memory_space<vmem>>, vector<1x16xi32>,
    %dma_start3A_157 = arith.constant 0 : i32
    %dma_start3A_158 = arith.constant 0 : i32
    %dma_start3A_159 = arith.constant 0 : i32
    %dma_start3A_160 = arith.constant 0 : i32
    %dma_start3A_161 = arith.constant 0 : i32
    %dma_start3A_162 = tpu.memref_slice %arg7[%dma_start3A_158, %dma_start3A_160, %dma_start3A_161] : memref<6x128x128xf32, #tpu.memory_space<vmem>> -> memref<1x128x128xf32, #tpu.memory_space<vmem>>
    %dma_start3A_163 = tpu.memref_squeeze %dma_start3A_162 : memref<1x128x128xf32, #tpu.memory_space<vmem>> -> memref<128x128xf32, #tpu.memory_space<vmem>>
    %dma_start3A_164 = arith.constant 0 : i32
    %dma_start3A_165 = tpu.memref_slice %arg6[%dma_start3A_157, %dma_start3A_164] : memref<100x128xi32, #tpu.memory_space<vmem>> -> memref<1x128xi32, #tpu.memory_space<vmem>>
    %dma_start3A_166 = tpu.memref_squeeze %dma_start3A_165 : memref<1x128xi32, #tpu.memory_space<vmem>> -> memref<128xi32, #tpu.memory_space<vmem>>
    %dma_start3A_167 = arith.constant 0 : i32
    %dma_start3A_168 = arith.constant 0 : i32
    %dma_start3A_169 = tpu.memref_slice %arg8[%dma_start3A_167, %dma_start3A_168] : memref<32x128xf32, #tpu.memory_space<vmem_shared>> -> memref<32x128xf32, #tpu.memory_space<vmem_shared>>
    %dma_start3A_170 = tpu.memref_slice %arg9[%dma_start3A_159] : memref<6x!tpu.dma_semaphore, #tpu.memory_space<semaphore_mem>> -> memref<1x!tpu.dma_semaphore, #tpu.memory_space<semaphore_mem>>
    %dma_start3A_171 = tpu.memref_squeeze %dma_start3A_170 : memref<1x!tpu.dma_semaphore, #tpu.memory_space<semaphore_mem>> -> memref<!tpu.dma_semaphore, #tpu.memory_space<semaphore_mem>>
    tpu.enqueue_indirect_dma source(%dma_start3A_169 : memref<32x128xf32, #tpu.memory_space<vmem_shared>>) target(%dma_start3A_163 : memref<128x128xf32, #tpu.memory_space<vmem>>) offsets(%dma_start3A_166 : memref<128xi32, #tpu.memory_space<vmem>>) semaphore(%dma_start3A_171 : memref<!tpu.dma_semaphore, #tpu.memory_space<semaphore_mem>>)
    %get3A_172 = arith.constant 128 : index
    %get3A_173 = tpu.vector_load %arg5[%get3A_172] {strides = array<i32>} : memref<12800xf32, #tpu.memory_space<vmem>>, vector<16xf32>,
    %get3A_174 = vector.shape_cast %get3A_173 : vector<16xf32> to vector<16xf32>
    %max3A_175 = arith.constant 0.000000e+00 : f32
    %max3A_176 = vector.broadcast %max3A_175 : f32 to vector<16xf32>
    %max3A_177 = arith.maximumf %get3A_174, %max3A_176 : vector<16xf32>
    %min3A_178 = arith.constant 9.843750e-01 : f32
    %min3A_179 = vector.broadcast %min3A_178 : f32 to vector<16xf32>
    %min3A_180 = arith.minimumf %max3A_177, %min3A_179 : vector<16xf32>
    %mul3A_181 = arith.constant 3.200000e+01 : f32
    %mul3A_182 = vector.broadcast %mul3A_181 : f32 to vector<16xf32>
    %mul3A_183 = arith.mulf %min3A_180, %mul3A_182 : vector<16xf32>
    %convert_element_type3A_184 = arith.fptosi %mul3A_183 : vector<16xf32> to vector<16xi32>
    %swap3A_185 = arith.constant 1 : i32
    %swap3A_186 = arith.index_cast %swap3A_185 : i32 to index
    %swap3A_187 = arith.constant 0 : index
    %swap3A_188 = tpu.vector_load %arg6[%swap3A_186, %swap3A_187] {strides = array<i32>} : memref<100x128xi32, #tpu.memory_space<vmem>>, vector<1x16xi32>,
    %swap3A_189 = vector.shape_cast %swap3A_188 : vector<1x16xi32> to vector<16xi32>
    %swap3A_190 = vector.shape_cast %convert_element_type3A_184 : vector<16xi32> to vector<1x16xi32>
    tpu.vector_store %arg6[%swap3A_186, %swap3A_187], %swap3A_190 {strides = array<i32>} : memref<100x128xi32, #tpu.memory_space<vmem>>, vector<1x16xi32>,
    %get3A_191 = arith.constant 144 : index
    %get3A_192 = tpu.vector_load %arg5[%get3A_191] {strides = array<i32>} : memref<12800xf32, #tpu.memory_space<vmem>>, vector<16xf32>,
    %get3A_193 = vector.shape_cast %get3A_192 : vector<16xf32> to vector<16xf32>
    %max3A_194 = arith.constant 0.000000e+00 : f32
    %max3A_195 = vector.broadcast %max3A_194 : f32 to vector<16xf32>
    %max3A_196 = arith.maximumf %get3A_193, %max3A_195 : vector<16xf32>
    %min3A_197 = arith.constant 9.843750e-01 : f32
    %min3A_198 = vector.broadcast %min3A_197 : f32 to vector<16xf32>
    %min3A_199 = arith.minimumf %max3A_196, %min3A_198 : vector<16xf32>
    %mul3A_200 = arith.constant 3.200000e+01 : f32
    %mul3A_201 = vector.broadcast %mul3A_200 : f32 to vector<16xf32>
    %mul3A_202 = arith.mulf %min3A_199, %mul3A_201 : vector<16xf32>
    %convert_element_type3A_203 = arith.fptosi %mul3A_202 : vector<16xf32> to vector<16xi32>
    %swap3A_204 = arith.constant 1 : i32
    %swap3A_205 = arith.index_cast %swap3A_204 : i32 to index
    %swap3A_206 = arith.constant 16 : index
    %swap3A_207 = tpu.vector_load %arg6[%swap3A_205, %swap3A_206] {strides = array<i32>} : memref<100x128xi32, #tpu.memory_space<vmem>>, vector<1x16xi32>,
    %swap3A_208 = vector.shape_cast %swap3A_207 : vector<1x16xi32> to vector<16xi32>
    %swap3A_209 = vector.shape_cast %convert_element_type3A_203 : vector<16xi32> to vector<1x16xi32>
    tpu.vector_store %arg6[%swap3A_205, %swap3A_206], %swap3A_209 {strides = array<i32>} : memref<100x128xi32, #tpu.memory_space<vmem>>, vector<1x16xi32>,
    %get3A_210 = arith.constant 160 : index
    %get3A_211 = tpu.vector_load %arg5[%get3A_210] {strides = array<i32>} : memref<12800xf32, #tpu.memory_space<vmem>>, vector<16xf32>,
    %get3A_212 = vector.shape_cast %get3A_211 : vector<16xf32> to vector<16xf32>
    %max3A_213 = arith.constant 0.000000e+00 : f32
    %max3A_214 = vector.broadcast %max3A_213 : f32 to vector<16xf32>
    %max3A_215 = arith.maximumf %get3A_212, %max3A_214 : vector<16xf32>
    %min3A_216 = arith.constant 9.843750e-01 : f32
    %min3A_217 = vector.broadcast %min3A_216 : f32 to vector<16xf32>
    %min3A_218 = arith.minimumf %max3A_215, %min3A_217 : vector<16xf32>
    %mul3A_219 = arith.constant 3.200000e+01 : f32
    %mul3A_220 = vector.broadcast %mul3A_219 : f32 to vector<16xf32>
    %mul3A_221 = arith.mulf %min3A_218, %mul3A_220 : vector<16xf32>
    %convert_element_type3A_222 = arith.fptosi %mul3A_221 : vector<16xf32> to vector<16xi32>
    %swap3A_223 = arith.constant 1 : i32
    %swap3A_224 = arith.index_cast %swap3A_223 : i32 to index
    %swap3A_225 = arith.constant 32 : index
    %swap3A_226 = tpu.vector_load %arg6[%swap3A_224, %swap3A_225] {strides = array<i32>} : memref<100x128xi32, #tpu.memory_space<vmem>>, vector<1x16xi32>,
    %swap3A_227 = vector.shape_cast %swap3A_226 : vector<1x16xi32> to vector<16xi32>
    %swap3A_228 = vector.shape_cast %convert_element_type3A_222 : vector<16xi32> to vector<1x16xi32>
    tpu.vector_store %arg6[%swap3A_224, %swap3A_225], %swap3A_228 {strides = array<i32>} : memref<100x128xi32, #tpu.memory_space<vmem>>, vector<1x16xi32>,
    %get3A_229 = arith.constant 176 : index
    %get3A_230 = tpu.vector_load %arg5[%get3A_229] {strides = array<i32>} : memref<12800xf32, #tpu.memory_space<vmem>>, vector<16xf32>,
    %get3A_231 = vector.shape_cast %get3A_230 : vector<16xf32> to vector<16xf32>
    %max3A_232 = arith.constant 0.000000e+00 : f32
    %max3A_233 = vector.broadcast %max3A_232 : f32 to vector<16xf32>
    %max3A_234 = arith.maximumf %get3A_231, %max3A_233 : vector<16xf32>
    %min3A_235 = arith.constant 9.843750e-01 : f32
    %min3A_236 = vector.broadcast %min3A_235 : f32 to vector<16xf32>
    %min3A_237 = arith.minimumf %max3A_234, %min3A_236 : vector<16xf32>
    %mul3A_238 = arith.constant 3.200000e+01 : f32
    %mul3A_239 = vector.broadcast %mul3A_238 : f32 to vector<16xf32>
    %mul3A_240 = arith.mulf %min3A_237, %mul3A_239 : vector<16xf32>
    %convert_element_type3A_241 = arith.fptosi %mul3A_240 : vector<16xf32> to vector<16xi32>
    %swap3A_242 = arith.constant 1 : i32
    %swap3A_243 = arith.index_cast %swap3A_242 : i32 to index
    %swap3A_244 = arith.constant 48 : index
    %swap3A_245 = tpu.vector_load %arg6[%swap3A_243, %swap3A_244] {strides = array<i32>} : memref<100x128xi32, #tpu.memory_space<vmem>>, vector<1x16xi32>,
    %swap3A_246 = vector.shape_cast %swap3A_245 : vector<1x16xi32> to vector<16xi32>
    %swap3A_247 = vector.shape_cast %convert_element_type3A_241 : vector<16xi32> to vector<1x16xi32>
    tpu.vector_store %arg6[%swap3A_243, %swap3A_244], %swap3A_247 {strides = array<i32>} : memref<100x128xi32, #tpu.memory_space<vmem>>, vector<1x16xi32>,
    %get3A_248 = arith.constant 192 : index
    %get3A_249 = tpu.vector_load %arg5[%get3A_248] {strides = array<i32>} : memref<12800xf32, #tpu.memory_space<vmem>>, vector<16xf32>,
    %get3A_250 = vector.shape_cast %get3A_249 : vector<16xf32> to vector<16xf32>
    %max3A_251 = arith.constant 0.000000e+00 : f32
    %max3A_252 = vector.broadcast %max3A_251 : f32 to vector<16xf32>
    %max3A_253 = arith.maximumf %get3A_250, %max3A_252 : vector<16xf32>
    %min3A_254 = arith.constant 9.843750e-01 : f32
    %min3A_255 = vector.broadcast %min3A_254 : f32 to vector<16xf32>
    %min3A_256 = arith.minimumf %max3A_253, %min3A_255 : vector<16xf32>
    %mul3A_257 = arith.constant 3.200000e+01 : f32
    %mul3A_258 = vector.broadcast %mul3A_257 : f32 to vector<16xf32>
    %mul3A_259 = arith.mulf %min3A_256, %mul3A_258 : vector<16xf32>
    %convert_element_type3A_260 = arith.fptosi %mul3A_259 : vector<16xf32> to vector<16xi32>
    %swap3A_261 = arith.constant 1 : i32
    %swap3A_262 = arith.index_cast %swap3A_261 : i32 to index
    %swap3A_263 = arith.constant 64 : index
    %swap3A_264 = tpu.vector_load %arg6[%swap3A_262, %swap3A_263] {strides = array<i32>} : memref<100x128xi32, #tpu.memory_space<vmem>>, vector<1x16xi32>,
    %swap3A_265 = vector.shape_cast %swap3A_264 : vector<1x16xi32> to vector<16xi32>
    %swap3A_266 = vector.shape_cast %convert_element_type3A_260 : vector<16xi32> to vector<1x16xi32>
    tpu.vector_store %arg6[%swap3A_262, %swap3A_263], %swap3A_266 {strides = array<i32>} : memref<100x128xi32, #tpu.memory_space<vmem>>, vector<1x16xi32>,
    %get3A_267 = arith.constant 208 : index
    %get3A_268 = tpu.vector_load %arg5[%get3A_267] {strides = array<i32>} : memref<12800xf32, #tpu.memory_space<vmem>>, vector<16xf32>,
    %get3A_269 = vector.shape_cast %get3A_268 : vector<16xf32> to vector<16xf32>
    %max3A_270 = arith.constant 0.000000e+00 : f32
    %max3A_271 = vector.broadcast %max3A_270 : f32 to vector<16xf32>
    %max3A_272 = arith.maximumf %get3A_269, %max3A_271 : vector<16xf32>
    %min3A_273 = arith.constant 9.843750e-01 : f32
    %min3A_274 = vector.broadcast %min3A_273 : f32 to vector<16xf32>
    %min3A_275 = arith.minimumf %max3A_272, %min3A_274 : vector<16xf32>
    %mul3A_276 = arith.constant 3.200000e+01 : f32
    %mul3A_277 = vector.broadcast %mul3A_276 : f32 to vector<16xf32>
    %mul3A_278 = arith.mulf %min3A_275, %mul3A_277 : vector<16xf32>
    %convert_element_type3A_279 = arith.fptosi %mul3A_278 : vector<16xf32> to vector<16xi32>
    %swap3A_280 = arith.constant 1 : i32
    %swap3A_281 = arith.index_cast %swap3A_280 : i32 to index
    %swap3A_282 = arith.constant 80 : index
    %swap3A_283 = tpu.vector_load %arg6[%swap3A_281, %swap3A_282] {strides = array<i32>} : memref<100x128xi32, #tpu.memory_space<vmem>>, vector<1x16xi32>,
    %swap3A_284 = vector.shape_cast %swap3A_283 : vector<1x16xi32> to vector<16xi32>
    %swap3A_285 = vector.shape_cast %convert_element_type3A_279 : vector<16xi32> to vector<1x16xi32>
    tpu.vector_store %arg6[%swap3A_281, %swap3A_282], %swap3A_285 {strides = array<i32>} : memref<100x128xi32, #tpu.memory_space<vmem>>, vector<1x16xi32>,
    %get3A_286 = arith.constant 224 : index
    %get3A_287 = tpu.vector_load %arg5[%get3A_286] {strides = array<i32>} : memref<12800xf32, #tpu.memory_space<vmem>>, vector<16xf32>,
    %get3A_288 = vector.shape_cast %get3A_287 : vector<16xf32> to vector<16xf32>
    %max3A_289 = arith.constant 0.000000e+00 : f32
    %max3A_290 = vector.broadcast %max3A_289 : f32 to vector<16xf32>
    %max3A_291 = arith.maximumf %get3A_288, %max3A_290 : vector<16xf32>
    %min3A_292 = arith.constant 9.843750e-01 : f32
    %min3A_293 = vector.broadcast %min3A_292 : f32 to vector<16xf32>
    %min3A_294 = arith.minimumf %max3A_291, %min3A_293 : vector<16xf32>
    %mul3A_295 = arith.constant 3.200000e+01 : f32
    %mul3A_296 = vector.broadcast %mul3A_295 : f32 to vector<16xf32>
    %mul3A_297 = arith.mulf %min3A_294, %mul3A_296 : vector<16xf32>
    %convert_element_type3A_298 = arith.fptosi %mul3A_297 : vector<16xf32> to vector<16xi32>
    %swap3A_299 = arith.constant 1 : i32
    %swap3A_300 = arith.index_cast %swap3A_299 : i32 to index
    %swap3A_301 = arith.constant 96 : index
    %swap3A_302 = tpu.vector_load %arg6[%swap3A_300, %swap3A_301] {strides = array<i32>} : memref<100x128xi32, #tpu.memory_space<vmem>>, vector<1x16xi32>,
    %swap3A_303 = vector.shape_cast %swap3A_302 : vector<1x16xi32> to vector<16xi32>
    %swap3A_304 = vector.shape_cast %convert_element_type3A_298 : vector<16xi32> to vector<1x16xi32>
    tpu.vector_store %arg6[%swap3A_300, %swap3A_301], %swap3A_304 {strides = array<i32>} : memref<100x128xi32, #tpu.memory_space<vmem>>, vector<1x16xi32>,
    %get3A_305 = arith.constant 240 : index
    %get3A_306 = tpu.vector_load %arg5[%get3A_305] {strides = array<i32>} : memref<12800xf32, #tpu.memory_space<vmem>>, vector<16xf32>,
    %get3A_307 = vector.shape_cast %get3A_306 : vector<16xf32> to vector<16xf32>
    %max3A_308 = arith.constant 0.000000e+00 : f32
    %max3A_309 = vector.broadcast %max3A_308 : f32 to vector<16xf32>
    %max3A_310 = arith.maximumf %get3A_307, %max3A_309 : vector<16xf32>
    %min3A_311 = arith.constant 9.843750e-01 : f32
    %min3A_312 = vector.broadcast %min3A_311 : f32 to vector<16xf32>
    %min3A_313 = arith.minimumf %max3A_310, %min3A_312 : vector<16xf32>
    %mul3A_314 = arith.constant 3.200000e+01 : f32
    %mul3A_315 = vector.broadcast %mul3A_314 : f32 to vector<16xf32>
    %mul3A_316 = arith.mulf %min3A_313, %mul3A_315 : vector<16xf32>
    %convert_element_type3A_317 = arith.fptosi %mul3A_316 : vector<16xf32> to vector<16xi32>
    %swap3A_318 = arith.constant 1 : i32
    %swap3A_319 = arith.index_cast %swap3A_318 : i32 to index
    %swap3A_320 = arith.constant 112 : index
    %swap3A_321 = tpu.vector_load %arg6[%swap3A_319, %swap3A_320] {strides = array<i32>} : memref<100x128xi32, #tpu.memory_space<vmem>>, vector<1x16xi32>,
    %swap3A_322 = vector.shape_cast %swap3A_321 : vector<1x16xi32> to vector<16xi32>
    %swap3A_323 = vector.shape_cast %convert_element_type3A_317 : vector<16xi32> to vector<1x16xi32>
    tpu.vector_store %arg6[%swap3A_319, %swap3A_320], %swap3A_323 {strides = array<i32>} : memref<100x128xi32, #tpu.memory_space<vmem>>, vector<1x16xi32>,
    %dma_start3A_324 = arith.constant 1 : i32
    %dma_start3A_325 = arith.constant 1 : i32
    %dma_start3A_326 = arith.constant 1 : i32
    %dma_start3A_327 = arith.constant 0 : i32
    %dma_start3A_328 = arith.constant 0 : i32
    %dma_start3A_329 = tpu.memref_slice %arg7[%dma_start3A_325, %dma_start3A_327, %dma_start3A_328] : memref<6x128x128xf32, #tpu.memory_space<vmem>> -> memref<1x128x128xf32, #tpu.memory_space<vmem>>
    %dma_start3A_330 = tpu.memref_squeeze %dma_start3A_329 : memref<1x128x128xf32, #tpu.memory_space<vmem>> -> memref<128x128xf32, #tpu.memory_space<vmem>>
    %dma_start3A_331 = arith.constant 0 : i32
    %dma_start3A_332 = tpu.memref_slice %arg6[%dma_start3A_324, %dma_start3A_331] : memref<100x128xi32, #tpu.memory_space<vmem>> -> memref<1x128xi32, #tpu.memory_space<vmem>>
    %dma_start3A_333 = tpu.memref_squeeze %dma_start3A_332 : memref<1x128xi32, #tpu.memory_space<vmem>> -> memref<128xi32, #tpu.memory_space<vmem>>
    %dma_start3A_334 = arith.constant 0 : i32
    %dma_start3A_335 = arith.constant 0 : i32
    %dma_start3A_336 = tpu.memref_slice %arg8[%dma_start3A_334, %dma_start3A_335] : memref<32x128xf32, #tpu.memory_space<vmem_shared>> -> memref<32x128xf32, #tpu.memory_space<vmem_shared>>
    %dma_start3A_337 = tpu.memref_slice %arg9[%dma_start3A_326] : memref<6x!tpu.dma_semaphore, #tpu.memory_space<semaphore_mem>> -> memref<1x!tpu.dma_semaphore, #tpu.memory_space<semaphore_mem>>
    %dma_start3A_338 = tpu.memref_squeeze %dma_start3A_337 : memref<1x!tpu.dma_semaphore, #tpu.memory_space<semaphore_mem>> -> memref<!tpu.dma_semaphore, #tpu.memory_space<semaphore_mem>>
    tpu.enqueue_indirect_dma source(%dma_start3A_336 : memref<32x128xf32, #tpu.memory_space<vmem_shared>>) target(%dma_start3A_330 : memref<128x128xf32, #tpu.memory_space<vmem>>) offsets(%dma_start3A_333 : memref<128xi32, #tpu.memory_space<vmem>>) semaphore(%dma_start3A_338 : memref<!tpu.dma_semaphore, #tpu.memory_space<semaphore_mem>>)
    %get3A_339 = arith.constant 256 : index
    %get3A_340 = tpu.vector_load %arg5[%get3A_339] {strides = array<i32>} : memref<12800xf32, #tpu.memory_space<vmem>>, vector<16xf32>,
    %get3A_341 = vector.shape_cast %get3A_340 : vector<16xf32> to vector<16xf32>
    %max3A_342 = arith.constant 0.000000e+00 : f32
    %max3A_343 = vector.broadcast %max3A_342 : f32 to vector<16xf32>
    %max3A_344 = arith.maximumf %get3A_341, %max3A_343 : vector<16xf32>
    %min3A_345 = arith.constant 9.843750e-01 : f32
    %min3A_346 = vector.broadcast %min3A_345 : f32 to vector<16xf32>
    %min3A_347 = arith.minimumf %max3A_344, %min3A_346 : vector<16xf32>
    %mul3A_348 = arith.constant 3.200000e+01 : f32
    %mul3A_349 = vector.broadcast %mul3A_348 : f32 to vector<16xf32>
    %mul3A_350 = arith.mulf %min3A_347, %mul3A_349 : vector<16xf32>
    %convert_element_type3A_351 = arith.fptosi %mul3A_350 : vector<16xf32> to vector<16xi32>
    %swap3A_352 = arith.constant 2 : i32
    %swap3A_353 = arith.index_cast %swap3A_352 : i32 to index
    %swap3A_354 = arith.constant 0 : index
    %swap3A_355 = tpu.vector_load %arg6[%swap3A_353, %swap3A_354] {strides = array<i32>} : memref<100x128xi32, #tpu.memory_space<vmem>>, vector<1x16xi32>,
    %swap3A_356 = vector.shape_cast %swap3A_355 : vector<1x16xi32> to vector<16xi32>
    %swap3A_357 = vector.shape_cast %convert_element_type3A_351 : vector<16xi32> to vector<1x16xi32>
    tpu.vector_store %arg6[%swap3A_353, %swap3A_354], %swap3A_357 {strides = array<i32>} : memref<100x128xi32, #tpu.memory_space<vmem>>, vector<1x16xi32>,
    %get3A_358 = arith.constant 272 : index
    %get3A_359 = tpu.vector_load %arg5[%get3A_358] {strides = array<i32>} : memref<12800xf32, #tpu.memory_space<vmem>>, vector<16xf32>,
    %get3A_360 = vector.shape_cast %get3A_359 : vector<16xf32> to vector<16xf32>
    %max3A_361 = arith.constant 0.000000e+00 : f32
    %max3A_362 = vector.broadcast %max3A_361 : f32 to vector<16xf32>
    %max3A_363 = arith.maximumf %get3A_360, %max3A_362 : vector<16xf32>
    %min3A_364 = arith.constant 9.843750e-01 : f32
    %min3A_365 = vector.broadcast %min3A_364 : f32 to vector<16xf32>
    %min3A_366 = arith.minimumf %max3A_363, %min3A_365 : vector<16xf32>
    %mul3A_367 = arith.constant 3.200000e+01 : f32
    %mul3A_368 = vector.broadcast %mul3A_367 : f32 to vector<16xf32>
    %mul3A_369 = arith.mulf %min3A_366, %mul3A_368 : vector<16xf32>
    %convert_element_type3A_370 = arith.fptosi %mul3A_369 : vector<16xf32> to vector<16xi32>
    %swap3A_371 = arith.constant 2 : i32
    %swap3A_372 = arith.index_cast %swap3A_371 : i32 to index
    %swap3A_373 = arith.constant 16 : index
    %swap3A_374 = tpu.vector_load %arg6[%swap3A_372, %swap3A_373] {strides = array<i32>} : memref<100x128xi32, #tpu.memory_space<vmem>>, vector<1x16xi32>,
    %swap3A_375 = vector.shape_cast %swap3A_374 : vector<1x16xi32> to vector<16xi32>
    %swap3A_376 = vector.shape_cast %convert_element_type3A_370 : vector<16xi32> to vector<1x16xi32>
    tpu.vector_store %arg6[%swap3A_372, %swap3A_373], %swap3A_376 {strides = array<i32>} : memref<100x128xi32, #tpu.memory_space<vmem>>, vector<1x16xi32>,
    %get3A_377 = arith.constant 288 : index
    %get3A_378 = tpu.vector_load %arg5[%get3A_377] {strides = array<i32>} : memref<12800xf32, #tpu.memory_space<vmem>>, vector<16xf32>,
    %get3A_379 = vector.shape_cast %get3A_378 : vector<16xf32> to vector<16xf32>
    %max3A_380 = arith.constant 0.000000e+00 : f32
    %max3A_381 = vector.broadcast %max3A_380 : f32 to vector<16xf32>
    %max3A_382 = arith.maximumf %get3A_379, %max3A_381 : vector<16xf32>
    %min3A_383 = arith.constant 9.843750e-01 : f32
    %min3A_384 = vector.broadcast %min3A_383 : f32 to vector<16xf32>
    %min3A_385 = arith.minimumf %max3A_382, %min3A_384 : vector<16xf32>
    %mul3A_386 = arith.constant 3.200000e+01 : f32
    %mul3A_387 = vector.broadcast %mul3A_386 : f32 to vector<16xf32>
    %mul3A_388 = arith.mulf %min3A_385, %mul3A_387 : vector<16xf32>
    %convert_element_type3A_389 = arith.fptosi %mul3A_388 : vector<16xf32> to vector<16xi32>
    %swap3A_390 = arith.constant 2 : i32
    %swap3A_391 = arith.index_cast %swap3A_390 : i32 to index
    %swap3A_392 = arith.constant 32 : index
    %swap3A_393 = tpu.vector_load %arg6[%swap3A_391, %swap3A_392] {strides = array<i32>} : memref<100x128xi32, #tpu.memory_space<vmem>>, vector<1x16xi32>,
    %swap3A_394 = vector.shape_cast %swap3A_393 : vector<1x16xi32> to vector<16xi32>
    %swap3A_395 = vector.shape_cast %convert_element_type3A_389 : vector<16xi32> to vector<1x16xi32>
    tpu.vector_store %arg6[%swap3A_391, %swap3A_392], %swap3A_395 {strides = array<i32>} : memref<100x128xi32, #tpu.memory_space<vmem>>, vector<1x16xi32>,
    %get3A_396 = arith.constant 304 : index
    %get3A_397 = tpu.vector_load %arg5[%get3A_396] {strides = array<i32>} : memref<12800xf32, #tpu.memory_space<vmem>>, vector<16xf32>,
    %get3A_398 = vector.shape_cast %get3A_397 : vector<16xf32> to vector<16xf32>
    %max3A_399 = arith.constant 0.000000e+00 : f32
    %max3A_400 = vector.broadcast %max3A_399 : f32 to vector<16xf32>
    %max3A_401 = arith.maximumf %get3A_398, %max3A_400 : vector<16xf32>
    %min3A_402 = arith.constant 9.843750e-01 : f32
    %min3A_403 = vector.broadcast %min3A_402 : f32 to vector<16xf32>
    %min3A_404 = arith.minimumf %max3A_401, %min3A_403 : vector<16xf32>
    %mul3A_405 = arith.constant 3.200000e+01 : f32
    %mul3A_406 = vector.broadcast %mul3A_405 : f32 to vector<16xf32>
    %mul3A_407 = arith.mulf %min3A_404, %mul3A_406 : vector<16xf32>
    %convert_element_type3A_408 = arith.fptosi %mul3A_407 : vector<16xf32> to vector<16xi32>
    %swap3A_409 = arith.constant 2 : i32
    %swap3A_410 = arith.index_cast %swap3A_409 : i32 to index
    %swap3A_411 = arith.constant 48 : index
    %swap3A_412 = tpu.vector_load %arg6[%swap3A_410, %swap3A_411] {strides = array<i32>} : memref<100x128xi32, #tpu.memory_space<vmem>>, vector<1x16xi32>,
    %swap3A_413 = vector.shape_cast %swap3A_412 : vector<1x16xi32> to vector<16xi32>
    %swap3A_414 = vector.shape_cast %convert_element_type3A_408 : vector<16xi32> to vector<1x16xi32>
    tpu.vector_store %arg6[%swap3A_410, %swap3A_411], %swap3A_414 {strides = array<i32>} : memref<100x128xi32, #tpu.memory_space<vmem>>, vector<1x16xi32>,
    %get3A_415 = arith.constant 320 : index
    %get3A_416 = tpu.vector_load %arg5[%get3A_415] {strides = array<i32>} : memref<12800xf32, #tpu.memory_space<vmem>>, vector<16xf32>,
    %get3A_417 = vector.shape_cast %get3A_416 : vector<16xf32> to vector<16xf32>
    %max3A_418 = arith.constant 0.000000e+00 : f32
    %max3A_419 = vector.broadcast %max3A_418 : f32 to vector<16xf32>
    %max3A_420 = arith.maximumf %get3A_417, %max3A_419 : vector<16xf32>
    %min3A_421 = arith.constant 9.843750e-01 : f32
    %min3A_422 = vector.broadcast %min3A_421 : f32 to vector<16xf32>
    %min3A_423 = arith.minimumf %max3A_420, %min3A_422 : vector<16xf32>
    %mul3A_424 = arith.constant 3.200000e+01 : f32
    %mul3A_425 = vector.broadcast %mul3A_424 : f32 to vector<16xf32>
    %mul3A_426 = arith.mulf %min3A_423, %mul3A_425 : vector<16xf32>
    %convert_element_type3A_427 = arith.fptosi %mul3A_426 : vector<16xf32> to vector<16xi32>
    %swap3A_428 = arith.constant 2 : i32
    %swap3A_429 = arith.index_cast %swap3A_428 : i32 to index
    %swap3A_430 = arith.constant 64 : index
    %swap3A_431 = tpu.vector_load %arg6[%swap3A_429, %swap3A_430] {strides = array<i32>} : memref<100x128xi32, #tpu.memory_space<vmem>>, vector<1x16xi32>,
    %swap3A_432 = vector.shape_cast %swap3A_431 : vector<1x16xi32> to vector<16xi32>
    %swap3A_433 = vector.shape_cast %convert_element_type3A_427 : vector<16xi32> to vector<1x16xi32>
    tpu.vector_store %arg6[%swap3A_429, %swap3A_430], %swap3A_433 {strides = array<i32>} : memref<100x128xi32, #tpu.memory_space<vmem>>, vector<1x16xi32>,
    %get3A_434 = arith.constant 336 : index
    %get3A_435 = tpu.vector_load %arg5[%get3A_434] {strides = array<i32>} : memref<12800xf32, #tpu.memory_space<vmem>>, vector<16xf32>,
    %get3A_436 = vector.shape_cast %get3A_435 : vector<16xf32> to vector<16xf32>
    %max3A_437 = arith.constant 0.000000e+00 : f32
    %max3A_438 = vector.broadcast %max3A_437 : f32 to vector<16xf32>
    %max3A_439 = arith.maximumf %get3A_436, %max3A_438 : vector<16xf32>
    %min3A_440 = arith.constant 9.843750e-01 : f32
    %min3A_441 = vector.broadcast %min3A_440 : f32 to vector<16xf32>
    %min3A_442 = arith.minimumf %max3A_439, %min3A_441 : vector<16xf32>
    %mul3A_443 = arith.constant 3.200000e+01 : f32
    %mul3A_444 = vector.broadcast %mul3A_443 : f32 to vector<16xf32>
    %mul3A_445 = arith.mulf %min3A_442, %mul3A_444 : vector<16xf32>
    %convert_element_type3A_446 = arith.fptosi %mul3A_445 : vector<16xf32> to vector<16xi32>
    %swap3A_447 = arith.constant 2 : i32
    %swap3A_448 = arith.index_cast %swap3A_447 : i32 to index
    %swap3A_449 = arith.constant 80 : index
    %swap3A_450 = tpu.vector_load %arg6[%swap3A_448, %swap3A_449] {strides = array<i32>} : memref<100x128xi32, #tpu.memory_space<vmem>>, vector<1x16xi32>,
    %swap3A_451 = vector.shape_cast %swap3A_450 : vector<1x16xi32> to vector<16xi32>
    %swap3A_452 = vector.shape_cast %convert_element_type3A_446 : vector<16xi32> to vector<1x16xi32>
    tpu.vector_store %arg6[%swap3A_448, %swap3A_449], %swap3A_452 {strides = array<i32>} : memref<100x128xi32, #tpu.memory_space<vmem>>, vector<1x16xi32>,
    %get3A_453 = arith.constant 352 : index
    %get3A_454 = tpu.vector_load %arg5[%get3A_453] {strides = array<i32>} : memref<12800xf32, #tpu.memory_space<vmem>>, vector<16xf32>,
    %get3A_455 = vector.shape_cast %get3A_454 : vector<16xf32> to vector<16xf32>
    %max3A_456 = arith.constant 0.000000e+00 : f32
    %max3A_457 = vector.broadcast %max3A_456 : f32 to vector<16xf32>
    %max3A_458 = arith.maximumf %get3A_455, %max3A_457 : vector<16xf32>
    %min3A_459 = arith.constant 9.843750e-01 : f32
    %min3A_460 = vector.broadcast %min3A_459 : f32 to vector<16xf32>
    %min3A_461 = arith.minimumf %max3A_458, %min3A_460 : vector<16xf32>
    %mul3A_462 = arith.constant 3.200000e+01 : f32
    %mul3A_463 = vector.broadcast %mul3A_462 : f32 to vector<16xf32>
    %mul3A_464 = arith.mulf %min3A_461, %mul3A_463 : vector<16xf32>
    %convert_element_type3A_465 = arith.fptosi %mul3A_464 : vector<16xf32> to vector<16xi32>
    %swap3A_466 = arith.constant 2 : i32
    %swap3A_467 = arith.index_cast %swap3A_466 : i32 to index
    %swap3A_468 = arith.constant 96 : index
    %swap3A_469 = tpu.vector_load %arg6[%swap3A_467, %swap3A_468] {strides = array<i32>} : memref<100x128xi32, #tpu.memory_space<vmem>>, vector<1x16xi32>,
    %swap3A_470 = vector.shape_cast %swap3A_469 : vector<1x16xi32> to vector<16xi32>
    %swap3A_471 = vector.shape_cast %convert_element_type3A_465 : vector<16xi32> to vector<1x16xi32>
    tpu.vector_store %arg6[%swap3A_467, %swap3A_468], %swap3A_471 {strides = array<i32>} : memref<100x128xi32, #tpu.memory_space<vmem>>, vector<1x16xi32>,
    %get3A_472 = arith.constant 368 : index
    %get3A_473 = tpu.vector_load %arg5[%get3A_472] {strides = array<i32>} : memref<12800xf32, #tpu.memory_space<vmem>>, vector<16xf32>,
    %get3A_474 = vector.shape_cast %get3A_473 : vector<16xf32> to vector<16xf32>
    %max3A_475 = arith.constant 0.000000e+00 : f32
    %max3A_476 = vector.broadcast %max3A_475 : f32 to vector<16xf32>
    %max3A_477 = arith.maximumf %get3A_474, %max3A_476 : vector<16xf32>
    %min3A_478 = arith.constant 9.843750e-01 : f32
    %min3A_479 = vector.broadcast %min3A_478 : f32 to vector<16xf32>
    %min3A_480 = arith.minimumf %max3A_477, %min3A_479 : vector<16xf32>
    %mul3A_481 = arith.constant 3.200000e+01 : f32
    %mul3A_482 = vector.broadcast %mul3A_481 : f32 to vector<16xf32>
    %mul3A_483 = arith.mulf %min3A_480, %mul3A_482 : vector<16xf32>
    %convert_element_type3A_484 = arith.fptosi %mul3A_483 : vector<16xf32> to vector<16xi32>
    %swap3A_485 = arith.constant 2 : i32
    %swap3A_486 = arith.index_cast %swap3A_485 : i32 to index
    %swap3A_487 = arith.constant 112 : index
    %swap3A_488 = tpu.vector_load %arg6[%swap3A_486, %swap3A_487] {strides = array<i32>} : memref<100x128xi32, #tpu.memory_space<vmem>>, vector<1x16xi32>,
    %swap3A_489 = vector.shape_cast %swap3A_488 : vector<1x16xi32> to vector<16xi32>
    %swap3A_490 = vector.shape_cast %convert_element_type3A_484 : vector<16xi32> to vector<1x16xi32>
    tpu.vector_store %arg6[%swap3A_486, %swap3A_487], %swap3A_490 {strides = array<i32>} : memref<100x128xi32, #tpu.memory_space<vmem>>, vector<1x16xi32>,
    %dma_start3A_491 = arith.constant 2 : i32
    %dma_start3A_492 = arith.constant 2 : i32
    %dma_start3A_493 = arith.constant 2 : i32
    %dma_start3A_494 = arith.constant 0 : i32
    %dma_start3A_495 = arith.constant 0 : i32
    %dma_start3A_496 = tpu.memref_slice %arg7[%dma_start3A_492, %dma_start3A_494, %dma_start3A_495] : memref<6x128x128xf32, #tpu.memory_space<vmem>> -> memref<1x128x128xf32, #tpu.memory_space<vmem>>
    %dma_start3A_497 = tpu.memref_squeeze %dma_start3A_496 : memref<1x128x128xf32, #tpu.memory_space<vmem>> -> memref<128x128xf32, #tpu.memory_space<vmem>>
    %dma_start3A_498 = arith.constant 0 : i32
    %dma_start3A_499 = tpu.memref_slice %arg6[%dma_start3A_491, %dma_start3A_498] : memref<100x128xi32, #tpu.memory_space<vmem>> -> memref<1x128xi32, #tpu.memory_space<vmem>>
    %dma_start3A_500 = tpu.memref_squeeze %dma_start3A_499 : memref<1x128xi32, #tpu.memory_space<vmem>> -> memref<128xi32, #tpu.memory_space<vmem>>
    %dma_start3A_501 = arith.constant 0 : i32
    %dma_start3A_502 = arith.constant 0 : i32
    %dma_start3A_503 = tpu.memref_slice %arg8[%dma_start3A_501, %dma_start3A_502] : memref<32x128xf32, #tpu.memory_space<vmem_shared>> -> memref<32x128xf32, #tpu.memory_space<vmem_shared>>
    %dma_start3A_504 = tpu.memref_slice %arg9[%dma_start3A_493] : memref<6x!tpu.dma_semaphore, #tpu.memory_space<semaphore_mem>> -> memref<1x!tpu.dma_semaphore, #tpu.memory_space<semaphore_mem>>
    %dma_start3A_505 = tpu.memref_squeeze %dma_start3A_504 : memref<1x!tpu.dma_semaphore, #tpu.memory_space<semaphore_mem>> -> memref<!tpu.dma_semaphore, #tpu.memory_space<semaphore_mem>>
    tpu.enqueue_indirect_dma source(%dma_start3A_503 : memref<32x128xf32, #tpu.memory_space<vmem_shared>>) target(%dma_start3A_497 : memref<128x128xf32, #tpu.memory_space<vmem>>) offsets(%dma_start3A_500 : memref<128xi32, #tpu.memory_space<vmem>>) semaphore(%dma_start3A_505 : memref<!tpu.dma_semaphore, #tpu.memory_space<semaphore_mem>>)
    %get3A_506 = arith.constant 384 : index
    %get3A_507 = tpu.vector_load %arg5[%get3A_506] {strides = array<i32>} : memref<12800xf32, #tpu.memory_space<vmem>>, vector<16xf32>,
    %get3A_508 = vector.shape_cast %get3A_507 : vector<16xf32> to vector<16xf32>
    %max3A_509 = arith.constant 0.000000e+00 : f32
    %max3A_510 = vector.broadcast %max3A_509 : f32 to vector<16xf32>
    %max3A_511 = arith.maximumf %get3A_508, %max3A_510 : vector<16xf32>
    %min3A_512 = arith.constant 9.843750e-01 : f32
    %min3A_513 = vector.broadcast %min3A_512 : f32 to vector<16xf32>
    %min3A_514 = arith.minimumf %max3A_511, %min3A_513 : vector<16xf32>
    %mul3A_515 = arith.constant 3.200000e+01 : f32
    %mul3A_516 = vector.broadcast %mul3A_515 : f32 to vector<16xf32>
    %mul3A_517 = arith.mulf %min3A_514, %mul3A_516 : vector<16xf32>
    %convert_element_type3A_518 = arith.fptosi %mul3A_517 : vector<16xf32> to vector<16xi32>
    %swap3A_519 = arith.constant 3 : i32
    %swap3A_520 = arith.index_cast %swap3A_519 : i32 to index
    %swap3A_521 = arith.constant 0 : index
    %swap3A_522 = tpu.vector_load %arg6[%swap3A_520, %swap3A_521] {strides = array<i32>} : memref<100x128xi32, #tpu.memory_space<vmem>>, vector<1x16xi32>,
    %swap3A_523 = vector.shape_cast %swap3A_522 : vector<1x16xi32> to vector<16xi32>
    %swap3A_524 = vector.shape_cast %convert_element_type3A_518 : vector<16xi32> to vector<1x16xi32>
    tpu.vector_store %arg6[%swap3A_520, %swap3A_521], %swap3A_524 {strides = array<i32>} : memref<100x128xi32, #tpu.memory_space<vmem>>, vector<1x16xi32>,
    %get3A_525 = arith.constant 400 : index
    %get3A_526 = tpu.vector_load %arg5[%get3A_525] {strides = array<i32>} : memref<12800xf32, #tpu.memory_space<vmem>>, vector<16xf32>,
    %get3A_527 = vector.shape_cast %get3A_526 : vector<16xf32> to vector<16xf32>
    %max3A_528 = arith.constant 0.000000e+00 : f32
    %max3A_529 = vector.broadcast %max3A_528 : f32 to vector<16xf32>
    %max3A_530 = arith.maximumf %get3A_527, %max3A_529 : vector<16xf32>
    %min3A_531 = arith.constant 9.843750e-01 : f32
    %min3A_532 = vector.broadcast %min3A_531 : f32 to vector<16xf32>
    %min3A_533 = arith.minimumf %max3A_530, %min3A_532 : vector<16xf32>
    %mul3A_534 = arith.constant 3.200000e+01 : f32
    %mul3A_535 = vector.broadcast %mul3A_534 : f32 to vector<16xf32>
    %mul3A_536 = arith.mulf %min3A_533, %mul3A_535 : vector<16xf32>
    %convert_element_type3A_537 = arith.fptosi %mul3A_536 : vector<16xf32> to vector<16xi32>
    %swap3A_538 = arith.constant 3 : i32
    %swap3A_539 = arith.index_cast %swap3A_538 : i32 to index
    %swap3A_540 = arith.constant 16 : index
    %swap3A_541 = tpu.vector_load %arg6[%swap3A_539, %swap3A_540] {strides = array<i32>} : memref<100x128xi32, #tpu.memory_space<vmem>>, vector<1x16xi32>,
    %swap3A_542 = vector.shape_cast %swap3A_541 : vector<1x16xi32> to vector<16xi32>
    %swap3A_543 = vector.shape_cast %convert_element_type3A_537 : vector<16xi32> to vector<1x16xi32>
    tpu.vector_store %arg6[%swap3A_539, %swap3A_540], %swap3A_543 {strides = array<i32>} : memref<100x128xi32, #tpu.memory_space<vmem>>, vector<1x16xi32>,
    %get3A_544 = arith.constant 416 : index
    %get3A_545 = tpu.vector_load %arg5[%get3A_544] {strides = array<i32>} : memref<12800xf32, #tpu.memory_space<vmem>>, vector<16xf32>,
    %get3A_546 = vector.shape_cast %get3A_545 : vector<16xf32> to vector<16xf32>
    %max3A_547 = arith.constant 0.000000e+00 : f32
    %max3A_548 = vector.broadcast %max3A_547 : f32 to vector<16xf32>
    %max3A_549 = arith.maximumf %get3A_546, %max3A_548 : vector<16xf32>
    %min3A_550 = arith.constant 9.843750e-01 : f32
    %min3A_551 = vector.broadcast %min3A_550 : f32 to vector<16xf32>
    %min3A_552 = arith.minimumf %max3A_549, %min3A_551 : vector<16xf32>
    %mul3A_553 = arith.constant 3.200000e+01 : f32
    %mul3A_554 = vector.broadcast %mul3A_553 : f32 to vector<16xf32>
    %mul3A_555 = arith.mulf %min3A_552, %mul3A_554 : vector<16xf32>
    %convert_element_type3A_556 = arith.fptosi %mul3A_555 : vector<16xf32> to vector<16xi32>
    %swap3A_557 = arith.constant 3 : i32
    %swap3A_558 = arith.index_cast %swap3A_557 : i32 to index
    %swap3A_559 = arith.constant 32 : index
    %swap3A_560 = tpu.vector_load %arg6[%swap3A_558, %swap3A_559] {strides = array<i32>} : memref<100x128xi32, #tpu.memory_space<vmem>>, vector<1x16xi32>,
    %swap3A_561 = vector.shape_cast %swap3A_560 : vector<1x16xi32> to vector<16xi32>
    %swap3A_562 = vector.shape_cast %convert_element_type3A_556 : vector<16xi32> to vector<1x16xi32>
    tpu.vector_store %arg6[%swap3A_558, %swap3A_559], %swap3A_562 {strides = array<i32>} : memref<100x128xi32, #tpu.memory_space<vmem>>, vector<1x16xi32>,
    %get3A_563 = arith.constant 432 : index
    %get3A_564 = tpu.vector_load %arg5[%get3A_563] {strides = array<i32>} : memref<12800xf32, #tpu.memory_space<vmem>>, vector<16xf32>,
    %get3A_565 = vector.shape_cast %get3A_564 : vector<16xf32> to vector<16xf32>
    %max3A_566 = arith.constant 0.000000e+00 : f32
    %max3A_567 = vector.broadcast %max3A_566 : f32 to vector<16xf32>
    %max3A_568 = arith.maximumf %get3A_565, %max3A_567 : vector<16xf32>
    %min3A_569 = arith.constant 9.843750e-01 : f32
    %min3A_570 = vector.broadcast %min3A_569 : f32 to vector<16xf32>
    %min3A_571 = arith.minimumf %max3A_568, %min3A_570 : vector<16xf32>
    %mul3A_572 = arith.constant 3.200000e+01 : f32
    %mul3A_573 = vector.broadcast %mul3A_572 : f32 to vector<16xf32>
    %mul3A_574 = arith.mulf %min3A_571, %mul3A_573 : vector<16xf32>
    %convert_element_type3A_575 = arith.fptosi %mul3A_574 : vector<16xf32> to vector<16xi32>
    %swap3A_576 = arith.constant 3 : i32
    %swap3A_577 = arith.index_cast %swap3A_576 : i32 to index
    %swap3A_578 = arith.constant 48 : index
    %swap3A_579 = tpu.vector_load %arg6[%swap3A_577, %swap3A_578] {strides = array<i32>} : memref<100x128xi32, #tpu.memory_space<vmem>>, vector<1x16xi32>,
    %swap3A_580 = vector.shape_cast %swap3A_579 : vector<1x16xi32> to vector<16xi32>
    %swap3A_581 = vector.shape_cast %convert_element_type3A_575 : vector<16xi32> to vector<1x16xi32>
    tpu.vector_store %arg6[%swap3A_577, %swap3A_578], %swap3A_581 {strides = array<i32>} : memref<100x128xi32, #tpu.memory_space<vmem>>, vector<1x16xi32>,
    %get3A_582 = arith.constant 448 : index
    %get3A_583 = tpu.vector_load %arg5[%get3A_582] {strides = array<i32>} : memref<12800xf32, #tpu.memory_space<vmem>>, vector<16xf32>,
    %get3A_584 = vector.shape_cast %get3A_583 : vector<16xf32> to vector<16xf32>
    %max3A_585 = arith.constant 0.000000e+00 : f32
    %max3A_586 = vector.broadcast %max3A_585 : f32 to vector<16xf32>
    %max3A_587 = arith.maximumf %get3A_584, %max3A_586 : vector<16xf32>
    %min3A_588 = arith.constant 9.843750e-01 : f32
    %min3A_589 = vector.broadcast %min3A_588 : f32 to vector<16xf32>
    %min3A_590 = arith.minimumf %max3A_587, %min3A_589 : vector<16xf32>
    %mul3A_591 = arith.constant 3.200000e+01 : f32
    %mul3A_592 = vector.broadcast %mul3A_591 : f32 to vector<16xf32>
    %mul3A_593 = arith.mulf %min3A_590, %mul3A_592 : vector<16xf32>
    %convert_element_type3A_594 = arith.fptosi %mul3A_593 : vector<16xf32> to vector<16xi32>
    %swap3A_595 = arith.constant 3 : i32
    %swap3A_596 = arith.index_cast %swap3A_595 : i32 to index
    %swap3A_597 = arith.constant 64 : index
    %swap3A_598 = tpu.vector_load %arg6[%swap3A_596, %swap3A_597] {strides = array<i32>} : memref<100x128xi32, #tpu.memory_space<vmem>>, vector<1x16xi32>,
    %swap3A_599 = vector.shape_cast %swap3A_598 : vector<1x16xi32> to vector<16xi32>
    %swap3A_600 = vector.shape_cast %convert_element_type3A_594 : vector<16xi32> to vector<1x16xi32>
    tpu.vector_store %arg6[%swap3A_596, %swap3A_597], %swap3A_600 {strides = array<i32>} : memref<100x128xi32, #tpu.memory_space<vmem>>, vector<1x16xi32>,
    %get3A_601 = arith.constant 464 : index
    %get3A_602 = tpu.vector_load %arg5[%get3A_601] {strides = array<i32>} : memref<12800xf32, #tpu.memory_space<vmem>>, vector<16xf32>,
    %get3A_603 = vector.shape_cast %get3A_602 : vector<16xf32> to vector<16xf32>
    %max3A_604 = arith.constant 0.000000e+00 : f32
    %max3A_605 = vector.broadcast %max3A_604 : f32 to vector<16xf32>
    %max3A_606 = arith.maximumf %get3A_603, %max3A_605 : vector<16xf32>
    %min3A_607 = arith.constant 9.843750e-01 : f32
    %min3A_608 = vector.broadcast %min3A_607 : f32 to vector<16xf32>
    %min3A_609 = arith.minimumf %max3A_606, %min3A_608 : vector<16xf32>
    %mul3A_610 = arith.constant 3.200000e+01 : f32
    %mul3A_611 = vector.broadcast %mul3A_610 : f32 to vector<16xf32>
    %mul3A_612 = arith.mulf %min3A_609, %mul3A_611 : vector<16xf32>
    %convert_element_type3A_613 = arith.fptosi %mul3A_612 : vector<16xf32> to vector<16xi32>
    %swap3A_614 = arith.constant 3 : i32
    %swap3A_615 = arith.index_cast %swap3A_614 : i32 to index
    %swap3A_616 = arith.constant 80 : index
    %swap3A_617 = tpu.vector_load %arg6[%swap3A_615, %swap3A_616] {strides = array<i32>} : memref<100x128xi32, #tpu.memory_space<vmem>>, vector<1x16xi32>,
    %swap3A_618 = vector.shape_cast %swap3A_617 : vector<1x16xi32> to vector<16xi32>
    %swap3A_619 = vector.shape_cast %convert_element_type3A_613 : vector<16xi32> to vector<1x16xi32>
    tpu.vector_store %arg6[%swap3A_615, %swap3A_616], %swap3A_619 {strides = array<i32>} : memref<100x128xi32, #tpu.memory_space<vmem>>, vector<1x16xi32>,
    %get3A_620 = arith.constant 480 : index
    %get3A_621 = tpu.vector_load %arg5[%get3A_620] {strides = array<i32>} : memref<12800xf32, #tpu.memory_space<vmem>>, vector<16xf32>,
    %get3A_622 = vector.shape_cast %get3A_621 : vector<16xf32> to vector<16xf32>
    %max3A_623 = arith.constant 0.000000e+00 : f32
    %max3A_624 = vector.broadcast %max3A_623 : f32 to vector<16xf32>
    %max3A_625 = arith.maximumf %get3A_622, %max3A_624 : vector<16xf32>
    %min3A_626 = arith.constant 9.843750e-01 : f32
    %min3A_627 = vector.broadcast %min3A_626 : f32 to vector<16xf32>
    %min3A_628 = arith.minimumf %max3A_625, %min3A_627 : vector<16xf32>
    %mul3A_629 = arith.constant 3.200000e+01 : f32
    %mul3A_630 = vector.broadcast %mul3A_629 : f32 to vector<16xf32>
    %mul3A_631 = arith.mulf %min3A_628, %mul3A_630 : vector<16xf32>
    %convert_element_type3A_632 = arith.fptosi %mul3A_631 : vector<16xf32> to vector<16xi32>
    %swap3A_633 = arith.constant 3 : i32
    %swap3A_634 = arith.index_cast %swap3A_633 : i32 to index
    %swap3A_635 = arith.constant 96 : index
    %swap3A_636 = tpu.vector_load %arg6[%swap3A_634, %swap3A_635] {strides = array<i32>} : memref<100x128xi32, #tpu.memory_space<vmem>>, vector<1x16xi32>,
    %swap3A_637 = vector.shape_cast %swap3A_636 : vector<1x16xi32> to vector<16xi32>
    %swap3A_638 = vector.shape_cast %convert_element_type3A_632 : vector<16xi32> to vector<1x16xi32>
    tpu.vector_store %arg6[%swap3A_634, %swap3A_635], %swap3A_638 {strides = array<i32>} : memref<100x128xi32, #tpu.memory_space<vmem>>, vector<1x16xi32>,
    %get3A_639 = arith.constant 496 : index
    %get3A_640 = tpu.vector_load %arg5[%get3A_639] {strides = array<i32>} : memref<12800xf32, #tpu.memory_space<vmem>>, vector<16xf32>,
    %get3A_641 = vector.shape_cast %get3A_640 : vector<16xf32> to vector<16xf32>
    %max3A_642 = arith.constant 0.000000e+00 : f32
    %max3A_643 = vector.broadcast %max3A_642 : f32 to vector<16xf32>
    %max3A_644 = arith.maximumf %get3A_641, %max3A_643 : vector<16xf32>
    %min3A_645 = arith.constant 9.843750e-01 : f32
    %min3A_646 = vector.broadcast %min3A_645 : f32 to vector<16xf32>
    %min3A_647 = arith.minimumf %max3A_644, %min3A_646 : vector<16xf32>
    %mul3A_648 = arith.constant 3.200000e+01 : f32
    %mul3A_649 = vector.broadcast %mul3A_648 : f32 to vector<16xf32>
    %mul3A_650 = arith.mulf %min3A_647, %mul3A_649 : vector<16xf32>
    %convert_element_type3A_651 = arith.fptosi %mul3A_650 : vector<16xf32> to vector<16xi32>
    %swap3A_652 = arith.constant 3 : i32
    %swap3A_653 = arith.index_cast %swap3A_652 : i32 to index
    %swap3A_654 = arith.constant 112 : index
    %swap3A_655 = tpu.vector_load %arg6[%swap3A_653, %swap3A_654] {strides = array<i32>} : memref<100x128xi32, #tpu.memory_space<vmem>>, vector<1x16xi32>,
    %swap3A_656 = vector.shape_cast %swap3A_655 : vector<1x16xi32> to vector<16xi32>
    %swap3A_657 = vector.shape_cast %convert_element_type3A_651 : vector<16xi32> to vector<1x16xi32>
    tpu.vector_store %arg6[%swap3A_653, %swap3A_654], %swap3A_657 {strides = array<i32>} : memref<100x128xi32, #tpu.memory_space<vmem>>, vector<1x16xi32>,
    %dma_start3A_658 = arith.constant 3 : i32
    %dma_start3A_659 = arith.constant 3 : i32
    %dma_start3A_660 = arith.constant 3 : i32
    %dma_start3A_661 = arith.constant 0 : i32
    %dma_start3A_662 = arith.constant 0 : i32
    %dma_start3A_663 = tpu.memref_slice %arg7[%dma_start3A_659, %dma_start3A_661, %dma_start3A_662] : memref<6x128x128xf32, #tpu.memory_space<vmem>> -> memref<1x128x128xf32, #tpu.memory_space<vmem>>
    %dma_start3A_664 = tpu.memref_squeeze %dma_start3A_663 : memref<1x128x128xf32, #tpu.memory_space<vmem>> -> memref<128x128xf32, #tpu.memory_space<vmem>>
    %dma_start3A_665 = arith.constant 0 : i32
    %dma_start3A_666 = tpu.memref_slice %arg6[%dma_start3A_658, %dma_start3A_665] : memref<100x128xi32, #tpu.memory_space<vmem>> -> memref<1x128xi32, #tpu.memory_space<vmem>>
    %dma_start3A_667 = tpu.memref_squeeze %dma_start3A_666 : memref<1x128xi32, #tpu.memory_space<vmem>> -> memref<128xi32, #tpu.memory_space<vmem>>
    %dma_start3A_668 = arith.constant 0 : i32
    %dma_start3A_669 = arith.constant 0 : i32
    %dma_start3A_670 = tpu.memref_slice %arg8[%dma_start3A_668, %dma_start3A_669] : memref<32x128xf32, #tpu.memory_space<vmem_shared>> -> memref<32x128xf32, #tpu.memory_space<vmem_shared>>
    %dma_start3A_671 = tpu.memref_slice %arg9[%dma_start3A_660] : memref<6x!tpu.dma_semaphore, #tpu.memory_space<semaphore_mem>> -> memref<1x!tpu.dma_semaphore, #tpu.memory_space<semaphore_mem>>
    %dma_start3A_672 = tpu.memref_squeeze %dma_start3A_671 : memref<1x!tpu.dma_semaphore, #tpu.memory_space<semaphore_mem>> -> memref<!tpu.dma_semaphore, #tpu.memory_space<semaphore_mem>>
    tpu.enqueue_indirect_dma source(%dma_start3A_670 : memref<32x128xf32, #tpu.memory_space<vmem_shared>>) target(%dma_start3A_664 : memref<128x128xf32, #tpu.memory_space<vmem>>) offsets(%dma_start3A_667 : memref<128xi32, #tpu.memory_space<vmem>>) semaphore(%dma_start3A_672 : memref<!tpu.dma_semaphore, #tpu.memory_space<semaphore_mem>>)
    %get3A_673 = arith.constant 512 : index
    %get3A_674 = tpu.vector_load %arg5[%get3A_673] {strides = array<i32>} : memref<12800xf32, #tpu.memory_space<vmem>>, vector<16xf32>,
    %get3A_675 = vector.shape_cast %get3A_674 : vector<16xf32> to vector<16xf32>
    %max3A_676 = arith.constant 0.000000e+00 : f32
    %max3A_677 = vector.broadcast %max3A_676 : f32 to vector<16xf32>
    %max3A_678 = arith.maximumf %get3A_675, %max3A_677 : vector<16xf32>
    %min3A_679 = arith.constant 9.843750e-01 : f32
    %min3A_680 = vector.broadcast %min3A_679 : f32 to vector<16xf32>
    %min3A_681 = arith.minimumf %max3A_678, %min3A_680 : vector<16xf32>
    %mul3A_682 = arith.constant 3.200000e+01 : f32
    %mul3A_683 = vector.broadcast %mul3A_682 : f32 to vector<16xf32>
    %mul3A_684 = arith.mulf %min3A_681, %mul3A_683 : vector<16xf32>
    %convert_element_type3A_685 = arith.fptosi %mul3A_684 : vector<16xf32> to vector<16xi32>
    %swap3A_686 = arith.constant 4 : i32
    %swap3A_687 = arith.index_cast %swap3A_686 : i32 to index
    %swap3A_688 = arith.constant 0 : index
    %swap3A_689 = tpu.vector_load %arg6[%swap3A_687, %swap3A_688] {strides = array<i32>} : memref<100x128xi32, #tpu.memory_space<vmem>>, vector<1x16xi32>,
    %swap3A_690 = vector.shape_cast %swap3A_689 : vector<1x16xi32> to vector<16xi32>
    %swap3A_691 = vector.shape_cast %convert_element_type3A_685 : vector<16xi32> to vector<1x16xi32>
    tpu.vector_store %arg6[%swap3A_687, %swap3A_688], %swap3A_691 {strides = array<i32>} : memref<100x128xi32, #tpu.memory_space<vmem>>, vector<1x16xi32>,
    %get3A_692 = arith.constant 528 : index
    %get3A_693 = tpu.vector_load %arg5[%get3A_692] {strides = array<i32>} : memref<12800xf32, #tpu.memory_space<vmem>>, vector<16xf32>,
    %get3A_694 = vector.shape_cast %get3A_693 : vector<16xf32> to vector<16xf32>
    %max3A_695 = arith.constant 0.000000e+00 : f32
    %max3A_696 = vector.broadcast %max3A_695 : f32 to vector<16xf32>
    %max3A_697 = arith.maximumf %get3A_694, %max3A_696 : vector<16xf32>
    %min3A_698 = arith.constant 9.843750e-01 : f32
    %min3A_699 = vector.broadcast %min3A_698 : f32 to vector<16xf32>
    %min3A_700 = arith.minimumf %max3A_697, %min3A_699 : vector<16xf32>
    %mul3A_701 = arith.constant 3.200000e+01 : f32
    %mul3A_702 = vector.broadcast %mul3A_701 : f32 to vector<16xf32>
    %mul3A_703 = arith.mulf %min3A_700, %mul3A_702 : vector<16xf32>
    %convert_element_type3A_704 = arith.fptosi %mul3A_703 : vector<16xf32> to vector<16xi32>
    %swap3A_705 = arith.constant 4 : i32
    %swap3A_706 = arith.index_cast %swap3A_705 : i32 to index
    %swap3A_707 = arith.constant 16 : index
    %swap3A_708 = tpu.vector_load %arg6[%swap3A_706, %swap3A_707] {strides = array<i32>} : memref<100x128xi32, #tpu.memory_space<vmem>>, vector<1x16xi32>,
    %swap3A_709 = vector.shape_cast %swap3A_708 : vector<1x16xi32> to vector<16xi32>
    %swap3A_710 = vector.shape_cast %convert_element_type3A_704 : vector<16xi32> to vector<1x16xi32>
    tpu.vector_store %arg6[%swap3A_706, %swap3A_707], %swap3A_710 {strides = array<i32>} : memref<100x128xi32, #tpu.memory_space<vmem>>, vector<1x16xi32>,
    %get3A_711 = arith.constant 544 : index
    %get3A_712 = tpu.vector_load %arg5[%get3A_711] {strides = array<i32>} : memref<12800xf32, #tpu.memory_space<vmem>>, vector<16xf32>,
    %get3A_713 = vector.shape_cast %get3A_712 : vector<16xf32> to vector<16xf32>
    %max3A_714 = arith.constant 0.000000e+00 : f32
    %max3A_715 = vector.broadcast %max3A_714 : f32 to vector<16xf32>
    %max3A_716 = arith.maximumf %get3A_713, %max3A_715 : vector<16xf32>
    %min3A_717 = arith.constant 9.843750e-01 : f32
    %min3A_718 = vector.broadcast %min3A_717 : f32 to vector<16xf32>
    %min3A_719 = arith.minimumf %max3A_716, %min3A_718 : vector<16xf32>
    %mul3A_720 = arith.constant 3.200000e+01 : f32
    %mul3A_721 = vector.broadcast %mul3A_720 : f32 to vector<16xf32>
    %mul3A_722 = arith.mulf %min3A_719, %mul3A_721 : vector<16xf32>
    %convert_element_type3A_723 = arith.fptosi %mul3A_722 : vector<16xf32> to vector<16xi32>
    %swap3A_724 = arith.constant 4 : i32
    %swap3A_725 = arith.index_cast %swap3A_724 : i32 to index
    %swap3A_726 = arith.constant 32 : index
    %swap3A_727 = tpu.vector_load %arg6[%swap3A_725, %swap3A_726] {strides = array<i32>} : memref<100x128xi32, #tpu.memory_space<vmem>>, vector<1x16xi32>,
    %swap3A_728 = vector.shape_cast %swap3A_727 : vector<1x16xi32> to vector<16xi32>
    %swap3A_729 = vector.shape_cast %convert_element_type3A_723 : vector<16xi32> to vector<1x16xi32>
    tpu.vector_store %arg6[%swap3A_725, %swap3A_726], %swap3A_729 {strides = array<i32>} : memref<100x128xi32, #tpu.memory_space<vmem>>, vector<1x16xi32>,
    %get3A_730 = arith.constant 560 : index
    %get3A_731 = tpu.vector_load %arg5[%get3A_730] {strides = array<i32>} : memref<12800xf32, #tpu.memory_space<vmem>>, vector<16xf32>,
    %get3A_732 = vector.shape_cast %get3A_731 : vector<16xf32> to vector<16xf32>
    %max3A_733 = arith.constant 0.000000e+00 : f32
    %max3A_734 = vector.broadcast %max3A_733 : f32 to vector<16xf32>
    %max3A_735 = arith.maximumf %get3A_732, %max3A_734 : vector<16xf32>
    %min3A_736 = arith.constant 9.843750e-01 : f32
    %min3A_737 = vector.broadcast %min3A_736 : f32 to vector<16xf32>
    %min3A_738 = arith.minimumf %max3A_735, %min3A_737 : vector<16xf32>
    %mul3A_739 = arith.constant 3.200000e+01 : f32
    %mul3A_740 = vector.broadcast %mul3A_739 : f32 to vector<16xf32>
    %mul3A_741 = arith.mulf %min3A_738, %mul3A_740 : vector<16xf32>
    %convert_element_type3A_742 = arith.fptosi %mul3A_741 : vector<16xf32> to vector<16xi32>
    %swap3A_743 = arith.constant 4 : i32
    %swap3A_744 = arith.index_cast %swap3A_743 : i32 to index
    %swap3A_745 = arith.constant 48 : index
    %swap3A_746 = tpu.vector_load %arg6[%swap3A_744, %swap3A_745] {strides = array<i32>} : memref<100x128xi32, #tpu.memory_space<vmem>>, vector<1x16xi32>,
    %swap3A_747 = vector.shape_cast %swap3A_746 : vector<1x16xi32> to vector<16xi32>
    %swap3A_748 = vector.shape_cast %convert_element_type3A_742 : vector<16xi32> to vector<1x16xi32>
    tpu.vector_store %arg6[%swap3A_744, %swap3A_745], %swap3A_748 {strides = array<i32>} : memref<100x128xi32, #tpu.memory_space<vmem>>, vector<1x16xi32>,
    %get3A_749 = arith.constant 576 : index
    %get3A_750 = tpu.vector_load %arg5[%get3A_749] {strides = array<i32>} : memref<12800xf32, #tpu.memory_space<vmem>>, vector<16xf32>,
    %get3A_751 = vector.shape_cast %get3A_750 : vector<16xf32> to vector<16xf32>
    %max3A_752 = arith.constant 0.000000e+00 : f32
    %max3A_753 = vector.broadcast %max3A_752 : f32 to vector<16xf32>
    %max3A_754 = arith.maximumf %get3A_751, %max3A_753 : vector<16xf32>
    %min3A_755 = arith.constant 9.843750e-01 : f32
    %min3A_756 = vector.broadcast %min3A_755 : f32 to vector<16xf32>
    %min3A_757 = arith.minimumf %max3A_754, %min3A_756 : vector<16xf32>
    %mul3A_758 = arith.constant 3.200000e+01 : f32
    %mul3A_759 = vector.broadcast %mul3A_758 : f32 to vector<16xf32>
    %mul3A_760 = arith.mulf %min3A_757, %mul3A_759 : vector<16xf32>
    %convert_element_type3A_761 = arith.fptosi %mul3A_760 : vector<16xf32> to vector<16xi32>
    %swap3A_762 = arith.constant 4 : i32
    %swap3A_763 = arith.index_cast %swap3A_762 : i32 to index
    %swap3A_764 = arith.constant 64 : index
    %swap3A_765 = tpu.vector_load %arg6[%swap3A_763, %swap3A_764] {strides = array<i32>} : memref<100x128xi32, #tpu.memory_space<vmem>>, vector<1x16xi32>,
    %swap3A_766 = vector.shape_cast %swap3A_765 : vector<1x16xi32> to vector<16xi32>
    %swap3A_767 = vector.shape_cast %convert_element_type3A_761 : vector<16xi32> to vector<1x16xi32>
    tpu.vector_store %arg6[%swap3A_763, %swap3A_764], %swap3A_767 {strides = array<i32>} : memref<100x128xi32, #tpu.memory_space<vmem>>, vector<1x16xi32>,
    %get3A_768 = arith.constant 592 : index
    %get3A_769 = tpu.vector_load %arg5[%get3A_768] {strides = array<i32>} : memref<12800xf32, #tpu.memory_space<vmem>>, vector<16xf32>,
    %get3A_770 = vector.shape_cast %get3A_769 : vector<16xf32> to vector<16xf32>
    %max3A_771 = arith.constant 0.000000e+00 : f32
    %max3A_772 = vector.broadcast %max3A_771 : f32 to vector<16xf32>
    %max3A_773 = arith.maximumf %get3A_770, %max3A_772 : vector<16xf32>
    %min3A_774 = arith.constant 9.843750e-01 : f32
    %min3A_775 = vector.broadcast %min3A_774 : f32 to vector<16xf32>
    %min3A_776 = arith.minimumf %max3A_773, %min3A_775 : vector<16xf32>
    %mul3A_777 = arith.constant 3.200000e+01 : f32
    %mul3A_778 = vector.broadcast %mul3A_777 : f32 to vector<16xf32>
    %mul3A_779 = arith.mulf %min3A_776, %mul3A_778 : vector<16xf32>
    %convert_element_type3A_780 = arith.fptosi %mul3A_779 : vector<16xf32> to vector<16xi32>
    %swap3A_781 = arith.constant 4 : i32
    %swap3A_782 = arith.index_cast %swap3A_781 : i32 to index
    %swap3A_783 = arith.constant 80 : index
    %swap3A_784 = tpu.vector_load %arg6[%swap3A_782, %swap3A_783] {strides = array<i32>} : memref<100x128xi32, #tpu.memory_space<vmem>>, vector<1x16xi32>,
    %swap3A_785 = vector.shape_cast %swap3A_784 : vector<1x16xi32> to vector<16xi32>
    %swap3A_786 = vector.shape_cast %convert_element_type3A_780 : vector<16xi32> to vector<1x16xi32>
    tpu.vector_store %arg6[%swap3A_782, %swap3A_783], %swap3A_786 {strides = array<i32>} : memref<100x128xi32, #tpu.memory_space<vmem>>, vector<1x16xi32>,
    %get3A_787 = arith.constant 608 : index
    %get3A_788 = tpu.vector_load %arg5[%get3A_787] {strides = array<i32>} : memref<12800xf32, #tpu.memory_space<vmem>>, vector<16xf32>,
    %get3A_789 = vector.shape_cast %get3A_788 : vector<16xf32> to vector<16xf32>
    %max3A_790 = arith.constant 0.000000e+00 : f32
    %max3A_791 = vector.broadcast %max3A_790 : f32 to vector<16xf32>
    %max3A_792 = arith.maximumf %get3A_789, %max3A_791 : vector<16xf32>
    %min3A_793 = arith.constant 9.843750e-01 : f32
    %min3A_794 = vector.broadcast %min3A_793 : f32 to vector<16xf32>
    %min3A_795 = arith.minimumf %max3A_792, %min3A_794 : vector<16xf32>
    %mul3A_796 = arith.constant 3.200000e+01 : f32
    %mul3A_797 = vector.broadcast %mul3A_796 : f32 to vector<16xf32>
    %mul3A_798 = arith.mulf %min3A_795, %mul3A_797 : vector<16xf32>
    %convert_element_type3A_799 = arith.fptosi %mul3A_798 : vector<16xf32> to vector<16xi32>
    %swap3A_800 = arith.constant 4 : i32
    %swap3A_801 = arith.index_cast %swap3A_800 : i32 to index
    %swap3A_802 = arith.constant 96 : index
    %swap3A_803 = tpu.vector_load %arg6[%swap3A_801, %swap3A_802] {strides = array<i32>} : memref<100x128xi32, #tpu.memory_space<vmem>>, vector<1x16xi32>,
    %swap3A_804 = vector.shape_cast %swap3A_803 : vector<1x16xi32> to vector<16xi32>
    %swap3A_805 = vector.shape_cast %convert_element_type3A_799 : vector<16xi32> to vector<1x16xi32>
    tpu.vector_store %arg6[%swap3A_801, %swap3A_802], %swap3A_805 {strides = array<i32>} : memref<100x128xi32, #tpu.memory_space<vmem>>, vector<1x16xi32>,
    %get3A_806 = arith.constant 624 : index
    %get3A_807 = tpu.vector_load %arg5[%get3A_806] {strides = array<i32>} : memref<12800xf32, #tpu.memory_space<vmem>>, vector<16xf32>,
    %get3A_808 = vector.shape_cast %get3A_807 : vector<16xf32> to vector<16xf32>
    %max3A_809 = arith.constant 0.000000e+00 : f32
    %max3A_810 = vector.broadcast %max3A_809 : f32 to vector<16xf32>
    %max3A_811 = arith.maximumf %get3A_808, %max3A_810 : vector<16xf32>
    %min3A_812 = arith.constant 9.843750e-01 : f32
    %min3A_813 = vector.broadcast %min3A_812 : f32 to vector<16xf32>
    %min3A_814 = arith.minimumf %max3A_811, %min3A_813 : vector<16xf32>
    %mul3A_815 = arith.constant 3.200000e+01 : f32
    %mul3A_816 = vector.broadcast %mul3A_815 : f32 to vector<16xf32>
    %mul3A_817 = arith.mulf %min3A_814, %mul3A_816 : vector<16xf32>
    %convert_element_type3A_818 = arith.fptosi %mul3A_817 : vector<16xf32> to vector<16xi32>
    %swap3A_819 = arith.constant 4 : i32
    %swap3A_820 = arith.index_cast %swap3A_819 : i32 to index
    %swap3A_821 = arith.constant 112 : index
    %swap3A_822 = tpu.vector_load %arg6[%swap3A_820, %swap3A_821] {strides = array<i32>} : memref<100x128xi32, #tpu.memory_space<vmem>>, vector<1x16xi32>,
    %swap3A_823 = vector.shape_cast %swap3A_822 : vector<1x16xi32> to vector<16xi32>
    %swap3A_824 = vector.shape_cast %convert_element_type3A_818 : vector<16xi32> to vector<1x16xi32>
    tpu.vector_store %arg6[%swap3A_820, %swap3A_821], %swap3A_824 {strides = array<i32>} : memref<100x128xi32, #tpu.memory_space<vmem>>, vector<1x16xi32>,
    %dma_start3A_825 = arith.constant 4 : i32
    %dma_start3A_826 = arith.constant 4 : i32
    %dma_start3A_827 = arith.constant 4 : i32
    %dma_start3A_828 = arith.constant 0 : i32
    %dma_start3A_829 = arith.constant 0 : i32
    %dma_start3A_830 = tpu.memref_slice %arg7[%dma_start3A_826, %dma_start3A_828, %dma_start3A_829] : memref<6x128x128xf32, #tpu.memory_space<vmem>> -> memref<1x128x128xf32, #tpu.memory_space<vmem>>
    %dma_start3A_831 = tpu.memref_squeeze %dma_start3A_830 : memref<1x128x128xf32, #tpu.memory_space<vmem>> -> memref<128x128xf32, #tpu.memory_space<vmem>>
    %dma_start3A_832 = arith.constant 0 : i32
    %dma_start3A_833 = tpu.memref_slice %arg6[%dma_start3A_825, %dma_start3A_832] : memref<100x128xi32, #tpu.memory_space<vmem>> -> memref<1x128xi32, #tpu.memory_space<vmem>>
    %dma_start3A_834 = tpu.memref_squeeze %dma_start3A_833 : memref<1x128xi32, #tpu.memory_space<vmem>> -> memref<128xi32, #tpu.memory_space<vmem>>
    %dma_start3A_835 = arith.constant 0 : i32
    %dma_start3A_836 = arith.constant 0 : i32
    %dma_start3A_837 = tpu.memref_slice %arg8[%dma_start3A_835, %dma_start3A_836] : memref<32x128xf32, #tpu.memory_space<vmem_shared>> -> memref<32x128xf32, #tpu.memory_space<vmem_shared>>
    %dma_start3A_838 = tpu.memref_slice %arg9[%dma_start3A_827] : memref<6x!tpu.dma_semaphore, #tpu.memory_space<semaphore_mem>> -> memref<1x!tpu.dma_semaphore, #tpu.memory_space<semaphore_mem>>
    %dma_start3A_839 = tpu.memref_squeeze %dma_start3A_838 : memref<1x!tpu.dma_semaphore, #tpu.memory_space<semaphore_mem>> -> memref<!tpu.dma_semaphore, #tpu.memory_space<semaphore_mem>>
    tpu.enqueue_indirect_dma source(%dma_start3A_837 : memref<32x128xf32, #tpu.memory_space<vmem_shared>>) target(%dma_start3A_831 : memref<128x128xf32, #tpu.memory_space<vmem>>) offsets(%dma_start3A_834 : memref<128xi32, #tpu.memory_space<vmem>>) semaphore(%dma_start3A_839 : memref<!tpu.dma_semaphore, #tpu.memory_space<semaphore_mem>>)
    %get3A_840 = arith.constant 640 : index
    %get3A_841 = tpu.vector_load %arg5[%get3A_840] {strides = array<i32>} : memref<12800xf32, #tpu.memory_space<vmem>>, vector<16xf32>,
    %get3A_842 = vector.shape_cast %get3A_841 : vector<16xf32> to vector<16xf32>
    %max3A_843 = arith.constant 0.000000e+00 : f32
    %max3A_844 = vector.broadcast %max3A_843 : f32 to vector<16xf32>
    %max3A_845 = arith.maximumf %get3A_842, %max3A_844 : vector<16xf32>
    %min3A_846 = arith.constant 9.843750e-01 : f32
    %min3A_847 = vector.broadcast %min3A_846 : f32 to vector<16xf32>
    %min3A_848 = arith.minimumf %max3A_845, %min3A_847 : vector<16xf32>
    %mul3A_849 = arith.constant 3.200000e+01 : f32
    %mul3A_850 = vector.broadcast %mul3A_849 : f32 to vector<16xf32>
    %mul3A_851 = arith.mulf %min3A_848, %mul3A_850 : vector<16xf32>
    %convert_element_type3A_852 = arith.fptosi %mul3A_851 : vector<16xf32> to vector<16xi32>
    %swap3A_853 = arith.constant 5 : i32
    %swap3A_854 = arith.index_cast %swap3A_853 : i32 to index
    %swap3A_855 = arith.constant 0 : index
    %swap3A_856 = tpu.vector_load %arg6[%swap3A_854, %swap3A_855] {strides = array<i32>} : memref<100x128xi32, #tpu.memory_space<vmem>>, vector<1x16xi32>,
    %swap3A_857 = vector.shape_cast %swap3A_856 : vector<1x16xi32> to vector<16xi32>
    %swap3A_858 = vector.shape_cast %convert_element_type3A_852 : vector<16xi32> to vector<1x16xi32>
    tpu.vector_store %arg6[%swap3A_854, %swap3A_855], %swap3A_858 {strides = array<i32>} : memref<100x128xi32, #tpu.memory_space<vmem>>, vector<1x16xi32>,
    %get3A_859 = arith.constant 656 : index
    %get3A_860 = tpu.vector_load %arg5[%get3A_859] {strides = array<i32>} : memref<12800xf32, #tpu.memory_space<vmem>>, vector<16xf32>,
    %get3A_861 = vector.shape_cast %get3A_860 : vector<16xf32> to vector<16xf32>
    %max3A_862 = arith.constant 0.000000e+00 : f32
    %max3A_863 = vector.broadcast %max3A_862 : f32 to vector<16xf32>
    %max3A_864 = arith.maximumf %get3A_861, %max3A_863 : vector<16xf32>
    %min3A_865 = arith.constant 9.843750e-01 : f32
    %min3A_866 = vector.broadcast %min3A_865 : f32 to vector<16xf32>
    %min3A_867 = arith.minimumf %max3A_864, %min3A_866 : vector<16xf32>
    %mul3A_868 = arith.constant 3.200000e+01 : f32
    %mul3A_869 = vector.broadcast %mul3A_868 : f32 to vector<16xf32>
    %mul3A_870 = arith.mulf %min3A_867, %mul3A_869 : vector<16xf32>
    %convert_element_type3A_871 = arith.fptosi %mul3A_870 : vector<16xf32> to vector<16xi32>
    %swap3A_872 = arith.constant 5 : i32
    %swap3A_873 = arith.index_cast %swap3A_872 : i32 to index
    %swap3A_874 = arith.constant 16 : index
    %swap3A_875 = tpu.vector_load %arg6[%swap3A_873, %swap3A_874] {strides = array<i32>} : memref<100x128xi32, #tpu.memory_space<vmem>>, vector<1x16xi32>,
    %swap3A_876 = vector.shape_cast %swap3A_875 : vector<1x16xi32> to vector<16xi32>
    %swap3A_877 = vector.shape_cast %convert_element_type3A_871 : vector<16xi32> to vector<1x16xi32>
    tpu.vector_store %arg6[%swap3A_873, %swap3A_874], %swap3A_877 {strides = array<i32>} : memref<100x128xi32, #tpu.memory_space<vmem>>, vector<1x16xi32>,
    %get3A_878 = arith.constant 672 : index
    %get3A_879 = tpu.vector_load %arg5[%get3A_878] {strides = array<i32>} : memref<12800xf32, #tpu.memory_space<vmem>>, vector<16xf32>,
    %get3A_880 = vector.shape_cast %get3A_879 : vector<16xf32> to vector<16xf32>
    %max3A_881 = arith.constant 0.000000e+00 : f32
    %max3A_882 = vector.broadcast %max3A_881 : f32 to vector<16xf32>
    %max3A_883 = arith.maximumf %get3A_880, %max3A_882 : vector<16xf32>
    %min3A_884 = arith.constant 9.843750e-01 : f32
    %min3A_885 = vector.broadcast %min3A_884 : f32 to vector<16xf32>
    %min3A_886 = arith.minimumf %max3A_883, %min3A_885 : vector<16xf32>
    %mul3A_887 = arith.constant 3.200000e+01 : f32
    %mul3A_888 = vector.broadcast %mul3A_887 : f32 to vector<16xf32>
    %mul3A_889 = arith.mulf %min3A_886, %mul3A_888 : vector<16xf32>
    %convert_element_type3A_890 = arith.fptosi %mul3A_889 : vector<16xf32> to vector<16xi32>
    %swap3A_891 = arith.constant 5 : i32
    %swap3A_892 = arith.index_cast %swap3A_891 : i32 to index
    %swap3A_893 = arith.constant 32 : index
    %swap3A_894 = tpu.vector_load %arg6[%swap3A_892, %swap3A_893] {strides = array<i32>} : memref<100x128xi32, #tpu.memory_space<vmem>>, vector<1x16xi32>,
    %swap3A_895 = vector.shape_cast %swap3A_894 : vector<1x16xi32> to vector<16xi32>
    %swap3A_896 = vector.shape_cast %convert_element_type3A_890 : vector<16xi32> to vector<1x16xi32>
    tpu.vector_store %arg6[%swap3A_892, %swap3A_893], %swap3A_896 {strides = array<i32>} : memref<100x128xi32, #tpu.memory_space<vmem>>, vector<1x16xi32>,
    %get3A_897 = arith.constant 688 : index
    %get3A_898 = tpu.vector_load %arg5[%get3A_897] {strides = array<i32>} : memref<12800xf32, #tpu.memory_space<vmem>>, vector<16xf32>,
    %get3A_899 = vector.shape_cast %get3A_898 : vector<16xf32> to vector<16xf32>
    %max3A_900 = arith.constant 0.000000e+00 : f32
    %max3A_901 = vector.broadcast %max3A_900 : f32 to vector<16xf32>
    %max3A_902 = arith.maximumf %get3A_899, %max3A_901 : vector<16xf32>
    %min3A_903 = arith.constant 9.843750e-01 : f32
    %min3A_904 = vector.broadcast %min3A_903 : f32 to vector<16xf32>
    %min3A_905 = arith.minimumf %max3A_902, %min3A_904 : vector<16xf32>
    %mul3A_906 = arith.constant 3.200000e+01 : f32
    %mul3A_907 = vector.broadcast %mul3A_906 : f32 to vector<16xf32>
    %mul3A_908 = arith.mulf %min3A_905, %mul3A_907 : vector<16xf32>
    %convert_element_type3A_909 = arith.fptosi %mul3A_908 : vector<16xf32> to vector<16xi32>
    %swap3A_910 = arith.constant 5 : i32
    %swap3A_911 = arith.index_cast %swap3A_910 : i32 to index
    %swap3A_912 = arith.constant 48 : index
    %swap3A_913 = tpu.vector_load %arg6[%swap3A_911, %swap3A_912] {strides = array<i32>} : memref<100x128xi32, #tpu.memory_space<vmem>>, vector<1x16xi32>,
    %swap3A_914 = vector.shape_cast %swap3A_913 : vector<1x16xi32> to vector<16xi32>
    %swap3A_915 = vector.shape_cast %convert_element_type3A_909 : vector<16xi32> to vector<1x16xi32>
    tpu.vector_store %arg6[%swap3A_911, %swap3A_912], %swap3A_915 {strides = array<i32>} : memref<100x128xi32, #tpu.memory_space<vmem>>, vector<1x16xi32>,
    %get3A_916 = arith.constant 704 : index
    %get3A_917 = tpu.vector_load %arg5[%get3A_916] {strides = array<i32>} : memref<12800xf32, #tpu.memory_space<vmem>>, vector<16xf32>,
    %get3A_918 = vector.shape_cast %get3A_917 : vector<16xf32> to vector<16xf32>
    %max3A_919 = arith.constant 0.000000e+00 : f32
    %max3A_920 = vector.broadcast %max3A_919 : f32 to vector<16xf32>
    %max3A_921 = arith.maximumf %get3A_918, %max3A_920 : vector<16xf32>
    %min3A_922 = arith.constant 9.843750e-01 : f32
    %min3A_923 = vector.broadcast %min3A_922 : f32 to vector<16xf32>
    %min3A_924 = arith.minimumf %max3A_921, %min3A_923 : vector<16xf32>
    %mul3A_925 = arith.constant 3.200000e+01 : f32
    %mul3A_926 = vector.broadcast %mul3A_925 : f32 to vector<16xf32>
    %mul3A_927 = arith.mulf %min3A_924, %mul3A_926 : vector<16xf32>
    %convert_element_type3A_928 = arith.fptosi %mul3A_927 : vector<16xf32> to vector<16xi32>
    %swap3A_929 = arith.constant 5 : i32
    %swap3A_930 = arith.index_cast %swap3A_929 : i32 to index
    %swap3A_931 = arith.constant 64 : index
    %swap3A_932 = tpu.vector_load %arg6[%swap3A_930, %swap3A_931] {strides = array<i32>} : memref<100x128xi32, #tpu.memory_space<vmem>>, vector<1x16xi32>,
    %swap3A_933 = vector.shape_cast %swap3A_932 : vector<1x16xi32> to vector<16xi32>
    %swap3A_934 = vector.shape_cast %convert_element_type3A_928 : vector<16xi32> to vector<1x16xi32>
    tpu.vector_store %arg6[%swap3A_930, %swap3A_931], %swap3A_934 {strides = array<i32>} : memref<100x128xi32, #tpu.memory_space<vmem>>, vector<1x16xi32>,
    %get3A_935 = arith.constant 720 : index
    %get3A_936 = tpu.vector_load %arg5[%get3A_935] {strides = array<i32>} : memref<12800xf32, #tpu.memory_space<vmem>>, vector<16xf32>,
    %get3A_937 = vector.shape_cast %get3A_936 : vector<16xf32> to vector<16xf32>
    %max3A_938 = arith.constant 0.000000e+00 : f32
    %max3A_939 = vector.broadcast %max3A_938 : f32 to vector<16xf32>
    %max3A_940 = arith.maximumf %get3A_937, %max3A_939 : vector<16xf32>
    %min3A_941 = arith.constant 9.843750e-01 : f32
    %min3A_942 = vector.broadcast %min3A_941 : f32 to vector<16xf32>
    %min3A_943 = arith.minimumf %max3A_940, %min3A_942 : vector<16xf32>
    %mul3A_944 = arith.constant 3.200000e+01 : f32
    %mul3A_945 = vector.broadcast %mul3A_944 : f32 to vector<16xf32>
    %mul3A_946 = arith.mulf %min3A_943, %mul3A_945 : vector<16xf32>
    %convert_element_type3A_947 = arith.fptosi %mul3A_946 : vector<16xf32> to vector<16xi32>
    %swap3A_948 = arith.constant 5 : i32
    %swap3A_949 = arith.index_cast %swap3A_948 : i32 to index
    %swap3A_950 = arith.constant 80 : index
    %swap3A_951 = tpu.vector_load %arg6[%swap3A_949, %swap3A_950] {strides = array<i32>} : memref<100x128xi32, #tpu.memory_space<vmem>>, vector<1x16xi32>,
    %swap3A_952 = vector.shape_cast %swap3A_951 : vector<1x16xi32> to vector<16xi32>
    %swap3A_953 = vector.shape_cast %convert_element_type3A_947 : vector<16xi32> to vector<1x16xi32>
    tpu.vector_store %arg6[%swap3A_949, %swap3A_950], %swap3A_953 {strides = array<i32>} : memref<100x128xi32, #tpu.memory_space<vmem>>, vector<1x16xi32>,
    %get3A_954 = arith.constant 736 : index
    %get3A_955 = tpu.vector_load %arg5[%get3A_954] {strides = array<i32>} : memref<12800xf32, #tpu.memory_space<vmem>>, vector<16xf32>,
    %get3A_956 = vector.shape_cast %get3A_955 : vector<16xf32> to vector<16xf32>
    %max3A_957 = arith.constant 0.000000e+00 : f32
    %max3A_958 = vector.broadcast %max3A_957 : f32 to vector<16xf32>
    %max3A_959 = arith.maximumf %get3A_956, %max3A_958 : vector<16xf32>
    %min3A_960 = arith.constant 9.843750e-01 : f32
    %min3A_961 = vector.broadcast %min3A_960 : f32 to vector<16xf32>
    %min3A_962 = arith.minimumf %max3A_959, %min3A_961 : vector<16xf32>
    %mul3A_963 = arith.constant 3.200000e+01 : f32
    %mul3A_964 = vector.broadcast %mul3A_963 : f32 to vector<16xf32>
    %mul3A_965 = arith.mulf %min3A_962, %mul3A_964 : vector<16xf32>
    %convert_element_type3A_966 = arith.fptosi %mul3A_965 : vector<16xf32> to vector<16xi32>
    %swap3A_967 = arith.constant 5 : i32
    %swap3A_968 = arith.index_cast %swap3A_967 : i32 to index
    %swap3A_969 = arith.constant 96 : index
    %swap3A_970 = tpu.vector_load %arg6[%swap3A_968, %swap3A_969] {strides = array<i32>} : memref<100x128xi32, #tpu.memory_space<vmem>>, vector<1x16xi32>,
    %swap3A_971 = vector.shape_cast %swap3A_970 : vector<1x16xi32> to vector<16xi32>
    %swap3A_972 = vector.shape_cast %convert_element_type3A_966 : vector<16xi32> to vector<1x16xi32>
    tpu.vector_store %arg6[%swap3A_968, %swap3A_969], %swap3A_972 {strides = array<i32>} : memref<100x128xi32, #tpu.memory_space<vmem>>, vector<1x16xi32>,
    %get3A_973 = arith.constant 752 : index
    %get3A_974 = tpu.vector_load %arg5[%get3A_973] {strides = array<i32>} : memref<12800xf32, #tpu.memory_space<vmem>>, vector<16xf32>,
    %get3A_975 = vector.shape_cast %get3A_974 : vector<16xf32> to vector<16xf32>
    %max3A_976 = arith.constant 0.000000e+00 : f32
    %max3A_977 = vector.broadcast %max3A_976 : f32 to vector<16xf32>
    %max3A_978 = arith.maximumf %get3A_975, %max3A_977 : vector<16xf32>
    %min3A_979 = arith.constant 9.843750e-01 : f32
    %min3A_980 = vector.broadcast %min3A_979 : f32 to vector<16xf32>
    %min3A_981 = arith.minimumf %max3A_978, %min3A_980 : vector<16xf32>
    %mul3A_982 = arith.constant 3.200000e+01 : f32
    %mul3A_983 = vector.broadcast %mul3A_982 : f32 to vector<16xf32>
    %mul3A_984 = arith.mulf %min3A_981, %mul3A_983 : vector<16xf32>
    %convert_element_type3A_985 = arith.fptosi %mul3A_984 : vector<16xf32> to vector<16xi32>
    %swap3A_986 = arith.constant 5 : i32
    %swap3A_987 = arith.index_cast %swap3A_986 : i32 to index
    %swap3A_988 = arith.constant 112 : index
    %swap3A_989 = tpu.vector_load %arg6[%swap3A_987, %swap3A_988] {strides = array<i32>} : memref<100x128xi32, #tpu.memory_space<vmem>>, vector<1x16xi32>,
    %swap3A_990 = vector.shape_cast %swap3A_989 : vector<1x16xi32> to vector<16xi32>
    %swap3A_991 = vector.shape_cast %convert_element_type3A_985 : vector<16xi32> to vector<1x16xi32>
    tpu.vector_store %arg6[%swap3A_987, %swap3A_988], %swap3A_991 {strides = array<i32>} : memref<100x128xi32, #tpu.memory_space<vmem>>, vector<1x16xi32>,
    %dma_start3A_992 = arith.constant 5 : i32
    %dma_start3A_993 = arith.constant 5 : i32
    %dma_start3A_994 = arith.constant 5 : i32
    %dma_start3A_995 = arith.constant 0 : i32
    %dma_start3A_996 = arith.constant 0 : i32
    %dma_start3A_997 = tpu.memref_slice %arg7[%dma_start3A_993, %dma_start3A_995, %dma_start3A_996] : memref<6x128x128xf32, #tpu.memory_space<vmem>> -> memref<1x128x128xf32, #tpu.memory_space<vmem>>
    %dma_start3A_998 = tpu.memref_squeeze %dma_start3A_997 : memref<1x128x128xf32, #tpu.memory_space<vmem>> -> memref<128x128xf32, #tpu.memory_space<vmem>>
    %dma_start3A_999 = arith.constant 0 : i32
    %dma_start3A_1000 = tpu.memref_slice %arg6[%dma_start3A_992, %dma_start3A_999] : memref<100x128xi32, #tpu.memory_space<vmem>> -> memref<1x128xi32, #tpu.memory_space<vmem>>
    %dma_start3A_1001 = tpu.memref_squeeze %dma_start3A_1000 : memref<1x128xi32, #tpu.memory_space<vmem>> -> memref<128xi32, #tpu.memory_space<vmem>>
    %dma_start3A_1002 = arith.constant 0 : i32
    %dma_start3A_1003 = arith.constant 0 : i32
    %dma_start3A_1004 = tpu.memref_slice %arg8[%dma_start3A_1002, %dma_start3A_1003] : memref<32x128xf32, #tpu.memory_space<vmem_shared>> -> memref<32x128xf32, #tpu.memory_space<vmem_shared>>
    %dma_start3A_1005 = tpu.memref_slice %arg9[%dma_start3A_994] : memref<6x!tpu.dma_semaphore, #tpu.memory_space<semaphore_mem>> -> memref<1x!tpu.dma_semaphore, #tpu.memory_space<semaphore_mem>>
    %dma_start3A_1006 = tpu.memref_squeeze %dma_start3A_1005 : memref<1x!tpu.dma_semaphore, #tpu.memory_space<semaphore_mem>> -> memref<!tpu.dma_semaphore, #tpu.memory_space<semaphore_mem>>
    tpu.enqueue_indirect_dma source(%dma_start3A_1004 : memref<32x128xf32, #tpu.memory_space<vmem_shared>>) target(%dma_start3A_998 : memref<128x128xf32, #tpu.memory_space<vmem>>) offsets(%dma_start3A_1001 : memref<128xi32, #tpu.memory_space<vmem>>) semaphore(%dma_start3A_1006 : memref<!tpu.dma_semaphore, #tpu.memory_space<semaphore_mem>>)
    %scan3A = arith.constant 0 : i32
    %scan3A_1007 = arith.constant 15 : i32
    %scan3A_1008 = arith.addi %scan3A, %scan3A_1007 : i32
    %scan3A_1009 = arith.constant 1 : i32
    scf.for %scan3A_2229 = %scan3A to %scan3A_1008 step %scan3A_1009  : i32 {
      %mul3A_2230 = arith.constant 1 : i32
      %mul3A_2231 = arith.muli %scan3A_2229, %mul3A_2230 : i32
      %add3A_2232 = arith.constant 0 : i32
      %add3A_2233 = arith.addi %add3A_2232, %mul3A_2231 : i32
      %mul3A_2234 = arith.constant 6 : i32
      %mul3A_2235 = arith.muli %add3A_2233, %mul3A_2234 : i32
      %add3A_2236 = arith.constant 6 : i32
      %add3A_2237 = arith.addi %mul3A_2235, %add3A_2236 : i32
      %add3A_2238 = arith.constant 0 : i32
      %add3A_2239 = arith.addi %add3A_2237, %add3A_2238 : i32
      %mul3A_2240 = arith.constant 128 : i32
      %mul3A_2241 = arith.muli %add3A_2239, %mul3A_2240 : i32
      %add3A_2242 = arith.constant 0 : i32
      %add3A_2243 = arith.addi %mul3A_2241, %add3A_2242 : i32
      %get3A_2244 = arith.index_cast %add3A_2243 : i32 to index
      %get3A_2245 = tpu.vector_load %arg5[%get3A_2244] {strides = array<i32>} : memref<12800xf32, #tpu.memory_space<vmem>>, vector<16xf32>,
      %get3A_2246 = vector.shape_cast %get3A_2245 : vector<16xf32> to vector<16xf32>
      %max3A_2247 = arith.constant 0.000000e+00 : f32
      %max3A_2248 = vector.broadcast %max3A_2247 : f32 to vector<16xf32>
      %max3A_2249 = arith.maximumf %get3A_2246, %max3A_2248 : vector<16xf32>
      %min3A_2250 = arith.constant 9.843750e-01 : f32
      %min3A_2251 = vector.broadcast %min3A_2250 : f32 to vector<16xf32>
      %min3A_2252 = arith.minimumf %max3A_2249, %min3A_2251 : vector<16xf32>
      %mul3A_2253 = arith.constant 3.200000e+01 : f32
      %mul3A_2254 = vector.broadcast %mul3A_2253 : f32 to vector<16xf32>
      %mul3A_2255 = arith.mulf %min3A_2252, %mul3A_2254 : vector<16xf32>
      %convert_element_type3A_2256 = arith.fptosi %mul3A_2255 : vector<16xf32> to vector<16xi32>
      %swap3A_2257 = arith.index_cast %add3A_2239 : i32 to index
      %swap3A_2258 = arith.constant 0 : index
      %swap3A_2259 = tpu.vector_load %arg6[%swap3A_2257, %swap3A_2258] {strides = array<i32>} : memref<100x128xi32, #tpu.memory_space<vmem>>, vector<1x16xi32>,
      %swap3A_2260 = vector.shape_cast %swap3A_2259 : vector<1x16xi32> to vector<16xi32>
      %swap3A_2261 = vector.shape_cast %convert_element_type3A_2256 : vector<16xi32> to vector<1x16xi32>
      tpu.vector_store %arg6[%swap3A_2257, %swap3A_2258], %swap3A_2261 {strides = array<i32>} : memref<100x128xi32, #tpu.memory_space<vmem>>, vector<1x16xi32>,
      %mul3A_2262 = arith.constant 128 : i32
      %mul3A_2263 = arith.muli %add3A_2239, %mul3A_2262 : i32
      %add3A_2264 = arith.constant 16 : i32
      %add3A_2265 = arith.addi %mul3A_2263, %add3A_2264 : i32
      %get3A_2266 = arith.index_cast %add3A_2265 : i32 to index
      %get3A_2267 = tpu.vector_load %arg5[%get3A_2266] {strides = array<i32>} : memref<12800xf32, #tpu.memory_space<vmem>>, vector<16xf32>,
      %get3A_2268 = vector.shape_cast %get3A_2267 : vector<16xf32> to vector<16xf32>
      %max3A_2269 = arith.constant 0.000000e+00 : f32
      %max3A_2270 = vector.broadcast %max3A_2269 : f32 to vector<16xf32>
      %max3A_2271 = arith.maximumf %get3A_2268, %max3A_2270 : vector<16xf32>
      %min3A_2272 = arith.constant 9.843750e-01 : f32
      %min3A_2273 = vector.broadcast %min3A_2272 : f32 to vector<16xf32>
      %min3A_2274 = arith.minimumf %max3A_2271, %min3A_2273 : vector<16xf32>
      %mul3A_2275 = arith.constant 3.200000e+01 : f32
      %mul3A_2276 = vector.broadcast %mul3A_2275 : f32 to vector<16xf32>
      %mul3A_2277 = arith.mulf %min3A_2274, %mul3A_2276 : vector<16xf32>
      %convert_element_type3A_2278 = arith.fptosi %mul3A_2277 : vector<16xf32> to vector<16xi32>
      %swap3A_2279 = arith.index_cast %add3A_2239 : i32 to index
      %swap3A_2280 = arith.constant 16 : index
      %swap3A_2281 = tpu.vector_load %arg6[%swap3A_2279, %swap3A_2280] {strides = array<i32>} : memref<100x128xi32, #tpu.memory_space<vmem>>, vector<1x16xi32>,
      %swap3A_2282 = vector.shape_cast %swap3A_2281 : vector<1x16xi32> to vector<16xi32>
      %swap3A_2283 = vector.shape_cast %convert_element_type3A_2278 : vector<16xi32> to vector<1x16xi32>
      tpu.vector_store %arg6[%swap3A_2279, %swap3A_2280], %swap3A_2283 {strides = array<i32>} : memref<100x128xi32, #tpu.memory_space<vmem>>, vector<1x16xi32>,
      %mul3A_2284 = arith.constant 128 : i32
      %mul3A_2285 = arith.muli %add3A_2239, %mul3A_2284 : i32
      %add3A_2286 = arith.constant 32 : i32
      %add3A_2287 = arith.addi %mul3A_2285, %add3A_2286 : i32
      %get3A_2288 = arith.index_cast %add3A_2287 : i32 to index
      %get3A_2289 = tpu.vector_load %arg5[%get3A_2288] {strides = array<i32>} : memref<12800xf32, #tpu.memory_space<vmem>>, vector<16xf32>,
      %get3A_2290 = vector.shape_cast %get3A_2289 : vector<16xf32> to vector<16xf32>
      %max3A_2291 = arith.constant 0.000000e+00 : f32
      %max3A_2292 = vector.broadcast %max3A_2291 : f32 to vector<16xf32>
      %max3A_2293 = arith.maximumf %get3A_2290, %max3A_2292 : vector<16xf32>
      %min3A_2294 = arith.constant 9.843750e-01 : f32
      %min3A_2295 = vector.broadcast %min3A_2294 : f32 to vector<16xf32>
      %min3A_2296 = arith.minimumf %max3A_2293, %min3A_2295 : vector<16xf32>
      %mul3A_2297 = arith.constant 3.200000e+01 : f32
      %mul3A_2298 = vector.broadcast %mul3A_2297 : f32 to vector<16xf32>
      %mul3A_2299 = arith.mulf %min3A_2296, %mul3A_2298 : vector<16xf32>
      %convert_element_type3A_2300 = arith.fptosi %mul3A_2299 : vector<16xf32> to vector<16xi32>
      %swap3A_2301 = arith.index_cast %add3A_2239 : i32 to index
      %swap3A_2302 = arith.constant 32 : index
      %swap3A_2303 = tpu.vector_load %arg6[%swap3A_2301, %swap3A_2302] {strides = array<i32>} : memref<100x128xi32, #tpu.memory_space<vmem>>, vector<1x16xi32>,
      %swap3A_2304 = vector.shape_cast %swap3A_2303 : vector<1x16xi32> to vector<16xi32>
      %swap3A_2305 = vector.shape_cast %convert_element_type3A_2300 : vector<16xi32> to vector<1x16xi32>
      tpu.vector_store %arg6[%swap3A_2301, %swap3A_2302], %swap3A_2305 {strides = array<i32>} : memref<100x128xi32, #tpu.memory_space<vmem>>, vector<1x16xi32>,
      %mul3A_2306 = arith.constant 128 : i32
      %mul3A_2307 = arith.muli %add3A_2239, %mul3A_2306 : i32
      %add3A_2308 = arith.constant 48 : i32
      %add3A_2309 = arith.addi %mul3A_2307, %add3A_2308 : i32
      %get3A_2310 = arith.index_cast %add3A_2309 : i32 to index
      %get3A_2311 = tpu.vector_load %arg5[%get3A_2310] {strides = array<i32>} : memref<12800xf32, #tpu.memory_space<vmem>>, vector<16xf32>,
      %get3A_2312 = vector.shape_cast %get3A_2311 : vector<16xf32> to vector<16xf32>
      %max3A_2313 = arith.constant 0.000000e+00 : f32
      %max3A_2314 = vector.broadcast %max3A_2313 : f32 to vector<16xf32>
      %max3A_2315 = arith.maximumf %get3A_2312, %max3A_2314 : vector<16xf32>
      %min3A_2316 = arith.constant 9.843750e-01 : f32
      %min3A_2317 = vector.broadcast %min3A_2316 : f32 to vector<16xf32>
      %min3A_2318 = arith.minimumf %max3A_2315, %min3A_2317 : vector<16xf32>
      %mul3A_2319 = arith.constant 3.200000e+01 : f32
      %mul3A_2320 = vector.broadcast %mul3A_2319 : f32 to vector<16xf32>
      %mul3A_2321 = arith.mulf %min3A_2318, %mul3A_2320 : vector<16xf32>
      %convert_element_type3A_2322 = arith.fptosi %mul3A_2321 : vector<16xf32> to vector<16xi32>
      %swap3A_2323 = arith.index_cast %add3A_2239 : i32 to index
      %swap3A_2324 = arith.constant 48 : index
      %swap3A_2325 = tpu.vector_load %arg6[%swap3A_2323, %swap3A_2324] {strides = array<i32>} : memref<100x128xi32, #tpu.memory_space<vmem>>, vector<1x16xi32>,
      %swap3A_2326 = vector.shape_cast %swap3A_2325 : vector<1x16xi32> to vector<16xi32>
      %swap3A_2327 = vector.shape_cast %convert_element_type3A_2322 : vector<16xi32> to vector<1x16xi32>
      tpu.vector_store %arg6[%swap3A_2323, %swap3A_2324], %swap3A_2327 {strides = array<i32>} : memref<100x128xi32, #tpu.memory_space<vmem>>, vector<1x16xi32>,
      %mul3A_2328 = arith.constant 128 : i32
      %mul3A_2329 = arith.muli %add3A_2239, %mul3A_2328 : i32
      %add3A_2330 = arith.constant 64 : i32
      %add3A_2331 = arith.addi %mul3A_2329, %add3A_2330 : i32
      %get3A_2332 = arith.index_cast %add3A_2331 : i32 to index
      %get3A_2333 = tpu.vector_load %arg5[%get3A_2332] {strides = array<i32>} : memref<12800xf32, #tpu.memory_space<vmem>>, vector<16xf32>,
      %get3A_2334 = vector.shape_cast %get3A_2333 : vector<16xf32> to vector<16xf32>
      %max3A_2335 = arith.constant 0.000000e+00 : f32
      %max3A_2336 = vector.broadcast %max3A_2335 : f32 to vector<16xf32>
      %max3A_2337 = arith.maximumf %get3A_2334, %max3A_2336 : vector<16xf32>
      %min3A_2338 = arith.constant 9.843750e-01 : f32
      %min3A_2339 = vector.broadcast %min3A_2338 : f32 to vector<16xf32>
      %min3A_2340 = arith.minimumf %max3A_2337, %min3A_2339 : vector<16xf32>
      %mul3A_2341 = arith.constant 3.200000e+01 : f32
      %mul3A_2342 = vector.broadcast %mul3A_2341 : f32 to vector<16xf32>
      %mul3A_2343 = arith.mulf %min3A_2340, %mul3A_2342 : vector<16xf32>
      %convert_element_type3A_2344 = arith.fptosi %mul3A_2343 : vector<16xf32> to vector<16xi32>
      %swap3A_2345 = arith.index_cast %add3A_2239 : i32 to index
      %swap3A_2346 = arith.constant 64 : index
      %swap3A_2347 = tpu.vector_load %arg6[%swap3A_2345, %swap3A_2346] {strides = array<i32>} : memref<100x128xi32, #tpu.memory_space<vmem>>, vector<1x16xi32>,
      %swap3A_2348 = vector.shape_cast %swap3A_2347 : vector<1x16xi32> to vector<16xi32>
      %swap3A_2349 = vector.shape_cast %convert_element_type3A_2344 : vector<16xi32> to vector<1x16xi32>
      tpu.vector_store %arg6[%swap3A_2345, %swap3A_2346], %swap3A_2349 {strides = array<i32>} : memref<100x128xi32, #tpu.memory_space<vmem>>, vector<1x16xi32>,
      %mul3A_2350 = arith.constant 128 : i32
      %mul3A_2351 = arith.muli %add3A_2239, %mul3A_2350 : i32
      %add3A_2352 = arith.constant 80 : i32
      %add3A_2353 = arith.addi %mul3A_2351, %add3A_2352 : i32
      %get3A_2354 = arith.index_cast %add3A_2353 : i32 to index
      %get3A_2355 = tpu.vector_load %arg5[%get3A_2354] {strides = array<i32>} : memref<12800xf32, #tpu.memory_space<vmem>>, vector<16xf32>,
      %get3A_2356 = vector.shape_cast %get3A_2355 : vector<16xf32> to vector<16xf32>
      %max3A_2357 = arith.constant 0.000000e+00 : f32
      %max3A_2358 = vector.broadcast %max3A_2357 : f32 to vector<16xf32>
      %max3A_2359 = arith.maximumf %get3A_2356, %max3A_2358 : vector<16xf32>
      %min3A_2360 = arith.constant 9.843750e-01 : f32
      %min3A_2361 = vector.broadcast %min3A_2360 : f32 to vector<16xf32>
      %min3A_2362 = arith.minimumf %max3A_2359, %min3A_2361 : vector<16xf32>
      %mul3A_2363 = arith.constant 3.200000e+01 : f32
      %mul3A_2364 = vector.broadcast %mul3A_2363 : f32 to vector<16xf32>
      %mul3A_2365 = arith.mulf %min3A_2362, %mul3A_2364 : vector<16xf32>
      %convert_element_type3A_2366 = arith.fptosi %mul3A_2365 : vector<16xf32> to vector<16xi32>
      %swap3A_2367 = arith.index_cast %add3A_2239 : i32 to index
      %swap3A_2368 = arith.constant 80 : index
      %swap3A_2369 = tpu.vector_load %arg6[%swap3A_2367, %swap3A_2368] {strides = array<i32>} : memref<100x128xi32, #tpu.memory_space<vmem>>, vector<1x16xi32>,
      %swap3A_2370 = vector.shape_cast %swap3A_2369 : vector<1x16xi32> to vector<16xi32>
      %swap3A_2371 = vector.shape_cast %convert_element_type3A_2366 : vector<16xi32> to vector<1x16xi32>
      tpu.vector_store %arg6[%swap3A_2367, %swap3A_2368], %swap3A_2371 {strides = array<i32>} : memref<100x128xi32, #tpu.memory_space<vmem>>, vector<1x16xi32>,
      %mul3A_2372 = arith.constant 128 : i32
      %mul3A_2373 = arith.muli %add3A_2239, %mul3A_2372 : i32
      %add3A_2374 = arith.constant 96 : i32
      %add3A_2375 = arith.addi %mul3A_2373, %add3A_2374 : i32
      %get3A_2376 = arith.index_cast %add3A_2375 : i32 to index
      %get3A_2377 = tpu.vector_load %arg5[%get3A_2376] {strides = array<i32>} : memref<12800xf32, #tpu.memory_space<vmem>>, vector<16xf32>,
      %get3A_2378 = vector.shape_cast %get3A_2377 : vector<16xf32> to vector<16xf32>
      %max3A_2379 = arith.constant 0.000000e+00 : f32
      %max3A_2380 = vector.broadcast %max3A_2379 : f32 to vector<16xf32>
      %max3A_2381 = arith.maximumf %get3A_2378, %max3A_2380 : vector<16xf32>
      %min3A_2382 = arith.constant 9.843750e-01 : f32
      %min3A_2383 = vector.broadcast %min3A_2382 : f32 to vector<16xf32>
      %min3A_2384 = arith.minimumf %max3A_2381, %min3A_2383 : vector<16xf32>
      %mul3A_2385 = arith.constant 3.200000e+01 : f32
      %mul3A_2386 = vector.broadcast %mul3A_2385 : f32 to vector<16xf32>
      %mul3A_2387 = arith.mulf %min3A_2384, %mul3A_2386 : vector<16xf32>
      %convert_element_type3A_2388 = arith.fptosi %mul3A_2387 : vector<16xf32> to vector<16xi32>
      %swap3A_2389 = arith.index_cast %add3A_2239 : i32 to index
      %swap3A_2390 = arith.constant 96 : index
      %swap3A_2391 = tpu.vector_load %arg6[%swap3A_2389, %swap3A_2390] {strides = array<i32>} : memref<100x128xi32, #tpu.memory_space<vmem>>, vector<1x16xi32>,
      %swap3A_2392 = vector.shape_cast %swap3A_2391 : vector<1x16xi32> to vector<16xi32>
      %swap3A_2393 = vector.shape_cast %convert_element_type3A_2388 : vector<16xi32> to vector<1x16xi32>
      tpu.vector_store %arg6[%swap3A_2389, %swap3A_2390], %swap3A_2393 {strides = array<i32>} : memref<100x128xi32, #tpu.memory_space<vmem>>, vector<1x16xi32>,
      %mul3A_2394 = arith.constant 128 : i32
      %mul3A_2395 = arith.muli %add3A_2239, %mul3A_2394 : i32
      %add3A_2396 = arith.constant 112 : i32
      %add3A_2397 = arith.addi %mul3A_2395, %add3A_2396 : i32
      %get3A_2398 = arith.index_cast %add3A_2397 : i32 to index
      %get3A_2399 = tpu.vector_load %arg5[%get3A_2398] {strides = array<i32>} : memref<12800xf32, #tpu.memory_space<vmem>>, vector<16xf32>,
      %get3A_2400 = vector.shape_cast %get3A_2399 : vector<16xf32> to vector<16xf32>
      %max3A_2401 = arith.constant 0.000000e+00 : f32
      %max3A_2402 = vector.broadcast %max3A_2401 : f32 to vector<16xf32>
      %max3A_2403 = arith.maximumf %get3A_2400, %max3A_2402 : vector<16xf32>
      %min3A_2404 = arith.constant 9.843750e-01 : f32
      %min3A_2405 = vector.broadcast %min3A_2404 : f32 to vector<16xf32>
      %min3A_2406 = arith.minimumf %max3A_2403, %min3A_2405 : vector<16xf32>
      %mul3A_2407 = arith.constant 3.200000e+01 : f32
      %mul3A_2408 = vector.broadcast %mul3A_2407 : f32 to vector<16xf32>
      %mul3A_2409 = arith.mulf %min3A_2406, %mul3A_2408 : vector<16xf32>
      %convert_element_type3A_2410 = arith.fptosi %mul3A_2409 : vector<16xf32> to vector<16xi32>
      %swap3A_2411 = arith.index_cast %add3A_2239 : i32 to index
      %swap3A_2412 = arith.constant 112 : index
      %swap3A_2413 = tpu.vector_load %arg6[%swap3A_2411, %swap3A_2412] {strides = array<i32>} : memref<100x128xi32, #tpu.memory_space<vmem>>, vector<1x16xi32>,
      %swap3A_2414 = vector.shape_cast %swap3A_2413 : vector<1x16xi32> to vector<16xi32>
      %swap3A_2415 = vector.shape_cast %convert_element_type3A_2410 : vector<16xi32> to vector<1x16xi32>
      tpu.vector_store %arg6[%swap3A_2411, %swap3A_2412], %swap3A_2415 {strides = array<i32>} : memref<100x128xi32, #tpu.memory_space<vmem>>, vector<1x16xi32>,
      %add3A_2416 = arith.constant 6 : i32
      %add3A_2417 = arith.addi %mul3A_2235, %add3A_2416 : i32
      %add3A_2418 = arith.constant 1 : i32
      %add3A_2419 = arith.addi %add3A_2417, %add3A_2418 : i32
      %mul3A_2420 = arith.constant 128 : i32
      %mul3A_2421 = arith.muli %add3A_2419, %mul3A_2420 : i32
      %add3A_2422 = arith.constant 0 : i32
      %add3A_2423 = arith.addi %mul3A_2421, %add3A_2422 : i32
      %get3A_2424 = arith.index_cast %add3A_2423 : i32 to index
      %get3A_2425 = tpu.vector_load %arg5[%get3A_2424] {strides = array<i32>} : memref<12800xf32, #tpu.memory_space<vmem>>, vector<16xf32>,
      %get3A_2426 = vector.shape_cast %get3A_2425 : vector<16xf32> to vector<16xf32>
      %max3A_2427 = arith.constant 0.000000e+00 : f32
      %max3A_2428 = vector.broadcast %max3A_2427 : f32 to vector<16xf32>
      %max3A_2429 = arith.maximumf %get3A_2426, %max3A_2428 : vector<16xf32>
      %min3A_2430 = arith.constant 9.843750e-01 : f32
      %min3A_2431 = vector.broadcast %min3A_2430 : f32 to vector<16xf32>
      %min3A_2432 = arith.minimumf %max3A_2429, %min3A_2431 : vector<16xf32>
      %mul3A_2433 = arith.constant 3.200000e+01 : f32
      %mul3A_2434 = vector.broadcast %mul3A_2433 : f32 to vector<16xf32>
      %mul3A_2435 = arith.mulf %min3A_2432, %mul3A_2434 : vector<16xf32>
      %convert_element_type3A_2436 = arith.fptosi %mul3A_2435 : vector<16xf32> to vector<16xi32>
      %swap3A_2437 = arith.index_cast %add3A_2419 : i32 to index
      %swap3A_2438 = arith.constant 0 : index
      %swap3A_2439 = tpu.vector_load %arg6[%swap3A_2437, %swap3A_2438] {strides = array<i32>} : memref<100x128xi32, #tpu.memory_space<vmem>>, vector<1x16xi32>,
      %swap3A_2440 = vector.shape_cast %swap3A_2439 : vector<1x16xi32> to vector<16xi32>
      %swap3A_2441 = vector.shape_cast %convert_element_type3A_2436 : vector<16xi32> to vector<1x16xi32>
      tpu.vector_store %arg6[%swap3A_2437, %swap3A_2438], %swap3A_2441 {strides = array<i32>} : memref<100x128xi32, #tpu.memory_space<vmem>>, vector<1x16xi32>,
      %mul3A_2442 = arith.constant 128 : i32
      %mul3A_2443 = arith.muli %add3A_2419, %mul3A_2442 : i32
      %add3A_2444 = arith.constant 16 : i32
      %add3A_2445 = arith.addi %mul3A_2443, %add3A_2444 : i32
      %get3A_2446 = arith.index_cast %add3A_2445 : i32 to index
      %get3A_2447 = tpu.vector_load %arg5[%get3A_2446] {strides = array<i32>} : memref<12800xf32, #tpu.memory_space<vmem>>, vector<16xf32>,
      %get3A_2448 = vector.shape_cast %get3A_2447 : vector<16xf32> to vector<16xf32>
      %max3A_2449 = arith.constant 0.000000e+00 : f32
      %max3A_2450 = vector.broadcast %max3A_2449 : f32 to vector<16xf32>
      %max3A_2451 = arith.maximumf %get3A_2448, %max3A_2450 : vector<16xf32>
      %min3A_2452 = arith.constant 9.843750e-01 : f32
      %min3A_2453 = vector.broadcast %min3A_2452 : f32 to vector<16xf32>
      %min3A_2454 = arith.minimumf %max3A_2451, %min3A_2453 : vector<16xf32>
      %mul3A_2455 = arith.constant 3.200000e+01 : f32
      %mul3A_2456 = vector.broadcast %mul3A_2455 : f32 to vector<16xf32>
      %mul3A_2457 = arith.mulf %min3A_2454, %mul3A_2456 : vector<16xf32>
      %convert_element_type3A_2458 = arith.fptosi %mul3A_2457 : vector<16xf32> to vector<16xi32>
      %swap3A_2459 = arith.index_cast %add3A_2419 : i32 to index
      %swap3A_2460 = arith.constant 16 : index
      %swap3A_2461 = tpu.vector_load %arg6[%swap3A_2459, %swap3A_2460] {strides = array<i32>} : memref<100x128xi32, #tpu.memory_space<vmem>>, vector<1x16xi32>,
      %swap3A_2462 = vector.shape_cast %swap3A_2461 : vector<1x16xi32> to vector<16xi32>
      %swap3A_2463 = vector.shape_cast %convert_element_type3A_2458 : vector<16xi32> to vector<1x16xi32>
      tpu.vector_store %arg6[%swap3A_2459, %swap3A_2460], %swap3A_2463 {strides = array<i32>} : memref<100x128xi32, #tpu.memory_space<vmem>>, vector<1x16xi32>,
      %mul3A_2464 = arith.constant 128 : i32
      %mul3A_2465 = arith.muli %add3A_2419, %mul3A_2464 : i32
      %add3A_2466 = arith.constant 32 : i32
      %add3A_2467 = arith.addi %mul3A_2465, %add3A_2466 : i32
      %get3A_2468 = arith.index_cast %add3A_2467 : i32 to index
      %get3A_2469 = tpu.vector_load %arg5[%get3A_2468] {strides = array<i32>} : memref<12800xf32, #tpu.memory_space<vmem>>, vector<16xf32>,
      %get3A_2470 = vector.shape_cast %get3A_2469 : vector<16xf32> to vector<16xf32>
      %max3A_2471 = arith.constant 0.000000e+00 : f32
      %max3A_2472 = vector.broadcast %max3A_2471 : f32 to vector<16xf32>
      %max3A_2473 = arith.maximumf %get3A_2470, %max3A_2472 : vector<16xf32>
      %min3A_2474 = arith.constant 9.843750e-01 : f32
      %min3A_2475 = vector.broadcast %min3A_2474 : f32 to vector<16xf32>
      %min3A_2476 = arith.minimumf %max3A_2473, %min3A_2475 : vector<16xf32>
      %mul3A_2477 = arith.constant 3.200000e+01 : f32
      %mul3A_2478 = vector.broadcast %mul3A_2477 : f32 to vector<16xf32>
      %mul3A_2479 = arith.mulf %min3A_2476, %mul3A_2478 : vector<16xf32>
      %convert_element_type3A_2480 = arith.fptosi %mul3A_2479 : vector<16xf32> to vector<16xi32>
      %swap3A_2481 = arith.index_cast %add3A_2419 : i32 to index
      %swap3A_2482 = arith.constant 32 : index
      %swap3A_2483 = tpu.vector_load %arg6[%swap3A_2481, %swap3A_2482] {strides = array<i32>} : memref<100x128xi32, #tpu.memory_space<vmem>>, vector<1x16xi32>,
      %swap3A_2484 = vector.shape_cast %swap3A_2483 : vector<1x16xi32> to vector<16xi32>
      %swap3A_2485 = vector.shape_cast %convert_element_type3A_2480 : vector<16xi32> to vector<1x16xi32>
      tpu.vector_store %arg6[%swap3A_2481, %swap3A_2482], %swap3A_2485 {strides = array<i32>} : memref<100x128xi32, #tpu.memory_space<vmem>>, vector<1x16xi32>,
      %mul3A_2486 = arith.constant 128 : i32
      %mul3A_2487 = arith.muli %add3A_2419, %mul3A_2486 : i32
      %add3A_2488 = arith.constant 48 : i32
      %add3A_2489 = arith.addi %mul3A_2487, %add3A_2488 : i32
      %get3A_2490 = arith.index_cast %add3A_2489 : i32 to index
      %get3A_2491 = tpu.vector_load %arg5[%get3A_2490] {strides = array<i32>} : memref<12800xf32, #tpu.memory_space<vmem>>, vector<16xf32>,
      %get3A_2492 = vector.shape_cast %get3A_2491 : vector<16xf32> to vector<16xf32>
      %max3A_2493 = arith.constant 0.000000e+00 : f32
      %max3A_2494 = vector.broadcast %max3A_2493 : f32 to vector<16xf32>
      %max3A_2495 = arith.maximumf %get3A_2492, %max3A_2494 : vector<16xf32>
      %min3A_2496 = arith.constant 9.843750e-01 : f32
      %min3A_2497 = vector.broadcast %min3A_2496 : f32 to vector<16xf32>
      %min3A_2498 = arith.minimumf %max3A_2495, %min3A_2497 : vector<16xf32>
      %mul3A_2499 = arith.constant 3.200000e+01 : f32
      %mul3A_2500 = vector.broadcast %mul3A_2499 : f32 to vector<16xf32>
      %mul3A_2501 = arith.mulf %min3A_2498, %mul3A_2500 : vector<16xf32>
      %convert_element_type3A_2502 = arith.fptosi %mul3A_2501 : vector<16xf32> to vector<16xi32>
      %swap3A_2503 = arith.index_cast %add3A_2419 : i32 to index
      %swap3A_2504 = arith.constant 48 : index
      %swap3A_2505 = tpu.vector_load %arg6[%swap3A_2503, %swap3A_2504] {strides = array<i32>} : memref<100x128xi32, #tpu.memory_space<vmem>>, vector<1x16xi32>,
      %swap3A_2506 = vector.shape_cast %swap3A_2505 : vector<1x16xi32> to vector<16xi32>
      %swap3A_2507 = vector.shape_cast %convert_element_type3A_2502 : vector<16xi32> to vector<1x16xi32>
      tpu.vector_store %arg6[%swap3A_2503, %swap3A_2504], %swap3A_2507 {strides = array<i32>} : memref<100x128xi32, #tpu.memory_space<vmem>>, vector<1x16xi32>,
      %mul3A_2508 = arith.constant 128 : i32
      %mul3A_2509 = arith.muli %add3A_2419, %mul3A_2508 : i32
      %add3A_2510 = arith.constant 64 : i32
      %add3A_2511 = arith.addi %mul3A_2509, %add3A_2510 : i32
      %get3A_2512 = arith.index_cast %add3A_2511 : i32 to index
      %get3A_2513 = tpu.vector_load %arg5[%get3A_2512] {strides = array<i32>} : memref<12800xf32, #tpu.memory_space<vmem>>, vector<16xf32>,
      %get3A_2514 = vector.shape_cast %get3A_2513 : vector<16xf32> to vector<16xf32>
      %max3A_2515 = arith.constant 0.000000e+00 : f32
      %max3A_2516 = vector.broadcast %max3A_2515 : f32 to vector<16xf32>
      %max3A_2517 = arith.maximumf %get3A_2514, %max3A_2516 : vector<16xf32>
      %min3A_2518 = arith.constant 9.843750e-01 : f32
      %min3A_2519 = vector.broadcast %min3A_2518 : f32 to vector<16xf32>
      %min3A_2520 = arith.minimumf %max3A_2517, %min3A_2519 : vector<16xf32>
      %mul3A_2521 = arith.constant 3.200000e+01 : f32
      %mul3A_2522 = vector.broadcast %mul3A_2521 : f32 to vector<16xf32>
      %mul3A_2523 = arith.mulf %min3A_2520, %mul3A_2522 : vector<16xf32>
      %convert_element_type3A_2524 = arith.fptosi %mul3A_2523 : vector<16xf32> to vector<16xi32>
      %swap3A_2525 = arith.index_cast %add3A_2419 : i32 to index
      %swap3A_2526 = arith.constant 64 : index
      %swap3A_2527 = tpu.vector_load %arg6[%swap3A_2525, %swap3A_2526] {strides = array<i32>} : memref<100x128xi32, #tpu.memory_space<vmem>>, vector<1x16xi32>,
      %swap3A_2528 = vector.shape_cast %swap3A_2527 : vector<1x16xi32> to vector<16xi32>
      %swap3A_2529 = vector.shape_cast %convert_element_type3A_2524 : vector<16xi32> to vector<1x16xi32>
      tpu.vector_store %arg6[%swap3A_2525, %swap3A_2526], %swap3A_2529 {strides = array<i32>} : memref<100x128xi32, #tpu.memory_space<vmem>>, vector<1x16xi32>,
      %mul3A_2530 = arith.constant 128 : i32
      %mul3A_2531 = arith.muli %add3A_2419, %mul3A_2530 : i32
      %add3A_2532 = arith.constant 80 : i32
      %add3A_2533 = arith.addi %mul3A_2531, %add3A_2532 : i32
      %get3A_2534 = arith.index_cast %add3A_2533 : i32 to index
      %get3A_2535 = tpu.vector_load %arg5[%get3A_2534] {strides = array<i32>} : memref<12800xf32, #tpu.memory_space<vmem>>, vector<16xf32>,
      %get3A_2536 = vector.shape_cast %get3A_2535 : vector<16xf32> to vector<16xf32>
      %max3A_2537 = arith.constant 0.000000e+00 : f32
      %max3A_2538 = vector.broadcast %max3A_2537 : f32 to vector<16xf32>
      %max3A_2539 = arith.maximumf %get3A_2536, %max3A_2538 : vector<16xf32>
      %min3A_2540 = arith.constant 9.843750e-01 : f32
      %min3A_2541 = vector.broadcast %min3A_2540 : f32 to vector<16xf32>
      %min3A_2542 = arith.minimumf %max3A_2539, %min3A_2541 : vector<16xf32>
      %mul3A_2543 = arith.constant 3.200000e+01 : f32
      %mul3A_2544 = vector.broadcast %mul3A_2543 : f32 to vector<16xf32>
      %mul3A_2545 = arith.mulf %min3A_2542, %mul3A_2544 : vector<16xf32>
      %convert_element_type3A_2546 = arith.fptosi %mul3A_2545 : vector<16xf32> to vector<16xi32>
      %swap3A_2547 = arith.index_cast %add3A_2419 : i32 to index
      %swap3A_2548 = arith.constant 80 : index
      %swap3A_2549 = tpu.vector_load %arg6[%swap3A_2547, %swap3A_2548] {strides = array<i32>} : memref<100x128xi32, #tpu.memory_space<vmem>>, vector<1x16xi32>,
      %swap3A_2550 = vector.shape_cast %swap3A_2549 : vector<1x16xi32> to vector<16xi32>
      %swap3A_2551 = vector.shape_cast %convert_element_type3A_2546 : vector<16xi32> to vector<1x16xi32>
      tpu.vector_store %arg6[%swap3A_2547, %swap3A_2548], %swap3A_2551 {strides = array<i32>} : memref<100x128xi32, #tpu.memory_space<vmem>>, vector<1x16xi32>,
      %mul3A_2552 = arith.constant 128 : i32
      %mul3A_2553 = arith.muli %add3A_2419, %mul3A_2552 : i32
      %add3A_2554 = arith.constant 96 : i32
      %add3A_2555 = arith.addi %mul3A_2553, %add3A_2554 : i32
      %get3A_2556 = arith.index_cast %add3A_2555 : i32 to index
      %get3A_2557 = tpu.vector_load %arg5[%get3A_2556] {strides = array<i32>} : memref<12800xf32, #tpu.memory_space<vmem>>, vector<16xf32>,
      %get3A_2558 = vector.shape_cast %get3A_2557 : vector<16xf32> to vector<16xf32>
      %max3A_2559 = arith.constant 0.000000e+00 : f32
      %max3A_2560 = vector.broadcast %max3A_2559 : f32 to vector<16xf32>
      %max3A_2561 = arith.maximumf %get3A_2558, %max3A_2560 : vector<16xf32>
      %min3A_2562 = arith.constant 9.843750e-01 : f32
      %min3A_2563 = vector.broadcast %min3A_2562 : f32 to vector<16xf32>
      %min3A_2564 = arith.minimumf %max3A_2561, %min3A_2563 : vector<16xf32>
      %mul3A_2565 = arith.constant 3.200000e+01 : f32
      %mul3A_2566 = vector.broadcast %mul3A_2565 : f32 to vector<16xf32>
      %mul3A_2567 = arith.mulf %min3A_2564, %mul3A_2566 : vector<16xf32>
      %convert_element_type3A_2568 = arith.fptosi %mul3A_2567 : vector<16xf32> to vector<16xi32>
      %swap3A_2569 = arith.index_cast %add3A_2419 : i32 to index
      %swap3A_2570 = arith.constant 96 : index
      %swap3A_2571 = tpu.vector_load %arg6[%swap3A_2569, %swap3A_2570] {strides = array<i32>} : memref<100x128xi32, #tpu.memory_space<vmem>>, vector<1x16xi32>,
      %swap3A_2572 = vector.shape_cast %swap3A_2571 : vector<1x16xi32> to vector<16xi32>
      %swap3A_2573 = vector.shape_cast %convert_element_type3A_2568 : vector<16xi32> to vector<1x16xi32>
      tpu.vector_store %arg6[%swap3A_2569, %swap3A_2570], %swap3A_2573 {strides = array<i32>} : memref<100x128xi32, #tpu.memory_space<vmem>>, vector<1x16xi32>,
      %mul3A_2574 = arith.constant 128 : i32
      %mul3A_2575 = arith.muli %add3A_2419, %mul3A_2574 : i32
      %add3A_2576 = arith.constant 112 : i32
      %add3A_2577 = arith.addi %mul3A_2575, %add3A_2576 : i32
      %get3A_2578 = arith.index_cast %add3A_2577 : i32 to index
      %get3A_2579 = tpu.vector_load %arg5[%get3A_2578] {strides = array<i32>} : memref<12800xf32, #tpu.memory_space<vmem>>, vector<16xf32>,
      %get3A_2580 = vector.shape_cast %get3A_2579 : vector<16xf32> to vector<16xf32>
      %max3A_2581 = arith.constant 0.000000e+00 : f32
      %max3A_2582 = vector.broadcast %max3A_2581 : f32 to vector<16xf32>
      %max3A_2583 = arith.maximumf %get3A_2580, %max3A_2582 : vector<16xf32>
      %min3A_2584 = arith.constant 9.843750e-01 : f32
      %min3A_2585 = vector.broadcast %min3A_2584 : f32 to vector<16xf32>
      %min3A_2586 = arith.minimumf %max3A_2583, %min3A_2585 : vector<16xf32>
      %mul3A_2587 = arith.constant 3.200000e+01 : f32
      %mul3A_2588 = vector.broadcast %mul3A_2587 : f32 to vector<16xf32>
      %mul3A_2589 = arith.mulf %min3A_2586, %mul3A_2588 : vector<16xf32>
      %convert_element_type3A_2590 = arith.fptosi %mul3A_2589 : vector<16xf32> to vector<16xi32>
      %swap3A_2591 = arith.index_cast %add3A_2419 : i32 to index
      %swap3A_2592 = arith.constant 112 : index
      %swap3A_2593 = tpu.vector_load %arg6[%swap3A_2591, %swap3A_2592] {strides = array<i32>} : memref<100x128xi32, #tpu.memory_space<vmem>>, vector<1x16xi32>,
      %swap3A_2594 = vector.shape_cast %swap3A_2593 : vector<1x16xi32> to vector<16xi32>
      %swap3A_2595 = vector.shape_cast %convert_element_type3A_2590 : vector<16xi32> to vector<1x16xi32>
      tpu.vector_store %arg6[%swap3A_2591, %swap3A_2592], %swap3A_2595 {strides = array<i32>} : memref<100x128xi32, #tpu.memory_space<vmem>>, vector<1x16xi32>,
      %add3A_2596 = arith.constant 6 : i32
      %add3A_2597 = arith.addi %mul3A_2235, %add3A_2596 : i32
      %add3A_2598 = arith.constant 2 : i32
      %add3A_2599 = arith.addi %add3A_2597, %add3A_2598 : i32
      %mul3A_2600 = arith.constant 128 : i32
      %mul3A_2601 = arith.muli %add3A_2599, %mul3A_2600 : i32
      %add3A_2602 = arith.constant 0 : i32
      %add3A_2603 = arith.addi %mul3A_2601, %add3A_2602 : i32
      %get3A_2604 = arith.index_cast %add3A_2603 : i32 to index
      %get3A_2605 = tpu.vector_load %arg5[%get3A_2604] {strides = array<i32>} : memref<12800xf32, #tpu.memory_space<vmem>>, vector<16xf32>,
      %get3A_2606 = vector.shape_cast %get3A_2605 : vector<16xf32> to vector<16xf32>
      %max3A_2607 = arith.constant 0.000000e+00 : f32
      %max3A_2608 = vector.broadcast %max3A_2607 : f32 to vector<16xf32>
      %max3A_2609 = arith.maximumf %get3A_2606, %max3A_2608 : vector<16xf32>
      %min3A_2610 = arith.constant 9.843750e-01 : f32
      %min3A_2611 = vector.broadcast %min3A_2610 : f32 to vector<16xf32>
      %min3A_2612 = arith.minimumf %max3A_2609, %min3A_2611 : vector<16xf32>
      %mul3A_2613 = arith.constant 3.200000e+01 : f32
      %mul3A_2614 = vector.broadcast %mul3A_2613 : f32 to vector<16xf32>
      %mul3A_2615 = arith.mulf %min3A_2612, %mul3A_2614 : vector<16xf32>
      %convert_element_type3A_2616 = arith.fptosi %mul3A_2615 : vector<16xf32> to vector<16xi32>
      %swap3A_2617 = arith.index_cast %add3A_2599 : i32 to index
      %swap3A_2618 = arith.constant 0 : index
      %swap3A_2619 = tpu.vector_load %arg6[%swap3A_2617, %swap3A_2618] {strides = array<i32>} : memref<100x128xi32, #tpu.memory_space<vmem>>, vector<1x16xi32>,
      %swap3A_2620 = vector.shape_cast %swap3A_2619 : vector<1x16xi32> to vector<16xi32>
      %swap3A_2621 = vector.shape_cast %convert_element_type3A_2616 : vector<16xi32> to vector<1x16xi32>
      tpu.vector_store %arg6[%swap3A_2617, %swap3A_2618], %swap3A_2621 {strides = array<i32>} : memref<100x128xi32, #tpu.memory_space<vmem>>, vector<1x16xi32>,
      %mul3A_2622 = arith.constant 128 : i32
      %mul3A_2623 = arith.muli %add3A_2599, %mul3A_2622 : i32
      %add3A_2624 = arith.constant 16 : i32
      %add3A_2625 = arith.addi %mul3A_2623, %add3A_2624 : i32
      %get3A_2626 = arith.index_cast %add3A_2625 : i32 to index
      %get3A_2627 = tpu.vector_load %arg5[%get3A_2626] {strides = array<i32>} : memref<12800xf32, #tpu.memory_space<vmem>>, vector<16xf32>,
      %get3A_2628 = vector.shape_cast %get3A_2627 : vector<16xf32> to vector<16xf32>
      %max3A_2629 = arith.constant 0.000000e+00 : f32
      %max3A_2630 = vector.broadcast %max3A_2629 : f32 to vector<16xf32>
      %max3A_2631 = arith.maximumf %get3A_2628, %max3A_2630 : vector<16xf32>
      %min3A_2632 = arith.constant 9.843750e-01 : f32
      %min3A_2633 = vector.broadcast %min3A_2632 : f32 to vector<16xf32>
      %min3A_2634 = arith.minimumf %max3A_2631, %min3A_2633 : vector<16xf32>
      %mul3A_2635 = arith.constant 3.200000e+01 : f32
      %mul3A_2636 = vector.broadcast %mul3A_2635 : f32 to vector<16xf32>
      %mul3A_2637 = arith.mulf %min3A_2634, %mul3A_2636 : vector<16xf32>
      %convert_element_type3A_2638 = arith.fptosi %mul3A_2637 : vector<16xf32> to vector<16xi32>
      %swap3A_2639 = arith.index_cast %add3A_2599 : i32 to index
      %swap3A_2640 = arith.constant 16 : index
      %swap3A_2641 = tpu.vector_load %arg6[%swap3A_2639, %swap3A_2640] {strides = array<i32>} : memref<100x128xi32, #tpu.memory_space<vmem>>, vector<1x16xi32>,
      %swap3A_2642 = vector.shape_cast %swap3A_2641 : vector<1x16xi32> to vector<16xi32>
      %swap3A_2643 = vector.shape_cast %convert_element_type3A_2638 : vector<16xi32> to vector<1x16xi32>
      tpu.vector_store %arg6[%swap3A_2639, %swap3A_2640], %swap3A_2643 {strides = array<i32>} : memref<100x128xi32, #tpu.memory_space<vmem>>, vector<1x16xi32>,
      %mul3A_2644 = arith.constant 128 : i32
      %mul3A_2645 = arith.muli %add3A_2599, %mul3A_2644 : i32
      %add3A_2646 = arith.constant 32 : i32
      %add3A_2647 = arith.addi %mul3A_2645, %add3A_2646 : i32
      %get3A_2648 = arith.index_cast %add3A_2647 : i32 to index
      %get3A_2649 = tpu.vector_load %arg5[%get3A_2648] {strides = array<i32>} : memref<12800xf32, #tpu.memory_space<vmem>>, vector<16xf32>,
      %get3A_2650 = vector.shape_cast %get3A_2649 : vector<16xf32> to vector<16xf32>
      %max3A_2651 = arith.constant 0.000000e+00 : f32
      %max3A_2652 = vector.broadcast %max3A_2651 : f32 to vector<16xf32>
      %max3A_2653 = arith.maximumf %get3A_2650, %max3A_2652 : vector<16xf32>
      %min3A_2654 = arith.constant 9.843750e-01 : f32
      %min3A_2655 = vector.broadcast %min3A_2654 : f32 to vector<16xf32>
      %min3A_2656 = arith.minimumf %max3A_2653, %min3A_2655 : vector<16xf32>
      %mul3A_2657 = arith.constant 3.200000e+01 : f32
      %mul3A_2658 = vector.broadcast %mul3A_2657 : f32 to vector<16xf32>
      %mul3A_2659 = arith.mulf %min3A_2656, %mul3A_2658 : vector<16xf32>
      %convert_element_type3A_2660 = arith.fptosi %mul3A_2659 : vector<16xf32> to vector<16xi32>
      %swap3A_2661 = arith.index_cast %add3A_2599 : i32 to index
      %swap3A_2662 = arith.constant 32 : index
      %swap3A_2663 = tpu.vector_load %arg6[%swap3A_2661, %swap3A_2662] {strides = array<i32>} : memref<100x128xi32, #tpu.memory_space<vmem>>, vector<1x16xi32>,
      %swap3A_2664 = vector.shape_cast %swap3A_2663 : vector<1x16xi32> to vector<16xi32>
      %swap3A_2665 = vector.shape_cast %convert_element_type3A_2660 : vector<16xi32> to vector<1x16xi32>
      tpu.vector_store %arg6[%swap3A_2661, %swap3A_2662], %swap3A_2665 {strides = array<i32>} : memref<100x128xi32, #tpu.memory_space<vmem>>, vector<1x16xi32>,
      %mul3A_2666 = arith.constant 128 : i32
      %mul3A_2667 = arith.muli %add3A_2599, %mul3A_2666 : i32
      %add3A_2668 = arith.constant 48 : i32
      %add3A_2669 = arith.addi %mul3A_2667, %add3A_2668 : i32
      %get3A_2670 = arith.index_cast %add3A_2669 : i32 to index
      %get3A_2671 = tpu.vector_load %arg5[%get3A_2670] {strides = array<i32>} : memref<12800xf32, #tpu.memory_space<vmem>>, vector<16xf32>,
      %get3A_2672 = vector.shape_cast %get3A_2671 : vector<16xf32> to vector<16xf32>
      %max3A_2673 = arith.constant 0.000000e+00 : f32
      %max3A_2674 = vector.broadcast %max3A_2673 : f32 to vector<16xf32>
      %max3A_2675 = arith.maximumf %get3A_2672, %max3A_2674 : vector<16xf32>
      %min3A_2676 = arith.constant 9.843750e-01 : f32
      %min3A_2677 = vector.broadcast %min3A_2676 : f32 to vector<16xf32>
      %min3A_2678 = arith.minimumf %max3A_2675, %min3A_2677 : vector<16xf32>
      %mul3A_2679 = arith.constant 3.200000e+01 : f32
      %mul3A_2680 = vector.broadcast %mul3A_2679 : f32 to vector<16xf32>
      %mul3A_2681 = arith.mulf %min3A_2678, %mul3A_2680 : vector<16xf32>
      %convert_element_type3A_2682 = arith.fptosi %mul3A_2681 : vector<16xf32> to vector<16xi32>
      %swap3A_2683 = arith.index_cast %add3A_2599 : i32 to index
      %swap3A_2684 = arith.constant 48 : index
      %swap3A_2685 = tpu.vector_load %arg6[%swap3A_2683, %swap3A_2684] {strides = array<i32>} : memref<100x128xi32, #tpu.memory_space<vmem>>, vector<1x16xi32>,
      %swap3A_2686 = vector.shape_cast %swap3A_2685 : vector<1x16xi32> to vector<16xi32>
      %swap3A_2687 = vector.shape_cast %convert_element_type3A_2682 : vector<16xi32> to vector<1x16xi32>
      tpu.vector_store %arg6[%swap3A_2683, %swap3A_2684], %swap3A_2687 {strides = array<i32>} : memref<100x128xi32, #tpu.memory_space<vmem>>, vector<1x16xi32>,
      %mul3A_2688 = arith.constant 128 : i32
      %mul3A_2689 = arith.muli %add3A_2599, %mul3A_2688 : i32
      %add3A_2690 = arith.constant 64 : i32
      %add3A_2691 = arith.addi %mul3A_2689, %add3A_2690 : i32
      %get3A_2692 = arith.index_cast %add3A_2691 : i32 to index
      %get3A_2693 = tpu.vector_load %arg5[%get3A_2692] {strides = array<i32>} : memref<12800xf32, #tpu.memory_space<vmem>>, vector<16xf32>,
      %get3A_2694 = vector.shape_cast %get3A_2693 : vector<16xf32> to vector<16xf32>
      %max3A_2695 = arith.constant 0.000000e+00 : f32
      %max3A_2696 = vector.broadcast %max3A_2695 : f32 to vector<16xf32>
      %max3A_2697 = arith.maximumf %get3A_2694, %max3A_2696 : vector<16xf32>
      %min3A_2698 = arith.constant 9.843750e-01 : f32
      %min3A_2699 = vector.broadcast %min3A_2698 : f32 to vector<16xf32>
      %min3A_2700 = arith.minimumf %max3A_2697, %min3A_2699 : vector<16xf32>
      %mul3A_2701 = arith.constant 3.200000e+01 : f32
      %mul3A_2702 = vector.broadcast %mul3A_2701 : f32 to vector<16xf32>
      %mul3A_2703 = arith.mulf %min3A_2700, %mul3A_2702 : vector<16xf32>
      %convert_element_type3A_2704 = arith.fptosi %mul3A_2703 : vector<16xf32> to vector<16xi32>
      %swap3A_2705 = arith.index_cast %add3A_2599 : i32 to index
      %swap3A_2706 = arith.constant 64 : index
      %swap3A_2707 = tpu.vector_load %arg6[%swap3A_2705, %swap3A_2706] {strides = array<i32>} : memref<100x128xi32, #tpu.memory_space<vmem>>, vector<1x16xi32>,
      %swap3A_2708 = vector.shape_cast %swap3A_2707 : vector<1x16xi32> to vector<16xi32>
      %swap3A_2709 = vector.shape_cast %convert_element_type3A_2704 : vector<16xi32> to vector<1x16xi32>
      tpu.vector_store %arg6[%swap3A_2705, %swap3A_2706], %swap3A_2709 {strides = array<i32>} : memref<100x128xi32, #tpu.memory_space<vmem>>, vector<1x16xi32>,
      %mul3A_2710 = arith.constant 128 : i32
      %mul3A_2711 = arith.muli %add3A_2599, %mul3A_2710 : i32
      %add3A_2712 = arith.constant 80 : i32
      %add3A_2713 = arith.addi %mul3A_2711, %add3A_2712 : i32
      %get3A_2714 = arith.index_cast %add3A_2713 : i32 to index
      %get3A_2715 = tpu.vector_load %arg5[%get3A_2714] {strides = array<i32>} : memref<12800xf32, #tpu.memory_space<vmem>>, vector<16xf32>,
      %get3A_2716 = vector.shape_cast %get3A_2715 : vector<16xf32> to vector<16xf32>
      %max3A_2717 = arith.constant 0.000000e+00 : f32
      %max3A_2718 = vector.broadcast %max3A_2717 : f32 to vector<16xf32>
      %max3A_2719 = arith.maximumf %get3A_2716, %max3A_2718 : vector<16xf32>
      %min3A_2720 = arith.constant 9.843750e-01 : f32
      %min3A_2721 = vector.broadcast %min3A_2720 : f32 to vector<16xf32>
      %min3A_2722 = arith.minimumf %max3A_2719, %min3A_2721 : vector<16xf32>
      %mul3A_2723 = arith.constant 3.200000e+01 : f32
      %mul3A_2724 = vector.broadcast %mul3A_2723 : f32 to vector<16xf32>
      %mul3A_2725 = arith.mulf %min3A_2722, %mul3A_2724 : vector<16xf32>
      %convert_element_type3A_2726 = arith.fptosi %mul3A_2725 : vector<16xf32> to vector<16xi32>
      %swap3A_2727 = arith.index_cast %add3A_2599 : i32 to index
      %swap3A_2728 = arith.constant 80 : index
      %swap3A_2729 = tpu.vector_load %arg6[%swap3A_2727, %swap3A_2728] {strides = array<i32>} : memref<100x128xi32, #tpu.memory_space<vmem>>, vector<1x16xi32>,
      %swap3A_2730 = vector.shape_cast %swap3A_2729 : vector<1x16xi32> to vector<16xi32>
      %swap3A_2731 = vector.shape_cast %convert_element_type3A_2726 : vector<16xi32> to vector<1x16xi32>
      tpu.vector_store %arg6[%swap3A_2727, %swap3A_2728], %swap3A_2731 {strides = array<i32>} : memref<100x128xi32, #tpu.memory_space<vmem>>, vector<1x16xi32>,
      %mul3A_2732 = arith.constant 128 : i32
      %mul3A_2733 = arith.muli %add3A_2599, %mul3A_2732 : i32
      %add3A_2734 = arith.constant 96 : i32
      %add3A_2735 = arith.addi %mul3A_2733, %add3A_2734 : i32
      %get3A_2736 = arith.index_cast %add3A_2735 : i32 to index
      %get3A_2737 = tpu.vector_load %arg5[%get3A_2736] {strides = array<i32>} : memref<12800xf32, #tpu.memory_space<vmem>>, vector<16xf32>,
      %get3A_2738 = vector.shape_cast %get3A_2737 : vector<16xf32> to vector<16xf32>
      %max3A_2739 = arith.constant 0.000000e+00 : f32
      %max3A_2740 = vector.broadcast %max3A_2739 : f32 to vector<16xf32>
      %max3A_2741 = arith.maximumf %get3A_2738, %max3A_2740 : vector<16xf32>
      %min3A_2742 = arith.constant 9.843750e-01 : f32
      %min3A_2743 = vector.broadcast %min3A_2742 : f32 to vector<16xf32>
      %min3A_2744 = arith.minimumf %max3A_2741, %min3A_2743 : vector<16xf32>
      %mul3A_2745 = arith.constant 3.200000e+01 : f32
      %mul3A_2746 = vector.broadcast %mul3A_2745 : f32 to vector<16xf32>
      %mul3A_2747 = arith.mulf %min3A_2744, %mul3A_2746 : vector<16xf32>
      %convert_element_type3A_2748 = arith.fptosi %mul3A_2747 : vector<16xf32> to vector<16xi32>
      %swap3A_2749 = arith.index_cast %add3A_2599 : i32 to index
      %swap3A_2750 = arith.constant 96 : index
      %swap3A_2751 = tpu.vector_load %arg6[%swap3A_2749, %swap3A_2750] {strides = array<i32>} : memref<100x128xi32, #tpu.memory_space<vmem>>, vector<1x16xi32>,
      %swap3A_2752 = vector.shape_cast %swap3A_2751 : vector<1x16xi32> to vector<16xi32>
      %swap3A_2753 = vector.shape_cast %convert_element_type3A_2748 : vector<16xi32> to vector<1x16xi32>
      tpu.vector_store %arg6[%swap3A_2749, %swap3A_2750], %swap3A_2753 {strides = array<i32>} : memref<100x128xi32, #tpu.memory_space<vmem>>, vector<1x16xi32>,
      %mul3A_2754 = arith.constant 128 : i32
      %mul3A_2755 = arith.muli %add3A_2599, %mul3A_2754 : i32
      %add3A_2756 = arith.constant 112 : i32
      %add3A_2757 = arith.addi %mul3A_2755, %add3A_2756 : i32
      %get3A_2758 = arith.index_cast %add3A_2757 : i32 to index
      %get3A_2759 = tpu.vector_load %arg5[%get3A_2758] {strides = array<i32>} : memref<12800xf32, #tpu.memory_space<vmem>>, vector<16xf32>,
      %get3A_2760 = vector.shape_cast %get3A_2759 : vector<16xf32> to vector<16xf32>
      %max3A_2761 = arith.constant 0.000000e+00 : f32
      %max3A_2762 = vector.broadcast %max3A_2761 : f32 to vector<16xf32>
      %max3A_2763 = arith.maximumf %get3A_2760, %max3A_2762 : vector<16xf32>
      %min3A_2764 = arith.constant 9.843750e-01 : f32
      %min3A_2765 = vector.broadcast %min3A_2764 : f32 to vector<16xf32>
      %min3A_2766 = arith.minimumf %max3A_2763, %min3A_2765 : vector<16xf32>
      %mul3A_2767 = arith.constant 3.200000e+01 : f32
      %mul3A_2768 = vector.broadcast %mul3A_2767 : f32 to vector<16xf32>
      %mul3A_2769 = arith.mulf %min3A_2766, %mul3A_2768 : vector<16xf32>
      %convert_element_type3A_2770 = arith.fptosi %mul3A_2769 : vector<16xf32> to vector<16xi32>
      %swap3A_2771 = arith.index_cast %add3A_2599 : i32 to index
      %swap3A_2772 = arith.constant 112 : index
      %swap3A_2773 = tpu.vector_load %arg6[%swap3A_2771, %swap3A_2772] {strides = array<i32>} : memref<100x128xi32, #tpu.memory_space<vmem>>, vector<1x16xi32>,
      %swap3A_2774 = vector.shape_cast %swap3A_2773 : vector<1x16xi32> to vector<16xi32>
      %swap3A_2775 = vector.shape_cast %convert_element_type3A_2770 : vector<16xi32> to vector<1x16xi32>
      tpu.vector_store %arg6[%swap3A_2771, %swap3A_2772], %swap3A_2775 {strides = array<i32>} : memref<100x128xi32, #tpu.memory_space<vmem>>, vector<1x16xi32>,
      %add3A_2776 = arith.constant 6 : i32
      %add3A_2777 = arith.addi %mul3A_2235, %add3A_2776 : i32
      %add3A_2778 = arith.constant 3 : i32
      %add3A_2779 = arith.addi %add3A_2777, %add3A_2778 : i32
      %mul3A_2780 = arith.constant 128 : i32
      %mul3A_2781 = arith.muli %add3A_2779, %mul3A_2780 : i32
      %add3A_2782 = arith.constant 0 : i32
      %add3A_2783 = arith.addi %mul3A_2781, %add3A_2782 : i32
      %get3A_2784 = arith.index_cast %add3A_2783 : i32 to index
      %get3A_2785 = tpu.vector_load %arg5[%get3A_2784] {strides = array<i32>} : memref<12800xf32, #tpu.memory_space<vmem>>, vector<16xf32>,
      %get3A_2786 = vector.shape_cast %get3A_2785 : vector<16xf32> to vector<16xf32>
      %max3A_2787 = arith.constant 0.000000e+00 : f32
      %max3A_2788 = vector.broadcast %max3A_2787 : f32 to vector<16xf32>
      %max3A_2789 = arith.maximumf %get3A_2786, %max3A_2788 : vector<16xf32>
      %min3A_2790 = arith.constant 9.843750e-01 : f32
      %min3A_2791 = vector.broadcast %min3A_2790 : f32 to vector<16xf32>
      %min3A_2792 = arith.minimumf %max3A_2789, %min3A_2791 : vector<16xf32>
      %mul3A_2793 = arith.constant 3.200000e+01 : f32
      %mul3A_2794 = vector.broadcast %mul3A_2793 : f32 to vector<16xf32>
      %mul3A_2795 = arith.mulf %min3A_2792, %mul3A_2794 : vector<16xf32>
      %convert_element_type3A_2796 = arith.fptosi %mul3A_2795 : vector<16xf32> to vector<16xi32>
      %swap3A_2797 = arith.index_cast %add3A_2779 : i32 to index
      %swap3A_2798 = arith.constant 0 : index
      %swap3A_2799 = tpu.vector_load %arg6[%swap3A_2797, %swap3A_2798] {strides = array<i32>} : memref<100x128xi32, #tpu.memory_space<vmem>>, vector<1x16xi32>,
      %swap3A_2800 = vector.shape_cast %swap3A_2799 : vector<1x16xi32> to vector<16xi32>
      %swap3A_2801 = vector.shape_cast %convert_element_type3A_2796 : vector<16xi32> to vector<1x16xi32>
      tpu.vector_store %arg6[%swap3A_2797, %swap3A_2798], %swap3A_2801 {strides = array<i32>} : memref<100x128xi32, #tpu.memory_space<vmem>>, vector<1x16xi32>,
      %mul3A_2802 = arith.constant 128 : i32
      %mul3A_2803 = arith.muli %add3A_2779, %mul3A_2802 : i32
      %add3A_2804 = arith.constant 16 : i32
      %add3A_2805 = arith.addi %mul3A_2803, %add3A_2804 : i32
      %get3A_2806 = arith.index_cast %add3A_2805 : i32 to index
      %get3A_2807 = tpu.vector_load %arg5[%get3A_2806] {strides = array<i32>} : memref<12800xf32, #tpu.memory_space<vmem>>, vector<16xf32>,
      %get3A_2808 = vector.shape_cast %get3A_2807 : vector<16xf32> to vector<16xf32>
      %max3A_2809 = arith.constant 0.000000e+00 : f32
      %max3A_2810 = vector.broadcast %max3A_2809 : f32 to vector<16xf32>
      %max3A_2811 = arith.maximumf %get3A_2808, %max3A_2810 : vector<16xf32>
      %min3A_2812 = arith.constant 9.843750e-01 : f32
      %min3A_2813 = vector.broadcast %min3A_2812 : f32 to vector<16xf32>
      %min3A_2814 = arith.minimumf %max3A_2811, %min3A_2813 : vector<16xf32>
      %mul3A_2815 = arith.constant 3.200000e+01 : f32
      %mul3A_2816 = vector.broadcast %mul3A_2815 : f32 to vector<16xf32>
      %mul3A_2817 = arith.mulf %min3A_2814, %mul3A_2816 : vector<16xf32>
      %convert_element_type3A_2818 = arith.fptosi %mul3A_2817 : vector<16xf32> to vector<16xi32>
      %swap3A_2819 = arith.index_cast %add3A_2779 : i32 to index
      %swap3A_2820 = arith.constant 16 : index
      %swap3A_2821 = tpu.vector_load %arg6[%swap3A_2819, %swap3A_2820] {strides = array<i32>} : memref<100x128xi32, #tpu.memory_space<vmem>>, vector<1x16xi32>,
      %swap3A_2822 = vector.shape_cast %swap3A_2821 : vector<1x16xi32> to vector<16xi32>
      %swap3A_2823 = vector.shape_cast %convert_element_type3A_2818 : vector<16xi32> to vector<1x16xi32>
      tpu.vector_store %arg6[%swap3A_2819, %swap3A_2820], %swap3A_2823 {strides = array<i32>} : memref<100x128xi32, #tpu.memory_space<vmem>>, vector<1x16xi32>,
      %mul3A_2824 = arith.constant 128 : i32
      %mul3A_2825 = arith.muli %add3A_2779, %mul3A_2824 : i32
      %add3A_2826 = arith.constant 32 : i32
      %add3A_2827 = arith.addi %mul3A_2825, %add3A_2826 : i32
      %get3A_2828 = arith.index_cast %add3A_2827 : i32 to index
      %get3A_2829 = tpu.vector_load %arg5[%get3A_2828] {strides = array<i32>} : memref<12800xf32, #tpu.memory_space<vmem>>, vector<16xf32>,
      %get3A_2830 = vector.shape_cast %get3A_2829 : vector<16xf32> to vector<16xf32>
      %max3A_2831 = arith.constant 0.000000e+00 : f32
      %max3A_2832 = vector.broadcast %max3A_2831 : f32 to vector<16xf32>
      %max3A_2833 = arith.maximumf %get3A_2830, %max3A_2832 : vector<16xf32>
      %min3A_2834 = arith.constant 9.843750e-01 : f32
      %min3A_2835 = vector.broadcast %min3A_2834 : f32 to vector<16xf32>
      %min3A_2836 = arith.minimumf %max3A_2833, %min3A_2835 : vector<16xf32>
      %mul3A_2837 = arith.constant 3.200000e+01 : f32
      %mul3A_2838 = vector.broadcast %mul3A_2837 : f32 to vector<16xf32>
      %mul3A_2839 = arith.mulf %min3A_2836, %mul3A_2838 : vector<16xf32>
      %convert_element_type3A_2840 = arith.fptosi %mul3A_2839 : vector<16xf32> to vector<16xi32>
      %swap3A_2841 = arith.index_cast %add3A_2779 : i32 to index
      %swap3A_2842 = arith.constant 32 : index
      %swap3A_2843 = tpu.vector_load %arg6[%swap3A_2841, %swap3A_2842] {strides = array<i32>} : memref<100x128xi32, #tpu.memory_space<vmem>>, vector<1x16xi32>,
      %swap3A_2844 = vector.shape_cast %swap3A_2843 : vector<1x16xi32> to vector<16xi32>
      %swap3A_2845 = vector.shape_cast %convert_element_type3A_2840 : vector<16xi32> to vector<1x16xi32>
      tpu.vector_store %arg6[%swap3A_2841, %swap3A_2842], %swap3A_2845 {strides = array<i32>} : memref<100x128xi32, #tpu.memory_space<vmem>>, vector<1x16xi32>,
      %mul3A_2846 = arith.constant 128 : i32
      %mul3A_2847 = arith.muli %add3A_2779, %mul3A_2846 : i32
      %add3A_2848 = arith.constant 48 : i32
      %add3A_2849 = arith.addi %mul3A_2847, %add3A_2848 : i32
      %get3A_2850 = arith.index_cast %add3A_2849 : i32 to index
      %get3A_2851 = tpu.vector_load %arg5[%get3A_2850] {strides = array<i32>} : memref<12800xf32, #tpu.memory_space<vmem>>, vector<16xf32>,
      %get3A_2852 = vector.shape_cast %get3A_2851 : vector<16xf32> to vector<16xf32>
      %max3A_2853 = arith.constant 0.000000e+00 : f32
      %max3A_2854 = vector.broadcast %max3A_2853 : f32 to vector<16xf32>
      %max3A_2855 = arith.maximumf %get3A_2852, %max3A_2854 : vector<16xf32>
      %min3A_2856 = arith.constant 9.843750e-01 : f32
      %min3A_2857 = vector.broadcast %min3A_2856 : f32 to vector<16xf32>
      %min3A_2858 = arith.minimumf %max3A_2855, %min3A_2857 : vector<16xf32>
      %mul3A_2859 = arith.constant 3.200000e+01 : f32
      %mul3A_2860 = vector.broadcast %mul3A_2859 : f32 to vector<16xf32>
      %mul3A_2861 = arith.mulf %min3A_2858, %mul3A_2860 : vector<16xf32>
      %convert_element_type3A_2862 = arith.fptosi %mul3A_2861 : vector<16xf32> to vector<16xi32>
      %swap3A_2863 = arith.index_cast %add3A_2779 : i32 to index
      %swap3A_2864 = arith.constant 48 : index
      %swap3A_2865 = tpu.vector_load %arg6[%swap3A_2863, %swap3A_2864] {strides = array<i32>} : memref<100x128xi32, #tpu.memory_space<vmem>>, vector<1x16xi32>,
      %swap3A_2866 = vector.shape_cast %swap3A_2865 : vector<1x16xi32> to vector<16xi32>
      %swap3A_2867 = vector.shape_cast %convert_element_type3A_2862 : vector<16xi32> to vector<1x16xi32>
      tpu.vector_store %arg6[%swap3A_2863, %swap3A_2864], %swap3A_2867 {strides = array<i32>} : memref<100x128xi32, #tpu.memory_space<vmem>>, vector<1x16xi32>,
      %mul3A_2868 = arith.constant 128 : i32
      %mul3A_2869 = arith.muli %add3A_2779, %mul3A_2868 : i32
      %add3A_2870 = arith.constant 64 : i32
      %add3A_2871 = arith.addi %mul3A_2869, %add3A_2870 : i32
      %get3A_2872 = arith.index_cast %add3A_2871 : i32 to index
      %get3A_2873 = tpu.vector_load %arg5[%get3A_2872] {strides = array<i32>} : memref<12800xf32, #tpu.memory_space<vmem>>, vector<16xf32>,
      %get3A_2874 = vector.shape_cast %get3A_2873 : vector<16xf32> to vector<16xf32>
      %max3A_2875 = arith.constant 0.000000e+00 : f32
      %max3A_2876 = vector.broadcast %max3A_2875 : f32 to vector<16xf32>
      %max3A_2877 = arith.maximumf %get3A_2874, %max3A_2876 : vector<16xf32>
      %min3A_2878 = arith.constant 9.843750e-01 : f32
      %min3A_2879 = vector.broadcast %min3A_2878 : f32 to vector<16xf32>
      %min3A_2880 = arith.minimumf %max3A_2877, %min3A_2879 : vector<16xf32>
      %mul3A_2881 = arith.constant 3.200000e+01 : f32
      %mul3A_2882 = vector.broadcast %mul3A_2881 : f32 to vector<16xf32>
      %mul3A_2883 = arith.mulf %min3A_2880, %mul3A_2882 : vector<16xf32>
      %convert_element_type3A_2884 = arith.fptosi %mul3A_2883 : vector<16xf32> to vector<16xi32>
      %swap3A_2885 = arith.index_cast %add3A_2779 : i32 to index
      %swap3A_2886 = arith.constant 64 : index
      %swap3A_2887 = tpu.vector_load %arg6[%swap3A_2885, %swap3A_2886] {strides = array<i32>} : memref<100x128xi32, #tpu.memory_space<vmem>>, vector<1x16xi32>,
      %swap3A_2888 = vector.shape_cast %swap3A_2887 : vector<1x16xi32> to vector<16xi32>
      %swap3A_2889 = vector.shape_cast %convert_element_type3A_2884 : vector<16xi32> to vector<1x16xi32>
      tpu.vector_store %arg6[%swap3A_2885, %swap3A_2886], %swap3A_2889 {strides = array<i32>} : memref<100x128xi32, #tpu.memory_space<vmem>>, vector<1x16xi32>,
      %mul3A_2890 = arith.constant 128 : i32
      %mul3A_2891 = arith.muli %add3A_2779, %mul3A_2890 : i32
      %add3A_2892 = arith.constant 80 : i32
      %add3A_2893 = arith.addi %mul3A_2891, %add3A_2892 : i32
      %get3A_2894 = arith.index_cast %add3A_2893 : i32 to index
      %get3A_2895 = tpu.vector_load %arg5[%get3A_2894] {strides = array<i32>} : memref<12800xf32, #tpu.memory_space<vmem>>, vector<16xf32>,
      %get3A_2896 = vector.shape_cast %get3A_2895 : vector<16xf32> to vector<16xf32>
      %max3A_2897 = arith.constant 0.000000e+00 : f32
      %max3A_2898 = vector.broadcast %max3A_2897 : f32 to vector<16xf32>
      %max3A_2899 = arith.maximumf %get3A_2896, %max3A_2898 : vector<16xf32>
      %min3A_2900 = arith.constant 9.843750e-01 : f32
      %min3A_2901 = vector.broadcast %min3A_2900 : f32 to vector<16xf32>
      %min3A_2902 = arith.minimumf %max3A_2899, %min3A_2901 : vector<16xf32>
      %mul3A_2903 = arith.constant 3.200000e+01 : f32
      %mul3A_2904 = vector.broadcast %mul3A_2903 : f32 to vector<16xf32>
      %mul3A_2905 = arith.mulf %min3A_2902, %mul3A_2904 : vector<16xf32>
      %convert_element_type3A_2906 = arith.fptosi %mul3A_2905 : vector<16xf32> to vector<16xi32>
      %swap3A_2907 = arith.index_cast %add3A_2779 : i32 to index
      %swap3A_2908 = arith.constant 80 : index
      %swap3A_2909 = tpu.vector_load %arg6[%swap3A_2907, %swap3A_2908] {strides = array<i32>} : memref<100x128xi32, #tpu.memory_space<vmem>>, vector<1x16xi32>,
      %swap3A_2910 = vector.shape_cast %swap3A_2909 : vector<1x16xi32> to vector<16xi32>
      %swap3A_2911 = vector.shape_cast %convert_element_type3A_2906 : vector<16xi32> to vector<1x16xi32>
      tpu.vector_store %arg6[%swap3A_2907, %swap3A_2908], %swap3A_2911 {strides = array<i32>} : memref<100x128xi32, #tpu.memory_space<vmem>>, vector<1x16xi32>,
      %mul3A_2912 = arith.constant 128 : i32
      %mul3A_2913 = arith.muli %add3A_2779, %mul3A_2912 : i32
      %add3A_2914 = arith.constant 96 : i32
      %add3A_2915 = arith.addi %mul3A_2913, %add3A_2914 : i32
      %get3A_2916 = arith.index_cast %add3A_2915 : i32 to index
      %get3A_2917 = tpu.vector_load %arg5[%get3A_2916] {strides = array<i32>} : memref<12800xf32, #tpu.memory_space<vmem>>, vector<16xf32>,
      %get3A_2918 = vector.shape_cast %get3A_2917 : vector<16xf32> to vector<16xf32>
      %max3A_2919 = arith.constant 0.000000e+00 : f32
      %max3A_2920 = vector.broadcast %max3A_2919 : f32 to vector<16xf32>
      %max3A_2921 = arith.maximumf %get3A_2918, %max3A_2920 : vector<16xf32>
      %min3A_2922 = arith.constant 9.843750e-01 : f32
      %min3A_2923 = vector.broadcast %min3A_2922 : f32 to vector<16xf32>
      %min3A_2924 = arith.minimumf %max3A_2921, %min3A_2923 : vector<16xf32>
      %mul3A_2925 = arith.constant 3.200000e+01 : f32
      %mul3A_2926 = vector.broadcast %mul3A_2925 : f32 to vector<16xf32>
      %mul3A_2927 = arith.mulf %min3A_2924, %mul3A_2926 : vector<16xf32>
      %convert_element_type3A_2928 = arith.fptosi %mul3A_2927 : vector<16xf32> to vector<16xi32>
      %swap3A_2929 = arith.index_cast %add3A_2779 : i32 to index
      %swap3A_2930 = arith.constant 96 : index
      %swap3A_2931 = tpu.vector_load %arg6[%swap3A_2929, %swap3A_2930] {strides = array<i32>} : memref<100x128xi32, #tpu.memory_space<vmem>>, vector<1x16xi32>,
      %swap3A_2932 = vector.shape_cast %swap3A_2931 : vector<1x16xi32> to vector<16xi32>
      %swap3A_2933 = vector.shape_cast %convert_element_type3A_2928 : vector<16xi32> to vector<1x16xi32>
      tpu.vector_store %arg6[%swap3A_2929, %swap3A_2930], %swap3A_2933 {strides = array<i32>} : memref<100x128xi32, #tpu.memory_space<vmem>>, vector<1x16xi32>,
      %mul3A_2934 = arith.constant 128 : i32
      %mul3A_2935 = arith.muli %add3A_2779, %mul3A_2934 : i32
      %add3A_2936 = arith.constant 112 : i32
      %add3A_2937 = arith.addi %mul3A_2935, %add3A_2936 : i32
      %get3A_2938 = arith.index_cast %add3A_2937 : i32 to index
      %get3A_2939 = tpu.vector_load %arg5[%get3A_2938] {strides = array<i32>} : memref<12800xf32, #tpu.memory_space<vmem>>, vector<16xf32>,
      %get3A_2940 = vector.shape_cast %get3A_2939 : vector<16xf32> to vector<16xf32>
      %max3A_2941 = arith.constant 0.000000e+00 : f32
      %max3A_2942 = vector.broadcast %max3A_2941 : f32 to vector<16xf32>
      %max3A_2943 = arith.maximumf %get3A_2940, %max3A_2942 : vector<16xf32>
      %min3A_2944 = arith.constant 9.843750e-01 : f32
      %min3A_2945 = vector.broadcast %min3A_2944 : f32 to vector<16xf32>
      %min3A_2946 = arith.minimumf %max3A_2943, %min3A_2945 : vector<16xf32>
      %mul3A_2947 = arith.constant 3.200000e+01 : f32
      %mul3A_2948 = vector.broadcast %mul3A_2947 : f32 to vector<16xf32>
      %mul3A_2949 = arith.mulf %min3A_2946, %mul3A_2948 : vector<16xf32>
      %convert_element_type3A_2950 = arith.fptosi %mul3A_2949 : vector<16xf32> to vector<16xi32>
      %swap3A_2951 = arith.index_cast %add3A_2779 : i32 to index
      %swap3A_2952 = arith.constant 112 : index
      %swap3A_2953 = tpu.vector_load %arg6[%swap3A_2951, %swap3A_2952] {strides = array<i32>} : memref<100x128xi32, #tpu.memory_space<vmem>>, vector<1x16xi32>,
      %swap3A_2954 = vector.shape_cast %swap3A_2953 : vector<1x16xi32> to vector<16xi32>
      %swap3A_2955 = vector.shape_cast %convert_element_type3A_2950 : vector<16xi32> to vector<1x16xi32>
      tpu.vector_store %arg6[%swap3A_2951, %swap3A_2952], %swap3A_2955 {strides = array<i32>} : memref<100x128xi32, #tpu.memory_space<vmem>>, vector<1x16xi32>,
      %add3A_2956 = arith.constant 6 : i32
      %add3A_2957 = arith.addi %mul3A_2235, %add3A_2956 : i32
      %add3A_2958 = arith.constant 4 : i32
      %add3A_2959 = arith.addi %add3A_2957, %add3A_2958 : i32
      %mul3A_2960 = arith.constant 128 : i32
      %mul3A_2961 = arith.muli %add3A_2959, %mul3A_2960 : i32
      %add3A_2962 = arith.constant 0 : i32
      %add3A_2963 = arith.addi %mul3A_2961, %add3A_2962 : i32
      %get3A_2964 = arith.index_cast %add3A_2963 : i32 to index
      %get3A_2965 = tpu.vector_load %arg5[%get3A_2964] {strides = array<i32>} : memref<12800xf32, #tpu.memory_space<vmem>>, vector<16xf32>,
      %get3A_2966 = vector.shape_cast %get3A_2965 : vector<16xf32> to vector<16xf32>
      %max3A_2967 = arith.constant 0.000000e+00 : f32
      %max3A_2968 = vector.broadcast %max3A_2967 : f32 to vector<16xf32>
      %max3A_2969 = arith.maximumf %get3A_2966, %max3A_2968 : vector<16xf32>
      %min3A_2970 = arith.constant 9.843750e-01 : f32
      %min3A_2971 = vector.broadcast %min3A_2970 : f32 to vector<16xf32>
      %min3A_2972 = arith.minimumf %max3A_2969, %min3A_2971 : vector<16xf32>
      %mul3A_2973 = arith.constant 3.200000e+01 : f32
      %mul3A_2974 = vector.broadcast %mul3A_2973 : f32 to vector<16xf32>
      %mul3A_2975 = arith.mulf %min3A_2972, %mul3A_2974 : vector<16xf32>
      %convert_element_type3A_2976 = arith.fptosi %mul3A_2975 : vector<16xf32> to vector<16xi32>
      %swap3A_2977 = arith.index_cast %add3A_2959 : i32 to index
      %swap3A_2978 = arith.constant 0 : index
      %swap3A_2979 = tpu.vector_load %arg6[%swap3A_2977, %swap3A_2978] {strides = array<i32>} : memref<100x128xi32, #tpu.memory_space<vmem>>, vector<1x16xi32>,
      %swap3A_2980 = vector.shape_cast %swap3A_2979 : vector<1x16xi32> to vector<16xi32>
      %swap3A_2981 = vector.shape_cast %convert_element_type3A_2976 : vector<16xi32> to vector<1x16xi32>
      tpu.vector_store %arg6[%swap3A_2977, %swap3A_2978], %swap3A_2981 {strides = array<i32>} : memref<100x128xi32, #tpu.memory_space<vmem>>, vector<1x16xi32>,
      %mul3A_2982 = arith.constant 128 : i32
      %mul3A_2983 = arith.muli %add3A_2959, %mul3A_2982 : i32
      %add3A_2984 = arith.constant 16 : i32
      %add3A_2985 = arith.addi %mul3A_2983, %add3A_2984 : i32
      %get3A_2986 = arith.index_cast %add3A_2985 : i32 to index
      %get3A_2987 = tpu.vector_load %arg5[%get3A_2986] {strides = array<i32>} : memref<12800xf32, #tpu.memory_space<vmem>>, vector<16xf32>,
      %get3A_2988 = vector.shape_cast %get3A_2987 : vector<16xf32> to vector<16xf32>
      %max3A_2989 = arith.constant 0.000000e+00 : f32
      %max3A_2990 = vector.broadcast %max3A_2989 : f32 to vector<16xf32>
      %max3A_2991 = arith.maximumf %get3A_2988, %max3A_2990 : vector<16xf32>
      %min3A_2992 = arith.constant 9.843750e-01 : f32
      %min3A_2993 = vector.broadcast %min3A_2992 : f32 to vector<16xf32>
      %min3A_2994 = arith.minimumf %max3A_2991, %min3A_2993 : vector<16xf32>
      %mul3A_2995 = arith.constant 3.200000e+01 : f32
      %mul3A_2996 = vector.broadcast %mul3A_2995 : f32 to vector<16xf32>
      %mul3A_2997 = arith.mulf %min3A_2994, %mul3A_2996 : vector<16xf32>
      %convert_element_type3A_2998 = arith.fptosi %mul3A_2997 : vector<16xf32> to vector<16xi32>
      %swap3A_2999 = arith.index_cast %add3A_2959 : i32 to index
      %swap3A_3000 = arith.constant 16 : index
      %swap3A_3001 = tpu.vector_load %arg6[%swap3A_2999, %swap3A_3000] {strides = array<i32>} : memref<100x128xi32, #tpu.memory_space<vmem>>, vector<1x16xi32>,
      %swap3A_3002 = vector.shape_cast %swap3A_3001 : vector<1x16xi32> to vector<16xi32>
      %swap3A_3003 = vector.shape_cast %convert_element_type3A_2998 : vector<16xi32> to vector<1x16xi32>
      tpu.vector_store %arg6[%swap3A_2999, %swap3A_3000], %swap3A_3003 {strides = array<i32>} : memref<100x128xi32, #tpu.memory_space<vmem>>, vector<1x16xi32>,
      %mul3A_3004 = arith.constant 128 : i32
      %mul3A_3005 = arith.muli %add3A_2959, %mul3A_3004 : i32
      %add3A_3006 = arith.constant 32 : i32
      %add3A_3007 = arith.addi %mul3A_3005, %add3A_3006 : i32
      %get3A_3008 = arith.index_cast %add3A_3007 : i32 to index
      %get3A_3009 = tpu.vector_load %arg5[%get3A_3008] {strides = array<i32>} : memref<12800xf32, #tpu.memory_space<vmem>>, vector<16xf32>,
      %get3A_3010 = vector.shape_cast %get3A_3009 : vector<16xf32> to vector<16xf32>
      %max3A_3011 = arith.constant 0.000000e+00 : f32
      %max3A_3012 = vector.broadcast %max3A_3011 : f32 to vector<16xf32>
      %max3A_3013 = arith.maximumf %get3A_3010, %max3A_3012 : vector<16xf32>
      %min3A_3014 = arith.constant 9.843750e-01 : f32
      %min3A_3015 = vector.broadcast %min3A_3014 : f32 to vector<16xf32>
      %min3A_3016 = arith.minimumf %max3A_3013, %min3A_3015 : vector<16xf32>
      %mul3A_3017 = arith.constant 3.200000e+01 : f32
      %mul3A_3018 = vector.broadcast %mul3A_3017 : f32 to vector<16xf32>
      %mul3A_3019 = arith.mulf %min3A_3016, %mul3A_3018 : vector<16xf32>
      %convert_element_type3A_3020 = arith.fptosi %mul3A_3019 : vector<16xf32> to vector<16xi32>
      %swap3A_3021 = arith.index_cast %add3A_2959 : i32 to index
      %swap3A_3022 = arith.constant 32 : index
      %swap3A_3023 = tpu.vector_load %arg6[%swap3A_3021, %swap3A_3022] {strides = array<i32>} : memref<100x128xi32, #tpu.memory_space<vmem>>, vector<1x16xi32>,
      %swap3A_3024 = vector.shape_cast %swap3A_3023 : vector<1x16xi32> to vector<16xi32>
      %swap3A_3025 = vector.shape_cast %convert_element_type3A_3020 : vector<16xi32> to vector<1x16xi32>
      tpu.vector_store %arg6[%swap3A_3021, %swap3A_3022], %swap3A_3025 {strides = array<i32>} : memref<100x128xi32, #tpu.memory_space<vmem>>, vector<1x16xi32>,
      %mul3A_3026 = arith.constant 128 : i32
      %mul3A_3027 = arith.muli %add3A_2959, %mul3A_3026 : i32
      %add3A_3028 = arith.constant 48 : i32
      %add3A_3029 = arith.addi %mul3A_3027, %add3A_3028 : i32
      %get3A_3030 = arith.index_cast %add3A_3029 : i32 to index
      %get3A_3031 = tpu.vector_load %arg5[%get3A_3030] {strides = array<i32>} : memref<12800xf32, #tpu.memory_space<vmem>>, vector<16xf32>,
      %get3A_3032 = vector.shape_cast %get3A_3031 : vector<16xf32> to vector<16xf32>
      %max3A_3033 = arith.constant 0.000000e+00 : f32
      %max3A_3034 = vector.broadcast %max3A_3033 : f32 to vector<16xf32>
      %max3A_3035 = arith.maximumf %get3A_3032, %max3A_3034 : vector<16xf32>
      %min3A_3036 = arith.constant 9.843750e-01 : f32
      %min3A_3037 = vector.broadcast %min3A_3036 : f32 to vector<16xf32>
      %min3A_3038 = arith.minimumf %max3A_3035, %min3A_3037 : vector<16xf32>
      %mul3A_3039 = arith.constant 3.200000e+01 : f32
      %mul3A_3040 = vector.broadcast %mul3A_3039 : f32 to vector<16xf32>
      %mul3A_3041 = arith.mulf %min3A_3038, %mul3A_3040 : vector<16xf32>
      %convert_element_type3A_3042 = arith.fptosi %mul3A_3041 : vector<16xf32> to vector<16xi32>
      %swap3A_3043 = arith.index_cast %add3A_2959 : i32 to index
      %swap3A_3044 = arith.constant 48 : index
      %swap3A_3045 = tpu.vector_load %arg6[%swap3A_3043, %swap3A_3044] {strides = array<i32>} : memref<100x128xi32, #tpu.memory_space<vmem>>, vector<1x16xi32>,
      %swap3A_3046 = vector.shape_cast %swap3A_3045 : vector<1x16xi32> to vector<16xi32>
      %swap3A_3047 = vector.shape_cast %convert_element_type3A_3042 : vector<16xi32> to vector<1x16xi32>
      tpu.vector_store %arg6[%swap3A_3043, %swap3A_3044], %swap3A_3047 {strides = array<i32>} : memref<100x128xi32, #tpu.memory_space<vmem>>, vector<1x16xi32>,
      %mul3A_3048 = arith.constant 128 : i32
      %mul3A_3049 = arith.muli %add3A_2959, %mul3A_3048 : i32
      %add3A_3050 = arith.constant 64 : i32
      %add3A_3051 = arith.addi %mul3A_3049, %add3A_3050 : i32
      %get3A_3052 = arith.index_cast %add3A_3051 : i32 to index
      %get3A_3053 = tpu.vector_load %arg5[%get3A_3052] {strides = array<i32>} : memref<12800xf32, #tpu.memory_space<vmem>>, vector<16xf32>,
      %get3A_3054 = vector.shape_cast %get3A_3053 : vector<16xf32> to vector<16xf32>
      %max3A_3055 = arith.constant 0.000000e+00 : f32
      %max3A_3056 = vector.broadcast %max3A_3055 : f32 to vector<16xf32>
      %max3A_3057 = arith.maximumf %get3A_3054, %max3A_3056 : vector<16xf32>
      %min3A_3058 = arith.constant 9.843750e-01 : f32
      %min3A_3059 = vector.broadcast %min3A_3058 : f32 to vector<16xf32>
      %min3A_3060 = arith.minimumf %max3A_3057, %min3A_3059 : vector<16xf32>
      %mul3A_3061 = arith.constant 3.200000e+01 : f32
      %mul3A_3062 = vector.broadcast %mul3A_3061 : f32 to vector<16xf32>
      %mul3A_3063 = arith.mulf %min3A_3060, %mul3A_3062 : vector<16xf32>
      %convert_element_type3A_3064 = arith.fptosi %mul3A_3063 : vector<16xf32> to vector<16xi32>
      %swap3A_3065 = arith.index_cast %add3A_2959 : i32 to index
      %swap3A_3066 = arith.constant 64 : index
      %swap3A_3067 = tpu.vector_load %arg6[%swap3A_3065, %swap3A_3066] {strides = array<i32>} : memref<100x128xi32, #tpu.memory_space<vmem>>, vector<1x16xi32>,
      %swap3A_3068 = vector.shape_cast %swap3A_3067 : vector<1x16xi32> to vector<16xi32>
      %swap3A_3069 = vector.shape_cast %convert_element_type3A_3064 : vector<16xi32> to vector<1x16xi32>
      tpu.vector_store %arg6[%swap3A_3065, %swap3A_3066], %swap3A_3069 {strides = array<i32>} : memref<100x128xi32, #tpu.memory_space<vmem>>, vector<1x16xi32>,
      %mul3A_3070 = arith.constant 128 : i32
      %mul3A_3071 = arith.muli %add3A_2959, %mul3A_3070 : i32
      %add3A_3072 = arith.constant 80 : i32
      %add3A_3073 = arith.addi %mul3A_3071, %add3A_3072 : i32
      %get3A_3074 = arith.index_cast %add3A_3073 : i32 to index
      %get3A_3075 = tpu.vector_load %arg5[%get3A_3074] {strides = array<i32>} : memref<12800xf32, #tpu.memory_space<vmem>>, vector<16xf32>,
      %get3A_3076 = vector.shape_cast %get3A_3075 : vector<16xf32> to vector<16xf32>
      %max3A_3077 = arith.constant 0.000000e+00 : f32
      %max3A_3078 = vector.broadcast %max3A_3077 : f32 to vector<16xf32>
      %max3A_3079 = arith.maximumf %get3A_3076, %max3A_3078 : vector<16xf32>
      %min3A_3080 = arith.constant 9.843750e-01 : f32
      %min3A_3081 = vector.broadcast %min3A_3080 : f32 to vector<16xf32>
      %min3A_3082 = arith.minimumf %max3A_3079, %min3A_3081 : vector<16xf32>
      %mul3A_3083 = arith.constant 3.200000e+01 : f32
      %mul3A_3084 = vector.broadcast %mul3A_3083 : f32 to vector<16xf32>
      %mul3A_3085 = arith.mulf %min3A_3082, %mul3A_3084 : vector<16xf32>
      %convert_element_type3A_3086 = arith.fptosi %mul3A_3085 : vector<16xf32> to vector<16xi32>
      %swap3A_3087 = arith.index_cast %add3A_2959 : i32 to index
      %swap3A_3088 = arith.constant 80 : index
      %swap3A_3089 = tpu.vector_load %arg6[%swap3A_3087, %swap3A_3088] {strides = array<i32>} : memref<100x128xi32, #tpu.memory_space<vmem>>, vector<1x16xi32>,
      %swap3A_3090 = vector.shape_cast %swap3A_3089 : vector<1x16xi32> to vector<16xi32>
      %swap3A_3091 = vector.shape_cast %convert_element_type3A_3086 : vector<16xi32> to vector<1x16xi32>
      tpu.vector_store %arg6[%swap3A_3087, %swap3A_3088], %swap3A_3091 {strides = array<i32>} : memref<100x128xi32, #tpu.memory_space<vmem>>, vector<1x16xi32>,
      %mul3A_3092 = arith.constant 128 : i32
      %mul3A_3093 = arith.muli %add3A_2959, %mul3A_3092 : i32
      %add3A_3094 = arith.constant 96 : i32
      %add3A_3095 = arith.addi %mul3A_3093, %add3A_3094 : i32
      %get3A_3096 = arith.index_cast %add3A_3095 : i32 to index
      %get3A_3097 = tpu.vector_load %arg5[%get3A_3096] {strides = array<i32>} : memref<12800xf32, #tpu.memory_space<vmem>>, vector<16xf32>,
      %get3A_3098 = vector.shape_cast %get3A_3097 : vector<16xf32> to vector<16xf32>
      %max3A_3099 = arith.constant 0.000000e+00 : f32
      %max3A_3100 = vector.broadcast %max3A_3099 : f32 to vector<16xf32>
      %max3A_3101 = arith.maximumf %get3A_3098, %max3A_3100 : vector<16xf32>
      %min3A_3102 = arith.constant 9.843750e-01 : f32
      %min3A_3103 = vector.broadcast %min3A_3102 : f32 to vector<16xf32>
      %min3A_3104 = arith.minimumf %max3A_3101, %min3A_3103 : vector<16xf32>
      %mul3A_3105 = arith.constant 3.200000e+01 : f32
      %mul3A_3106 = vector.broadcast %mul3A_3105 : f32 to vector<16xf32>
      %mul3A_3107 = arith.mulf %min3A_3104, %mul3A_3106 : vector<16xf32>
      %convert_element_type3A_3108 = arith.fptosi %mul3A_3107 : vector<16xf32> to vector<16xi32>
      %swap3A_3109 = arith.index_cast %add3A_2959 : i32 to index
      %swap3A_3110 = arith.constant 96 : index
      %swap3A_3111 = tpu.vector_load %arg6[%swap3A_3109, %swap3A_3110] {strides = array<i32>} : memref<100x128xi32, #tpu.memory_space<vmem>>, vector<1x16xi32>,
      %swap3A_3112 = vector.shape_cast %swap3A_3111 : vector<1x16xi32> to vector<16xi32>
      %swap3A_3113 = vector.shape_cast %convert_element_type3A_3108 : vector<16xi32> to vector<1x16xi32>
      tpu.vector_store %arg6[%swap3A_3109, %swap3A_3110], %swap3A_3113 {strides = array<i32>} : memref<100x128xi32, #tpu.memory_space<vmem>>, vector<1x16xi32>,
      %mul3A_3114 = arith.constant 128 : i32
      %mul3A_3115 = arith.muli %add3A_2959, %mul3A_3114 : i32
      %add3A_3116 = arith.constant 112 : i32
      %add3A_3117 = arith.addi %mul3A_3115, %add3A_3116 : i32
      %get3A_3118 = arith.index_cast %add3A_3117 : i32 to index
      %get3A_3119 = tpu.vector_load %arg5[%get3A_3118] {strides = array<i32>} : memref<12800xf32, #tpu.memory_space<vmem>>, vector<16xf32>,
      %get3A_3120 = vector.shape_cast %get3A_3119 : vector<16xf32> to vector<16xf32>
      %max3A_3121 = arith.constant 0.000000e+00 : f32
      %max3A_3122 = vector.broadcast %max3A_3121 : f32 to vector<16xf32>
      %max3A_3123 = arith.maximumf %get3A_3120, %max3A_3122 : vector<16xf32>
      %min3A_3124 = arith.constant 9.843750e-01 : f32
      %min3A_3125 = vector.broadcast %min3A_3124 : f32 to vector<16xf32>
      %min3A_3126 = arith.minimumf %max3A_3123, %min3A_3125 : vector<16xf32>
      %mul3A_3127 = arith.constant 3.200000e+01 : f32
      %mul3A_3128 = vector.broadcast %mul3A_3127 : f32 to vector<16xf32>
      %mul3A_3129 = arith.mulf %min3A_3126, %mul3A_3128 : vector<16xf32>
      %convert_element_type3A_3130 = arith.fptosi %mul3A_3129 : vector<16xf32> to vector<16xi32>
      %swap3A_3131 = arith.index_cast %add3A_2959 : i32 to index
      %swap3A_3132 = arith.constant 112 : index
      %swap3A_3133 = tpu.vector_load %arg6[%swap3A_3131, %swap3A_3132] {strides = array<i32>} : memref<100x128xi32, #tpu.memory_space<vmem>>, vector<1x16xi32>,
      %swap3A_3134 = vector.shape_cast %swap3A_3133 : vector<1x16xi32> to vector<16xi32>
      %swap3A_3135 = vector.shape_cast %convert_element_type3A_3130 : vector<16xi32> to vector<1x16xi32>
      tpu.vector_store %arg6[%swap3A_3131, %swap3A_3132], %swap3A_3135 {strides = array<i32>} : memref<100x128xi32, #tpu.memory_space<vmem>>, vector<1x16xi32>,
      %add3A_3136 = arith.constant 6 : i32
      %add3A_3137 = arith.addi %mul3A_2235, %add3A_3136 : i32
      %add3A_3138 = arith.constant 5 : i32
      %add3A_3139 = arith.addi %add3A_3137, %add3A_3138 : i32
      %mul3A_3140 = arith.constant 128 : i32
      %mul3A_3141 = arith.muli %add3A_3139, %mul3A_3140 : i32
      %add3A_3142 = arith.constant 0 : i32
      %add3A_3143 = arith.addi %mul3A_3141, %add3A_3142 : i32
      %get3A_3144 = arith.index_cast %add3A_3143 : i32 to index
      %get3A_3145 = tpu.vector_load %arg5[%get3A_3144] {strides = array<i32>} : memref<12800xf32, #tpu.memory_space<vmem>>, vector<16xf32>,
      %get3A_3146 = vector.shape_cast %get3A_3145 : vector<16xf32> to vector<16xf32>
      %max3A_3147 = arith.constant 0.000000e+00 : f32
      %max3A_3148 = vector.broadcast %max3A_3147 : f32 to vector<16xf32>
      %max3A_3149 = arith.maximumf %get3A_3146, %max3A_3148 : vector<16xf32>
      %min3A_3150 = arith.constant 9.843750e-01 : f32
      %min3A_3151 = vector.broadcast %min3A_3150 : f32 to vector<16xf32>
      %min3A_3152 = arith.minimumf %max3A_3149, %min3A_3151 : vector<16xf32>
      %mul3A_3153 = arith.constant 3.200000e+01 : f32
      %mul3A_3154 = vector.broadcast %mul3A_3153 : f32 to vector<16xf32>
      %mul3A_3155 = arith.mulf %min3A_3152, %mul3A_3154 : vector<16xf32>
      %convert_element_type3A_3156 = arith.fptosi %mul3A_3155 : vector<16xf32> to vector<16xi32>
      %swap3A_3157 = arith.index_cast %add3A_3139 : i32 to index
      %swap3A_3158 = arith.constant 0 : index
      %swap3A_3159 = tpu.vector_load %arg6[%swap3A_3157, %swap3A_3158] {strides = array<i32>} : memref<100x128xi32, #tpu.memory_space<vmem>>, vector<1x16xi32>,
      %swap3A_3160 = vector.shape_cast %swap3A_3159 : vector<1x16xi32> to vector<16xi32>
      %swap3A_3161 = vector.shape_cast %convert_element_type3A_3156 : vector<16xi32> to vector<1x16xi32>
      tpu.vector_store %arg6[%swap3A_3157, %swap3A_3158], %swap3A_3161 {strides = array<i32>} : memref<100x128xi32, #tpu.memory_space<vmem>>, vector<1x16xi32>,
      %mul3A_3162 = arith.constant 128 : i32
      %mul3A_3163 = arith.muli %add3A_3139, %mul3A_3162 : i32
      %add3A_3164 = arith.constant 16 : i32
      %add3A_3165 = arith.addi %mul3A_3163, %add3A_3164 : i32
      %get3A_3166 = arith.index_cast %add3A_3165 : i32 to index
      %get3A_3167 = tpu.vector_load %arg5[%get3A_3166] {strides = array<i32>} : memref<12800xf32, #tpu.memory_space<vmem>>, vector<16xf32>,
      %get3A_3168 = vector.shape_cast %get3A_3167 : vector<16xf32> to vector<16xf32>
      %max3A_3169 = arith.constant 0.000000e+00 : f32
      %max3A_3170 = vector.broadcast %max3A_3169 : f32 to vector<16xf32>
      %max3A_3171 = arith.maximumf %get3A_3168, %max3A_3170 : vector<16xf32>
      %min3A_3172 = arith.constant 9.843750e-01 : f32
      %min3A_3173 = vector.broadcast %min3A_3172 : f32 to vector<16xf32>
      %min3A_3174 = arith.minimumf %max3A_3171, %min3A_3173 : vector<16xf32>
      %mul3A_3175 = arith.constant 3.200000e+01 : f32
      %mul3A_3176 = vector.broadcast %mul3A_3175 : f32 to vector<16xf32>
      %mul3A_3177 = arith.mulf %min3A_3174, %mul3A_3176 : vector<16xf32>
      %convert_element_type3A_3178 = arith.fptosi %mul3A_3177 : vector<16xf32> to vector<16xi32>
      %swap3A_3179 = arith.index_cast %add3A_3139 : i32 to index
      %swap3A_3180 = arith.constant 16 : index
      %swap3A_3181 = tpu.vector_load %arg6[%swap3A_3179, %swap3A_3180] {strides = array<i32>} : memref<100x128xi32, #tpu.memory_space<vmem>>, vector<1x16xi32>,
      %swap3A_3182 = vector.shape_cast %swap3A_3181 : vector<1x16xi32> to vector<16xi32>
      %swap3A_3183 = vector.shape_cast %convert_element_type3A_3178 : vector<16xi32> to vector<1x16xi32>
      tpu.vector_store %arg6[%swap3A_3179, %swap3A_3180], %swap3A_3183 {strides = array<i32>} : memref<100x128xi32, #tpu.memory_space<vmem>>, vector<1x16xi32>,
      %mul3A_3184 = arith.constant 128 : i32
      %mul3A_3185 = arith.muli %add3A_3139, %mul3A_3184 : i32
      %add3A_3186 = arith.constant 32 : i32
      %add3A_3187 = arith.addi %mul3A_3185, %add3A_3186 : i32
      %get3A_3188 = arith.index_cast %add3A_3187 : i32 to index
      %get3A_3189 = tpu.vector_load %arg5[%get3A_3188] {strides = array<i32>} : memref<12800xf32, #tpu.memory_space<vmem>>, vector<16xf32>,
      %get3A_3190 = vector.shape_cast %get3A_3189 : vector<16xf32> to vector<16xf32>
      %max3A_3191 = arith.constant 0.000000e+00 : f32
      %max3A_3192 = vector.broadcast %max3A_3191 : f32 to vector<16xf32>
      %max3A_3193 = arith.maximumf %get3A_3190, %max3A_3192 : vector<16xf32>
      %min3A_3194 = arith.constant 9.843750e-01 : f32
      %min3A_3195 = vector.broadcast %min3A_3194 : f32 to vector<16xf32>
      %min3A_3196 = arith.minimumf %max3A_3193, %min3A_3195 : vector<16xf32>
      %mul3A_3197 = arith.constant 3.200000e+01 : f32
      %mul3A_3198 = vector.broadcast %mul3A_3197 : f32 to vector<16xf32>
      %mul3A_3199 = arith.mulf %min3A_3196, %mul3A_3198 : vector<16xf32>
      %convert_element_type3A_3200 = arith.fptosi %mul3A_3199 : vector<16xf32> to vector<16xi32>
      %swap3A_3201 = arith.index_cast %add3A_3139 : i32 to index
      %swap3A_3202 = arith.constant 32 : index
      %swap3A_3203 = tpu.vector_load %arg6[%swap3A_3201, %swap3A_3202] {strides = array<i32>} : memref<100x128xi32, #tpu.memory_space<vmem>>, vector<1x16xi32>,
      %swap3A_3204 = vector.shape_cast %swap3A_3203 : vector<1x16xi32> to vector<16xi32>
      %swap3A_3205 = vector.shape_cast %convert_element_type3A_3200 : vector<16xi32> to vector<1x16xi32>
      tpu.vector_store %arg6[%swap3A_3201, %swap3A_3202], %swap3A_3205 {strides = array<i32>} : memref<100x128xi32, #tpu.memory_space<vmem>>, vector<1x16xi32>,
      %mul3A_3206 = arith.constant 128 : i32
      %mul3A_3207 = arith.muli %add3A_3139, %mul3A_3206 : i32
      %add3A_3208 = arith.constant 48 : i32
      %add3A_3209 = arith.addi %mul3A_3207, %add3A_3208 : i32
      %get3A_3210 = arith.index_cast %add3A_3209 : i32 to index
      %get3A_3211 = tpu.vector_load %arg5[%get3A_3210] {strides = array<i32>} : memref<12800xf32, #tpu.memory_space<vmem>>, vector<16xf32>,
      %get3A_3212 = vector.shape_cast %get3A_3211 : vector<16xf32> to vector<16xf32>
      %max3A_3213 = arith.constant 0.000000e+00 : f32
      %max3A_3214 = vector.broadcast %max3A_3213 : f32 to vector<16xf32>
      %max3A_3215 = arith.maximumf %get3A_3212, %max3A_3214 : vector<16xf32>
      %min3A_3216 = arith.constant 9.843750e-01 : f32
      %min3A_3217 = vector.broadcast %min3A_3216 : f32 to vector<16xf32>
      %min3A_3218 = arith.minimumf %max3A_3215, %min3A_3217 : vector<16xf32>
      %mul3A_3219 = arith.constant 3.200000e+01 : f32
      %mul3A_3220 = vector.broadcast %mul3A_3219 : f32 to vector<16xf32>
      %mul3A_3221 = arith.mulf %min3A_3218, %mul3A_3220 : vector<16xf32>
      %convert_element_type3A_3222 = arith.fptosi %mul3A_3221 : vector<16xf32> to vector<16xi32>
      %swap3A_3223 = arith.index_cast %add3A_3139 : i32 to index
      %swap3A_3224 = arith.constant 48 : index
      %swap3A_3225 = tpu.vector_load %arg6[%swap3A_3223, %swap3A_3224] {strides = array<i32>} : memref<100x128xi32, #tpu.memory_space<vmem>>, vector<1x16xi32>,
      %swap3A_3226 = vector.shape_cast %swap3A_3225 : vector<1x16xi32> to vector<16xi32>
      %swap3A_3227 = vector.shape_cast %convert_element_type3A_3222 : vector<16xi32> to vector<1x16xi32>
      tpu.vector_store %arg6[%swap3A_3223, %swap3A_3224], %swap3A_3227 {strides = array<i32>} : memref<100x128xi32, #tpu.memory_space<vmem>>, vector<1x16xi32>,
      %mul3A_3228 = arith.constant 128 : i32
      %mul3A_3229 = arith.muli %add3A_3139, %mul3A_3228 : i32
      %add3A_3230 = arith.constant 64 : i32
      %add3A_3231 = arith.addi %mul3A_3229, %add3A_3230 : i32
      %get3A_3232 = arith.index_cast %add3A_3231 : i32 to index
      %get3A_3233 = tpu.vector_load %arg5[%get3A_3232] {strides = array<i32>} : memref<12800xf32, #tpu.memory_space<vmem>>, vector<16xf32>,
      %get3A_3234 = vector.shape_cast %get3A_3233 : vector<16xf32> to vector<16xf32>
      %max3A_3235 = arith.constant 0.000000e+00 : f32
      %max3A_3236 = vector.broadcast %max3A_3235 : f32 to vector<16xf32>
      %max3A_3237 = arith.maximumf %get3A_3234, %max3A_3236 : vector<16xf32>
      %min3A_3238 = arith.constant 9.843750e-01 : f32
      %min3A_3239 = vector.broadcast %min3A_3238 : f32 to vector<16xf32>
      %min3A_3240 = arith.minimumf %max3A_3237, %min3A_3239 : vector<16xf32>
      %mul3A_3241 = arith.constant 3.200000e+01 : f32
      %mul3A_3242 = vector.broadcast %mul3A_3241 : f32 to vector<16xf32>
      %mul3A_3243 = arith.mulf %min3A_3240, %mul3A_3242 : vector<16xf32>
      %convert_element_type3A_3244 = arith.fptosi %mul3A_3243 : vector<16xf32> to vector<16xi32>
      %swap3A_3245 = arith.index_cast %add3A_3139 : i32 to index
      %swap3A_3246 = arith.constant 64 : index
      %swap3A_3247 = tpu.vector_load %arg6[%swap3A_3245, %swap3A_3246] {strides = array<i32>} : memref<100x128xi32, #tpu.memory_space<vmem>>, vector<1x16xi32>,
      %swap3A_3248 = vector.shape_cast %swap3A_3247 : vector<1x16xi32> to vector<16xi32>
      %swap3A_3249 = vector.shape_cast %convert_element_type3A_3244 : vector<16xi32> to vector<1x16xi32>
      tpu.vector_store %arg6[%swap3A_3245, %swap3A_3246], %swap3A_3249 {strides = array<i32>} : memref<100x128xi32, #tpu.memory_space<vmem>>, vector<1x16xi32>,
      %mul3A_3250 = arith.constant 128 : i32
      %mul3A_3251 = arith.muli %add3A_3139, %mul3A_3250 : i32
      %add3A_3252 = arith.constant 80 : i32
      %add3A_3253 = arith.addi %mul3A_3251, %add3A_3252 : i32
      %get3A_3254 = arith.index_cast %add3A_3253 : i32 to index
      %get3A_3255 = tpu.vector_load %arg5[%get3A_3254] {strides = array<i32>} : memref<12800xf32, #tpu.memory_space<vmem>>, vector<16xf32>,
      %get3A_3256 = vector.shape_cast %get3A_3255 : vector<16xf32> to vector<16xf32>
      %max3A_3257 = arith.constant 0.000000e+00 : f32
      %max3A_3258 = vector.broadcast %max3A_3257 : f32 to vector<16xf32>
      %max3A_3259 = arith.maximumf %get3A_3256, %max3A_3258 : vector<16xf32>
      %min3A_3260 = arith.constant 9.843750e-01 : f32
      %min3A_3261 = vector.broadcast %min3A_3260 : f32 to vector<16xf32>
      %min3A_3262 = arith.minimumf %max3A_3259, %min3A_3261 : vector<16xf32>
      %mul3A_3263 = arith.constant 3.200000e+01 : f32
      %mul3A_3264 = vector.broadcast %mul3A_3263 : f32 to vector<16xf32>
      %mul3A_3265 = arith.mulf %min3A_3262, %mul3A_3264 : vector<16xf32>
      %convert_element_type3A_3266 = arith.fptosi %mul3A_3265 : vector<16xf32> to vector<16xi32>
      %swap3A_3267 = arith.index_cast %add3A_3139 : i32 to index
      %swap3A_3268 = arith.constant 80 : index
      %swap3A_3269 = tpu.vector_load %arg6[%swap3A_3267, %swap3A_3268] {strides = array<i32>} : memref<100x128xi32, #tpu.memory_space<vmem>>, vector<1x16xi32>,
      %swap3A_3270 = vector.shape_cast %swap3A_3269 : vector<1x16xi32> to vector<16xi32>
      %swap3A_3271 = vector.shape_cast %convert_element_type3A_3266 : vector<16xi32> to vector<1x16xi32>
      tpu.vector_store %arg6[%swap3A_3267, %swap3A_3268], %swap3A_3271 {strides = array<i32>} : memref<100x128xi32, #tpu.memory_space<vmem>>, vector<1x16xi32>,
      %mul3A_3272 = arith.constant 128 : i32
      %mul3A_3273 = arith.muli %add3A_3139, %mul3A_3272 : i32
      %add3A_3274 = arith.constant 96 : i32
      %add3A_3275 = arith.addi %mul3A_3273, %add3A_3274 : i32
      %get3A_3276 = arith.index_cast %add3A_3275 : i32 to index
      %get3A_3277 = tpu.vector_load %arg5[%get3A_3276] {strides = array<i32>} : memref<12800xf32, #tpu.memory_space<vmem>>, vector<16xf32>,
      %get3A_3278 = vector.shape_cast %get3A_3277 : vector<16xf32> to vector<16xf32>
      %max3A_3279 = arith.constant 0.000000e+00 : f32
      %max3A_3280 = vector.broadcast %max3A_3279 : f32 to vector<16xf32>
      %max3A_3281 = arith.maximumf %get3A_3278, %max3A_3280 : vector<16xf32>
      %min3A_3282 = arith.constant 9.843750e-01 : f32
      %min3A_3283 = vector.broadcast %min3A_3282 : f32 to vector<16xf32>
      %min3A_3284 = arith.minimumf %max3A_3281, %min3A_3283 : vector<16xf32>
      %mul3A_3285 = arith.constant 3.200000e+01 : f32
      %mul3A_3286 = vector.broadcast %mul3A_3285 : f32 to vector<16xf32>
      %mul3A_3287 = arith.mulf %min3A_3284, %mul3A_3286 : vector<16xf32>
      %convert_element_type3A_3288 = arith.fptosi %mul3A_3287 : vector<16xf32> to vector<16xi32>
      %swap3A_3289 = arith.index_cast %add3A_3139 : i32 to index
      %swap3A_3290 = arith.constant 96 : index
      %swap3A_3291 = tpu.vector_load %arg6[%swap3A_3289, %swap3A_3290] {strides = array<i32>} : memref<100x128xi32, #tpu.memory_space<vmem>>, vector<1x16xi32>,
      %swap3A_3292 = vector.shape_cast %swap3A_3291 : vector<1x16xi32> to vector<16xi32>
      %swap3A_3293 = vector.shape_cast %convert_element_type3A_3288 : vector<16xi32> to vector<1x16xi32>
      tpu.vector_store %arg6[%swap3A_3289, %swap3A_3290], %swap3A_3293 {strides = array<i32>} : memref<100x128xi32, #tpu.memory_space<vmem>>, vector<1x16xi32>,
      %mul3A_3294 = arith.constant 128 : i32
      %mul3A_3295 = arith.muli %add3A_3139, %mul3A_3294 : i32
      %add3A_3296 = arith.constant 112 : i32
      %add3A_3297 = arith.addi %mul3A_3295, %add3A_3296 : i32
      %get3A_3298 = arith.index_cast %add3A_3297 : i32 to index
      %get3A_3299 = tpu.vector_load %arg5[%get3A_3298] {strides = array<i32>} : memref<12800xf32, #tpu.memory_space<vmem>>, vector<16xf32>,
      %get3A_3300 = vector.shape_cast %get3A_3299 : vector<16xf32> to vector<16xf32>
      %max3A_3301 = arith.constant 0.000000e+00 : f32
      %max3A_3302 = vector.broadcast %max3A_3301 : f32 to vector<16xf32>
      %max3A_3303 = arith.maximumf %get3A_3300, %max3A_3302 : vector<16xf32>
      %min3A_3304 = arith.constant 9.843750e-01 : f32
      %min3A_3305 = vector.broadcast %min3A_3304 : f32 to vector<16xf32>
      %min3A_3306 = arith.minimumf %max3A_3303, %min3A_3305 : vector<16xf32>
      %mul3A_3307 = arith.constant 3.200000e+01 : f32
      %mul3A_3308 = vector.broadcast %mul3A_3307 : f32 to vector<16xf32>
      %mul3A_3309 = arith.mulf %min3A_3306, %mul3A_3308 : vector<16xf32>
      %convert_element_type3A_3310 = arith.fptosi %mul3A_3309 : vector<16xf32> to vector<16xi32>
      %swap3A_3311 = arith.index_cast %add3A_3139 : i32 to index
      %swap3A_3312 = arith.constant 112 : index
      %swap3A_3313 = tpu.vector_load %arg6[%swap3A_3311, %swap3A_3312] {strides = array<i32>} : memref<100x128xi32, #tpu.memory_space<vmem>>, vector<1x16xi32>,
      %swap3A_3314 = vector.shape_cast %swap3A_3313 : vector<1x16xi32> to vector<16xi32>
      %swap3A_3315 = vector.shape_cast %convert_element_type3A_3310 : vector<16xi32> to vector<1x16xi32>
      tpu.vector_store %arg6[%swap3A_3311, %swap3A_3312], %swap3A_3315 {strides = array<i32>} : memref<100x128xi32, #tpu.memory_space<vmem>>, vector<1x16xi32>,
      %add3A_3316 = arith.constant 0 : i32
      %add3A_3317 = arith.addi %mul3A_2235, %add3A_3316 : i32
      %dma_wait3A_3318 = arith.constant 0 : i32
      %dma_wait3A_3319 = arith.constant 0 : i32
      %dma_wait3A_3320 = arith.constant 0 : i32
      %dma_wait3A_3321 = arith.constant 0 : i32
      %dma_wait3A_3322 = tpu.memref_slice %arg7[%dma_wait3A_3318, %dma_wait3A_3320, %dma_wait3A_3321] : memref<6x128x128xf32, #tpu.memory_space<vmem>> -> memref<1x128x128xf32, #tpu.memory_space<vmem>>
      %dma_wait3A_3323 = tpu.memref_squeeze %dma_wait3A_3322 : memref<1x128x128xf32, #tpu.memory_space<vmem>> -> memref<128x128xf32, #tpu.memory_space<vmem>>
      %dma_wait3A_3324 = arith.constant 0 : i32
      %dma_wait3A_3325 = tpu.memref_slice %arg6[%add3A_3317, %dma_wait3A_3324] : memref<100x128xi32, #tpu.memory_space<vmem>> -> memref<1x128xi32, #tpu.memory_space<vmem>>
      %dma_wait3A_3326 = tpu.memref_squeeze %dma_wait3A_3325 : memref<1x128xi32, #tpu.memory_space<vmem>> -> memref<128xi32, #tpu.memory_space<vmem>>
      %dma_wait3A_3327 = arith.constant 0 : i32
      %dma_wait3A_3328 = arith.constant 0 : i32
      %dma_wait3A_3329 = tpu.memref_slice %arg8[%dma_wait3A_3327, %dma_wait3A_3328] : memref<32x128xf32, #tpu.memory_space<vmem_shared>> -> memref<32x128xf32, #tpu.memory_space<vmem_shared>>
      %dma_wait3A_3330 = tpu.memref_slice %arg9[%dma_wait3A_3319] : memref<6x!tpu.dma_semaphore, #tpu.memory_space<semaphore_mem>> -> memref<1x!tpu.dma_semaphore, #tpu.memory_space<semaphore_mem>>
      %dma_wait3A_3331 = tpu.memref_squeeze %dma_wait3A_3330 : memref<1x!tpu.dma_semaphore, #tpu.memory_space<semaphore_mem>> -> memref<!tpu.dma_semaphore, #tpu.memory_space<semaphore_mem>>
      tpu.wait_indirect_dma semaphore(%dma_wait3A_3331 : memref<!tpu.dma_semaphore, #tpu.memory_space<semaphore_mem>>) src(%dma_wait3A_3329 : memref<32x128xf32, #tpu.memory_space<vmem_shared>>) dst(%dma_wait3A_3323 : memref<128x128xf32, #tpu.memory_space<vmem>>)
      %add3A_3332 = arith.constant 0 : i32
      %add3A_3333 = arith.addi %mul3A_2235, %add3A_3332 : i32
      %add3A_3334 = arith.addi %mul3A_2, %add3A_3333 : i32
      %mul3A_3335 = arith.constant 128 : i32
      %mul3A_3336 = arith.muli %add3A_3334, %mul3A_3335 : i32
      %dma_start3A_3337 = arith.constant 0 : i32
      %dma_start3A_3338 = arith.constant 0 : i32
      %dma_start3A_3339 = arith.constant 0 : i32
      %dma_start3A_3340 = arith.constant 0 : i32
      %dma_start3A_3341 = tpu.memref_slice %arg7[%dma_start3A_3337, %dma_start3A_3339, %dma_start3A_3340] : memref<6x128x128xf32, #tpu.memory_space<vmem>> -> memref<1x128x128xf32, #tpu.memory_space<vmem>>
      %dma_start3A_3342 = tpu.memref_squeeze %dma_start3A_3341 : memref<1x128x128xf32, #tpu.memory_space<vmem>> -> memref<128x128xf32, #tpu.memory_space<vmem>>
      %dma_start3A_3343 = arith.constant 0 : i32
      %dma_start3A_3344 = tpu.memref_slice %arg4[%mul3A_3336, %dma_start3A_3343] : memref<409600x128xf32, #tpu.memory_space<hbm>> -> memref<128x128xf32, #tpu.memory_space<hbm>>
      %dma_start3A_3345 = tpu.memref_slice %arg10[%dma_start3A_3338] : memref<6x!tpu.dma_semaphore, #tpu.memory_space<semaphore_mem>> -> memref<1x!tpu.dma_semaphore, #tpu.memory_space<semaphore_mem>>
      %dma_start3A_3346 = tpu.memref_squeeze %dma_start3A_3345 : memref<1x!tpu.dma_semaphore, #tpu.memory_space<semaphore_mem>> -> memref<!tpu.dma_semaphore, #tpu.memory_space<semaphore_mem>>
      %dma_start3A_3347 = arith.constant 0 : i32
      %dma_start3A_3348 = tpu.memref_slice %arg4[%mul3A_3336, %dma_start3A_3347] : memref<409600x128xf32, #tpu.memory_space<hbm>> -> memref<128x128xf32, #tpu.memory_space<hbm>>
      %dma_start3A_3349 = arith.constant 0 : i32
      %dma_start3A_3350 = arith.constant 0 : i32
      %dma_start3A_3351 = tpu.memref_slice %arg7[%dma_start3A_3337, %dma_start3A_3349, %dma_start3A_3350] : memref<6x128x128xf32, #tpu.memory_space<vmem>> -> memref<1x128x128xf32, #tpu.memory_space<vmem>>
      %dma_start3A_3352 = tpu.memref_squeeze %dma_start3A_3351 : memref<1x128x128xf32, #tpu.memory_space<vmem>> -> memref<128x128xf32, #tpu.memory_space<vmem>>
      tpu.enqueue_dma source(%dma_start3A_3352 : memref<128x128xf32, #tpu.memory_space<vmem>>) target(%dma_start3A_3348 : memref<128x128xf32, #tpu.memory_space<hbm>>) target_semaphore(%dma_start3A_3346 : memref<!tpu.dma_semaphore, #tpu.memory_space<semaphore_mem>>)
      %add3A_3353 = arith.constant 1 : i32
      %add3A_3354 = arith.addi %mul3A_2235, %add3A_3353 : i32
      %dma_wait3A_3355 = arith.constant 1 : i32
      %dma_wait3A_3356 = arith.constant 1 : i32
      %dma_wait3A_3357 = arith.constant 0 : i32
      %dma_wait3A_3358 = arith.constant 0 : i32
      %dma_wait3A_3359 = tpu.memref_slice %arg7[%dma_wait3A_3355, %dma_wait3A_3357, %dma_wait3A_3358] : memref<6x128x128xf32, #tpu.memory_space<vmem>> -> memref<1x128x128xf32, #tpu.memory_space<vmem>>
      %dma_wait3A_3360 = tpu.memref_squeeze %dma_wait3A_3359 : memref<1x128x128xf32, #tpu.memory_space<vmem>> -> memref<128x128xf32, #tpu.memory_space<vmem>>
      %dma_wait3A_3361 = arith.constant 0 : i32
      %dma_wait3A_3362 = tpu.memref_slice %arg6[%add3A_3354, %dma_wait3A_3361] : memref<100x128xi32, #tpu.memory_space<vmem>> -> memref<1x128xi32, #tpu.memory_space<vmem>>
      %dma_wait3A_3363 = tpu.memref_squeeze %dma_wait3A_3362 : memref<1x128xi32, #tpu.memory_space<vmem>> -> memref<128xi32, #tpu.memory_space<vmem>>
      %dma_wait3A_3364 = arith.constant 0 : i32
      %dma_wait3A_3365 = arith.constant 0 : i32
      %dma_wait3A_3366 = tpu.memref_slice %arg8[%dma_wait3A_3364, %dma_wait3A_3365] : memref<32x128xf32, #tpu.memory_space<vmem_shared>> -> memref<32x128xf32, #tpu.memory_space<vmem_shared>>
      %dma_wait3A_3367 = tpu.memref_slice %arg9[%dma_wait3A_3356] : memref<6x!tpu.dma_semaphore, #tpu.memory_space<semaphore_mem>> -> memref<1x!tpu.dma_semaphore, #tpu.memory_space<semaphore_mem>>
      %dma_wait3A_3368 = tpu.memref_squeeze %dma_wait3A_3367 : memref<1x!tpu.dma_semaphore, #tpu.memory_space<semaphore_mem>> -> memref<!tpu.dma_semaphore, #tpu.memory_space<semaphore_mem>>
      tpu.wait_indirect_dma semaphore(%dma_wait3A_3368 : memref<!tpu.dma_semaphore, #tpu.memory_space<semaphore_mem>>) src(%dma_wait3A_3366 : memref<32x128xf32, #tpu.memory_space<vmem_shared>>) dst(%dma_wait3A_3360 : memref<128x128xf32, #tpu.memory_space<vmem>>)
      %add3A_3369 = arith.constant 1 : i32
      %add3A_3370 = arith.addi %mul3A_2235, %add3A_3369 : i32
      %add3A_3371 = arith.addi %mul3A_2, %add3A_3370 : i32
      %mul3A_3372 = arith.constant 128 : i32
      %mul3A_3373 = arith.muli %add3A_3371, %mul3A_3372 : i32
      %dma_start3A_3374 = arith.constant 1 : i32
      %dma_start3A_3375 = arith.constant 1 : i32
      %dma_start3A_3376 = arith.constant 0 : i32
      %dma_start3A_3377 = arith.constant 0 : i32
      %dma_start3A_3378 = tpu.memref_slice %arg7[%dma_start3A_3374, %dma_start3A_3376, %dma_start3A_3377] : memref<6x128x128xf32, #tpu.memory_space<vmem>> -> memref<1x128x128xf32, #tpu.memory_space<vmem>>
      %dma_start3A_3379 = tpu.memref_squeeze %dma_start3A_3378 : memref<1x128x128xf32, #tpu.memory_space<vmem>> -> memref<128x128xf32, #tpu.memory_space<vmem>>
      %dma_start3A_3380 = arith.constant 0 : i32
      %dma_start3A_3381 = tpu.memref_slice %arg4[%mul3A_3373, %dma_start3A_3380] : memref<409600x128xf32, #tpu.memory_space<hbm>> -> memref<128x128xf32, #tpu.memory_space<hbm>>
      %dma_start3A_3382 = tpu.memref_slice %arg10[%dma_start3A_3375] : memref<6x!tpu.dma_semaphore, #tpu.memory_space<semaphore_mem>> -> memref<1x!tpu.dma_semaphore, #tpu.memory_space<semaphore_mem>>
      %dma_start3A_3383 = tpu.memref_squeeze %dma_start3A_3382 : memref<1x!tpu.dma_semaphore, #tpu.memory_space<semaphore_mem>> -> memref<!tpu.dma_semaphore, #tpu.memory_space<semaphore_mem>>
      %dma_start3A_3384 = arith.constant 0 : i32
      %dma_start3A_3385 = tpu.memref_slice %arg4[%mul3A_3373, %dma_start3A_3384] : memref<409600x128xf32, #tpu.memory_space<hbm>> -> memref<128x128xf32, #tpu.memory_space<hbm>>
      %dma_start3A_3386 = arith.constant 0 : i32
      %dma_start3A_3387 = arith.constant 0 : i32
      %dma_start3A_3388 = tpu.memref_slice %arg7[%dma_start3A_3374, %dma_start3A_3386, %dma_start3A_3387] : memref<6x128x128xf32, #tpu.memory_space<vmem>> -> memref<1x128x128xf32, #tpu.memory_space<vmem>>
      %dma_start3A_3389 = tpu.memref_squeeze %dma_start3A_3388 : memref<1x128x128xf32, #tpu.memory_space<vmem>> -> memref<128x128xf32, #tpu.memory_space<vmem>>
      tpu.enqueue_dma source(%dma_start3A_3389 : memref<128x128xf32, #tpu.memory_space<vmem>>) target(%dma_start3A_3385 : memref<128x128xf32, #tpu.memory_space<hbm>>) target_semaphore(%dma_start3A_3383 : memref<!tpu.dma_semaphore, #tpu.memory_space<semaphore_mem>>)
      %add3A_3390 = arith.constant 2 : i32
      %add3A_3391 = arith.addi %mul3A_2235, %add3A_3390 : i32
      %dma_wait3A_3392 = arith.constant 2 : i32
      %dma_wait3A_3393 = arith.constant 2 : i32
      %dma_wait3A_3394 = arith.constant 0 : i32
      %dma_wait3A_3395 = arith.constant 0 : i32
      %dma_wait3A_3396 = tpu.memref_slice %arg7[%dma_wait3A_3392, %dma_wait3A_3394, %dma_wait3A_3395] : memref<6x128x128xf32, #tpu.memory_space<vmem>> -> memref<1x128x128xf32, #tpu.memory_space<vmem>>
      %dma_wait3A_3397 = tpu.memref_squeeze %dma_wait3A_3396 : memref<1x128x128xf32, #tpu.memory_space<vmem>> -> memref<128x128xf32, #tpu.memory_space<vmem>>
      %dma_wait3A_3398 = arith.constant 0 : i32
      %dma_wait3A_3399 = tpu.memref_slice %arg6[%add3A_3391, %dma_wait3A_3398] : memref<100x128xi32, #tpu.memory_space<vmem>> -> memref<1x128xi32, #tpu.memory_space<vmem>>
      %dma_wait3A_3400 = tpu.memref_squeeze %dma_wait3A_3399 : memref<1x128xi32, #tpu.memory_space<vmem>> -> memref<128xi32, #tpu.memory_space<vmem>>
      %dma_wait3A_3401 = arith.constant 0 : i32
      %dma_wait3A_3402 = arith.constant 0 : i32
      %dma_wait3A_3403 = tpu.memref_slice %arg8[%dma_wait3A_3401, %dma_wait3A_3402] : memref<32x128xf32, #tpu.memory_space<vmem_shared>> -> memref<32x128xf32, #tpu.memory_space<vmem_shared>>
      %dma_wait3A_3404 = tpu.memref_slice %arg9[%dma_wait3A_3393] : memref<6x!tpu.dma_semaphore, #tpu.memory_space<semaphore_mem>> -> memref<1x!tpu.dma_semaphore, #tpu.memory_space<semaphore_mem>>
      %dma_wait3A_3405 = tpu.memref_squeeze %dma_wait3A_3404 : memref<1x!tpu.dma_semaphore, #tpu.memory_space<semaphore_mem>> -> memref<!tpu.dma_semaphore, #tpu.memory_space<semaphore_mem>>
      tpu.wait_indirect_dma semaphore(%dma_wait3A_3405 : memref<!tpu.dma_semaphore, #tpu.memory_space<semaphore_mem>>) src(%dma_wait3A_3403 : memref<32x128xf32, #tpu.memory_space<vmem_shared>>) dst(%dma_wait3A_3397 : memref<128x128xf32, #tpu.memory_space<vmem>>)
      %add3A_3406 = arith.constant 2 : i32
      %add3A_3407 = arith.addi %mul3A_2235, %add3A_3406 : i32
      %add3A_3408 = arith.addi %mul3A_2, %add3A_3407 : i32
      %mul3A_3409 = arith.constant 128 : i32
      %mul3A_3410 = arith.muli %add3A_3408, %mul3A_3409 : i32
      %dma_start3A_3411 = arith.constant 2 : i32
      %dma_start3A_3412 = arith.constant 2 : i32
      %dma_start3A_3413 = arith.constant 0 : i32
      %dma_start3A_3414 = arith.constant 0 : i32
      %dma_start3A_3415 = tpu.memref_slice %arg7[%dma_start3A_3411, %dma_start3A_3413, %dma_start3A_3414] : memref<6x128x128xf32, #tpu.memory_space<vmem>> -> memref<1x128x128xf32, #tpu.memory_space<vmem>>
      %dma_start3A_3416 = tpu.memref_squeeze %dma_start3A_3415 : memref<1x128x128xf32, #tpu.memory_space<vmem>> -> memref<128x128xf32, #tpu.memory_space<vmem>>
      %dma_start3A_3417 = arith.constant 0 : i32
      %dma_start3A_3418 = tpu.memref_slice %arg4[%mul3A_3410, %dma_start3A_3417] : memref<409600x128xf32, #tpu.memory_space<hbm>> -> memref<128x128xf32, #tpu.memory_space<hbm>>
      %dma_start3A_3419 = tpu.memref_slice %arg10[%dma_start3A_3412] : memref<6x!tpu.dma_semaphore, #tpu.memory_space<semaphore_mem>> -> memref<1x!tpu.dma_semaphore, #tpu.memory_space<semaphore_mem>>
      %dma_start3A_3420 = tpu.memref_squeeze %dma_start3A_3419 : memref<1x!tpu.dma_semaphore, #tpu.memory_space<semaphore_mem>> -> memref<!tpu.dma_semaphore, #tpu.memory_space<semaphore_mem>>
      %dma_start3A_3421 = arith.constant 0 : i32
      %dma_start3A_3422 = tpu.memref_slice %arg4[%mul3A_3410, %dma_start3A_3421] : memref<409600x128xf32, #tpu.memory_space<hbm>> -> memref<128x128xf32, #tpu.memory_space<hbm>>
      %dma_start3A_3423 = arith.constant 0 : i32
      %dma_start3A_3424 = arith.constant 0 : i32
      %dma_start3A_3425 = tpu.memref_slice %arg7[%dma_start3A_3411, %dma_start3A_3423, %dma_start3A_3424] : memref<6x128x128xf32, #tpu.memory_space<vmem>> -> memref<1x128x128xf32, #tpu.memory_space<vmem>>
      %dma_start3A_3426 = tpu.memref_squeeze %dma_start3A_3425 : memref<1x128x128xf32, #tpu.memory_space<vmem>> -> memref<128x128xf32, #tpu.memory_space<vmem>>
      tpu.enqueue_dma source(%dma_start3A_3426 : memref<128x128xf32, #tpu.memory_space<vmem>>) target(%dma_start3A_3422 : memref<128x128xf32, #tpu.memory_space<hbm>>) target_semaphore(%dma_start3A_3420 : memref<!tpu.dma_semaphore, #tpu.memory_space<semaphore_mem>>)
      %add3A_3427 = arith.constant 3 : i32
      %add3A_3428 = arith.addi %mul3A_2235, %add3A_3427 : i32
      %dma_wait3A_3429 = arith.constant 3 : i32
      %dma_wait3A_3430 = arith.constant 3 : i32
      %dma_wait3A_3431 = arith.constant 0 : i32
      %dma_wait3A_3432 = arith.constant 0 : i32
      %dma_wait3A_3433 = tpu.memref_slice %arg7[%dma_wait3A_3429, %dma_wait3A_3431, %dma_wait3A_3432] : memref<6x128x128xf32, #tpu.memory_space<vmem>> -> memref<1x128x128xf32, #tpu.memory_space<vmem>>
      %dma_wait3A_3434 = tpu.memref_squeeze %dma_wait3A_3433 : memref<1x128x128xf32, #tpu.memory_space<vmem>> -> memref<128x128xf32, #tpu.memory_space<vmem>>
      %dma_wait3A_3435 = arith.constant 0 : i32
      %dma_wait3A_3436 = tpu.memref_slice %arg6[%add3A_3428, %dma_wait3A_3435] : memref<100x128xi32, #tpu.memory_space<vmem>> -> memref<1x128xi32, #tpu.memory_space<vmem>>
      %dma_wait3A_3437 = tpu.memref_squeeze %dma_wait3A_3436 : memref<1x128xi32, #tpu.memory_space<vmem>> -> memref<128xi32, #tpu.memory_space<vmem>>
      %dma_wait3A_3438 = arith.constant 0 : i32
      %dma_wait3A_3439 = arith.constant 0 : i32
      %dma_wait3A_3440 = tpu.memref_slice %arg8[%dma_wait3A_3438, %dma_wait3A_3439] : memref<32x128xf32, #tpu.memory_space<vmem_shared>> -> memref<32x128xf32, #tpu.memory_space<vmem_shared>>
      %dma_wait3A_3441 = tpu.memref_slice %arg9[%dma_wait3A_3430] : memref<6x!tpu.dma_semaphore, #tpu.memory_space<semaphore_mem>> -> memref<1x!tpu.dma_semaphore, #tpu.memory_space<semaphore_mem>>
      %dma_wait3A_3442 = tpu.memref_squeeze %dma_wait3A_3441 : memref<1x!tpu.dma_semaphore, #tpu.memory_space<semaphore_mem>> -> memref<!tpu.dma_semaphore, #tpu.memory_space<semaphore_mem>>
      tpu.wait_indirect_dma semaphore(%dma_wait3A_3442 : memref<!tpu.dma_semaphore, #tpu.memory_space<semaphore_mem>>) src(%dma_wait3A_3440 : memref<32x128xf32, #tpu.memory_space<vmem_shared>>) dst(%dma_wait3A_3434 : memref<128x128xf32, #tpu.memory_space<vmem>>)
      %add3A_3443 = arith.constant 3 : i32
      %add3A_3444 = arith.addi %mul3A_2235, %add3A_3443 : i32
      %add3A_3445 = arith.addi %mul3A_2, %add3A_3444 : i32
      %mul3A_3446 = arith.constant 128 : i32
      %mul3A_3447 = arith.muli %add3A_3445, %mul3A_3446 : i32
      %dma_start3A_3448 = arith.constant 3 : i32
      %dma_start3A_3449 = arith.constant 3 : i32
      %dma_start3A_3450 = arith.constant 0 : i32
      %dma_start3A_3451 = arith.constant 0 : i32
      %dma_start3A_3452 = tpu.memref_slice %arg7[%dma_start3A_3448, %dma_start3A_3450, %dma_start3A_3451] : memref<6x128x128xf32, #tpu.memory_space<vmem>> -> memref<1x128x128xf32, #tpu.memory_space<vmem>>
      %dma_start3A_3453 = tpu.memref_squeeze %dma_start3A_3452 : memref<1x128x128xf32, #tpu.memory_space<vmem>> -> memref<128x128xf32, #tpu.memory_space<vmem>>
      %dma_start3A_3454 = arith.constant 0 : i32
      %dma_start3A_3455 = tpu.memref_slice %arg4[%mul3A_3447, %dma_start3A_3454] : memref<409600x128xf32, #tpu.memory_space<hbm>> -> memref<128x128xf32, #tpu.memory_space<hbm>>
      %dma_start3A_3456 = tpu.memref_slice %arg10[%dma_start3A_3449] : memref<6x!tpu.dma_semaphore, #tpu.memory_space<semaphore_mem>> -> memref<1x!tpu.dma_semaphore, #tpu.memory_space<semaphore_mem>>
      %dma_start3A_3457 = tpu.memref_squeeze %dma_start3A_3456 : memref<1x!tpu.dma_semaphore, #tpu.memory_space<semaphore_mem>> -> memref<!tpu.dma_semaphore, #tpu.memory_space<semaphore_mem>>
      %dma_start3A_3458 = arith.constant 0 : i32
      %dma_start3A_3459 = tpu.memref_slice %arg4[%mul3A_3447, %dma_start3A_3458] : memref<409600x128xf32, #tpu.memory_space<hbm>> -> memref<128x128xf32, #tpu.memory_space<hbm>>
      %dma_start3A_3460 = arith.constant 0 : i32
      %dma_start3A_3461 = arith.constant 0 : i32
      %dma_start3A_3462 = tpu.memref_slice %arg7[%dma_start3A_3448, %dma_start3A_3460, %dma_start3A_3461] : memref<6x128x128xf32, #tpu.memory_space<vmem>> -> memref<1x128x128xf32, #tpu.memory_space<vmem>>
      %dma_start3A_3463 = tpu.memref_squeeze %dma_start3A_3462 : memref<1x128x128xf32, #tpu.memory_space<vmem>> -> memref<128x128xf32, #tpu.memory_space<vmem>>
      tpu.enqueue_dma source(%dma_start3A_3463 : memref<128x128xf32, #tpu.memory_space<vmem>>) target(%dma_start3A_3459 : memref<128x128xf32, #tpu.memory_space<hbm>>) target_semaphore(%dma_start3A_3457 : memref<!tpu.dma_semaphore, #tpu.memory_space<semaphore_mem>>)
      %add3A_3464 = arith.constant 4 : i32
      %add3A_3465 = arith.addi %mul3A_2235, %add3A_3464 : i32
      %dma_wait3A_3466 = arith.constant 4 : i32
      %dma_wait3A_3467 = arith.constant 4 : i32
      %dma_wait3A_3468 = arith.constant 0 : i32
      %dma_wait3A_3469 = arith.constant 0 : i32
      %dma_wait3A_3470 = tpu.memref_slice %arg7[%dma_wait3A_3466, %dma_wait3A_3468, %dma_wait3A_3469] : memref<6x128x128xf32, #tpu.memory_space<vmem>> -> memref<1x128x128xf32, #tpu.memory_space<vmem>>
      %dma_wait3A_3471 = tpu.memref_squeeze %dma_wait3A_3470 : memref<1x128x128xf32, #tpu.memory_space<vmem>> -> memref<128x128xf32, #tpu.memory_space<vmem>>
      %dma_wait3A_3472 = arith.constant 0 : i32
      %dma_wait3A_3473 = tpu.memref_slice %arg6[%add3A_3465, %dma_wait3A_3472] : memref<100x128xi32, #tpu.memory_space<vmem>> -> memref<1x128xi32, #tpu.memory_space<vmem>>
      %dma_wait3A_3474 = tpu.memref_squeeze %dma_wait3A_3473 : memref<1x128xi32, #tpu.memory_space<vmem>> -> memref<128xi32, #tpu.memory_space<vmem>>
      %dma_wait3A_3475 = arith.constant 0 : i32
      %dma_wait3A_3476 = arith.constant 0 : i32
      %dma_wait3A_3477 = tpu.memref_slice %arg8[%dma_wait3A_3475, %dma_wait3A_3476] : memref<32x128xf32, #tpu.memory_space<vmem_shared>> -> memref<32x128xf32, #tpu.memory_space<vmem_shared>>
      %dma_wait3A_3478 = tpu.memref_slice %arg9[%dma_wait3A_3467] : memref<6x!tpu.dma_semaphore, #tpu.memory_space<semaphore_mem>> -> memref<1x!tpu.dma_semaphore, #tpu.memory_space<semaphore_mem>>
      %dma_wait3A_3479 = tpu.memref_squeeze %dma_wait3A_3478 : memref<1x!tpu.dma_semaphore, #tpu.memory_space<semaphore_mem>> -> memref<!tpu.dma_semaphore, #tpu.memory_space<semaphore_mem>>
      tpu.wait_indirect_dma semaphore(%dma_wait3A_3479 : memref<!tpu.dma_semaphore, #tpu.memory_space<semaphore_mem>>) src(%dma_wait3A_3477 : memref<32x128xf32, #tpu.memory_space<vmem_shared>>) dst(%dma_wait3A_3471 : memref<128x128xf32, #tpu.memory_space<vmem>>)
      %add3A_3480 = arith.constant 4 : i32
      %add3A_3481 = arith.addi %mul3A_2235, %add3A_3480 : i32
      %add3A_3482 = arith.addi %mul3A_2, %add3A_3481 : i32
      %mul3A_3483 = arith.constant 128 : i32
      %mul3A_3484 = arith.muli %add3A_3482, %mul3A_3483 : i32
      %dma_start3A_3485 = arith.constant 4 : i32
      %dma_start3A_3486 = arith.constant 4 : i32
      %dma_start3A_3487 = arith.constant 0 : i32
      %dma_start3A_3488 = arith.constant 0 : i32
      %dma_start3A_3489 = tpu.memref_slice %arg7[%dma_start3A_3485, %dma_start3A_3487, %dma_start3A_3488] : memref<6x128x128xf32, #tpu.memory_space<vmem>> -> memref<1x128x128xf32, #tpu.memory_space<vmem>>
      %dma_start3A_3490 = tpu.memref_squeeze %dma_start3A_3489 : memref<1x128x128xf32, #tpu.memory_space<vmem>> -> memref<128x128xf32, #tpu.memory_space<vmem>>
      %dma_start3A_3491 = arith.constant 0 : i32
      %dma_start3A_3492 = tpu.memref_slice %arg4[%mul3A_3484, %dma_start3A_3491] : memref<409600x128xf32, #tpu.memory_space<hbm>> -> memref<128x128xf32, #tpu.memory_space<hbm>>
      %dma_start3A_3493 = tpu.memref_slice %arg10[%dma_start3A_3486] : memref<6x!tpu.dma_semaphore, #tpu.memory_space<semaphore_mem>> -> memref<1x!tpu.dma_semaphore, #tpu.memory_space<semaphore_mem>>
      %dma_start3A_3494 = tpu.memref_squeeze %dma_start3A_3493 : memref<1x!tpu.dma_semaphore, #tpu.memory_space<semaphore_mem>> -> memref<!tpu.dma_semaphore, #tpu.memory_space<semaphore_mem>>
      %dma_start3A_3495 = arith.constant 0 : i32
      %dma_start3A_3496 = tpu.memref_slice %arg4[%mul3A_3484, %dma_start3A_3495] : memref<409600x128xf32, #tpu.memory_space<hbm>> -> memref<128x128xf32, #tpu.memory_space<hbm>>
      %dma_start3A_3497 = arith.constant 0 : i32
      %dma_start3A_3498 = arith.constant 0 : i32
      %dma_start3A_3499 = tpu.memref_slice %arg7[%dma_start3A_3485, %dma_start3A_3497, %dma_start3A_3498] : memref<6x128x128xf32, #tpu.memory_space<vmem>> -> memref<1x128x128xf32, #tpu.memory_space<vmem>>
      %dma_start3A_3500 = tpu.memref_squeeze %dma_start3A_3499 : memref<1x128x128xf32, #tpu.memory_space<vmem>> -> memref<128x128xf32, #tpu.memory_space<vmem>>
      tpu.enqueue_dma source(%dma_start3A_3500 : memref<128x128xf32, #tpu.memory_space<vmem>>) target(%dma_start3A_3496 : memref<128x128xf32, #tpu.memory_space<hbm>>) target_semaphore(%dma_start3A_3494 : memref<!tpu.dma_semaphore, #tpu.memory_space<semaphore_mem>>)
      %add3A_3501 = arith.constant 5 : i32
      %add3A_3502 = arith.addi %mul3A_2235, %add3A_3501 : i32
      %dma_wait3A_3503 = arith.constant 5 : i32
      %dma_wait3A_3504 = arith.constant 5 : i32
      %dma_wait3A_3505 = arith.constant 0 : i32
      %dma_wait3A_3506 = arith.constant 0 : i32
      %dma_wait3A_3507 = tpu.memref_slice %arg7[%dma_wait3A_3503, %dma_wait3A_3505, %dma_wait3A_3506] : memref<6x128x128xf32, #tpu.memory_space<vmem>> -> memref<1x128x128xf32, #tpu.memory_space<vmem>>
      %dma_wait3A_3508 = tpu.memref_squeeze %dma_wait3A_3507 : memref<1x128x128xf32, #tpu.memory_space<vmem>> -> memref<128x128xf32, #tpu.memory_space<vmem>>
      %dma_wait3A_3509 = arith.constant 0 : i32
      %dma_wait3A_3510 = tpu.memref_slice %arg6[%add3A_3502, %dma_wait3A_3509] : memref<100x128xi32, #tpu.memory_space<vmem>> -> memref<1x128xi32, #tpu.memory_space<vmem>>
      %dma_wait3A_3511 = tpu.memref_squeeze %dma_wait3A_3510 : memref<1x128xi32, #tpu.memory_space<vmem>> -> memref<128xi32, #tpu.memory_space<vmem>>
      %dma_wait3A_3512 = arith.constant 0 : i32
      %dma_wait3A_3513 = arith.constant 0 : i32
      %dma_wait3A_3514 = tpu.memref_slice %arg8[%dma_wait3A_3512, %dma_wait3A_3513] : memref<32x128xf32, #tpu.memory_space<vmem_shared>> -> memref<32x128xf32, #tpu.memory_space<vmem_shared>>
      %dma_wait3A_3515 = tpu.memref_slice %arg9[%dma_wait3A_3504] : memref<6x!tpu.dma_semaphore, #tpu.memory_space<semaphore_mem>> -> memref<1x!tpu.dma_semaphore, #tpu.memory_space<semaphore_mem>>
      %dma_wait3A_3516 = tpu.memref_squeeze %dma_wait3A_3515 : memref<1x!tpu.dma_semaphore, #tpu.memory_space<semaphore_mem>> -> memref<!tpu.dma_semaphore, #tpu.memory_space<semaphore_mem>>
      tpu.wait_indirect_dma semaphore(%dma_wait3A_3516 : memref<!tpu.dma_semaphore, #tpu.memory_space<semaphore_mem>>) src(%dma_wait3A_3514 : memref<32x128xf32, #tpu.memory_space<vmem_shared>>) dst(%dma_wait3A_3508 : memref<128x128xf32, #tpu.memory_space<vmem>>)
      %add3A_3517 = arith.constant 5 : i32
      %add3A_3518 = arith.addi %mul3A_2235, %add3A_3517 : i32
      %add3A_3519 = arith.addi %mul3A_2, %add3A_3518 : i32
      %mul3A_3520 = arith.constant 128 : i32
      %mul3A_3521 = arith.muli %add3A_3519, %mul3A_3520 : i32
      %dma_start3A_3522 = arith.constant 5 : i32
      %dma_start3A_3523 = arith.constant 5 : i32
      %dma_start3A_3524 = arith.constant 0 : i32
      %dma_start3A_3525 = arith.constant 0 : i32
      %dma_start3A_3526 = tpu.memref_slice %arg7[%dma_start3A_3522, %dma_start3A_3524, %dma_start3A_3525] : memref<6x128x128xf32, #tpu.memory_space<vmem>> -> memref<1x128x128xf32, #tpu.memory_space<vmem>>
      %dma_start3A_3527 = tpu.memref_squeeze %dma_start3A_3526 : memref<1x128x128xf32, #tpu.memory_space<vmem>> -> memref<128x128xf32, #tpu.memory_space<vmem>>
      %dma_start3A_3528 = arith.constant 0 : i32
      %dma_start3A_3529 = tpu.memref_slice %arg4[%mul3A_3521, %dma_start3A_3528] : memref<409600x128xf32, #tpu.memory_space<hbm>> -> memref<128x128xf32, #tpu.memory_space<hbm>>
      %dma_start3A_3530 = tpu.memref_slice %arg10[%dma_start3A_3523] : memref<6x!tpu.dma_semaphore, #tpu.memory_space<semaphore_mem>> -> memref<1x!tpu.dma_semaphore, #tpu.memory_space<semaphore_mem>>
      %dma_start3A_3531 = tpu.memref_squeeze %dma_start3A_3530 : memref<1x!tpu.dma_semaphore, #tpu.memory_space<semaphore_mem>> -> memref<!tpu.dma_semaphore, #tpu.memory_space<semaphore_mem>>
      %dma_start3A_3532 = arith.constant 0 : i32
      %dma_start3A_3533 = tpu.memref_slice %arg4[%mul3A_3521, %dma_start3A_3532] : memref<409600x128xf32, #tpu.memory_space<hbm>> -> memref<128x128xf32, #tpu.memory_space<hbm>>
      %dma_start3A_3534 = arith.constant 0 : i32
      %dma_start3A_3535 = arith.constant 0 : i32
      %dma_start3A_3536 = tpu.memref_slice %arg7[%dma_start3A_3522, %dma_start3A_3534, %dma_start3A_3535] : memref<6x128x128xf32, #tpu.memory_space<vmem>> -> memref<1x128x128xf32, #tpu.memory_space<vmem>>
      %dma_start3A_3537 = tpu.memref_squeeze %dma_start3A_3536 : memref<1x128x128xf32, #tpu.memory_space<vmem>> -> memref<128x128xf32, #tpu.memory_space<vmem>>
      tpu.enqueue_dma source(%dma_start3A_3537 : memref<128x128xf32, #tpu.memory_space<vmem>>) target(%dma_start3A_3533 : memref<128x128xf32, #tpu.memory_space<hbm>>) target_semaphore(%dma_start3A_3531 : memref<!tpu.dma_semaphore, #tpu.memory_space<semaphore_mem>>)
      %add3A_3538 = arith.constant 0 : i32
      %add3A_3539 = arith.addi %mul3A_2235, %add3A_3538 : i32
      %add3A_3540 = arith.addi %mul3A_2, %add3A_3539 : i32
      %mul3A_3541 = arith.constant 128 : i32
      %mul3A_3542 = arith.muli %add3A_3540, %mul3A_3541 : i32
      %dma_wait3A_3543 = arith.constant 0 : i32
      %dma_wait3A_3544 = arith.constant 0 : i32
      %dma_wait3A_3545 = arith.constant 0 : i32
      %dma_wait3A_3546 = arith.constant 0 : i32
      %dma_wait3A_3547 = tpu.memref_slice %arg7[%dma_wait3A_3543, %dma_wait3A_3545, %dma_wait3A_3546] : memref<6x128x128xf32, #tpu.memory_space<vmem>> -> memref<1x128x128xf32, #tpu.memory_space<vmem>>
      %dma_wait3A_3548 = tpu.memref_squeeze %dma_wait3A_3547 : memref<1x128x128xf32, #tpu.memory_space<vmem>> -> memref<128x128xf32, #tpu.memory_space<vmem>>
      %dma_wait3A_3549 = arith.constant 0 : i32
      %dma_wait3A_3550 = tpu.memref_slice %arg4[%mul3A_3542, %dma_wait3A_3549] : memref<409600x128xf32, #tpu.memory_space<hbm>> -> memref<128x128xf32, #tpu.memory_space<hbm>>
      %dma_wait3A_3551 = tpu.memref_slice %arg10[%dma_wait3A_3544] : memref<6x!tpu.dma_semaphore, #tpu.memory_space<semaphore_mem>> -> memref<1x!tpu.dma_semaphore, #tpu.memory_space<semaphore_mem>>
      %dma_wait3A_3552 = tpu.memref_squeeze %dma_wait3A_3551 : memref<1x!tpu.dma_semaphore, #tpu.memory_space<semaphore_mem>> -> memref<!tpu.dma_semaphore, #tpu.memory_space<semaphore_mem>>
      %dma_wait3A_3553 = arith.constant 0 : i32
      %dma_wait3A_3554 = tpu.memref_slice %arg4[%mul3A_3542, %dma_wait3A_3553] : memref<409600x128xf32, #tpu.memory_space<hbm>> -> memref<128x128xf32, #tpu.memory_space<hbm>>
      %dma_wait3A_3555 = arith.constant 0 : i32
      %dma_wait3A_3556 = arith.constant 0 : i32
      %dma_wait3A_3557 = tpu.memref_slice %arg7[%dma_wait3A_3543, %dma_wait3A_3555, %dma_wait3A_3556] : memref<6x128x128xf32, #tpu.memory_space<vmem>> -> memref<1x128x128xf32, #tpu.memory_space<vmem>>
      %dma_wait3A_3558 = tpu.memref_squeeze %dma_wait3A_3557 : memref<1x128x128xf32, #tpu.memory_space<vmem>> -> memref<128x128xf32, #tpu.memory_space<vmem>>
      tpu.wait_dma2 semaphore(%dma_wait3A_3552 : memref<!tpu.dma_semaphore, #tpu.memory_space<semaphore_mem>>) src(%dma_wait3A_3558 : memref<128x128xf32, #tpu.memory_space<vmem>>) dst(%dma_wait3A_3554 : memref<128x128xf32, #tpu.memory_space<hbm>>)
      %add3A_3559 = arith.constant 6 : i32
      %add3A_3560 = arith.addi %mul3A_2235, %add3A_3559 : i32
      %add3A_3561 = arith.constant 0 : i32
      %add3A_3562 = arith.addi %add3A_3560, %add3A_3561 : i32
      %dma_start3A_3563 = arith.constant 0 : i32
      %dma_start3A_3564 = arith.constant 0 : i32
      %dma_start3A_3565 = arith.constant 0 : i32
      %dma_start3A_3566 = arith.constant 0 : i32
      %dma_start3A_3567 = tpu.memref_slice %arg7[%dma_start3A_3563, %dma_start3A_3565, %dma_start3A_3566] : memref<6x128x128xf32, #tpu.memory_space<vmem>> -> memref<1x128x128xf32, #tpu.memory_space<vmem>>
      %dma_start3A_3568 = tpu.memref_squeeze %dma_start3A_3567 : memref<1x128x128xf32, #tpu.memory_space<vmem>> -> memref<128x128xf32, #tpu.memory_space<vmem>>
      %dma_start3A_3569 = arith.constant 0 : i32
      %dma_start3A_3570 = tpu.memref_slice %arg6[%add3A_3562, %dma_start3A_3569] : memref<100x128xi32, #tpu.memory_space<vmem>> -> memref<1x128xi32, #tpu.memory_space<vmem>>
      %dma_start3A_3571 = tpu.memref_squeeze %dma_start3A_3570 : memref<1x128xi32, #tpu.memory_space<vmem>> -> memref<128xi32, #tpu.memory_space<vmem>>
      %dma_start3A_3572 = arith.constant 0 : i32
      %dma_start3A_3573 = arith.constant 0 : i32
      %dma_start3A_3574 = tpu.memref_slice %arg8[%dma_start3A_3572, %dma_start3A_3573] : memref<32x128xf32, #tpu.memory_space<vmem_shared>> -> memref<32x128xf32, #tpu.memory_space<vmem_shared>>
      %dma_start3A_3575 = tpu.memref_slice %arg9[%dma_start3A_3564] : memref<6x!tpu.dma_semaphore, #tpu.memory_space<semaphore_mem>> -> memref<1x!tpu.dma_semaphore, #tpu.memory_space<semaphore_mem>>
      %dma_start3A_3576 = tpu.memref_squeeze %dma_start3A_3575 : memref<1x!tpu.dma_semaphore, #tpu.memory_space<semaphore_mem>> -> memref<!tpu.dma_semaphore, #tpu.memory_space<semaphore_mem>>
      tpu.enqueue_indirect_dma source(%dma_start3A_3574 : memref<32x128xf32, #tpu.memory_space<vmem_shared>>) target(%dma_start3A_3568 : memref<128x128xf32, #tpu.memory_space<vmem>>) offsets(%dma_start3A_3571 : memref<128xi32, #tpu.memory_space<vmem>>) semaphore(%dma_start3A_3576 : memref<!tpu.dma_semaphore, #tpu.memory_space<semaphore_mem>>)
      %add3A_3577 = arith.constant 1 : i32
      %add3A_3578 = arith.addi %mul3A_2235, %add3A_3577 : i32
      %add3A_3579 = arith.addi %mul3A_2, %add3A_3578 : i32
      %mul3A_3580 = arith.constant 128 : i32
      %mul3A_3581 = arith.muli %add3A_3579, %mul3A_3580 : i32
      %dma_wait3A_3582 = arith.constant 1 : i32
      %dma_wait3A_3583 = arith.constant 1 : i32
      %dma_wait3A_3584 = arith.constant 0 : i32
      %dma_wait3A_3585 = arith.constant 0 : i32
      %dma_wait3A_3586 = tpu.memref_slice %arg7[%dma_wait3A_3582, %dma_wait3A_3584, %dma_wait3A_3585] : memref<6x128x128xf32, #tpu.memory_space<vmem>> -> memref<1x128x128xf32, #tpu.memory_space<vmem>>
      %dma_wait3A_3587 = tpu.memref_squeeze %dma_wait3A_3586 : memref<1x128x128xf32, #tpu.memory_space<vmem>> -> memref<128x128xf32, #tpu.memory_space<vmem>>
      %dma_wait3A_3588 = arith.constant 0 : i32
      %dma_wait3A_3589 = tpu.memref_slice %arg4[%mul3A_3581, %dma_wait3A_3588] : memref<409600x128xf32, #tpu.memory_space<hbm>> -> memref<128x128xf32, #tpu.memory_space<hbm>>
      %dma_wait3A_3590 = tpu.memref_slice %arg10[%dma_wait3A_3583] : memref<6x!tpu.dma_semaphore, #tpu.memory_space<semaphore_mem>> -> memref<1x!tpu.dma_semaphore, #tpu.memory_space<semaphore_mem>>
      %dma_wait3A_3591 = tpu.memref_squeeze %dma_wait3A_3590 : memref<1x!tpu.dma_semaphore, #tpu.memory_space<semaphore_mem>> -> memref<!tpu.dma_semaphore, #tpu.memory_space<semaphore_mem>>
      %dma_wait3A_3592 = arith.constant 0 : i32
      %dma_wait3A_3593 = tpu.memref_slice %arg4[%mul3A_3581, %dma_wait3A_3592] : memref<409600x128xf32, #tpu.memory_space<hbm>> -> memref<128x128xf32, #tpu.memory_space<hbm>>
      %dma_wait3A_3594 = arith.constant 0 : i32
      %dma_wait3A_3595 = arith.constant 0 : i32
      %dma_wait3A_3596 = tpu.memref_slice %arg7[%dma_wait3A_3582, %dma_wait3A_3594, %dma_wait3A_3595] : memref<6x128x128xf32, #tpu.memory_space<vmem>> -> memref<1x128x128xf32, #tpu.memory_space<vmem>>
      %dma_wait3A_3597 = tpu.memref_squeeze %dma_wait3A_3596 : memref<1x128x128xf32, #tpu.memory_space<vmem>> -> memref<128x128xf32, #tpu.memory_space<vmem>>
      tpu.wait_dma2 semaphore(%dma_wait3A_3591 : memref<!tpu.dma_semaphore, #tpu.memory_space<semaphore_mem>>) src(%dma_wait3A_3597 : memref<128x128xf32, #tpu.memory_space<vmem>>) dst(%dma_wait3A_3593 : memref<128x128xf32, #tpu.memory_space<hbm>>)
      %add3A_3598 = arith.constant 6 : i32
      %add3A_3599 = arith.addi %mul3A_2235, %add3A_3598 : i32
      %add3A_3600 = arith.constant 1 : i32
      %add3A_3601 = arith.addi %add3A_3599, %add3A_3600 : i32
      %dma_start3A_3602 = arith.constant 1 : i32
      %dma_start3A_3603 = arith.constant 1 : i32
      %dma_start3A_3604 = arith.constant 0 : i32
      %dma_start3A_3605 = arith.constant 0 : i32
      %dma_start3A_3606 = tpu.memref_slice %arg7[%dma_start3A_3602, %dma_start3A_3604, %dma_start3A_3605] : memref<6x128x128xf32, #tpu.memory_space<vmem>> -> memref<1x128x128xf32, #tpu.memory_space<vmem>>
      %dma_start3A_3607 = tpu.memref_squeeze %dma_start3A_3606 : memref<1x128x128xf32, #tpu.memory_space<vmem>> -> memref<128x128xf32, #tpu.memory_space<vmem>>
      %dma_start3A_3608 = arith.constant 0 : i32
      %dma_start3A_3609 = tpu.memref_slice %arg6[%add3A_3601, %dma_start3A_3608] : memref<100x128xi32, #tpu.memory_space<vmem>> -> memref<1x128xi32, #tpu.memory_space<vmem>>
      %dma_start3A_3610 = tpu.memref_squeeze %dma_start3A_3609 : memref<1x128xi32, #tpu.memory_space<vmem>> -> memref<128xi32, #tpu.memory_space<vmem>>
      %dma_start3A_3611 = arith.constant 0 : i32
      %dma_start3A_3612 = arith.constant 0 : i32
      %dma_start3A_3613 = tpu.memref_slice %arg8[%dma_start3A_3611, %dma_start3A_3612] : memref<32x128xf32, #tpu.memory_space<vmem_shared>> -> memref<32x128xf32, #tpu.memory_space<vmem_shared>>
      %dma_start3A_3614 = tpu.memref_slice %arg9[%dma_start3A_3603] : memref<6x!tpu.dma_semaphore, #tpu.memory_space<semaphore_mem>> -> memref<1x!tpu.dma_semaphore, #tpu.memory_space<semaphore_mem>>
      %dma_start3A_3615 = tpu.memref_squeeze %dma_start3A_3614 : memref<1x!tpu.dma_semaphore, #tpu.memory_space<semaphore_mem>> -> memref<!tpu.dma_semaphore, #tpu.memory_space<semaphore_mem>>
      tpu.enqueue_indirect_dma source(%dma_start3A_3613 : memref<32x128xf32, #tpu.memory_space<vmem_shared>>) target(%dma_start3A_3607 : memref<128x128xf32, #tpu.memory_space<vmem>>) offsets(%dma_start3A_3610 : memref<128xi32, #tpu.memory_space<vmem>>) semaphore(%dma_start3A_3615 : memref<!tpu.dma_semaphore, #tpu.memory_space<semaphore_mem>>)
      %add3A_3616 = arith.constant 2 : i32
      %add3A_3617 = arith.addi %mul3A_2235, %add3A_3616 : i32
      %add3A_3618 = arith.addi %mul3A_2, %add3A_3617 : i32
      %mul3A_3619 = arith.constant 128 : i32
      %mul3A_3620 = arith.muli %add3A_3618, %mul3A_3619 : i32
      %dma_wait3A_3621 = arith.constant 2 : i32
      %dma_wait3A_3622 = arith.constant 2 : i32
      %dma_wait3A_3623 = arith.constant 0 : i32
      %dma_wait3A_3624 = arith.constant 0 : i32
      %dma_wait3A_3625 = tpu.memref_slice %arg7[%dma_wait3A_3621, %dma_wait3A_3623, %dma_wait3A_3624] : memref<6x128x128xf32, #tpu.memory_space<vmem>> -> memref<1x128x128xf32, #tpu.memory_space<vmem>>
      %dma_wait3A_3626 = tpu.memref_squeeze %dma_wait3A_3625 : memref<1x128x128xf32, #tpu.memory_space<vmem>> -> memref<128x128xf32, #tpu.memory_space<vmem>>
      %dma_wait3A_3627 = arith.constant 0 : i32
      %dma_wait3A_3628 = tpu.memref_slice %arg4[%mul3A_3620, %dma_wait3A_3627] : memref<409600x128xf32, #tpu.memory_space<hbm>> -> memref<128x128xf32, #tpu.memory_space<hbm>>
      %dma_wait3A_3629 = tpu.memref_slice %arg10[%dma_wait3A_3622] : memref<6x!tpu.dma_semaphore, #tpu.memory_space<semaphore_mem>> -> memref<1x!tpu.dma_semaphore, #tpu.memory_space<semaphore_mem>>
      %dma_wait3A_3630 = tpu.memref_squeeze %dma_wait3A_3629 : memref<1x!tpu.dma_semaphore, #tpu.memory_space<semaphore_mem>> -> memref<!tpu.dma_semaphore, #tpu.memory_space<semaphore_mem>>
      %dma_wait3A_3631 = arith.constant 0 : i32
      %dma_wait3A_3632 = tpu.memref_slice %arg4[%mul3A_3620, %dma_wait3A_3631] : memref<409600x128xf32, #tpu.memory_space<hbm>> -> memref<128x128xf32, #tpu.memory_space<hbm>>
      %dma_wait3A_3633 = arith.constant 0 : i32
      %dma_wait3A_3634 = arith.constant 0 : i32
      %dma_wait3A_3635 = tpu.memref_slice %arg7[%dma_wait3A_3621, %dma_wait3A_3633, %dma_wait3A_3634] : memref<6x128x128xf32, #tpu.memory_space<vmem>> -> memref<1x128x128xf32, #tpu.memory_space<vmem>>
      %dma_wait3A_3636 = tpu.memref_squeeze %dma_wait3A_3635 : memref<1x128x128xf32, #tpu.memory_space<vmem>> -> memref<128x128xf32, #tpu.memory_space<vmem>>
      tpu.wait_dma2 semaphore(%dma_wait3A_3630 : memref<!tpu.dma_semaphore, #tpu.memory_space<semaphore_mem>>) src(%dma_wait3A_3636 : memref<128x128xf32, #tpu.memory_space<vmem>>) dst(%dma_wait3A_3632 : memref<128x128xf32, #tpu.memory_space<hbm>>)
      %add3A_3637 = arith.constant 6 : i32
      %add3A_3638 = arith.addi %mul3A_2235, %add3A_3637 : i32
      %add3A_3639 = arith.constant 2 : i32
      %add3A_3640 = arith.addi %add3A_3638, %add3A_3639 : i32
      %dma_start3A_3641 = arith.constant 2 : i32
      %dma_start3A_3642 = arith.constant 2 : i32
      %dma_start3A_3643 = arith.constant 0 : i32
      %dma_start3A_3644 = arith.constant 0 : i32
      %dma_start3A_3645 = tpu.memref_slice %arg7[%dma_start3A_3641, %dma_start3A_3643, %dma_start3A_3644] : memref<6x128x128xf32, #tpu.memory_space<vmem>> -> memref<1x128x128xf32, #tpu.memory_space<vmem>>
      %dma_start3A_3646 = tpu.memref_squeeze %dma_start3A_3645 : memref<1x128x128xf32, #tpu.memory_space<vmem>> -> memref<128x128xf32, #tpu.memory_space<vmem>>
      %dma_start3A_3647 = arith.constant 0 : i32
      %dma_start3A_3648 = tpu.memref_slice %arg6[%add3A_3640, %dma_start3A_3647] : memref<100x128xi32, #tpu.memory_space<vmem>> -> memref<1x128xi32, #tpu.memory_space<vmem>>
      %dma_start3A_3649 = tpu.memref_squeeze %dma_start3A_3648 : memref<1x128xi32, #tpu.memory_space<vmem>> -> memref<128xi32, #tpu.memory_space<vmem>>
      %dma_start3A_3650 = arith.constant 0 : i32
      %dma_start3A_3651 = arith.constant 0 : i32
      %dma_start3A_3652 = tpu.memref_slice %arg8[%dma_start3A_3650, %dma_start3A_3651] : memref<32x128xf32, #tpu.memory_space<vmem_shared>> -> memref<32x128xf32, #tpu.memory_space<vmem_shared>>
      %dma_start3A_3653 = tpu.memref_slice %arg9[%dma_start3A_3642] : memref<6x!tpu.dma_semaphore, #tpu.memory_space<semaphore_mem>> -> memref<1x!tpu.dma_semaphore, #tpu.memory_space<semaphore_mem>>
      %dma_start3A_3654 = tpu.memref_squeeze %dma_start3A_3653 : memref<1x!tpu.dma_semaphore, #tpu.memory_space<semaphore_mem>> -> memref<!tpu.dma_semaphore, #tpu.memory_space<semaphore_mem>>
      tpu.enqueue_indirect_dma source(%dma_start3A_3652 : memref<32x128xf32, #tpu.memory_space<vmem_shared>>) target(%dma_start3A_3646 : memref<128x128xf32, #tpu.memory_space<vmem>>) offsets(%dma_start3A_3649 : memref<128xi32, #tpu.memory_space<vmem>>) semaphore(%dma_start3A_3654 : memref<!tpu.dma_semaphore, #tpu.memory_space<semaphore_mem>>)
      %add3A_3655 = arith.constant 3 : i32
      %add3A_3656 = arith.addi %mul3A_2235, %add3A_3655 : i32
      %add3A_3657 = arith.addi %mul3A_2, %add3A_3656 : i32
      %mul3A_3658 = arith.constant 128 : i32
      %mul3A_3659 = arith.muli %add3A_3657, %mul3A_3658 : i32
      %dma_wait3A_3660 = arith.constant 3 : i32
      %dma_wait3A_3661 = arith.constant 3 : i32
      %dma_wait3A_3662 = arith.constant 0 : i32
      %dma_wait3A_3663 = arith.constant 0 : i32
      %dma_wait3A_3664 = tpu.memref_slice %arg7[%dma_wait3A_3660, %dma_wait3A_3662, %dma_wait3A_3663] : memref<6x128x128xf32, #tpu.memory_space<vmem>> -> memref<1x128x128xf32, #tpu.memory_space<vmem>>
      %dma_wait3A_3665 = tpu.memref_squeeze %dma_wait3A_3664 : memref<1x128x128xf32, #tpu.memory_space<vmem>> -> memref<128x128xf32, #tpu.memory_space<vmem>>
      %dma_wait3A_3666 = arith.constant 0 : i32
      %dma_wait3A_3667 = tpu.memref_slice %arg4[%mul3A_3659, %dma_wait3A_3666] : memref<409600x128xf32, #tpu.memory_space<hbm>> -> memref<128x128xf32, #tpu.memory_space<hbm>>
      %dma_wait3A_3668 = tpu.memref_slice %arg10[%dma_wait3A_3661] : memref<6x!tpu.dma_semaphore, #tpu.memory_space<semaphore_mem>> -> memref<1x!tpu.dma_semaphore, #tpu.memory_space<semaphore_mem>>
      %dma_wait3A_3669 = tpu.memref_squeeze %dma_wait3A_3668 : memref<1x!tpu.dma_semaphore, #tpu.memory_space<semaphore_mem>> -> memref<!tpu.dma_semaphore, #tpu.memory_space<semaphore_mem>>
      %dma_wait3A_3670 = arith.constant 0 : i32
      %dma_wait3A_3671 = tpu.memref_slice %arg4[%mul3A_3659, %dma_wait3A_3670] : memref<409600x128xf32, #tpu.memory_space<hbm>> -> memref<128x128xf32, #tpu.memory_space<hbm>>
      %dma_wait3A_3672 = arith.constant 0 : i32
      %dma_wait3A_3673 = arith.constant 0 : i32
      %dma_wait3A_3674 = tpu.memref_slice %arg7[%dma_wait3A_3660, %dma_wait3A_3672, %dma_wait3A_3673] : memref<6x128x128xf32, #tpu.memory_space<vmem>> -> memref<1x128x128xf32, #tpu.memory_space<vmem>>
      %dma_wait3A_3675 = tpu.memref_squeeze %dma_wait3A_3674 : memref<1x128x128xf32, #tpu.memory_space<vmem>> -> memref<128x128xf32, #tpu.memory_space<vmem>>
      tpu.wait_dma2 semaphore(%dma_wait3A_3669 : memref<!tpu.dma_semaphore, #tpu.memory_space<semaphore_mem>>) src(%dma_wait3A_3675 : memref<128x128xf32, #tpu.memory_space<vmem>>) dst(%dma_wait3A_3671 : memref<128x128xf32, #tpu.memory_space<hbm>>)
      %add3A_3676 = arith.constant 6 : i32
      %add3A_3677 = arith.addi %mul3A_2235, %add3A_3676 : i32
      %add3A_3678 = arith.constant 3 : i32
      %add3A_3679 = arith.addi %add3A_3677, %add3A_3678 : i32
      %dma_start3A_3680 = arith.constant 3 : i32
      %dma_start3A_3681 = arith.constant 3 : i32
      %dma_start3A_3682 = arith.constant 0 : i32
      %dma_start3A_3683 = arith.constant 0 : i32
      %dma_start3A_3684 = tpu.memref_slice %arg7[%dma_start3A_3680, %dma_start3A_3682, %dma_start3A_3683] : memref<6x128x128xf32, #tpu.memory_space<vmem>> -> memref<1x128x128xf32, #tpu.memory_space<vmem>>
      %dma_start3A_3685 = tpu.memref_squeeze %dma_start3A_3684 : memref<1x128x128xf32, #tpu.memory_space<vmem>> -> memref<128x128xf32, #tpu.memory_space<vmem>>
      %dma_start3A_3686 = arith.constant 0 : i32
      %dma_start3A_3687 = tpu.memref_slice %arg6[%add3A_3679, %dma_start3A_3686] : memref<100x128xi32, #tpu.memory_space<vmem>> -> memref<1x128xi32, #tpu.memory_space<vmem>>
      %dma_start3A_3688 = tpu.memref_squeeze %dma_start3A_3687 : memref<1x128xi32, #tpu.memory_space<vmem>> -> memref<128xi32, #tpu.memory_space<vmem>>
      %dma_start3A_3689 = arith.constant 0 : i32
      %dma_start3A_3690 = arith.constant 0 : i32
      %dma_start3A_3691 = tpu.memref_slice %arg8[%dma_start3A_3689, %dma_start3A_3690] : memref<32x128xf32, #tpu.memory_space<vmem_shared>> -> memref<32x128xf32, #tpu.memory_space<vmem_shared>>
      %dma_start3A_3692 = tpu.memref_slice %arg9[%dma_start3A_3681] : memref<6x!tpu.dma_semaphore, #tpu.memory_space<semaphore_mem>> -> memref<1x!tpu.dma_semaphore, #tpu.memory_space<semaphore_mem>>
      %dma_start3A_3693 = tpu.memref_squeeze %dma_start3A_3692 : memref<1x!tpu.dma_semaphore, #tpu.memory_space<semaphore_mem>> -> memref<!tpu.dma_semaphore, #tpu.memory_space<semaphore_mem>>
      tpu.enqueue_indirect_dma source(%dma_start3A_3691 : memref<32x128xf32, #tpu.memory_space<vmem_shared>>) target(%dma_start3A_3685 : memref<128x128xf32, #tpu.memory_space<vmem>>) offsets(%dma_start3A_3688 : memref<128xi32, #tpu.memory_space<vmem>>) semaphore(%dma_start3A_3693 : memref<!tpu.dma_semaphore, #tpu.memory_space<semaphore_mem>>)
      %add3A_3694 = arith.constant 4 : i32
      %add3A_3695 = arith.addi %mul3A_2235, %add3A_3694 : i32
      %add3A_3696 = arith.addi %mul3A_2, %add3A_3695 : i32
      %mul3A_3697 = arith.constant 128 : i32
      %mul3A_3698 = arith.muli %add3A_3696, %mul3A_3697 : i32
      %dma_wait3A_3699 = arith.constant 4 : i32
      %dma_wait3A_3700 = arith.constant 4 : i32
      %dma_wait3A_3701 = arith.constant 0 : i32
      %dma_wait3A_3702 = arith.constant 0 : i32
      %dma_wait3A_3703 = tpu.memref_slice %arg7[%dma_wait3A_3699, %dma_wait3A_3701, %dma_wait3A_3702] : memref<6x128x128xf32, #tpu.memory_space<vmem>> -> memref<1x128x128xf32, #tpu.memory_space<vmem>>
      %dma_wait3A_3704 = tpu.memref_squeeze %dma_wait3A_3703 : memref<1x128x128xf32, #tpu.memory_space<vmem>> -> memref<128x128xf32, #tpu.memory_space<vmem>>
      %dma_wait3A_3705 = arith.constant 0 : i32
      %dma_wait3A_3706 = tpu.memref_slice %arg4[%mul3A_3698, %dma_wait3A_3705] : memref<409600x128xf32, #tpu.memory_space<hbm>> -> memref<128x128xf32, #tpu.memory_space<hbm>>
      %dma_wait3A_3707 = tpu.memref_slice %arg10[%dma_wait3A_3700] : memref<6x!tpu.dma_semaphore, #tpu.memory_space<semaphore_mem>> -> memref<1x!tpu.dma_semaphore, #tpu.memory_space<semaphore_mem>>
      %dma_wait3A_3708 = tpu.memref_squeeze %dma_wait3A_3707 : memref<1x!tpu.dma_semaphore, #tpu.memory_space<semaphore_mem>> -> memref<!tpu.dma_semaphore, #tpu.memory_space<semaphore_mem>>
      %dma_wait3A_3709 = arith.constant 0 : i32
      %dma_wait3A_3710 = tpu.memref_slice %arg4[%mul3A_3698, %dma_wait3A_3709] : memref<409600x128xf32, #tpu.memory_space<hbm>> -> memref<128x128xf32, #tpu.memory_space<hbm>>
      %dma_wait3A_3711 = arith.constant 0 : i32
      %dma_wait3A_3712 = arith.constant 0 : i32
      %dma_wait3A_3713 = tpu.memref_slice %arg7[%dma_wait3A_3699, %dma_wait3A_3711, %dma_wait3A_3712] : memref<6x128x128xf32, #tpu.memory_space<vmem>> -> memref<1x128x128xf32, #tpu.memory_space<vmem>>
      %dma_wait3A_3714 = tpu.memref_squeeze %dma_wait3A_3713 : memref<1x128x128xf32, #tpu.memory_space<vmem>> -> memref<128x128xf32, #tpu.memory_space<vmem>>
      tpu.wait_dma2 semaphore(%dma_wait3A_3708 : memref<!tpu.dma_semaphore, #tpu.memory_space<semaphore_mem>>) src(%dma_wait3A_3714 : memref<128x128xf32, #tpu.memory_space<vmem>>) dst(%dma_wait3A_3710 : memref<128x128xf32, #tpu.memory_space<hbm>>)
      %add3A_3715 = arith.constant 6 : i32
      %add3A_3716 = arith.addi %mul3A_2235, %add3A_3715 : i32
      %add3A_3717 = arith.constant 4 : i32
      %add3A_3718 = arith.addi %add3A_3716, %add3A_3717 : i32
      %dma_start3A_3719 = arith.constant 4 : i32
      %dma_start3A_3720 = arith.constant 4 : i32
      %dma_start3A_3721 = arith.constant 0 : i32
      %dma_start3A_3722 = arith.constant 0 : i32
      %dma_start3A_3723 = tpu.memref_slice %arg7[%dma_start3A_3719, %dma_start3A_3721, %dma_start3A_3722] : memref<6x128x128xf32, #tpu.memory_space<vmem>> -> memref<1x128x128xf32, #tpu.memory_space<vmem>>
      %dma_start3A_3724 = tpu.memref_squeeze %dma_start3A_3723 : memref<1x128x128xf32, #tpu.memory_space<vmem>> -> memref<128x128xf32, #tpu.memory_space<vmem>>
      %dma_start3A_3725 = arith.constant 0 : i32
      %dma_start3A_3726 = tpu.memref_slice %arg6[%add3A_3718, %dma_start3A_3725] : memref<100x128xi32, #tpu.memory_space<vmem>> -> memref<1x128xi32, #tpu.memory_space<vmem>>
      %dma_start3A_3727 = tpu.memref_squeeze %dma_start3A_3726 : memref<1x128xi32, #tpu.memory_space<vmem>> -> memref<128xi32, #tpu.memory_space<vmem>>
      %dma_start3A_3728 = arith.constant 0 : i32
      %dma_start3A_3729 = arith.constant 0 : i32
      %dma_start3A_3730 = tpu.memref_slice %arg8[%dma_start3A_3728, %dma_start3A_3729] : memref<32x128xf32, #tpu.memory_space<vmem_shared>> -> memref<32x128xf32, #tpu.memory_space<vmem_shared>>
      %dma_start3A_3731 = tpu.memref_slice %arg9[%dma_start3A_3720] : memref<6x!tpu.dma_semaphore, #tpu.memory_space<semaphore_mem>> -> memref<1x!tpu.dma_semaphore, #tpu.memory_space<semaphore_mem>>
      %dma_start3A_3732 = tpu.memref_squeeze %dma_start3A_3731 : memref<1x!tpu.dma_semaphore, #tpu.memory_space<semaphore_mem>> -> memref<!tpu.dma_semaphore, #tpu.memory_space<semaphore_mem>>
      tpu.enqueue_indirect_dma source(%dma_start3A_3730 : memref<32x128xf32, #tpu.memory_space<vmem_shared>>) target(%dma_start3A_3724 : memref<128x128xf32, #tpu.memory_space<vmem>>) offsets(%dma_start3A_3727 : memref<128xi32, #tpu.memory_space<vmem>>) semaphore(%dma_start3A_3732 : memref<!tpu.dma_semaphore, #tpu.memory_space<semaphore_mem>>)
      %add3A_3733 = arith.constant 5 : i32
      %add3A_3734 = arith.addi %mul3A_2235, %add3A_3733 : i32
      %add3A_3735 = arith.addi %mul3A_2, %add3A_3734 : i32
      %mul3A_3736 = arith.constant 128 : i32
      %mul3A_3737 = arith.muli %add3A_3735, %mul3A_3736 : i32
      %dma_wait3A_3738 = arith.constant 5 : i32
      %dma_wait3A_3739 = arith.constant 5 : i32
      %dma_wait3A_3740 = arith.constant 0 : i32
      %dma_wait3A_3741 = arith.constant 0 : i32
      %dma_wait3A_3742 = tpu.memref_slice %arg7[%dma_wait3A_3738, %dma_wait3A_3740, %dma_wait3A_3741] : memref<6x128x128xf32, #tpu.memory_space<vmem>> -> memref<1x128x128xf32, #tpu.memory_space<vmem>>
      %dma_wait3A_3743 = tpu.memref_squeeze %dma_wait3A_3742 : memref<1x128x128xf32, #tpu.memory_space<vmem>> -> memref<128x128xf32, #tpu.memory_space<vmem>>
      %dma_wait3A_3744 = arith.constant 0 : i32
      %dma_wait3A_3745 = tpu.memref_slice %arg4[%mul3A_3737, %dma_wait3A_3744] : memref<409600x128xf32, #tpu.memory_space<hbm>> -> memref<128x128xf32, #tpu.memory_space<hbm>>
      %dma_wait3A_3746 = tpu.memref_slice %arg10[%dma_wait3A_3739] : memref<6x!tpu.dma_semaphore, #tpu.memory_space<semaphore_mem>> -> memref<1x!tpu.dma_semaphore, #tpu.memory_space<semaphore_mem>>
      %dma_wait3A_3747 = tpu.memref_squeeze %dma_wait3A_3746 : memref<1x!tpu.dma_semaphore, #tpu.memory_space<semaphore_mem>> -> memref<!tpu.dma_semaphore, #tpu.memory_space<semaphore_mem>>
      %dma_wait3A_3748 = arith.constant 0 : i32
      %dma_wait3A_3749 = tpu.memref_slice %arg4[%mul3A_3737, %dma_wait3A_3748] : memref<409600x128xf32, #tpu.memory_space<hbm>> -> memref<128x128xf32, #tpu.memory_space<hbm>>
      %dma_wait3A_3750 = arith.constant 0 : i32
      %dma_wait3A_3751 = arith.constant 0 : i32
      %dma_wait3A_3752 = tpu.memref_slice %arg7[%dma_wait3A_3738, %dma_wait3A_3750, %dma_wait3A_3751] : memref<6x128x128xf32, #tpu.memory_space<vmem>> -> memref<1x128x128xf32, #tpu.memory_space<vmem>>
      %dma_wait3A_3753 = tpu.memref_squeeze %dma_wait3A_3752 : memref<1x128x128xf32, #tpu.memory_space<vmem>> -> memref<128x128xf32, #tpu.memory_space<vmem>>
      tpu.wait_dma2 semaphore(%dma_wait3A_3747 : memref<!tpu.dma_semaphore, #tpu.memory_space<semaphore_mem>>) src(%dma_wait3A_3753 : memref<128x128xf32, #tpu.memory_space<vmem>>) dst(%dma_wait3A_3749 : memref<128x128xf32, #tpu.memory_space<hbm>>)
      %add3A_3754 = arith.constant 6 : i32
      %add3A_3755 = arith.addi %mul3A_2235, %add3A_3754 : i32
      %add3A_3756 = arith.constant 5 : i32
      %add3A_3757 = arith.addi %add3A_3755, %add3A_3756 : i32
      %dma_start3A_3758 = arith.constant 5 : i32
      %dma_start3A_3759 = arith.constant 5 : i32
      %dma_start3A_3760 = arith.constant 0 : i32
      %dma_start3A_3761 = arith.constant 0 : i32
      %dma_start3A_3762 = tpu.memref_slice %arg7[%dma_start3A_3758, %dma_start3A_3760, %dma_start3A_3761] : memref<6x128x128xf32, #tpu.memory_space<vmem>> -> memref<1x128x128xf32, #tpu.memory_space<vmem>>
      %dma_start3A_3763 = tpu.memref_squeeze %dma_start3A_3762 : memref<1x128x128xf32, #tpu.memory_space<vmem>> -> memref<128x128xf32, #tpu.memory_space<vmem>>
      %dma_start3A_3764 = arith.constant 0 : i32
      %dma_start3A_3765 = tpu.memref_slice %arg6[%add3A_3757, %dma_start3A_3764] : memref<100x128xi32, #tpu.memory_space<vmem>> -> memref<1x128xi32, #tpu.memory_space<vmem>>
      %dma_start3A_3766 = tpu.memref_squeeze %dma_start3A_3765 : memref<1x128xi32, #tpu.memory_space<vmem>> -> memref<128xi32, #tpu.memory_space<vmem>>
      %dma_start3A_3767 = arith.constant 0 : i32
      %dma_start3A_3768 = arith.constant 0 : i32
      %dma_start3A_3769 = tpu.memref_slice %arg8[%dma_start3A_3767, %dma_start3A_3768] : memref<32x128xf32, #tpu.memory_space<vmem_shared>> -> memref<32x128xf32, #tpu.memory_space<vmem_shared>>
      %dma_start3A_3770 = tpu.memref_slice %arg9[%dma_start3A_3759] : memref<6x!tpu.dma_semaphore, #tpu.memory_space<semaphore_mem>> -> memref<1x!tpu.dma_semaphore, #tpu.memory_space<semaphore_mem>>
      %dma_start3A_3771 = tpu.memref_squeeze %dma_start3A_3770 : memref<1x!tpu.dma_semaphore, #tpu.memory_space<semaphore_mem>> -> memref<!tpu.dma_semaphore, #tpu.memory_space<semaphore_mem>>
      tpu.enqueue_indirect_dma source(%dma_start3A_3769 : memref<32x128xf32, #tpu.memory_space<vmem_shared>>) target(%dma_start3A_3763 : memref<128x128xf32, #tpu.memory_space<vmem>>) offsets(%dma_start3A_3766 : memref<128xi32, #tpu.memory_space<vmem>>) semaphore(%dma_start3A_3771 : memref<!tpu.dma_semaphore, #tpu.memory_space<semaphore_mem>>)
    }
    %scan3A_1010 = arith.constant 15 : i32
    %get3A_1011 = arith.constant 12288 : index
    %get3A_1012 = tpu.vector_load %arg5[%get3A_1011] {strides = array<i32>} : memref<12800xf32, #tpu.memory_space<vmem>>, vector<16xf32>,
    %get3A_1013 = vector.shape_cast %get3A_1012 : vector<16xf32> to vector<16xf32>
    %max3A_1014 = arith.constant 0.000000e+00 : f32
    %max3A_1015 = vector.broadcast %max3A_1014 : f32 to vector<16xf32>
    %max3A_1016 = arith.maximumf %get3A_1013, %max3A_1015 : vector<16xf32>
    %min3A_1017 = arith.constant 9.843750e-01 : f32
    %min3A_1018 = vector.broadcast %min3A_1017 : f32 to vector<16xf32>
    %min3A_1019 = arith.minimumf %max3A_1016, %min3A_1018 : vector<16xf32>
    %mul3A_1020 = arith.constant 3.200000e+01 : f32
    %mul3A_1021 = vector.broadcast %mul3A_1020 : f32 to vector<16xf32>
    %mul3A_1022 = arith.mulf %min3A_1019, %mul3A_1021 : vector<16xf32>
    %convert_element_type3A_1023 = arith.fptosi %mul3A_1022 : vector<16xf32> to vector<16xi32>
    %swap3A_1024 = arith.constant 96 : i32
    %swap3A_1025 = arith.index_cast %swap3A_1024 : i32 to index
    %swap3A_1026 = arith.constant 0 : index
    %swap3A_1027 = tpu.vector_load %arg6[%swap3A_1025, %swap3A_1026] {strides = array<i32>} : memref<100x128xi32, #tpu.memory_space<vmem>>, vector<1x16xi32>,
    %swap3A_1028 = vector.shape_cast %swap3A_1027 : vector<1x16xi32> to vector<16xi32>
    %swap3A_1029 = vector.shape_cast %convert_element_type3A_1023 : vector<16xi32> to vector<1x16xi32>
    tpu.vector_store %arg6[%swap3A_1025, %swap3A_1026], %swap3A_1029 {strides = array<i32>} : memref<100x128xi32, #tpu.memory_space<vmem>>, vector<1x16xi32>,
    %get3A_1030 = arith.constant 12304 : index
    %get3A_1031 = tpu.vector_load %arg5[%get3A_1030] {strides = array<i32>} : memref<12800xf32, #tpu.memory_space<vmem>>, vector<16xf32>,
    %get3A_1032 = vector.shape_cast %get3A_1031 : vector<16xf32> to vector<16xf32>
    %max3A_1033 = arith.constant 0.000000e+00 : f32
    %max3A_1034 = vector.broadcast %max3A_1033 : f32 to vector<16xf32>
    %max3A_1035 = arith.maximumf %get3A_1032, %max3A_1034 : vector<16xf32>
    %min3A_1036 = arith.constant 9.843750e-01 : f32
    %min3A_1037 = vector.broadcast %min3A_1036 : f32 to vector<16xf32>
    %min3A_1038 = arith.minimumf %max3A_1035, %min3A_1037 : vector<16xf32>
    %mul3A_1039 = arith.constant 3.200000e+01 : f32
    %mul3A_1040 = vector.broadcast %mul3A_1039 : f32 to vector<16xf32>
    %mul3A_1041 = arith.mulf %min3A_1038, %mul3A_1040 : vector<16xf32>
    %convert_element_type3A_1042 = arith.fptosi %mul3A_1041 : vector<16xf32> to vector<16xi32>
    %swap3A_1043 = arith.constant 96 : i32
    %swap3A_1044 = arith.index_cast %swap3A_1043 : i32 to index
    %swap3A_1045 = arith.constant 16 : index
    %swap3A_1046 = tpu.vector_load %arg6[%swap3A_1044, %swap3A_1045] {strides = array<i32>} : memref<100x128xi32, #tpu.memory_space<vmem>>, vector<1x16xi32>,
    %swap3A_1047 = vector.shape_cast %swap3A_1046 : vector<1x16xi32> to vector<16xi32>
    %swap3A_1048 = vector.shape_cast %convert_element_type3A_1042 : vector<16xi32> to vector<1x16xi32>
    tpu.vector_store %arg6[%swap3A_1044, %swap3A_1045], %swap3A_1048 {strides = array<i32>} : memref<100x128xi32, #tpu.memory_space<vmem>>, vector<1x16xi32>,
    %get3A_1049 = arith.constant 12320 : index
    %get3A_1050 = tpu.vector_load %arg5[%get3A_1049] {strides = array<i32>} : memref<12800xf32, #tpu.memory_space<vmem>>, vector<16xf32>,
    %get3A_1051 = vector.shape_cast %get3A_1050 : vector<16xf32> to vector<16xf32>
    %max3A_1052 = arith.constant 0.000000e+00 : f32
    %max3A_1053 = vector.broadcast %max3A_1052 : f32 to vector<16xf32>
    %max3A_1054 = arith.maximumf %get3A_1051, %max3A_1053 : vector<16xf32>
    %min3A_1055 = arith.constant 9.843750e-01 : f32
    %min3A_1056 = vector.broadcast %min3A_1055 : f32 to vector<16xf32>
    %min3A_1057 = arith.minimumf %max3A_1054, %min3A_1056 : vector<16xf32>
    %mul3A_1058 = arith.constant 3.200000e+01 : f32
    %mul3A_1059 = vector.broadcast %mul3A_1058 : f32 to vector<16xf32>
    %mul3A_1060 = arith.mulf %min3A_1057, %mul3A_1059 : vector<16xf32>
    %convert_element_type3A_1061 = arith.fptosi %mul3A_1060 : vector<16xf32> to vector<16xi32>
    %swap3A_1062 = arith.constant 96 : i32
    %swap3A_1063 = arith.index_cast %swap3A_1062 : i32 to index
    %swap3A_1064 = arith.constant 32 : index
    %swap3A_1065 = tpu.vector_load %arg6[%swap3A_1063, %swap3A_1064] {strides = array<i32>} : memref<100x128xi32, #tpu.memory_space<vmem>>, vector<1x16xi32>,
    %swap3A_1066 = vector.shape_cast %swap3A_1065 : vector<1x16xi32> to vector<16xi32>
    %swap3A_1067 = vector.shape_cast %convert_element_type3A_1061 : vector<16xi32> to vector<1x16xi32>
    tpu.vector_store %arg6[%swap3A_1063, %swap3A_1064], %swap3A_1067 {strides = array<i32>} : memref<100x128xi32, #tpu.memory_space<vmem>>, vector<1x16xi32>,
    %get3A_1068 = arith.constant 12336 : index
    %get3A_1069 = tpu.vector_load %arg5[%get3A_1068] {strides = array<i32>} : memref<12800xf32, #tpu.memory_space<vmem>>, vector<16xf32>,
    %get3A_1070 = vector.shape_cast %get3A_1069 : vector<16xf32> to vector<16xf32>
    %max3A_1071 = arith.constant 0.000000e+00 : f32
    %max3A_1072 = vector.broadcast %max3A_1071 : f32 to vector<16xf32>
    %max3A_1073 = arith.maximumf %get3A_1070, %max3A_1072 : vector<16xf32>
    %min3A_1074 = arith.constant 9.843750e-01 : f32
    %min3A_1075 = vector.broadcast %min3A_1074 : f32 to vector<16xf32>
    %min3A_1076 = arith.minimumf %max3A_1073, %min3A_1075 : vector<16xf32>
    %mul3A_1077 = arith.constant 3.200000e+01 : f32
    %mul3A_1078 = vector.broadcast %mul3A_1077 : f32 to vector<16xf32>
    %mul3A_1079 = arith.mulf %min3A_1076, %mul3A_1078 : vector<16xf32>
    %convert_element_type3A_1080 = arith.fptosi %mul3A_1079 : vector<16xf32> to vector<16xi32>
    %swap3A_1081 = arith.constant 96 : i32
    %swap3A_1082 = arith.index_cast %swap3A_1081 : i32 to index
    %swap3A_1083 = arith.constant 48 : index
    %swap3A_1084 = tpu.vector_load %arg6[%swap3A_1082, %swap3A_1083] {strides = array<i32>} : memref<100x128xi32, #tpu.memory_space<vmem>>, vector<1x16xi32>,
    %swap3A_1085 = vector.shape_cast %swap3A_1084 : vector<1x16xi32> to vector<16xi32>
    %swap3A_1086 = vector.shape_cast %convert_element_type3A_1080 : vector<16xi32> to vector<1x16xi32>
    tpu.vector_store %arg6[%swap3A_1082, %swap3A_1083], %swap3A_1086 {strides = array<i32>} : memref<100x128xi32, #tpu.memory_space<vmem>>, vector<1x16xi32>,
    %get3A_1087 = arith.constant 12352 : index
    %get3A_1088 = tpu.vector_load %arg5[%get3A_1087] {strides = array<i32>} : memref<12800xf32, #tpu.memory_space<vmem>>, vector<16xf32>,
    %get3A_1089 = vector.shape_cast %get3A_1088 : vector<16xf32> to vector<16xf32>
    %max3A_1090 = arith.constant 0.000000e+00 : f32
    %max3A_1091 = vector.broadcast %max3A_1090 : f32 to vector<16xf32>
    %max3A_1092 = arith.maximumf %get3A_1089, %max3A_1091 : vector<16xf32>
    %min3A_1093 = arith.constant 9.843750e-01 : f32
    %min3A_1094 = vector.broadcast %min3A_1093 : f32 to vector<16xf32>
    %min3A_1095 = arith.minimumf %max3A_1092, %min3A_1094 : vector<16xf32>
    %mul3A_1096 = arith.constant 3.200000e+01 : f32
    %mul3A_1097 = vector.broadcast %mul3A_1096 : f32 to vector<16xf32>
    %mul3A_1098 = arith.mulf %min3A_1095, %mul3A_1097 : vector<16xf32>
    %convert_element_type3A_1099 = arith.fptosi %mul3A_1098 : vector<16xf32> to vector<16xi32>
    %swap3A_1100 = arith.constant 96 : i32
    %swap3A_1101 = arith.index_cast %swap3A_1100 : i32 to index
    %swap3A_1102 = arith.constant 64 : index
    %swap3A_1103 = tpu.vector_load %arg6[%swap3A_1101, %swap3A_1102] {strides = array<i32>} : memref<100x128xi32, #tpu.memory_space<vmem>>, vector<1x16xi32>,
    %swap3A_1104 = vector.shape_cast %swap3A_1103 : vector<1x16xi32> to vector<16xi32>
    %swap3A_1105 = vector.shape_cast %convert_element_type3A_1099 : vector<16xi32> to vector<1x16xi32>
    tpu.vector_store %arg6[%swap3A_1101, %swap3A_1102], %swap3A_1105 {strides = array<i32>} : memref<100x128xi32, #tpu.memory_space<vmem>>, vector<1x16xi32>,
    %get3A_1106 = arith.constant 12368 : index
    %get3A_1107 = tpu.vector_load %arg5[%get3A_1106] {strides = array<i32>} : memref<12800xf32, #tpu.memory_space<vmem>>, vector<16xf32>,
    %get3A_1108 = vector.shape_cast %get3A_1107 : vector<16xf32> to vector<16xf32>
    %max3A_1109 = arith.constant 0.000000e+00 : f32
    %max3A_1110 = vector.broadcast %max3A_1109 : f32 to vector<16xf32>
    %max3A_1111 = arith.maximumf %get3A_1108, %max3A_1110 : vector<16xf32>
    %min3A_1112 = arith.constant 9.843750e-01 : f32
    %min3A_1113 = vector.broadcast %min3A_1112 : f32 to vector<16xf32>
    %min3A_1114 = arith.minimumf %max3A_1111, %min3A_1113 : vector<16xf32>
    %mul3A_1115 = arith.constant 3.200000e+01 : f32
    %mul3A_1116 = vector.broadcast %mul3A_1115 : f32 to vector<16xf32>
    %mul3A_1117 = arith.mulf %min3A_1114, %mul3A_1116 : vector<16xf32>
    %convert_element_type3A_1118 = arith.fptosi %mul3A_1117 : vector<16xf32> to vector<16xi32>
    %swap3A_1119 = arith.constant 96 : i32
    %swap3A_1120 = arith.index_cast %swap3A_1119 : i32 to index
    %swap3A_1121 = arith.constant 80 : index
    %swap3A_1122 = tpu.vector_load %arg6[%swap3A_1120, %swap3A_1121] {strides = array<i32>} : memref<100x128xi32, #tpu.memory_space<vmem>>, vector<1x16xi32>,
    %swap3A_1123 = vector.shape_cast %swap3A_1122 : vector<1x16xi32> to vector<16xi32>
    %swap3A_1124 = vector.shape_cast %convert_element_type3A_1118 : vector<16xi32> to vector<1x16xi32>
    tpu.vector_store %arg6[%swap3A_1120, %swap3A_1121], %swap3A_1124 {strides = array<i32>} : memref<100x128xi32, #tpu.memory_space<vmem>>, vector<1x16xi32>,
    %get3A_1125 = arith.constant 12384 : index
    %get3A_1126 = tpu.vector_load %arg5[%get3A_1125] {strides = array<i32>} : memref<12800xf32, #tpu.memory_space<vmem>>, vector<16xf32>,
    %get3A_1127 = vector.shape_cast %get3A_1126 : vector<16xf32> to vector<16xf32>
    %max3A_1128 = arith.constant 0.000000e+00 : f32
    %max3A_1129 = vector.broadcast %max3A_1128 : f32 to vector<16xf32>
    %max3A_1130 = arith.maximumf %get3A_1127, %max3A_1129 : vector<16xf32>
    %min3A_1131 = arith.constant 9.843750e-01 : f32
    %min3A_1132 = vector.broadcast %min3A_1131 : f32 to vector<16xf32>
    %min3A_1133 = arith.minimumf %max3A_1130, %min3A_1132 : vector<16xf32>
    %mul3A_1134 = arith.constant 3.200000e+01 : f32
    %mul3A_1135 = vector.broadcast %mul3A_1134 : f32 to vector<16xf32>
    %mul3A_1136 = arith.mulf %min3A_1133, %mul3A_1135 : vector<16xf32>
    %convert_element_type3A_1137 = arith.fptosi %mul3A_1136 : vector<16xf32> to vector<16xi32>
    %swap3A_1138 = arith.constant 96 : i32
    %swap3A_1139 = arith.index_cast %swap3A_1138 : i32 to index
    %swap3A_1140 = arith.constant 96 : index
    %swap3A_1141 = tpu.vector_load %arg6[%swap3A_1139, %swap3A_1140] {strides = array<i32>} : memref<100x128xi32, #tpu.memory_space<vmem>>, vector<1x16xi32>,
    %swap3A_1142 = vector.shape_cast %swap3A_1141 : vector<1x16xi32> to vector<16xi32>
    %swap3A_1143 = vector.shape_cast %convert_element_type3A_1137 : vector<16xi32> to vector<1x16xi32>
    tpu.vector_store %arg6[%swap3A_1139, %swap3A_1140], %swap3A_1143 {strides = array<i32>} : memref<100x128xi32, #tpu.memory_space<vmem>>, vector<1x16xi32>,
    %get3A_1144 = arith.constant 12400 : index
    %get3A_1145 = tpu.vector_load %arg5[%get3A_1144] {strides = array<i32>} : memref<12800xf32, #tpu.memory_space<vmem>>, vector<16xf32>,
    %get3A_1146 = vector.shape_cast %get3A_1145 : vector<16xf32> to vector<16xf32>
    %max3A_1147 = arith.constant 0.000000e+00 : f32
    %max3A_1148 = vector.broadcast %max3A_1147 : f32 to vector<16xf32>
    %max3A_1149 = arith.maximumf %get3A_1146, %max3A_1148 : vector<16xf32>
    %min3A_1150 = arith.constant 9.843750e-01 : f32
    %min3A_1151 = vector.broadcast %min3A_1150 : f32 to vector<16xf32>
    %min3A_1152 = arith.minimumf %max3A_1149, %min3A_1151 : vector<16xf32>
    %mul3A_1153 = arith.constant 3.200000e+01 : f32
    %mul3A_1154 = vector.broadcast %mul3A_1153 : f32 to vector<16xf32>
    %mul3A_1155 = arith.mulf %min3A_1152, %mul3A_1154 : vector<16xf32>
    %convert_element_type3A_1156 = arith.fptosi %mul3A_1155 : vector<16xf32> to vector<16xi32>
    %swap3A_1157 = arith.constant 96 : i32
    %swap3A_1158 = arith.index_cast %swap3A_1157 : i32 to index
    %swap3A_1159 = arith.constant 112 : index
    %swap3A_1160 = tpu.vector_load %arg6[%swap3A_1158, %swap3A_1159] {strides = array<i32>} : memref<100x128xi32, #tpu.memory_space<vmem>>, vector<1x16xi32>,
    %swap3A_1161 = vector.shape_cast %swap3A_1160 : vector<1x16xi32> to vector<16xi32>
    %swap3A_1162 = vector.shape_cast %convert_element_type3A_1156 : vector<16xi32> to vector<1x16xi32>
    tpu.vector_store %arg6[%swap3A_1158, %swap3A_1159], %swap3A_1162 {strides = array<i32>} : memref<100x128xi32, #tpu.memory_space<vmem>>, vector<1x16xi32>,
    %get3A_1163 = arith.constant 12416 : index
    %get3A_1164 = tpu.vector_load %arg5[%get3A_1163] {strides = array<i32>} : memref<12800xf32, #tpu.memory_space<vmem>>, vector<16xf32>,
    %get3A_1165 = vector.shape_cast %get3A_1164 : vector<16xf32> to vector<16xf32>
    %max3A_1166 = arith.constant 0.000000e+00 : f32
    %max3A_1167 = vector.broadcast %max3A_1166 : f32 to vector<16xf32>
    %max3A_1168 = arith.maximumf %get3A_1165, %max3A_1167 : vector<16xf32>
    %min3A_1169 = arith.constant 9.843750e-01 : f32
    %min3A_1170 = vector.broadcast %min3A_1169 : f32 to vector<16xf32>
    %min3A_1171 = arith.minimumf %max3A_1168, %min3A_1170 : vector<16xf32>
    %mul3A_1172 = arith.constant 3.200000e+01 : f32
    %mul3A_1173 = vector.broadcast %mul3A_1172 : f32 to vector<16xf32>
    %mul3A_1174 = arith.mulf %min3A_1171, %mul3A_1173 : vector<16xf32>
    %convert_element_type3A_1175 = arith.fptosi %mul3A_1174 : vector<16xf32> to vector<16xi32>
    %swap3A_1176 = arith.constant 97 : i32
    %swap3A_1177 = arith.index_cast %swap3A_1176 : i32 to index
    %swap3A_1178 = arith.constant 0 : index
    %swap3A_1179 = tpu.vector_load %arg6[%swap3A_1177, %swap3A_1178] {strides = array<i32>} : memref<100x128xi32, #tpu.memory_space<vmem>>, vector<1x16xi32>,
    %swap3A_1180 = vector.shape_cast %swap3A_1179 : vector<1x16xi32> to vector<16xi32>
    %swap3A_1181 = vector.shape_cast %convert_element_type3A_1175 : vector<16xi32> to vector<1x16xi32>
    tpu.vector_store %arg6[%swap3A_1177, %swap3A_1178], %swap3A_1181 {strides = array<i32>} : memref<100x128xi32, #tpu.memory_space<vmem>>, vector<1x16xi32>,
    %get3A_1182 = arith.constant 12432 : index
    %get3A_1183 = tpu.vector_load %arg5[%get3A_1182] {strides = array<i32>} : memref<12800xf32, #tpu.memory_space<vmem>>, vector<16xf32>,
    %get3A_1184 = vector.shape_cast %get3A_1183 : vector<16xf32> to vector<16xf32>
    %max3A_1185 = arith.constant 0.000000e+00 : f32
    %max3A_1186 = vector.broadcast %max3A_1185 : f32 to vector<16xf32>
    %max3A_1187 = arith.maximumf %get3A_1184, %max3A_1186 : vector<16xf32>
    %min3A_1188 = arith.constant 9.843750e-01 : f32
    %min3A_1189 = vector.broadcast %min3A_1188 : f32 to vector<16xf32>
    %min3A_1190 = arith.minimumf %max3A_1187, %min3A_1189 : vector<16xf32>
    %mul3A_1191 = arith.constant 3.200000e+01 : f32
    %mul3A_1192 = vector.broadcast %mul3A_1191 : f32 to vector<16xf32>
    %mul3A_1193 = arith.mulf %min3A_1190, %mul3A_1192 : vector<16xf32>
    %convert_element_type3A_1194 = arith.fptosi %mul3A_1193 : vector<16xf32> to vector<16xi32>
    %swap3A_1195 = arith.constant 97 : i32
    %swap3A_1196 = arith.index_cast %swap3A_1195 : i32 to index
    %swap3A_1197 = arith.constant 16 : index
    %swap3A_1198 = tpu.vector_load %arg6[%swap3A_1196, %swap3A_1197] {strides = array<i32>} : memref<100x128xi32, #tpu.memory_space<vmem>>, vector<1x16xi32>,
    %swap3A_1199 = vector.shape_cast %swap3A_1198 : vector<1x16xi32> to vector<16xi32>
    %swap3A_1200 = vector.shape_cast %convert_element_type3A_1194 : vector<16xi32> to vector<1x16xi32>
    tpu.vector_store %arg6[%swap3A_1196, %swap3A_1197], %swap3A_1200 {strides = array<i32>} : memref<100x128xi32, #tpu.memory_space<vmem>>, vector<1x16xi32>,
    %get3A_1201 = arith.constant 12448 : index
    %get3A_1202 = tpu.vector_load %arg5[%get3A_1201] {strides = array<i32>} : memref<12800xf32, #tpu.memory_space<vmem>>, vector<16xf32>,
    %get3A_1203 = vector.shape_cast %get3A_1202 : vector<16xf32> to vector<16xf32>
    %max3A_1204 = arith.constant 0.000000e+00 : f32
    %max3A_1205 = vector.broadcast %max3A_1204 : f32 to vector<16xf32>
    %max3A_1206 = arith.maximumf %get3A_1203, %max3A_1205 : vector<16xf32>
    %min3A_1207 = arith.constant 9.843750e-01 : f32
    %min3A_1208 = vector.broadcast %min3A_1207 : f32 to vector<16xf32>
    %min3A_1209 = arith.minimumf %max3A_1206, %min3A_1208 : vector<16xf32>
    %mul3A_1210 = arith.constant 3.200000e+01 : f32
    %mul3A_1211 = vector.broadcast %mul3A_1210 : f32 to vector<16xf32>
    %mul3A_1212 = arith.mulf %min3A_1209, %mul3A_1211 : vector<16xf32>
    %convert_element_type3A_1213 = arith.fptosi %mul3A_1212 : vector<16xf32> to vector<16xi32>
    %swap3A_1214 = arith.constant 97 : i32
    %swap3A_1215 = arith.index_cast %swap3A_1214 : i32 to index
    %swap3A_1216 = arith.constant 32 : index
    %swap3A_1217 = tpu.vector_load %arg6[%swap3A_1215, %swap3A_1216] {strides = array<i32>} : memref<100x128xi32, #tpu.memory_space<vmem>>, vector<1x16xi32>,
    %swap3A_1218 = vector.shape_cast %swap3A_1217 : vector<1x16xi32> to vector<16xi32>
    %swap3A_1219 = vector.shape_cast %convert_element_type3A_1213 : vector<16xi32> to vector<1x16xi32>
    tpu.vector_store %arg6[%swap3A_1215, %swap3A_1216], %swap3A_1219 {strides = array<i32>} : memref<100x128xi32, #tpu.memory_space<vmem>>, vector<1x16xi32>,
    %get3A_1220 = arith.constant 12464 : index
    %get3A_1221 = tpu.vector_load %arg5[%get3A_1220] {strides = array<i32>} : memref<12800xf32, #tpu.memory_space<vmem>>, vector<16xf32>,
    %get3A_1222 = vector.shape_cast %get3A_1221 : vector<16xf32> to vector<16xf32>
    %max3A_1223 = arith.constant 0.000000e+00 : f32
    %max3A_1224 = vector.broadcast %max3A_1223 : f32 to vector<16xf32>
    %max3A_1225 = arith.maximumf %get3A_1222, %max3A_1224 : vector<16xf32>
    %min3A_1226 = arith.constant 9.843750e-01 : f32
    %min3A_1227 = vector.broadcast %min3A_1226 : f32 to vector<16xf32>
    %min3A_1228 = arith.minimumf %max3A_1225, %min3A_1227 : vector<16xf32>
    %mul3A_1229 = arith.constant 3.200000e+01 : f32
    %mul3A_1230 = vector.broadcast %mul3A_1229 : f32 to vector<16xf32>
    %mul3A_1231 = arith.mulf %min3A_1228, %mul3A_1230 : vector<16xf32>
    %convert_element_type3A_1232 = arith.fptosi %mul3A_1231 : vector<16xf32> to vector<16xi32>
    %swap3A_1233 = arith.constant 97 : i32
    %swap3A_1234 = arith.index_cast %swap3A_1233 : i32 to index
    %swap3A_1235 = arith.constant 48 : index
    %swap3A_1236 = tpu.vector_load %arg6[%swap3A_1234, %swap3A_1235] {strides = array<i32>} : memref<100x128xi32, #tpu.memory_space<vmem>>, vector<1x16xi32>,
    %swap3A_1237 = vector.shape_cast %swap3A_1236 : vector<1x16xi32> to vector<16xi32>
    %swap3A_1238 = vector.shape_cast %convert_element_type3A_1232 : vector<16xi32> to vector<1x16xi32>
    tpu.vector_store %arg6[%swap3A_1234, %swap3A_1235], %swap3A_1238 {strides = array<i32>} : memref<100x128xi32, #tpu.memory_space<vmem>>, vector<1x16xi32>,
    %get3A_1239 = arith.constant 12480 : index
    %get3A_1240 = tpu.vector_load %arg5[%get3A_1239] {strides = array<i32>} : memref<12800xf32, #tpu.memory_space<vmem>>, vector<16xf32>,
    %get3A_1241 = vector.shape_cast %get3A_1240 : vector<16xf32> to vector<16xf32>
    %max3A_1242 = arith.constant 0.000000e+00 : f32
    %max3A_1243 = vector.broadcast %max3A_1242 : f32 to vector<16xf32>
    %max3A_1244 = arith.maximumf %get3A_1241, %max3A_1243 : vector<16xf32>
    %min3A_1245 = arith.constant 9.843750e-01 : f32
    %min3A_1246 = vector.broadcast %min3A_1245 : f32 to vector<16xf32>
    %min3A_1247 = arith.minimumf %max3A_1244, %min3A_1246 : vector<16xf32>
    %mul3A_1248 = arith.constant 3.200000e+01 : f32
    %mul3A_1249 = vector.broadcast %mul3A_1248 : f32 to vector<16xf32>
    %mul3A_1250 = arith.mulf %min3A_1247, %mul3A_1249 : vector<16xf32>
    %convert_element_type3A_1251 = arith.fptosi %mul3A_1250 : vector<16xf32> to vector<16xi32>
    %swap3A_1252 = arith.constant 97 : i32
    %swap3A_1253 = arith.index_cast %swap3A_1252 : i32 to index
    %swap3A_1254 = arith.constant 64 : index
    %swap3A_1255 = tpu.vector_load %arg6[%swap3A_1253, %swap3A_1254] {strides = array<i32>} : memref<100x128xi32, #tpu.memory_space<vmem>>, vector<1x16xi32>,
    %swap3A_1256 = vector.shape_cast %swap3A_1255 : vector<1x16xi32> to vector<16xi32>
    %swap3A_1257 = vector.shape_cast %convert_element_type3A_1251 : vector<16xi32> to vector<1x16xi32>
    tpu.vector_store %arg6[%swap3A_1253, %swap3A_1254], %swap3A_1257 {strides = array<i32>} : memref<100x128xi32, #tpu.memory_space<vmem>>, vector<1x16xi32>,
    %get3A_1258 = arith.constant 12496 : index
    %get3A_1259 = tpu.vector_load %arg5[%get3A_1258] {strides = array<i32>} : memref<12800xf32, #tpu.memory_space<vmem>>, vector<16xf32>,
    %get3A_1260 = vector.shape_cast %get3A_1259 : vector<16xf32> to vector<16xf32>
    %max3A_1261 = arith.constant 0.000000e+00 : f32
    %max3A_1262 = vector.broadcast %max3A_1261 : f32 to vector<16xf32>
    %max3A_1263 = arith.maximumf %get3A_1260, %max3A_1262 : vector<16xf32>
    %min3A_1264 = arith.constant 9.843750e-01 : f32
    %min3A_1265 = vector.broadcast %min3A_1264 : f32 to vector<16xf32>
    %min3A_1266 = arith.minimumf %max3A_1263, %min3A_1265 : vector<16xf32>
    %mul3A_1267 = arith.constant 3.200000e+01 : f32
    %mul3A_1268 = vector.broadcast %mul3A_1267 : f32 to vector<16xf32>
    %mul3A_1269 = arith.mulf %min3A_1266, %mul3A_1268 : vector<16xf32>
    %convert_element_type3A_1270 = arith.fptosi %mul3A_1269 : vector<16xf32> to vector<16xi32>
    %swap3A_1271 = arith.constant 97 : i32
    %swap3A_1272 = arith.index_cast %swap3A_1271 : i32 to index
    %swap3A_1273 = arith.constant 80 : index
    %swap3A_1274 = tpu.vector_load %arg6[%swap3A_1272, %swap3A_1273] {strides = array<i32>} : memref<100x128xi32, #tpu.memory_space<vmem>>, vector<1x16xi32>,
    %swap3A_1275 = vector.shape_cast %swap3A_1274 : vector<1x16xi32> to vector<16xi32>
    %swap3A_1276 = vector.shape_cast %convert_element_type3A_1270 : vector<16xi32> to vector<1x16xi32>
    tpu.vector_store %arg6[%swap3A_1272, %swap3A_1273], %swap3A_1276 {strides = array<i32>} : memref<100x128xi32, #tpu.memory_space<vmem>>, vector<1x16xi32>,
    %get3A_1277 = arith.constant 12512 : index
    %get3A_1278 = tpu.vector_load %arg5[%get3A_1277] {strides = array<i32>} : memref<12800xf32, #tpu.memory_space<vmem>>, vector<16xf32>,
    %get3A_1279 = vector.shape_cast %get3A_1278 : vector<16xf32> to vector<16xf32>
    %max3A_1280 = arith.constant 0.000000e+00 : f32
    %max3A_1281 = vector.broadcast %max3A_1280 : f32 to vector<16xf32>
    %max3A_1282 = arith.maximumf %get3A_1279, %max3A_1281 : vector<16xf32>
    %min3A_1283 = arith.constant 9.843750e-01 : f32
    %min3A_1284 = vector.broadcast %min3A_1283 : f32 to vector<16xf32>
    %min3A_1285 = arith.minimumf %max3A_1282, %min3A_1284 : vector<16xf32>
    %mul3A_1286 = arith.constant 3.200000e+01 : f32
    %mul3A_1287 = vector.broadcast %mul3A_1286 : f32 to vector<16xf32>
    %mul3A_1288 = arith.mulf %min3A_1285, %mul3A_1287 : vector<16xf32>
    %convert_element_type3A_1289 = arith.fptosi %mul3A_1288 : vector<16xf32> to vector<16xi32>
    %swap3A_1290 = arith.constant 97 : i32
    %swap3A_1291 = arith.index_cast %swap3A_1290 : i32 to index
    %swap3A_1292 = arith.constant 96 : index
    %swap3A_1293 = tpu.vector_load %arg6[%swap3A_1291, %swap3A_1292] {strides = array<i32>} : memref<100x128xi32, #tpu.memory_space<vmem>>, vector<1x16xi32>,
    %swap3A_1294 = vector.shape_cast %swap3A_1293 : vector<1x16xi32> to vector<16xi32>
    %swap3A_1295 = vector.shape_cast %convert_element_type3A_1289 : vector<16xi32> to vector<1x16xi32>
    tpu.vector_store %arg6[%swap3A_1291, %swap3A_1292], %swap3A_1295 {strides = array<i32>} : memref<100x128xi32, #tpu.memory_space<vmem>>, vector<1x16xi32>,
    %get3A_1296 = arith.constant 12528 : index
    %get3A_1297 = tpu.vector_load %arg5[%get3A_1296] {strides = array<i32>} : memref<12800xf32, #tpu.memory_space<vmem>>, vector<16xf32>,
    %get3A_1298 = vector.shape_cast %get3A_1297 : vector<16xf32> to vector<16xf32>
    %max3A_1299 = arith.constant 0.000000e+00 : f32
    %max3A_1300 = vector.broadcast %max3A_1299 : f32 to vector<16xf32>
    %max3A_1301 = arith.maximumf %get3A_1298, %max3A_1300 : vector<16xf32>
    %min3A_1302 = arith.constant 9.843750e-01 : f32
    %min3A_1303 = vector.broadcast %min3A_1302 : f32 to vector<16xf32>
    %min3A_1304 = arith.minimumf %max3A_1301, %min3A_1303 : vector<16xf32>
    %mul3A_1305 = arith.constant 3.200000e+01 : f32
    %mul3A_1306 = vector.broadcast %mul3A_1305 : f32 to vector<16xf32>
    %mul3A_1307 = arith.mulf %min3A_1304, %mul3A_1306 : vector<16xf32>
    %convert_element_type3A_1308 = arith.fptosi %mul3A_1307 : vector<16xf32> to vector<16xi32>
    %swap3A_1309 = arith.constant 97 : i32
    %swap3A_1310 = arith.index_cast %swap3A_1309 : i32 to index
    %swap3A_1311 = arith.constant 112 : index
    %swap3A_1312 = tpu.vector_load %arg6[%swap3A_1310, %swap3A_1311] {strides = array<i32>} : memref<100x128xi32, #tpu.memory_space<vmem>>, vector<1x16xi32>,
    %swap3A_1313 = vector.shape_cast %swap3A_1312 : vector<1x16xi32> to vector<16xi32>
    %swap3A_1314 = vector.shape_cast %convert_element_type3A_1308 : vector<16xi32> to vector<1x16xi32>
    tpu.vector_store %arg6[%swap3A_1310, %swap3A_1311], %swap3A_1314 {strides = array<i32>} : memref<100x128xi32, #tpu.memory_space<vmem>>, vector<1x16xi32>,
    %get3A_1315 = arith.constant 12544 : index
    %get3A_1316 = tpu.vector_load %arg5[%get3A_1315] {strides = array<i32>} : memref<12800xf32, #tpu.memory_space<vmem>>, vector<16xf32>,
    %get3A_1317 = vector.shape_cast %get3A_1316 : vector<16xf32> to vector<16xf32>
    %max3A_1318 = arith.constant 0.000000e+00 : f32
    %max3A_1319 = vector.broadcast %max3A_1318 : f32 to vector<16xf32>
    %max3A_1320 = arith.maximumf %get3A_1317, %max3A_1319 : vector<16xf32>
    %min3A_1321 = arith.constant 9.843750e-01 : f32
    %min3A_1322 = vector.broadcast %min3A_1321 : f32 to vector<16xf32>
    %min3A_1323 = arith.minimumf %max3A_1320, %min3A_1322 : vector<16xf32>
    %mul3A_1324 = arith.constant 3.200000e+01 : f32
    %mul3A_1325 = vector.broadcast %mul3A_1324 : f32 to vector<16xf32>
    %mul3A_1326 = arith.mulf %min3A_1323, %mul3A_1325 : vector<16xf32>
    %convert_element_type3A_1327 = arith.fptosi %mul3A_1326 : vector<16xf32> to vector<16xi32>
    %swap3A_1328 = arith.constant 98 : i32
    %swap3A_1329 = arith.index_cast %swap3A_1328 : i32 to index
    %swap3A_1330 = arith.constant 0 : index
    %swap3A_1331 = tpu.vector_load %arg6[%swap3A_1329, %swap3A_1330] {strides = array<i32>} : memref<100x128xi32, #tpu.memory_space<vmem>>, vector<1x16xi32>,
    %swap3A_1332 = vector.shape_cast %swap3A_1331 : vector<1x16xi32> to vector<16xi32>
    %swap3A_1333 = vector.shape_cast %convert_element_type3A_1327 : vector<16xi32> to vector<1x16xi32>
    tpu.vector_store %arg6[%swap3A_1329, %swap3A_1330], %swap3A_1333 {strides = array<i32>} : memref<100x128xi32, #tpu.memory_space<vmem>>, vector<1x16xi32>,
    %get3A_1334 = arith.constant 12560 : index
    %get3A_1335 = tpu.vector_load %arg5[%get3A_1334] {strides = array<i32>} : memref<12800xf32, #tpu.memory_space<vmem>>, vector<16xf32>,
    %get3A_1336 = vector.shape_cast %get3A_1335 : vector<16xf32> to vector<16xf32>
    %max3A_1337 = arith.constant 0.000000e+00 : f32
    %max3A_1338 = vector.broadcast %max3A_1337 : f32 to vector<16xf32>
    %max3A_1339 = arith.maximumf %get3A_1336, %max3A_1338 : vector<16xf32>
    %min3A_1340 = arith.constant 9.843750e-01 : f32
    %min3A_1341 = vector.broadcast %min3A_1340 : f32 to vector<16xf32>
    %min3A_1342 = arith.minimumf %max3A_1339, %min3A_1341 : vector<16xf32>
    %mul3A_1343 = arith.constant 3.200000e+01 : f32
    %mul3A_1344 = vector.broadcast %mul3A_1343 : f32 to vector<16xf32>
    %mul3A_1345 = arith.mulf %min3A_1342, %mul3A_1344 : vector<16xf32>
    %convert_element_type3A_1346 = arith.fptosi %mul3A_1345 : vector<16xf32> to vector<16xi32>
    %swap3A_1347 = arith.constant 98 : i32
    %swap3A_1348 = arith.index_cast %swap3A_1347 : i32 to index
    %swap3A_1349 = arith.constant 16 : index
    %swap3A_1350 = tpu.vector_load %arg6[%swap3A_1348, %swap3A_1349] {strides = array<i32>} : memref<100x128xi32, #tpu.memory_space<vmem>>, vector<1x16xi32>,
    %swap3A_1351 = vector.shape_cast %swap3A_1350 : vector<1x16xi32> to vector<16xi32>
    %swap3A_1352 = vector.shape_cast %convert_element_type3A_1346 : vector<16xi32> to vector<1x16xi32>
    tpu.vector_store %arg6[%swap3A_1348, %swap3A_1349], %swap3A_1352 {strides = array<i32>} : memref<100x128xi32, #tpu.memory_space<vmem>>, vector<1x16xi32>,
    %get3A_1353 = arith.constant 12576 : index
    %get3A_1354 = tpu.vector_load %arg5[%get3A_1353] {strides = array<i32>} : memref<12800xf32, #tpu.memory_space<vmem>>, vector<16xf32>,
    %get3A_1355 = vector.shape_cast %get3A_1354 : vector<16xf32> to vector<16xf32>
    %max3A_1356 = arith.constant 0.000000e+00 : f32
    %max3A_1357 = vector.broadcast %max3A_1356 : f32 to vector<16xf32>
    %max3A_1358 = arith.maximumf %get3A_1355, %max3A_1357 : vector<16xf32>
    %min3A_1359 = arith.constant 9.843750e-01 : f32
    %min3A_1360 = vector.broadcast %min3A_1359 : f32 to vector<16xf32>
    %min3A_1361 = arith.minimumf %max3A_1358, %min3A_1360 : vector<16xf32>
    %mul3A_1362 = arith.constant 3.200000e+01 : f32
    %mul3A_1363 = vector.broadcast %mul3A_1362 : f32 to vector<16xf32>
    %mul3A_1364 = arith.mulf %min3A_1361, %mul3A_1363 : vector<16xf32>
    %convert_element_type3A_1365 = arith.fptosi %mul3A_1364 : vector<16xf32> to vector<16xi32>
    %swap3A_1366 = arith.constant 98 : i32
    %swap3A_1367 = arith.index_cast %swap3A_1366 : i32 to index
    %swap3A_1368 = arith.constant 32 : index
    %swap3A_1369 = tpu.vector_load %arg6[%swap3A_1367, %swap3A_1368] {strides = array<i32>} : memref<100x128xi32, #tpu.memory_space<vmem>>, vector<1x16xi32>,
    %swap3A_1370 = vector.shape_cast %swap3A_1369 : vector<1x16xi32> to vector<16xi32>
    %swap3A_1371 = vector.shape_cast %convert_element_type3A_1365 : vector<16xi32> to vector<1x16xi32>
    tpu.vector_store %arg6[%swap3A_1367, %swap3A_1368], %swap3A_1371 {strides = array<i32>} : memref<100x128xi32, #tpu.memory_space<vmem>>, vector<1x16xi32>,
    %get3A_1372 = arith.constant 12592 : index
    %get3A_1373 = tpu.vector_load %arg5[%get3A_1372] {strides = array<i32>} : memref<12800xf32, #tpu.memory_space<vmem>>, vector<16xf32>,
    %get3A_1374 = vector.shape_cast %get3A_1373 : vector<16xf32> to vector<16xf32>
    %max3A_1375 = arith.constant 0.000000e+00 : f32
    %max3A_1376 = vector.broadcast %max3A_1375 : f32 to vector<16xf32>
    %max3A_1377 = arith.maximumf %get3A_1374, %max3A_1376 : vector<16xf32>
    %min3A_1378 = arith.constant 9.843750e-01 : f32
    %min3A_1379 = vector.broadcast %min3A_1378 : f32 to vector<16xf32>
    %min3A_1380 = arith.minimumf %max3A_1377, %min3A_1379 : vector<16xf32>
    %mul3A_1381 = arith.constant 3.200000e+01 : f32
    %mul3A_1382 = vector.broadcast %mul3A_1381 : f32 to vector<16xf32>
    %mul3A_1383 = arith.mulf %min3A_1380, %mul3A_1382 : vector<16xf32>
    %convert_element_type3A_1384 = arith.fptosi %mul3A_1383 : vector<16xf32> to vector<16xi32>
    %swap3A_1385 = arith.constant 98 : i32
    %swap3A_1386 = arith.index_cast %swap3A_1385 : i32 to index
    %swap3A_1387 = arith.constant 48 : index
    %swap3A_1388 = tpu.vector_load %arg6[%swap3A_1386, %swap3A_1387] {strides = array<i32>} : memref<100x128xi32, #tpu.memory_space<vmem>>, vector<1x16xi32>,
    %swap3A_1389 = vector.shape_cast %swap3A_1388 : vector<1x16xi32> to vector<16xi32>
    %swap3A_1390 = vector.shape_cast %convert_element_type3A_1384 : vector<16xi32> to vector<1x16xi32>
    tpu.vector_store %arg6[%swap3A_1386, %swap3A_1387], %swap3A_1390 {strides = array<i32>} : memref<100x128xi32, #tpu.memory_space<vmem>>, vector<1x16xi32>,
    %get3A_1391 = arith.constant 12608 : index
    %get3A_1392 = tpu.vector_load %arg5[%get3A_1391] {strides = array<i32>} : memref<12800xf32, #tpu.memory_space<vmem>>, vector<16xf32>,
    %get3A_1393 = vector.shape_cast %get3A_1392 : vector<16xf32> to vector<16xf32>
    %max3A_1394 = arith.constant 0.000000e+00 : f32
    %max3A_1395 = vector.broadcast %max3A_1394 : f32 to vector<16xf32>
    %max3A_1396 = arith.maximumf %get3A_1393, %max3A_1395 : vector<16xf32>
    %min3A_1397 = arith.constant 9.843750e-01 : f32
    %min3A_1398 = vector.broadcast %min3A_1397 : f32 to vector<16xf32>
    %min3A_1399 = arith.minimumf %max3A_1396, %min3A_1398 : vector<16xf32>
    %mul3A_1400 = arith.constant 3.200000e+01 : f32
    %mul3A_1401 = vector.broadcast %mul3A_1400 : f32 to vector<16xf32>
    %mul3A_1402 = arith.mulf %min3A_1399, %mul3A_1401 : vector<16xf32>
    %convert_element_type3A_1403 = arith.fptosi %mul3A_1402 : vector<16xf32> to vector<16xi32>
    %swap3A_1404 = arith.constant 98 : i32
    %swap3A_1405 = arith.index_cast %swap3A_1404 : i32 to index
    %swap3A_1406 = arith.constant 64 : index
    %swap3A_1407 = tpu.vector_load %arg6[%swap3A_1405, %swap3A_1406] {strides = array<i32>} : memref<100x128xi32, #tpu.memory_space<vmem>>, vector<1x16xi32>,
    %swap3A_1408 = vector.shape_cast %swap3A_1407 : vector<1x16xi32> to vector<16xi32>
    %swap3A_1409 = vector.shape_cast %convert_element_type3A_1403 : vector<16xi32> to vector<1x16xi32>
    tpu.vector_store %arg6[%swap3A_1405, %swap3A_1406], %swap3A_1409 {strides = array<i32>} : memref<100x128xi32, #tpu.memory_space<vmem>>, vector<1x16xi32>,
    %get3A_1410 = arith.constant 12624 : index
    %get3A_1411 = tpu.vector_load %arg5[%get3A_1410] {strides = array<i32>} : memref<12800xf32, #tpu.memory_space<vmem>>, vector<16xf32>,
    %get3A_1412 = vector.shape_cast %get3A_1411 : vector<16xf32> to vector<16xf32>
    %max3A_1413 = arith.constant 0.000000e+00 : f32
    %max3A_1414 = vector.broadcast %max3A_1413 : f32 to vector<16xf32>
    %max3A_1415 = arith.maximumf %get3A_1412, %max3A_1414 : vector<16xf32>
    %min3A_1416 = arith.constant 9.843750e-01 : f32
    %min3A_1417 = vector.broadcast %min3A_1416 : f32 to vector<16xf32>
    %min3A_1418 = arith.minimumf %max3A_1415, %min3A_1417 : vector<16xf32>
    %mul3A_1419 = arith.constant 3.200000e+01 : f32
    %mul3A_1420 = vector.broadcast %mul3A_1419 : f32 to vector<16xf32>
    %mul3A_1421 = arith.mulf %min3A_1418, %mul3A_1420 : vector<16xf32>
    %convert_element_type3A_1422 = arith.fptosi %mul3A_1421 : vector<16xf32> to vector<16xi32>
    %swap3A_1423 = arith.constant 98 : i32
    %swap3A_1424 = arith.index_cast %swap3A_1423 : i32 to index
    %swap3A_1425 = arith.constant 80 : index
    %swap3A_1426 = tpu.vector_load %arg6[%swap3A_1424, %swap3A_1425] {strides = array<i32>} : memref<100x128xi32, #tpu.memory_space<vmem>>, vector<1x16xi32>,
    %swap3A_1427 = vector.shape_cast %swap3A_1426 : vector<1x16xi32> to vector<16xi32>
    %swap3A_1428 = vector.shape_cast %convert_element_type3A_1422 : vector<16xi32> to vector<1x16xi32>
    tpu.vector_store %arg6[%swap3A_1424, %swap3A_1425], %swap3A_1428 {strides = array<i32>} : memref<100x128xi32, #tpu.memory_space<vmem>>, vector<1x16xi32>,
    %get3A_1429 = arith.constant 12640 : index
    %get3A_1430 = tpu.vector_load %arg5[%get3A_1429] {strides = array<i32>} : memref<12800xf32, #tpu.memory_space<vmem>>, vector<16xf32>,
    %get3A_1431 = vector.shape_cast %get3A_1430 : vector<16xf32> to vector<16xf32>
    %max3A_1432 = arith.constant 0.000000e+00 : f32
    %max3A_1433 = vector.broadcast %max3A_1432 : f32 to vector<16xf32>
    %max3A_1434 = arith.maximumf %get3A_1431, %max3A_1433 : vector<16xf32>
    %min3A_1435 = arith.constant 9.843750e-01 : f32
    %min3A_1436 = vector.broadcast %min3A_1435 : f32 to vector<16xf32>
    %min3A_1437 = arith.minimumf %max3A_1434, %min3A_1436 : vector<16xf32>
    %mul3A_1438 = arith.constant 3.200000e+01 : f32
    %mul3A_1439 = vector.broadcast %mul3A_1438 : f32 to vector<16xf32>
    %mul3A_1440 = arith.mulf %min3A_1437, %mul3A_1439 : vector<16xf32>
    %convert_element_type3A_1441 = arith.fptosi %mul3A_1440 : vector<16xf32> to vector<16xi32>
    %swap3A_1442 = arith.constant 98 : i32
    %swap3A_1443 = arith.index_cast %swap3A_1442 : i32 to index
    %swap3A_1444 = arith.constant 96 : index
    %swap3A_1445 = tpu.vector_load %arg6[%swap3A_1443, %swap3A_1444] {strides = array<i32>} : memref<100x128xi32, #tpu.memory_space<vmem>>, vector<1x16xi32>,
    %swap3A_1446 = vector.shape_cast %swap3A_1445 : vector<1x16xi32> to vector<16xi32>
    %swap3A_1447 = vector.shape_cast %convert_element_type3A_1441 : vector<16xi32> to vector<1x16xi32>
    tpu.vector_store %arg6[%swap3A_1443, %swap3A_1444], %swap3A_1447 {strides = array<i32>} : memref<100x128xi32, #tpu.memory_space<vmem>>, vector<1x16xi32>,
    %get3A_1448 = arith.constant 12656 : index
    %get3A_1449 = tpu.vector_load %arg5[%get3A_1448] {strides = array<i32>} : memref<12800xf32, #tpu.memory_space<vmem>>, vector<16xf32>,
    %get3A_1450 = vector.shape_cast %get3A_1449 : vector<16xf32> to vector<16xf32>
    %max3A_1451 = arith.constant 0.000000e+00 : f32
    %max3A_1452 = vector.broadcast %max3A_1451 : f32 to vector<16xf32>
    %max3A_1453 = arith.maximumf %get3A_1450, %max3A_1452 : vector<16xf32>
    %min3A_1454 = arith.constant 9.843750e-01 : f32
    %min3A_1455 = vector.broadcast %min3A_1454 : f32 to vector<16xf32>
    %min3A_1456 = arith.minimumf %max3A_1453, %min3A_1455 : vector<16xf32>
    %mul3A_1457 = arith.constant 3.200000e+01 : f32
    %mul3A_1458 = vector.broadcast %mul3A_1457 : f32 to vector<16xf32>
    %mul3A_1459 = arith.mulf %min3A_1456, %mul3A_1458 : vector<16xf32>
    %convert_element_type3A_1460 = arith.fptosi %mul3A_1459 : vector<16xf32> to vector<16xi32>
    %swap3A_1461 = arith.constant 98 : i32
    %swap3A_1462 = arith.index_cast %swap3A_1461 : i32 to index
    %swap3A_1463 = arith.constant 112 : index
    %swap3A_1464 = tpu.vector_load %arg6[%swap3A_1462, %swap3A_1463] {strides = array<i32>} : memref<100x128xi32, #tpu.memory_space<vmem>>, vector<1x16xi32>,
    %swap3A_1465 = vector.shape_cast %swap3A_1464 : vector<1x16xi32> to vector<16xi32>
    %swap3A_1466 = vector.shape_cast %convert_element_type3A_1460 : vector<16xi32> to vector<1x16xi32>
    tpu.vector_store %arg6[%swap3A_1462, %swap3A_1463], %swap3A_1466 {strides = array<i32>} : memref<100x128xi32, #tpu.memory_space<vmem>>, vector<1x16xi32>,
    %get3A_1467 = arith.constant 12672 : index
    %get3A_1468 = tpu.vector_load %arg5[%get3A_1467] {strides = array<i32>} : memref<12800xf32, #tpu.memory_space<vmem>>, vector<16xf32>,
    %get3A_1469 = vector.shape_cast %get3A_1468 : vector<16xf32> to vector<16xf32>
    %max3A_1470 = arith.constant 0.000000e+00 : f32
    %max3A_1471 = vector.broadcast %max3A_1470 : f32 to vector<16xf32>
    %max3A_1472 = arith.maximumf %get3A_1469, %max3A_1471 : vector<16xf32>
    %min3A_1473 = arith.constant 9.843750e-01 : f32
    %min3A_1474 = vector.broadcast %min3A_1473 : f32 to vector<16xf32>
    %min3A_1475 = arith.minimumf %max3A_1472, %min3A_1474 : vector<16xf32>
    %mul3A_1476 = arith.constant 3.200000e+01 : f32
    %mul3A_1477 = vector.broadcast %mul3A_1476 : f32 to vector<16xf32>
    %mul3A_1478 = arith.mulf %min3A_1475, %mul3A_1477 : vector<16xf32>
    %convert_element_type3A_1479 = arith.fptosi %mul3A_1478 : vector<16xf32> to vector<16xi32>
    %swap3A_1480 = arith.constant 99 : i32
    %swap3A_1481 = arith.index_cast %swap3A_1480 : i32 to index
    %swap3A_1482 = arith.constant 0 : index
    %swap3A_1483 = tpu.vector_load %arg6[%swap3A_1481, %swap3A_1482] {strides = array<i32>} : memref<100x128xi32, #tpu.memory_space<vmem>>, vector<1x16xi32>,
    %swap3A_1484 = vector.shape_cast %swap3A_1483 : vector<1x16xi32> to vector<16xi32>
    %swap3A_1485 = vector.shape_cast %convert_element_type3A_1479 : vector<16xi32> to vector<1x16xi32>
    tpu.vector_store %arg6[%swap3A_1481, %swap3A_1482], %swap3A_1485 {strides = array<i32>} : memref<100x128xi32, #tpu.memory_space<vmem>>, vector<1x16xi32>,
    %get3A_1486 = arith.constant 12688 : index
    %get3A_1487 = tpu.vector_load %arg5[%get3A_1486] {strides = array<i32>} : memref<12800xf32, #tpu.memory_space<vmem>>, vector<16xf32>,
    %get3A_1488 = vector.shape_cast %get3A_1487 : vector<16xf32> to vector<16xf32>
    %max3A_1489 = arith.constant 0.000000e+00 : f32
    %max3A_1490 = vector.broadcast %max3A_1489 : f32 to vector<16xf32>
    %max3A_1491 = arith.maximumf %get3A_1488, %max3A_1490 : vector<16xf32>
    %min3A_1492 = arith.constant 9.843750e-01 : f32
    %min3A_1493 = vector.broadcast %min3A_1492 : f32 to vector<16xf32>
    %min3A_1494 = arith.minimumf %max3A_1491, %min3A_1493 : vector<16xf32>
    %mul3A_1495 = arith.constant 3.200000e+01 : f32
    %mul3A_1496 = vector.broadcast %mul3A_1495 : f32 to vector<16xf32>
    %mul3A_1497 = arith.mulf %min3A_1494, %mul3A_1496 : vector<16xf32>
    %convert_element_type3A_1498 = arith.fptosi %mul3A_1497 : vector<16xf32> to vector<16xi32>
    %swap3A_1499 = arith.constant 99 : i32
    %swap3A_1500 = arith.index_cast %swap3A_1499 : i32 to index
    %swap3A_1501 = arith.constant 16 : index
    %swap3A_1502 = tpu.vector_load %arg6[%swap3A_1500, %swap3A_1501] {strides = array<i32>} : memref<100x128xi32, #tpu.memory_space<vmem>>, vector<1x16xi32>,
    %swap3A_1503 = vector.shape_cast %swap3A_1502 : vector<1x16xi32> to vector<16xi32>
    %swap3A_1504 = vector.shape_cast %convert_element_type3A_1498 : vector<16xi32> to vector<1x16xi32>
    tpu.vector_store %arg6[%swap3A_1500, %swap3A_1501], %swap3A_1504 {strides = array<i32>} : memref<100x128xi32, #tpu.memory_space<vmem>>, vector<1x16xi32>,
    %get3A_1505 = arith.constant 12704 : index
    %get3A_1506 = tpu.vector_load %arg5[%get3A_1505] {strides = array<i32>} : memref<12800xf32, #tpu.memory_space<vmem>>, vector<16xf32>,
    %get3A_1507 = vector.shape_cast %get3A_1506 : vector<16xf32> to vector<16xf32>
    %max3A_1508 = arith.constant 0.000000e+00 : f32
    %max3A_1509 = vector.broadcast %max3A_1508 : f32 to vector<16xf32>
    %max3A_1510 = arith.maximumf %get3A_1507, %max3A_1509 : vector<16xf32>
    %min3A_1511 = arith.constant 9.843750e-01 : f32
    %min3A_1512 = vector.broadcast %min3A_1511 : f32 to vector<16xf32>
    %min3A_1513 = arith.minimumf %max3A_1510, %min3A_1512 : vector<16xf32>
    %mul3A_1514 = arith.constant 3.200000e+01 : f32
    %mul3A_1515 = vector.broadcast %mul3A_1514 : f32 to vector<16xf32>
    %mul3A_1516 = arith.mulf %min3A_1513, %mul3A_1515 : vector<16xf32>
    %convert_element_type3A_1517 = arith.fptosi %mul3A_1516 : vector<16xf32> to vector<16xi32>
    %swap3A_1518 = arith.constant 99 : i32
    %swap3A_1519 = arith.index_cast %swap3A_1518 : i32 to index
    %swap3A_1520 = arith.constant 32 : index
    %swap3A_1521 = tpu.vector_load %arg6[%swap3A_1519, %swap3A_1520] {strides = array<i32>} : memref<100x128xi32, #tpu.memory_space<vmem>>, vector<1x16xi32>,
    %swap3A_1522 = vector.shape_cast %swap3A_1521 : vector<1x16xi32> to vector<16xi32>
    %swap3A_1523 = vector.shape_cast %convert_element_type3A_1517 : vector<16xi32> to vector<1x16xi32>
    tpu.vector_store %arg6[%swap3A_1519, %swap3A_1520], %swap3A_1523 {strides = array<i32>} : memref<100x128xi32, #tpu.memory_space<vmem>>, vector<1x16xi32>,
    %get3A_1524 = arith.constant 12720 : index
    %get3A_1525 = tpu.vector_load %arg5[%get3A_1524] {strides = array<i32>} : memref<12800xf32, #tpu.memory_space<vmem>>, vector<16xf32>,
    %get3A_1526 = vector.shape_cast %get3A_1525 : vector<16xf32> to vector<16xf32>
    %max3A_1527 = arith.constant 0.000000e+00 : f32
    %max3A_1528 = vector.broadcast %max3A_1527 : f32 to vector<16xf32>
    %max3A_1529 = arith.maximumf %get3A_1526, %max3A_1528 : vector<16xf32>
    %min3A_1530 = arith.constant 9.843750e-01 : f32
    %min3A_1531 = vector.broadcast %min3A_1530 : f32 to vector<16xf32>
    %min3A_1532 = arith.minimumf %max3A_1529, %min3A_1531 : vector<16xf32>
    %mul3A_1533 = arith.constant 3.200000e+01 : f32
    %mul3A_1534 = vector.broadcast %mul3A_1533 : f32 to vector<16xf32>
    %mul3A_1535 = arith.mulf %min3A_1532, %mul3A_1534 : vector<16xf32>
    %convert_element_type3A_1536 = arith.fptosi %mul3A_1535 : vector<16xf32> to vector<16xi32>
    %swap3A_1537 = arith.constant 99 : i32
    %swap3A_1538 = arith.index_cast %swap3A_1537 : i32 to index
    %swap3A_1539 = arith.constant 48 : index
    %swap3A_1540 = tpu.vector_load %arg6[%swap3A_1538, %swap3A_1539] {strides = array<i32>} : memref<100x128xi32, #tpu.memory_space<vmem>>, vector<1x16xi32>,
    %swap3A_1541 = vector.shape_cast %swap3A_1540 : vector<1x16xi32> to vector<16xi32>
    %swap3A_1542 = vector.shape_cast %convert_element_type3A_1536 : vector<16xi32> to vector<1x16xi32>
    tpu.vector_store %arg6[%swap3A_1538, %swap3A_1539], %swap3A_1542 {strides = array<i32>} : memref<100x128xi32, #tpu.memory_space<vmem>>, vector<1x16xi32>,
    %get3A_1543 = arith.constant 12736 : index
    %get3A_1544 = tpu.vector_load %arg5[%get3A_1543] {strides = array<i32>} : memref<12800xf32, #tpu.memory_space<vmem>>, vector<16xf32>,
    %get3A_1545 = vector.shape_cast %get3A_1544 : vector<16xf32> to vector<16xf32>
    %max3A_1546 = arith.constant 0.000000e+00 : f32
    %max3A_1547 = vector.broadcast %max3A_1546 : f32 to vector<16xf32>
    %max3A_1548 = arith.maximumf %get3A_1545, %max3A_1547 : vector<16xf32>
    %min3A_1549 = arith.constant 9.843750e-01 : f32
    %min3A_1550 = vector.broadcast %min3A_1549 : f32 to vector<16xf32>
    %min3A_1551 = arith.minimumf %max3A_1548, %min3A_1550 : vector<16xf32>
    %mul3A_1552 = arith.constant 3.200000e+01 : f32
    %mul3A_1553 = vector.broadcast %mul3A_1552 : f32 to vector<16xf32>
    %mul3A_1554 = arith.mulf %min3A_1551, %mul3A_1553 : vector<16xf32>
    %convert_element_type3A_1555 = arith.fptosi %mul3A_1554 : vector<16xf32> to vector<16xi32>
    %swap3A_1556 = arith.constant 99 : i32
    %swap3A_1557 = arith.index_cast %swap3A_1556 : i32 to index
    %swap3A_1558 = arith.constant 64 : index
    %swap3A_1559 = tpu.vector_load %arg6[%swap3A_1557, %swap3A_1558] {strides = array<i32>} : memref<100x128xi32, #tpu.memory_space<vmem>>, vector<1x16xi32>,
    %swap3A_1560 = vector.shape_cast %swap3A_1559 : vector<1x16xi32> to vector<16xi32>
    %swap3A_1561 = vector.shape_cast %convert_element_type3A_1555 : vector<16xi32> to vector<1x16xi32>
    tpu.vector_store %arg6[%swap3A_1557, %swap3A_1558], %swap3A_1561 {strides = array<i32>} : memref<100x128xi32, #tpu.memory_space<vmem>>, vector<1x16xi32>,
    %get3A_1562 = arith.constant 12752 : index
    %get3A_1563 = tpu.vector_load %arg5[%get3A_1562] {strides = array<i32>} : memref<12800xf32, #tpu.memory_space<vmem>>, vector<16xf32>,
    %get3A_1564 = vector.shape_cast %get3A_1563 : vector<16xf32> to vector<16xf32>
    %max3A_1565 = arith.constant 0.000000e+00 : f32
    %max3A_1566 = vector.broadcast %max3A_1565 : f32 to vector<16xf32>
    %max3A_1567 = arith.maximumf %get3A_1564, %max3A_1566 : vector<16xf32>
    %min3A_1568 = arith.constant 9.843750e-01 : f32
    %min3A_1569 = vector.broadcast %min3A_1568 : f32 to vector<16xf32>
    %min3A_1570 = arith.minimumf %max3A_1567, %min3A_1569 : vector<16xf32>
    %mul3A_1571 = arith.constant 3.200000e+01 : f32
    %mul3A_1572 = vector.broadcast %mul3A_1571 : f32 to vector<16xf32>
    %mul3A_1573 = arith.mulf %min3A_1570, %mul3A_1572 : vector<16xf32>
    %convert_element_type3A_1574 = arith.fptosi %mul3A_1573 : vector<16xf32> to vector<16xi32>
    %swap3A_1575 = arith.constant 99 : i32
    %swap3A_1576 = arith.index_cast %swap3A_1575 : i32 to index
    %swap3A_1577 = arith.constant 80 : index
    %swap3A_1578 = tpu.vector_load %arg6[%swap3A_1576, %swap3A_1577] {strides = array<i32>} : memref<100x128xi32, #tpu.memory_space<vmem>>, vector<1x16xi32>,
    %swap3A_1579 = vector.shape_cast %swap3A_1578 : vector<1x16xi32> to vector<16xi32>
    %swap3A_1580 = vector.shape_cast %convert_element_type3A_1574 : vector<16xi32> to vector<1x16xi32>
    tpu.vector_store %arg6[%swap3A_1576, %swap3A_1577], %swap3A_1580 {strides = array<i32>} : memref<100x128xi32, #tpu.memory_space<vmem>>, vector<1x16xi32>,
    %get3A_1581 = arith.constant 12768 : index
    %get3A_1582 = tpu.vector_load %arg5[%get3A_1581] {strides = array<i32>} : memref<12800xf32, #tpu.memory_space<vmem>>, vector<16xf32>,
    %get3A_1583 = vector.shape_cast %get3A_1582 : vector<16xf32> to vector<16xf32>
    %max3A_1584 = arith.constant 0.000000e+00 : f32
    %max3A_1585 = vector.broadcast %max3A_1584 : f32 to vector<16xf32>
    %max3A_1586 = arith.maximumf %get3A_1583, %max3A_1585 : vector<16xf32>
    %min3A_1587 = arith.constant 9.843750e-01 : f32
    %min3A_1588 = vector.broadcast %min3A_1587 : f32 to vector<16xf32>
    %min3A_1589 = arith.minimumf %max3A_1586, %min3A_1588 : vector<16xf32>
    %mul3A_1590 = arith.constant 3.200000e+01 : f32
    %mul3A_1591 = vector.broadcast %mul3A_1590 : f32 to vector<16xf32>
    %mul3A_1592 = arith.mulf %min3A_1589, %mul3A_1591 : vector<16xf32>
    %convert_element_type3A_1593 = arith.fptosi %mul3A_1592 : vector<16xf32> to vector<16xi32>
    %swap3A_1594 = arith.constant 99 : i32
    %swap3A_1595 = arith.index_cast %swap3A_1594 : i32 to index
    %swap3A_1596 = arith.constant 96 : index
    %swap3A_1597 = tpu.vector_load %arg6[%swap3A_1595, %swap3A_1596] {strides = array<i32>} : memref<100x128xi32, #tpu.memory_space<vmem>>, vector<1x16xi32>,
    %swap3A_1598 = vector.shape_cast %swap3A_1597 : vector<1x16xi32> to vector<16xi32>
    %swap3A_1599 = vector.shape_cast %convert_element_type3A_1593 : vector<16xi32> to vector<1x16xi32>
    tpu.vector_store %arg6[%swap3A_1595, %swap3A_1596], %swap3A_1599 {strides = array<i32>} : memref<100x128xi32, #tpu.memory_space<vmem>>, vector<1x16xi32>,
    %get3A_1600 = arith.constant 12784 : index
    %get3A_1601 = tpu.vector_load %arg5[%get3A_1600] {strides = array<i32>} : memref<12800xf32, #tpu.memory_space<vmem>>, vector<16xf32>,
    %get3A_1602 = vector.shape_cast %get3A_1601 : vector<16xf32> to vector<16xf32>
    %max3A_1603 = arith.constant 0.000000e+00 : f32
    %max3A_1604 = vector.broadcast %max3A_1603 : f32 to vector<16xf32>
    %max3A_1605 = arith.maximumf %get3A_1602, %max3A_1604 : vector<16xf32>
    %min3A_1606 = arith.constant 9.843750e-01 : f32
    %min3A_1607 = vector.broadcast %min3A_1606 : f32 to vector<16xf32>
    %min3A_1608 = arith.minimumf %max3A_1605, %min3A_1607 : vector<16xf32>
    %mul3A_1609 = arith.constant 3.200000e+01 : f32
    %mul3A_1610 = vector.broadcast %mul3A_1609 : f32 to vector<16xf32>
    %mul3A_1611 = arith.mulf %min3A_1608, %mul3A_1610 : vector<16xf32>
    %convert_element_type3A_1612 = arith.fptosi %mul3A_1611 : vector<16xf32> to vector<16xi32>
    %swap3A_1613 = arith.constant 99 : i32
    %swap3A_1614 = arith.index_cast %swap3A_1613 : i32 to index
    %swap3A_1615 = arith.constant 112 : index
    %swap3A_1616 = tpu.vector_load %arg6[%swap3A_1614, %swap3A_1615] {strides = array<i32>} : memref<100x128xi32, #tpu.memory_space<vmem>>, vector<1x16xi32>,
    %swap3A_1617 = vector.shape_cast %swap3A_1616 : vector<1x16xi32> to vector<16xi32>
    %swap3A_1618 = vector.shape_cast %convert_element_type3A_1612 : vector<16xi32> to vector<1x16xi32>
    tpu.vector_store %arg6[%swap3A_1614, %swap3A_1615], %swap3A_1618 {strides = array<i32>} : memref<100x128xi32, #tpu.memory_space<vmem>>, vector<1x16xi32>,
    %dma_wait3A_1619 = arith.constant 90 : i32
    %dma_wait3A_1620 = arith.constant 0 : i32
    %dma_wait3A_1621 = arith.constant 0 : i32
    %dma_wait3A_1622 = arith.constant 0 : i32
    %dma_wait3A_1623 = arith.constant 0 : i32
    %dma_wait3A_1624 = tpu.memref_slice %arg7[%dma_wait3A_1620, %dma_wait3A_1622, %dma_wait3A_1623] : memref<6x128x128xf32, #tpu.memory_space<vmem>> -> memref<1x128x128xf32, #tpu.memory_space<vmem>>
    %dma_wait3A_1625 = tpu.memref_squeeze %dma_wait3A_1624 : memref<1x128x128xf32, #tpu.memory_space<vmem>> -> memref<128x128xf32, #tpu.memory_space<vmem>>
    %dma_wait3A_1626 = arith.constant 0 : i32
    %dma_wait3A_1627 = tpu.memref_slice %arg6[%dma_wait3A_1619, %dma_wait3A_1626] : memref<100x128xi32, #tpu.memory_space<vmem>> -> memref<1x128xi32, #tpu.memory_space<vmem>>
    %dma_wait3A_1628 = tpu.memref_squeeze %dma_wait3A_1627 : memref<1x128xi32, #tpu.memory_space<vmem>> -> memref<128xi32, #tpu.memory_space<vmem>>
    %dma_wait3A_1629 = arith.constant 0 : i32
    %dma_wait3A_1630 = arith.constant 0 : i32
    %dma_wait3A_1631 = tpu.memref_slice %arg8[%dma_wait3A_1629, %dma_wait3A_1630] : memref<32x128xf32, #tpu.memory_space<vmem_shared>> -> memref<32x128xf32, #tpu.memory_space<vmem_shared>>
    %dma_wait3A_1632 = tpu.memref_slice %arg9[%dma_wait3A_1621] : memref<6x!tpu.dma_semaphore, #tpu.memory_space<semaphore_mem>> -> memref<1x!tpu.dma_semaphore, #tpu.memory_space<semaphore_mem>>
    %dma_wait3A_1633 = tpu.memref_squeeze %dma_wait3A_1632 : memref<1x!tpu.dma_semaphore, #tpu.memory_space<semaphore_mem>> -> memref<!tpu.dma_semaphore, #tpu.memory_space<semaphore_mem>>
    tpu.wait_indirect_dma semaphore(%dma_wait3A_1633 : memref<!tpu.dma_semaphore, #tpu.memory_space<semaphore_mem>>) src(%dma_wait3A_1631 : memref<32x128xf32, #tpu.memory_space<vmem_shared>>) dst(%dma_wait3A_1625 : memref<128x128xf32, #tpu.memory_space<vmem>>)
    %add3A_1634 = arith.constant 90 : i32
    %add3A_1635 = arith.addi %mul3A_2, %add3A_1634 : i32
    %mul3A_1636 = arith.constant 128 : i32
    %mul3A_1637 = arith.muli %add3A_1635, %mul3A_1636 : i32
    %dma_start3A_1638 = arith.constant 0 : i32
    %dma_start3A_1639 = arith.constant 0 : i32
    %dma_start3A_1640 = arith.constant 0 : i32
    %dma_start3A_1641 = arith.constant 0 : i32
    %dma_start3A_1642 = tpu.memref_slice %arg7[%dma_start3A_1638, %dma_start3A_1640, %dma_start3A_1641] : memref<6x128x128xf32, #tpu.memory_space<vmem>> -> memref<1x128x128xf32, #tpu.memory_space<vmem>>
    %dma_start3A_1643 = tpu.memref_squeeze %dma_start3A_1642 : memref<1x128x128xf32, #tpu.memory_space<vmem>> -> memref<128x128xf32, #tpu.memory_space<vmem>>
    %dma_start3A_1644 = arith.constant 0 : i32
    %dma_start3A_1645 = tpu.memref_slice %arg4[%mul3A_1637, %dma_start3A_1644] : memref<409600x128xf32, #tpu.memory_space<hbm>> -> memref<128x128xf32, #tpu.memory_space<hbm>>
    %dma_start3A_1646 = tpu.memref_slice %arg10[%dma_start3A_1639] : memref<6x!tpu.dma_semaphore, #tpu.memory_space<semaphore_mem>> -> memref<1x!tpu.dma_semaphore, #tpu.memory_space<semaphore_mem>>
    %dma_start3A_1647 = tpu.memref_squeeze %dma_start3A_1646 : memref<1x!tpu.dma_semaphore, #tpu.memory_space<semaphore_mem>> -> memref<!tpu.dma_semaphore, #tpu.memory_space<semaphore_mem>>
    %dma_start3A_1648 = arith.constant 0 : i32
    %dma_start3A_1649 = tpu.memref_slice %arg4[%mul3A_1637, %dma_start3A_1648] : memref<409600x128xf32, #tpu.memory_space<hbm>> -> memref<128x128xf32, #tpu.memory_space<hbm>>
    %dma_start3A_1650 = arith.constant 0 : i32
    %dma_start3A_1651 = arith.constant 0 : i32
    %dma_start3A_1652 = tpu.memref_slice %arg7[%dma_start3A_1638, %dma_start3A_1650, %dma_start3A_1651] : memref<6x128x128xf32, #tpu.memory_space<vmem>> -> memref<1x128x128xf32, #tpu.memory_space<vmem>>
    %dma_start3A_1653 = tpu.memref_squeeze %dma_start3A_1652 : memref<1x128x128xf32, #tpu.memory_space<vmem>> -> memref<128x128xf32, #tpu.memory_space<vmem>>
    tpu.enqueue_dma source(%dma_start3A_1653 : memref<128x128xf32, #tpu.memory_space<vmem>>) target(%dma_start3A_1649 : memref<128x128xf32, #tpu.memory_space<hbm>>) target_semaphore(%dma_start3A_1647 : memref<!tpu.dma_semaphore, #tpu.memory_space<semaphore_mem>>)
    %dma_wait3A_1654 = arith.constant 91 : i32
    %dma_wait3A_1655 = arith.constant 1 : i32
    %dma_wait3A_1656 = arith.constant 1 : i32
    %dma_wait3A_1657 = arith.constant 0 : i32
    %dma_wait3A_1658 = arith.constant 0 : i32
    %dma_wait3A_1659 = tpu.memref_slice %arg7[%dma_wait3A_1655, %dma_wait3A_1657, %dma_wait3A_1658] : memref<6x128x128xf32, #tpu.memory_space<vmem>> -> memref<1x128x128xf32, #tpu.memory_space<vmem>>
    %dma_wait3A_1660 = tpu.memref_squeeze %dma_wait3A_1659 : memref<1x128x128xf32, #tpu.memory_space<vmem>> -> memref<128x128xf32, #tpu.memory_space<vmem>>
    %dma_wait3A_1661 = arith.constant 0 : i32
    %dma_wait3A_1662 = tpu.memref_slice %arg6[%dma_wait3A_1654, %dma_wait3A_1661] : memref<100x128xi32, #tpu.memory_space<vmem>> -> memref<1x128xi32, #tpu.memory_space<vmem>>
    %dma_wait3A_1663 = tpu.memref_squeeze %dma_wait3A_1662 : memref<1x128xi32, #tpu.memory_space<vmem>> -> memref<128xi32, #tpu.memory_space<vmem>>
    %dma_wait3A_1664 = arith.constant 0 : i32
    %dma_wait3A_1665 = arith.constant 0 : i32
    %dma_wait3A_1666 = tpu.memref_slice %arg8[%dma_wait3A_1664, %dma_wait3A_1665] : memref<32x128xf32, #tpu.memory_space<vmem_shared>> -> memref<32x128xf32, #tpu.memory_space<vmem_shared>>
    %dma_wait3A_1667 = tpu.memref_slice %arg9[%dma_wait3A_1656] : memref<6x!tpu.dma_semaphore, #tpu.memory_space<semaphore_mem>> -> memref<1x!tpu.dma_semaphore, #tpu.memory_space<semaphore_mem>>
    %dma_wait3A_1668 = tpu.memref_squeeze %dma_wait3A_1667 : memref<1x!tpu.dma_semaphore, #tpu.memory_space<semaphore_mem>> -> memref<!tpu.dma_semaphore, #tpu.memory_space<semaphore_mem>>
    tpu.wait_indirect_dma semaphore(%dma_wait3A_1668 : memref<!tpu.dma_semaphore, #tpu.memory_space<semaphore_mem>>) src(%dma_wait3A_1666 : memref<32x128xf32, #tpu.memory_space<vmem_shared>>) dst(%dma_wait3A_1660 : memref<128x128xf32, #tpu.memory_space<vmem>>)
    %add3A_1669 = arith.constant 91 : i32
    %add3A_1670 = arith.addi %mul3A_2, %add3A_1669 : i32
    %mul3A_1671 = arith.constant 128 : i32
    %mul3A_1672 = arith.muli %add3A_1670, %mul3A_1671 : i32
    %dma_start3A_1673 = arith.constant 1 : i32
    %dma_start3A_1674 = arith.constant 1 : i32
    %dma_start3A_1675 = arith.constant 0 : i32
    %dma_start3A_1676 = arith.constant 0 : i32
    %dma_start3A_1677 = tpu.memref_slice %arg7[%dma_start3A_1673, %dma_start3A_1675, %dma_start3A_1676] : memref<6x128x128xf32, #tpu.memory_space<vmem>> -> memref<1x128x128xf32, #tpu.memory_space<vmem>>
    %dma_start3A_1678 = tpu.memref_squeeze %dma_start3A_1677 : memref<1x128x128xf32, #tpu.memory_space<vmem>> -> memref<128x128xf32, #tpu.memory_space<vmem>>
    %dma_start3A_1679 = arith.constant 0 : i32
    %dma_start3A_1680 = tpu.memref_slice %arg4[%mul3A_1672, %dma_start3A_1679] : memref<409600x128xf32, #tpu.memory_space<hbm>> -> memref<128x128xf32, #tpu.memory_space<hbm>>
    %dma_start3A_1681 = tpu.memref_slice %arg10[%dma_start3A_1674] : memref<6x!tpu.dma_semaphore, #tpu.memory_space<semaphore_mem>> -> memref<1x!tpu.dma_semaphore, #tpu.memory_space<semaphore_mem>>
    %dma_start3A_1682 = tpu.memref_squeeze %dma_start3A_1681 : memref<1x!tpu.dma_semaphore, #tpu.memory_space<semaphore_mem>> -> memref<!tpu.dma_semaphore, #tpu.memory_space<semaphore_mem>>
    %dma_start3A_1683 = arith.constant 0 : i32
    %dma_start3A_1684 = tpu.memref_slice %arg4[%mul3A_1672, %dma_start3A_1683] : memref<409600x128xf32, #tpu.memory_space<hbm>> -> memref<128x128xf32, #tpu.memory_space<hbm>>
    %dma_start3A_1685 = arith.constant 0 : i32
    %dma_start3A_1686 = arith.constant 0 : i32
    %dma_start3A_1687 = tpu.memref_slice %arg7[%dma_start3A_1673, %dma_start3A_1685, %dma_start3A_1686] : memref<6x128x128xf32, #tpu.memory_space<vmem>> -> memref<1x128x128xf32, #tpu.memory_space<vmem>>
    %dma_start3A_1688 = tpu.memref_squeeze %dma_start3A_1687 : memref<1x128x128xf32, #tpu.memory_space<vmem>> -> memref<128x128xf32, #tpu.memory_space<vmem>>
    tpu.enqueue_dma source(%dma_start3A_1688 : memref<128x128xf32, #tpu.memory_space<vmem>>) target(%dma_start3A_1684 : memref<128x128xf32, #tpu.memory_space<hbm>>) target_semaphore(%dma_start3A_1682 : memref<!tpu.dma_semaphore, #tpu.memory_space<semaphore_mem>>)
    %dma_wait3A_1689 = arith.constant 92 : i32
    %dma_wait3A_1690 = arith.constant 2 : i32
    %dma_wait3A_1691 = arith.constant 2 : i32
    %dma_wait3A_1692 = arith.constant 0 : i32
    %dma_wait3A_1693 = arith.constant 0 : i32
    %dma_wait3A_1694 = tpu.memref_slice %arg7[%dma_wait3A_1690, %dma_wait3A_1692, %dma_wait3A_1693] : memref<6x128x128xf32, #tpu.memory_space<vmem>> -> memref<1x128x128xf32, #tpu.memory_space<vmem>>
    %dma_wait3A_1695 = tpu.memref_squeeze %dma_wait3A_1694 : memref<1x128x128xf32, #tpu.memory_space<vmem>> -> memref<128x128xf32, #tpu.memory_space<vmem>>
    %dma_wait3A_1696 = arith.constant 0 : i32
    %dma_wait3A_1697 = tpu.memref_slice %arg6[%dma_wait3A_1689, %dma_wait3A_1696] : memref<100x128xi32, #tpu.memory_space<vmem>> -> memref<1x128xi32, #tpu.memory_space<vmem>>
    %dma_wait3A_1698 = tpu.memref_squeeze %dma_wait3A_1697 : memref<1x128xi32, #tpu.memory_space<vmem>> -> memref<128xi32, #tpu.memory_space<vmem>>
    %dma_wait3A_1699 = arith.constant 0 : i32
    %dma_wait3A_1700 = arith.constant 0 : i32
    %dma_wait3A_1701 = tpu.memref_slice %arg8[%dma_wait3A_1699, %dma_wait3A_1700] : memref<32x128xf32, #tpu.memory_space<vmem_shared>> -> memref<32x128xf32, #tpu.memory_space<vmem_shared>>
    %dma_wait3A_1702 = tpu.memref_slice %arg9[%dma_wait3A_1691] : memref<6x!tpu.dma_semaphore, #tpu.memory_space<semaphore_mem>> -> memref<1x!tpu.dma_semaphore, #tpu.memory_space<semaphore_mem>>
    %dma_wait3A_1703 = tpu.memref_squeeze %dma_wait3A_1702 : memref<1x!tpu.dma_semaphore, #tpu.memory_space<semaphore_mem>> -> memref<!tpu.dma_semaphore, #tpu.memory_space<semaphore_mem>>
    tpu.wait_indirect_dma semaphore(%dma_wait3A_1703 : memref<!tpu.dma_semaphore, #tpu.memory_space<semaphore_mem>>) src(%dma_wait3A_1701 : memref<32x128xf32, #tpu.memory_space<vmem_shared>>) dst(%dma_wait3A_1695 : memref<128x128xf32, #tpu.memory_space<vmem>>)
    %add3A_1704 = arith.constant 92 : i32
    %add3A_1705 = arith.addi %mul3A_2, %add3A_1704 : i32
    %mul3A_1706 = arith.constant 128 : i32
    %mul3A_1707 = arith.muli %add3A_1705, %mul3A_1706 : i32
    %dma_start3A_1708 = arith.constant 2 : i32
    %dma_start3A_1709 = arith.constant 2 : i32
    %dma_start3A_1710 = arith.constant 0 : i32
    %dma_start3A_1711 = arith.constant 0 : i32
    %dma_start3A_1712 = tpu.memref_slice %arg7[%dma_start3A_1708, %dma_start3A_1710, %dma_start3A_1711] : memref<6x128x128xf32, #tpu.memory_space<vmem>> -> memref<1x128x128xf32, #tpu.memory_space<vmem>>
    %dma_start3A_1713 = tpu.memref_squeeze %dma_start3A_1712 : memref<1x128x128xf32, #tpu.memory_space<vmem>> -> memref<128x128xf32, #tpu.memory_space<vmem>>
    %dma_start3A_1714 = arith.constant 0 : i32
    %dma_start3A_1715 = tpu.memref_slice %arg4[%mul3A_1707, %dma_start3A_1714] : memref<409600x128xf32, #tpu.memory_space<hbm>> -> memref<128x128xf32, #tpu.memory_space<hbm>>
    %dma_start3A_1716 = tpu.memref_slice %arg10[%dma_start3A_1709] : memref<6x!tpu.dma_semaphore, #tpu.memory_space<semaphore_mem>> -> memref<1x!tpu.dma_semaphore, #tpu.memory_space<semaphore_mem>>
    %dma_start3A_1717 = tpu.memref_squeeze %dma_start3A_1716 : memref<1x!tpu.dma_semaphore, #tpu.memory_space<semaphore_mem>> -> memref<!tpu.dma_semaphore, #tpu.memory_space<semaphore_mem>>
    %dma_start3A_1718 = arith.constant 0 : i32
    %dma_start3A_1719 = tpu.memref_slice %arg4[%mul3A_1707, %dma_start3A_1718] : memref<409600x128xf32, #tpu.memory_space<hbm>> -> memref<128x128xf32, #tpu.memory_space<hbm>>
    %dma_start3A_1720 = arith.constant 0 : i32
    %dma_start3A_1721 = arith.constant 0 : i32
    %dma_start3A_1722 = tpu.memref_slice %arg7[%dma_start3A_1708, %dma_start3A_1720, %dma_start3A_1721] : memref<6x128x128xf32, #tpu.memory_space<vmem>> -> memref<1x128x128xf32, #tpu.memory_space<vmem>>
    %dma_start3A_1723 = tpu.memref_squeeze %dma_start3A_1722 : memref<1x128x128xf32, #tpu.memory_space<vmem>> -> memref<128x128xf32, #tpu.memory_space<vmem>>
    tpu.enqueue_dma source(%dma_start3A_1723 : memref<128x128xf32, #tpu.memory_space<vmem>>) target(%dma_start3A_1719 : memref<128x128xf32, #tpu.memory_space<hbm>>) target_semaphore(%dma_start3A_1717 : memref<!tpu.dma_semaphore, #tpu.memory_space<semaphore_mem>>)
    %dma_wait3A_1724 = arith.constant 93 : i32
    %dma_wait3A_1725 = arith.constant 3 : i32
    %dma_wait3A_1726 = arith.constant 3 : i32
    %dma_wait3A_1727 = arith.constant 0 : i32
    %dma_wait3A_1728 = arith.constant 0 : i32
    %dma_wait3A_1729 = tpu.memref_slice %arg7[%dma_wait3A_1725, %dma_wait3A_1727, %dma_wait3A_1728] : memref<6x128x128xf32, #tpu.memory_space<vmem>> -> memref<1x128x128xf32, #tpu.memory_space<vmem>>
    %dma_wait3A_1730 = tpu.memref_squeeze %dma_wait3A_1729 : memref<1x128x128xf32, #tpu.memory_space<vmem>> -> memref<128x128xf32, #tpu.memory_space<vmem>>
    %dma_wait3A_1731 = arith.constant 0 : i32
    %dma_wait3A_1732 = tpu.memref_slice %arg6[%dma_wait3A_1724, %dma_wait3A_1731] : memref<100x128xi32, #tpu.memory_space<vmem>> -> memref<1x128xi32, #tpu.memory_space<vmem>>
    %dma_wait3A_1733 = tpu.memref_squeeze %dma_wait3A_1732 : memref<1x128xi32, #tpu.memory_space<vmem>> -> memref<128xi32, #tpu.memory_space<vmem>>
    %dma_wait3A_1734 = arith.constant 0 : i32
    %dma_wait3A_1735 = arith.constant 0 : i32
    %dma_wait3A_1736 = tpu.memref_slice %arg8[%dma_wait3A_1734, %dma_wait3A_1735] : memref<32x128xf32, #tpu.memory_space<vmem_shared>> -> memref<32x128xf32, #tpu.memory_space<vmem_shared>>
    %dma_wait3A_1737 = tpu.memref_slice %arg9[%dma_wait3A_1726] : memref<6x!tpu.dma_semaphore, #tpu.memory_space<semaphore_mem>> -> memref<1x!tpu.dma_semaphore, #tpu.memory_space<semaphore_mem>>
    %dma_wait3A_1738 = tpu.memref_squeeze %dma_wait3A_1737 : memref<1x!tpu.dma_semaphore, #tpu.memory_space<semaphore_mem>> -> memref<!tpu.dma_semaphore, #tpu.memory_space<semaphore_mem>>
    tpu.wait_indirect_dma semaphore(%dma_wait3A_1738 : memref<!tpu.dma_semaphore, #tpu.memory_space<semaphore_mem>>) src(%dma_wait3A_1736 : memref<32x128xf32, #tpu.memory_space<vmem_shared>>) dst(%dma_wait3A_1730 : memref<128x128xf32, #tpu.memory_space<vmem>>)
    %add3A_1739 = arith.constant 93 : i32
    %add3A_1740 = arith.addi %mul3A_2, %add3A_1739 : i32
    %mul3A_1741 = arith.constant 128 : i32
    %mul3A_1742 = arith.muli %add3A_1740, %mul3A_1741 : i32
    %dma_start3A_1743 = arith.constant 3 : i32
    %dma_start3A_1744 = arith.constant 3 : i32
    %dma_start3A_1745 = arith.constant 0 : i32
    %dma_start3A_1746 = arith.constant 0 : i32
    %dma_start3A_1747 = tpu.memref_slice %arg7[%dma_start3A_1743, %dma_start3A_1745, %dma_start3A_1746] : memref<6x128x128xf32, #tpu.memory_space<vmem>> -> memref<1x128x128xf32, #tpu.memory_space<vmem>>
    %dma_start3A_1748 = tpu.memref_squeeze %dma_start3A_1747 : memref<1x128x128xf32, #tpu.memory_space<vmem>> -> memref<128x128xf32, #tpu.memory_space<vmem>>
    %dma_start3A_1749 = arith.constant 0 : i32
    %dma_start3A_1750 = tpu.memref_slice %arg4[%mul3A_1742, %dma_start3A_1749] : memref<409600x128xf32, #tpu.memory_space<hbm>> -> memref<128x128xf32, #tpu.memory_space<hbm>>
    %dma_start3A_1751 = tpu.memref_slice %arg10[%dma_start3A_1744] : memref<6x!tpu.dma_semaphore, #tpu.memory_space<semaphore_mem>> -> memref<1x!tpu.dma_semaphore, #tpu.memory_space<semaphore_mem>>
    %dma_start3A_1752 = tpu.memref_squeeze %dma_start3A_1751 : memref<1x!tpu.dma_semaphore, #tpu.memory_space<semaphore_mem>> -> memref<!tpu.dma_semaphore, #tpu.memory_space<semaphore_mem>>
    %dma_start3A_1753 = arith.constant 0 : i32
    %dma_start3A_1754 = tpu.memref_slice %arg4[%mul3A_1742, %dma_start3A_1753] : memref<409600x128xf32, #tpu.memory_space<hbm>> -> memref<128x128xf32, #tpu.memory_space<hbm>>
    %dma_start3A_1755 = arith.constant 0 : i32
    %dma_start3A_1756 = arith.constant 0 : i32
    %dma_start3A_1757 = tpu.memref_slice %arg7[%dma_start3A_1743, %dma_start3A_1755, %dma_start3A_1756] : memref<6x128x128xf32, #tpu.memory_space<vmem>> -> memref<1x128x128xf32, #tpu.memory_space<vmem>>
    %dma_start3A_1758 = tpu.memref_squeeze %dma_start3A_1757 : memref<1x128x128xf32, #tpu.memory_space<vmem>> -> memref<128x128xf32, #tpu.memory_space<vmem>>
    tpu.enqueue_dma source(%dma_start3A_1758 : memref<128x128xf32, #tpu.memory_space<vmem>>) target(%dma_start3A_1754 : memref<128x128xf32, #tpu.memory_space<hbm>>) target_semaphore(%dma_start3A_1752 : memref<!tpu.dma_semaphore, #tpu.memory_space<semaphore_mem>>)
    %dma_wait3A_1759 = arith.constant 94 : i32
    %dma_wait3A_1760 = arith.constant 4 : i32
    %dma_wait3A_1761 = arith.constant 4 : i32
    %dma_wait3A_1762 = arith.constant 0 : i32
    %dma_wait3A_1763 = arith.constant 0 : i32
    %dma_wait3A_1764 = tpu.memref_slice %arg7[%dma_wait3A_1760, %dma_wait3A_1762, %dma_wait3A_1763] : memref<6x128x128xf32, #tpu.memory_space<vmem>> -> memref<1x128x128xf32, #tpu.memory_space<vmem>>
    %dma_wait3A_1765 = tpu.memref_squeeze %dma_wait3A_1764 : memref<1x128x128xf32, #tpu.memory_space<vmem>> -> memref<128x128xf32, #tpu.memory_space<vmem>>
    %dma_wait3A_1766 = arith.constant 0 : i32
    %dma_wait3A_1767 = tpu.memref_slice %arg6[%dma_wait3A_1759, %dma_wait3A_1766] : memref<100x128xi32, #tpu.memory_space<vmem>> -> memref<1x128xi32, #tpu.memory_space<vmem>>
    %dma_wait3A_1768 = tpu.memref_squeeze %dma_wait3A_1767 : memref<1x128xi32, #tpu.memory_space<vmem>> -> memref<128xi32, #tpu.memory_space<vmem>>
    %dma_wait3A_1769 = arith.constant 0 : i32
    %dma_wait3A_1770 = arith.constant 0 : i32
    %dma_wait3A_1771 = tpu.memref_slice %arg8[%dma_wait3A_1769, %dma_wait3A_1770] : memref<32x128xf32, #tpu.memory_space<vmem_shared>> -> memref<32x128xf32, #tpu.memory_space<vmem_shared>>
    %dma_wait3A_1772 = tpu.memref_slice %arg9[%dma_wait3A_1761] : memref<6x!tpu.dma_semaphore, #tpu.memory_space<semaphore_mem>> -> memref<1x!tpu.dma_semaphore, #tpu.memory_space<semaphore_mem>>
    %dma_wait3A_1773 = tpu.memref_squeeze %dma_wait3A_1772 : memref<1x!tpu.dma_semaphore, #tpu.memory_space<semaphore_mem>> -> memref<!tpu.dma_semaphore, #tpu.memory_space<semaphore_mem>>
    tpu.wait_indirect_dma semaphore(%dma_wait3A_1773 : memref<!tpu.dma_semaphore, #tpu.memory_space<semaphore_mem>>) src(%dma_wait3A_1771 : memref<32x128xf32, #tpu.memory_space<vmem_shared>>) dst(%dma_wait3A_1765 : memref<128x128xf32, #tpu.memory_space<vmem>>)
    %add3A_1774 = arith.constant 94 : i32
    %add3A_1775 = arith.addi %mul3A_2, %add3A_1774 : i32
    %mul3A_1776 = arith.constant 128 : i32
    %mul3A_1777 = arith.muli %add3A_1775, %mul3A_1776 : i32
    %dma_start3A_1778 = arith.constant 4 : i32
    %dma_start3A_1779 = arith.constant 4 : i32
    %dma_start3A_1780 = arith.constant 0 : i32
    %dma_start3A_1781 = arith.constant 0 : i32
    %dma_start3A_1782 = tpu.memref_slice %arg7[%dma_start3A_1778, %dma_start3A_1780, %dma_start3A_1781] : memref<6x128x128xf32, #tpu.memory_space<vmem>> -> memref<1x128x128xf32, #tpu.memory_space<vmem>>
    %dma_start3A_1783 = tpu.memref_squeeze %dma_start3A_1782 : memref<1x128x128xf32, #tpu.memory_space<vmem>> -> memref<128x128xf32, #tpu.memory_space<vmem>>
    %dma_start3A_1784 = arith.constant 0 : i32
    %dma_start3A_1785 = tpu.memref_slice %arg4[%mul3A_1777, %dma_start3A_1784] : memref<409600x128xf32, #tpu.memory_space<hbm>> -> memref<128x128xf32, #tpu.memory_space<hbm>>
    %dma_start3A_1786 = tpu.memref_slice %arg10[%dma_start3A_1779] : memref<6x!tpu.dma_semaphore, #tpu.memory_space<semaphore_mem>> -> memref<1x!tpu.dma_semaphore, #tpu.memory_space<semaphore_mem>>
    %dma_start3A_1787 = tpu.memref_squeeze %dma_start3A_1786 : memref<1x!tpu.dma_semaphore, #tpu.memory_space<semaphore_mem>> -> memref<!tpu.dma_semaphore, #tpu.memory_space<semaphore_mem>>
    %dma_start3A_1788 = arith.constant 0 : i32
    %dma_start3A_1789 = tpu.memref_slice %arg4[%mul3A_1777, %dma_start3A_1788] : memref<409600x128xf32, #tpu.memory_space<hbm>> -> memref<128x128xf32, #tpu.memory_space<hbm>>
    %dma_start3A_1790 = arith.constant 0 : i32
    %dma_start3A_1791 = arith.constant 0 : i32
    %dma_start3A_1792 = tpu.memref_slice %arg7[%dma_start3A_1778, %dma_start3A_1790, %dma_start3A_1791] : memref<6x128x128xf32, #tpu.memory_space<vmem>> -> memref<1x128x128xf32, #tpu.memory_space<vmem>>
    %dma_start3A_1793 = tpu.memref_squeeze %dma_start3A_1792 : memref<1x128x128xf32, #tpu.memory_space<vmem>> -> memref<128x128xf32, #tpu.memory_space<vmem>>
    tpu.enqueue_dma source(%dma_start3A_1793 : memref<128x128xf32, #tpu.memory_space<vmem>>) target(%dma_start3A_1789 : memref<128x128xf32, #tpu.memory_space<hbm>>) target_semaphore(%dma_start3A_1787 : memref<!tpu.dma_semaphore, #tpu.memory_space<semaphore_mem>>)
    %dma_wait3A_1794 = arith.constant 95 : i32
    %dma_wait3A_1795 = arith.constant 5 : i32
    %dma_wait3A_1796 = arith.constant 5 : i32
    %dma_wait3A_1797 = arith.constant 0 : i32
    %dma_wait3A_1798 = arith.constant 0 : i32
    %dma_wait3A_1799 = tpu.memref_slice %arg7[%dma_wait3A_1795, %dma_wait3A_1797, %dma_wait3A_1798] : memref<6x128x128xf32, #tpu.memory_space<vmem>> -> memref<1x128x128xf32, #tpu.memory_space<vmem>>
    %dma_wait3A_1800 = tpu.memref_squeeze %dma_wait3A_1799 : memref<1x128x128xf32, #tpu.memory_space<vmem>> -> memref<128x128xf32, #tpu.memory_space<vmem>>
    %dma_wait3A_1801 = arith.constant 0 : i32
    %dma_wait3A_1802 = tpu.memref_slice %arg6[%dma_wait3A_1794, %dma_wait3A_1801] : memref<100x128xi32, #tpu.memory_space<vmem>> -> memref<1x128xi32, #tpu.memory_space<vmem>>
    %dma_wait3A_1803 = tpu.memref_squeeze %dma_wait3A_1802 : memref<1x128xi32, #tpu.memory_space<vmem>> -> memref<128xi32, #tpu.memory_space<vmem>>
    %dma_wait3A_1804 = arith.constant 0 : i32
    %dma_wait3A_1805 = arith.constant 0 : i32
    %dma_wait3A_1806 = tpu.memref_slice %arg8[%dma_wait3A_1804, %dma_wait3A_1805] : memref<32x128xf32, #tpu.memory_space<vmem_shared>> -> memref<32x128xf32, #tpu.memory_space<vmem_shared>>
    %dma_wait3A_1807 = tpu.memref_slice %arg9[%dma_wait3A_1796] : memref<6x!tpu.dma_semaphore, #tpu.memory_space<semaphore_mem>> -> memref<1x!tpu.dma_semaphore, #tpu.memory_space<semaphore_mem>>
    %dma_wait3A_1808 = tpu.memref_squeeze %dma_wait3A_1807 : memref<1x!tpu.dma_semaphore, #tpu.memory_space<semaphore_mem>> -> memref<!tpu.dma_semaphore, #tpu.memory_space<semaphore_mem>>
    tpu.wait_indirect_dma semaphore(%dma_wait3A_1808 : memref<!tpu.dma_semaphore, #tpu.memory_space<semaphore_mem>>) src(%dma_wait3A_1806 : memref<32x128xf32, #tpu.memory_space<vmem_shared>>) dst(%dma_wait3A_1800 : memref<128x128xf32, #tpu.memory_space<vmem>>)
    %add3A_1809 = arith.constant 95 : i32
    %add3A_1810 = arith.addi %mul3A_2, %add3A_1809 : i32
    %mul3A_1811 = arith.constant 128 : i32
    %mul3A_1812 = arith.muli %add3A_1810, %mul3A_1811 : i32
    %dma_start3A_1813 = arith.constant 5 : i32
    %dma_start3A_1814 = arith.constant 5 : i32
    %dma_start3A_1815 = arith.constant 0 : i32
    %dma_start3A_1816 = arith.constant 0 : i32
    %dma_start3A_1817 = tpu.memref_slice %arg7[%dma_start3A_1813, %dma_start3A_1815, %dma_start3A_1816] : memref<6x128x128xf32, #tpu.memory_space<vmem>> -> memref<1x128x128xf32, #tpu.memory_space<vmem>>
    %dma_start3A_1818 = tpu.memref_squeeze %dma_start3A_1817 : memref<1x128x128xf32, #tpu.memory_space<vmem>> -> memref<128x128xf32, #tpu.memory_space<vmem>>
    %dma_start3A_1819 = arith.constant 0 : i32
    %dma_start3A_1820 = tpu.memref_slice %arg4[%mul3A_1812, %dma_start3A_1819] : memref<409600x128xf32, #tpu.memory_space<hbm>> -> memref<128x128xf32, #tpu.memory_space<hbm>>
    %dma_start3A_1821 = tpu.memref_slice %arg10[%dma_start3A_1814] : memref<6x!tpu.dma_semaphore, #tpu.memory_space<semaphore_mem>> -> memref<1x!tpu.dma_semaphore, #tpu.memory_space<semaphore_mem>>
    %dma_start3A_1822 = tpu.memref_squeeze %dma_start3A_1821 : memref<1x!tpu.dma_semaphore, #tpu.memory_space<semaphore_mem>> -> memref<!tpu.dma_semaphore, #tpu.memory_space<semaphore_mem>>
    %dma_start3A_1823 = arith.constant 0 : i32
    %dma_start3A_1824 = tpu.memref_slice %arg4[%mul3A_1812, %dma_start3A_1823] : memref<409600x128xf32, #tpu.memory_space<hbm>> -> memref<128x128xf32, #tpu.memory_space<hbm>>
    %dma_start3A_1825 = arith.constant 0 : i32
    %dma_start3A_1826 = arith.constant 0 : i32
    %dma_start3A_1827 = tpu.memref_slice %arg7[%dma_start3A_1813, %dma_start3A_1825, %dma_start3A_1826] : memref<6x128x128xf32, #tpu.memory_space<vmem>> -> memref<1x128x128xf32, #tpu.memory_space<vmem>>
    %dma_start3A_1828 = tpu.memref_squeeze %dma_start3A_1827 : memref<1x128x128xf32, #tpu.memory_space<vmem>> -> memref<128x128xf32, #tpu.memory_space<vmem>>
    tpu.enqueue_dma source(%dma_start3A_1828 : memref<128x128xf32, #tpu.memory_space<vmem>>) target(%dma_start3A_1824 : memref<128x128xf32, #tpu.memory_space<hbm>>) target_semaphore(%dma_start3A_1822 : memref<!tpu.dma_semaphore, #tpu.memory_space<semaphore_mem>>)
    %add3A_1829 = arith.constant 90 : i32
    %add3A_1830 = arith.addi %mul3A_2, %add3A_1829 : i32
    %mul3A_1831 = arith.constant 128 : i32
    %mul3A_1832 = arith.muli %add3A_1830, %mul3A_1831 : i32
    %dma_wait3A_1833 = arith.constant 0 : i32
    %dma_wait3A_1834 = arith.constant 0 : i32
    %dma_wait3A_1835 = arith.constant 0 : i32
    %dma_wait3A_1836 = arith.constant 0 : i32
    %dma_wait3A_1837 = tpu.memref_slice %arg7[%dma_wait3A_1833, %dma_wait3A_1835, %dma_wait3A_1836] : memref<6x128x128xf32, #tpu.memory_space<vmem>> -> memref<1x128x128xf32, #tpu.memory_space<vmem>>
    %dma_wait3A_1838 = tpu.memref_squeeze %dma_wait3A_1837 : memref<1x128x128xf32, #tpu.memory_space<vmem>> -> memref<128x128xf32, #tpu.memory_space<vmem>>
    %dma_wait3A_1839 = arith.constant 0 : i32
    %dma_wait3A_1840 = tpu.memref_slice %arg4[%mul3A_1832, %dma_wait3A_1839] : memref<409600x128xf32, #tpu.memory_space<hbm>> -> memref<128x128xf32, #tpu.memory_space<hbm>>
    %dma_wait3A_1841 = tpu.memref_slice %arg10[%dma_wait3A_1834] : memref<6x!tpu.dma_semaphore, #tpu.memory_space<semaphore_mem>> -> memref<1x!tpu.dma_semaphore, #tpu.memory_space<semaphore_mem>>
    %dma_wait3A_1842 = tpu.memref_squeeze %dma_wait3A_1841 : memref<1x!tpu.dma_semaphore, #tpu.memory_space<semaphore_mem>> -> memref<!tpu.dma_semaphore, #tpu.memory_space<semaphore_mem>>
    %dma_wait3A_1843 = arith.constant 0 : i32
    %dma_wait3A_1844 = tpu.memref_slice %arg4[%mul3A_1832, %dma_wait3A_1843] : memref<409600x128xf32, #tpu.memory_space<hbm>> -> memref<128x128xf32, #tpu.memory_space<hbm>>
    %dma_wait3A_1845 = arith.constant 0 : i32
    %dma_wait3A_1846 = arith.constant 0 : i32
    %dma_wait3A_1847 = tpu.memref_slice %arg7[%dma_wait3A_1833, %dma_wait3A_1845, %dma_wait3A_1846] : memref<6x128x128xf32, #tpu.memory_space<vmem>> -> memref<1x128x128xf32, #tpu.memory_space<vmem>>
    %dma_wait3A_1848 = tpu.memref_squeeze %dma_wait3A_1847 : memref<1x128x128xf32, #tpu.memory_space<vmem>> -> memref<128x128xf32, #tpu.memory_space<vmem>>
    tpu.wait_dma2 semaphore(%dma_wait3A_1842 : memref<!tpu.dma_semaphore, #tpu.memory_space<semaphore_mem>>) src(%dma_wait3A_1848 : memref<128x128xf32, #tpu.memory_space<vmem>>) dst(%dma_wait3A_1844 : memref<128x128xf32, #tpu.memory_space<hbm>>)
    %dma_start3A_1849 = arith.constant 96 : i32
    %dma_start3A_1850 = arith.constant 0 : i32
    %dma_start3A_1851 = arith.constant 0 : i32
    %dma_start3A_1852 = arith.constant 0 : i32
    %dma_start3A_1853 = arith.constant 0 : i32
    %dma_start3A_1854 = tpu.memref_slice %arg7[%dma_start3A_1850, %dma_start3A_1852, %dma_start3A_1853] : memref<6x128x128xf32, #tpu.memory_space<vmem>> -> memref<1x128x128xf32, #tpu.memory_space<vmem>>
    %dma_start3A_1855 = tpu.memref_squeeze %dma_start3A_1854 : memref<1x128x128xf32, #tpu.memory_space<vmem>> -> memref<128x128xf32, #tpu.memory_space<vmem>>
    %dma_start3A_1856 = arith.constant 0 : i32
    %dma_start3A_1857 = tpu.memref_slice %arg6[%dma_start3A_1849, %dma_start3A_1856] : memref<100x128xi32, #tpu.memory_space<vmem>> -> memref<1x128xi32, #tpu.memory_space<vmem>>
    %dma_start3A_1858 = tpu.memref_squeeze %dma_start3A_1857 : memref<1x128xi32, #tpu.memory_space<vmem>> -> memref<128xi32, #tpu.memory_space<vmem>>
    %dma_start3A_1859 = arith.constant 0 : i32
    %dma_start3A_1860 = arith.constant 0 : i32
    %dma_start3A_1861 = tpu.memref_slice %arg8[%dma_start3A_1859, %dma_start3A_1860] : memref<32x128xf32, #tpu.memory_space<vmem_shared>> -> memref<32x128xf32, #tpu.memory_space<vmem_shared>>
    %dma_start3A_1862 = tpu.memref_slice %arg9[%dma_start3A_1851] : memref<6x!tpu.dma_semaphore, #tpu.memory_space<semaphore_mem>> -> memref<1x!tpu.dma_semaphore, #tpu.memory_space<semaphore_mem>>
    %dma_start3A_1863 = tpu.memref_squeeze %dma_start3A_1862 : memref<1x!tpu.dma_semaphore, #tpu.memory_space<semaphore_mem>> -> memref<!tpu.dma_semaphore, #tpu.memory_space<semaphore_mem>>
    tpu.enqueue_indirect_dma source(%dma_start3A_1861 : memref<32x128xf32, #tpu.memory_space<vmem_shared>>) target(%dma_start3A_1855 : memref<128x128xf32, #tpu.memory_space<vmem>>) offsets(%dma_start3A_1858 : memref<128xi32, #tpu.memory_space<vmem>>) semaphore(%dma_start3A_1863 : memref<!tpu.dma_semaphore, #tpu.memory_space<semaphore_mem>>)
    %add3A_1864 = arith.constant 91 : i32
    %add3A_1865 = arith.addi %mul3A_2, %add3A_1864 : i32
    %mul3A_1866 = arith.constant 128 : i32
    %mul3A_1867 = arith.muli %add3A_1865, %mul3A_1866 : i32
    %dma_wait3A_1868 = arith.constant 1 : i32
    %dma_wait3A_1869 = arith.constant 1 : i32
    %dma_wait3A_1870 = arith.constant 0 : i32
    %dma_wait3A_1871 = arith.constant 0 : i32
    %dma_wait3A_1872 = tpu.memref_slice %arg7[%dma_wait3A_1868, %dma_wait3A_1870, %dma_wait3A_1871] : memref<6x128x128xf32, #tpu.memory_space<vmem>> -> memref<1x128x128xf32, #tpu.memory_space<vmem>>
    %dma_wait3A_1873 = tpu.memref_squeeze %dma_wait3A_1872 : memref<1x128x128xf32, #tpu.memory_space<vmem>> -> memref<128x128xf32, #tpu.memory_space<vmem>>
    %dma_wait3A_1874 = arith.constant 0 : i32
    %dma_wait3A_1875 = tpu.memref_slice %arg4[%mul3A_1867, %dma_wait3A_1874] : memref<409600x128xf32, #tpu.memory_space<hbm>> -> memref<128x128xf32, #tpu.memory_space<hbm>>
    %dma_wait3A_1876 = tpu.memref_slice %arg10[%dma_wait3A_1869] : memref<6x!tpu.dma_semaphore, #tpu.memory_space<semaphore_mem>> -> memref<1x!tpu.dma_semaphore, #tpu.memory_space<semaphore_mem>>
    %dma_wait3A_1877 = tpu.memref_squeeze %dma_wait3A_1876 : memref<1x!tpu.dma_semaphore, #tpu.memory_space<semaphore_mem>> -> memref<!tpu.dma_semaphore, #tpu.memory_space<semaphore_mem>>
    %dma_wait3A_1878 = arith.constant 0 : i32
    %dma_wait3A_1879 = tpu.memref_slice %arg4[%mul3A_1867, %dma_wait3A_1878] : memref<409600x128xf32, #tpu.memory_space<hbm>> -> memref<128x128xf32, #tpu.memory_space<hbm>>
    %dma_wait3A_1880 = arith.constant 0 : i32
    %dma_wait3A_1881 = arith.constant 0 : i32
    %dma_wait3A_1882 = tpu.memref_slice %arg7[%dma_wait3A_1868, %dma_wait3A_1880, %dma_wait3A_1881] : memref<6x128x128xf32, #tpu.memory_space<vmem>> -> memref<1x128x128xf32, #tpu.memory_space<vmem>>
    %dma_wait3A_1883 = tpu.memref_squeeze %dma_wait3A_1882 : memref<1x128x128xf32, #tpu.memory_space<vmem>> -> memref<128x128xf32, #tpu.memory_space<vmem>>
    tpu.wait_dma2 semaphore(%dma_wait3A_1877 : memref<!tpu.dma_semaphore, #tpu.memory_space<semaphore_mem>>) src(%dma_wait3A_1883 : memref<128x128xf32, #tpu.memory_space<vmem>>) dst(%dma_wait3A_1879 : memref<128x128xf32, #tpu.memory_space<hbm>>)
    %dma_start3A_1884 = arith.constant 97 : i32
    %dma_start3A_1885 = arith.constant 1 : i32
    %dma_start3A_1886 = arith.constant 1 : i32
    %dma_start3A_1887 = arith.constant 0 : i32
    %dma_start3A_1888 = arith.constant 0 : i32
    %dma_start3A_1889 = tpu.memref_slice %arg7[%dma_start3A_1885, %dma_start3A_1887, %dma_start3A_1888] : memref<6x128x128xf32, #tpu.memory_space<vmem>> -> memref<1x128x128xf32, #tpu.memory_space<vmem>>
    %dma_start3A_1890 = tpu.memref_squeeze %dma_start3A_1889 : memref<1x128x128xf32, #tpu.memory_space<vmem>> -> memref<128x128xf32, #tpu.memory_space<vmem>>
    %dma_start3A_1891 = arith.constant 0 : i32
    %dma_start3A_1892 = tpu.memref_slice %arg6[%dma_start3A_1884, %dma_start3A_1891] : memref<100x128xi32, #tpu.memory_space<vmem>> -> memref<1x128xi32, #tpu.memory_space<vmem>>
    %dma_start3A_1893 = tpu.memref_squeeze %dma_start3A_1892 : memref<1x128xi32, #tpu.memory_space<vmem>> -> memref<128xi32, #tpu.memory_space<vmem>>
    %dma_start3A_1894 = arith.constant 0 : i32
    %dma_start3A_1895 = arith.constant 0 : i32
    %dma_start3A_1896 = tpu.memref_slice %arg8[%dma_start3A_1894, %dma_start3A_1895] : memref<32x128xf32, #tpu.memory_space<vmem_shared>> -> memref<32x128xf32, #tpu.memory_space<vmem_shared>>
    %dma_start3A_1897 = tpu.memref_slice %arg9[%dma_start3A_1886] : memref<6x!tpu.dma_semaphore, #tpu.memory_space<semaphore_mem>> -> memref<1x!tpu.dma_semaphore, #tpu.memory_space<semaphore_mem>>
    %dma_start3A_1898 = tpu.memref_squeeze %dma_start3A_1897 : memref<1x!tpu.dma_semaphore, #tpu.memory_space<semaphore_mem>> -> memref<!tpu.dma_semaphore, #tpu.memory_space<semaphore_mem>>
    tpu.enqueue_indirect_dma source(%dma_start3A_1896 : memref<32x128xf32, #tpu.memory_space<vmem_shared>>) target(%dma_start3A_1890 : memref<128x128xf32, #tpu.memory_space<vmem>>) offsets(%dma_start3A_1893 : memref<128xi32, #tpu.memory_space<vmem>>) semaphore(%dma_start3A_1898 : memref<!tpu.dma_semaphore, #tpu.memory_space<semaphore_mem>>)
    %add3A_1899 = arith.constant 92 : i32
    %add3A_1900 = arith.addi %mul3A_2, %add3A_1899 : i32
    %mul3A_1901 = arith.constant 128 : i32
    %mul3A_1902 = arith.muli %add3A_1900, %mul3A_1901 : i32
    %dma_wait3A_1903 = arith.constant 2 : i32
    %dma_wait3A_1904 = arith.constant 2 : i32
    %dma_wait3A_1905 = arith.constant 0 : i32
    %dma_wait3A_1906 = arith.constant 0 : i32
    %dma_wait3A_1907 = tpu.memref_slice %arg7[%dma_wait3A_1903, %dma_wait3A_1905, %dma_wait3A_1906] : memref<6x128x128xf32, #tpu.memory_space<vmem>> -> memref<1x128x128xf32, #tpu.memory_space<vmem>>
    %dma_wait3A_1908 = tpu.memref_squeeze %dma_wait3A_1907 : memref<1x128x128xf32, #tpu.memory_space<vmem>> -> memref<128x128xf32, #tpu.memory_space<vmem>>
    %dma_wait3A_1909 = arith.constant 0 : i32
    %dma_wait3A_1910 = tpu.memref_slice %arg4[%mul3A_1902, %dma_wait3A_1909] : memref<409600x128xf32, #tpu.memory_space<hbm>> -> memref<128x128xf32, #tpu.memory_space<hbm>>
    %dma_wait3A_1911 = tpu.memref_slice %arg10[%dma_wait3A_1904] : memref<6x!tpu.dma_semaphore, #tpu.memory_space<semaphore_mem>> -> memref<1x!tpu.dma_semaphore, #tpu.memory_space<semaphore_mem>>
    %dma_wait3A_1912 = tpu.memref_squeeze %dma_wait3A_1911 : memref<1x!tpu.dma_semaphore, #tpu.memory_space<semaphore_mem>> -> memref<!tpu.dma_semaphore, #tpu.memory_space<semaphore_mem>>
    %dma_wait3A_1913 = arith.constant 0 : i32
    %dma_wait3A_1914 = tpu.memref_slice %arg4[%mul3A_1902, %dma_wait3A_1913] : memref<409600x128xf32, #tpu.memory_space<hbm>> -> memref<128x128xf32, #tpu.memory_space<hbm>>
    %dma_wait3A_1915 = arith.constant 0 : i32
    %dma_wait3A_1916 = arith.constant 0 : i32
    %dma_wait3A_1917 = tpu.memref_slice %arg7[%dma_wait3A_1903, %dma_wait3A_1915, %dma_wait3A_1916] : memref<6x128x128xf32, #tpu.memory_space<vmem>> -> memref<1x128x128xf32, #tpu.memory_space<vmem>>
    %dma_wait3A_1918 = tpu.memref_squeeze %dma_wait3A_1917 : memref<1x128x128xf32, #tpu.memory_space<vmem>> -> memref<128x128xf32, #tpu.memory_space<vmem>>
    tpu.wait_dma2 semaphore(%dma_wait3A_1912 : memref<!tpu.dma_semaphore, #tpu.memory_space<semaphore_mem>>) src(%dma_wait3A_1918 : memref<128x128xf32, #tpu.memory_space<vmem>>) dst(%dma_wait3A_1914 : memref<128x128xf32, #tpu.memory_space<hbm>>)
    %dma_start3A_1919 = arith.constant 98 : i32
    %dma_start3A_1920 = arith.constant 2 : i32
    %dma_start3A_1921 = arith.constant 2 : i32
    %dma_start3A_1922 = arith.constant 0 : i32
    %dma_start3A_1923 = arith.constant 0 : i32
    %dma_start3A_1924 = tpu.memref_slice %arg7[%dma_start3A_1920, %dma_start3A_1922, %dma_start3A_1923] : memref<6x128x128xf32, #tpu.memory_space<vmem>> -> memref<1x128x128xf32, #tpu.memory_space<vmem>>
    %dma_start3A_1925 = tpu.memref_squeeze %dma_start3A_1924 : memref<1x128x128xf32, #tpu.memory_space<vmem>> -> memref<128x128xf32, #tpu.memory_space<vmem>>
    %dma_start3A_1926 = arith.constant 0 : i32
    %dma_start3A_1927 = tpu.memref_slice %arg6[%dma_start3A_1919, %dma_start3A_1926] : memref<100x128xi32, #tpu.memory_space<vmem>> -> memref<1x128xi32, #tpu.memory_space<vmem>>
    %dma_start3A_1928 = tpu.memref_squeeze %dma_start3A_1927 : memref<1x128xi32, #tpu.memory_space<vmem>> -> memref<128xi32, #tpu.memory_space<vmem>>
    %dma_start3A_1929 = arith.constant 0 : i32
    %dma_start3A_1930 = arith.constant 0 : i32
    %dma_start3A_1931 = tpu.memref_slice %arg8[%dma_start3A_1929, %dma_start3A_1930] : memref<32x128xf32, #tpu.memory_space<vmem_shared>> -> memref<32x128xf32, #tpu.memory_space<vmem_shared>>
    %dma_start3A_1932 = tpu.memref_slice %arg9[%dma_start3A_1921] : memref<6x!tpu.dma_semaphore, #tpu.memory_space<semaphore_mem>> -> memref<1x!tpu.dma_semaphore, #tpu.memory_space<semaphore_mem>>
    %dma_start3A_1933 = tpu.memref_squeeze %dma_start3A_1932 : memref<1x!tpu.dma_semaphore, #tpu.memory_space<semaphore_mem>> -> memref<!tpu.dma_semaphore, #tpu.memory_space<semaphore_mem>>
    tpu.enqueue_indirect_dma source(%dma_start3A_1931 : memref<32x128xf32, #tpu.memory_space<vmem_shared>>) target(%dma_start3A_1925 : memref<128x128xf32, #tpu.memory_space<vmem>>) offsets(%dma_start3A_1928 : memref<128xi32, #tpu.memory_space<vmem>>) semaphore(%dma_start3A_1933 : memref<!tpu.dma_semaphore, #tpu.memory_space<semaphore_mem>>)
    %add3A_1934 = arith.constant 93 : i32
    %add3A_1935 = arith.addi %mul3A_2, %add3A_1934 : i32
    %mul3A_1936 = arith.constant 128 : i32
    %mul3A_1937 = arith.muli %add3A_1935, %mul3A_1936 : i32
    %dma_wait3A_1938 = arith.constant 3 : i32
    %dma_wait3A_1939 = arith.constant 3 : i32
    %dma_wait3A_1940 = arith.constant 0 : i32
    %dma_wait3A_1941 = arith.constant 0 : i32
    %dma_wait3A_1942 = tpu.memref_slice %arg7[%dma_wait3A_1938, %dma_wait3A_1940, %dma_wait3A_1941] : memref<6x128x128xf32, #tpu.memory_space<vmem>> -> memref<1x128x128xf32, #tpu.memory_space<vmem>>
    %dma_wait3A_1943 = tpu.memref_squeeze %dma_wait3A_1942 : memref<1x128x128xf32, #tpu.memory_space<vmem>> -> memref<128x128xf32, #tpu.memory_space<vmem>>
    %dma_wait3A_1944 = arith.constant 0 : i32
    %dma_wait3A_1945 = tpu.memref_slice %arg4[%mul3A_1937, %dma_wait3A_1944] : memref<409600x128xf32, #tpu.memory_space<hbm>> -> memref<128x128xf32, #tpu.memory_space<hbm>>
    %dma_wait3A_1946 = tpu.memref_slice %arg10[%dma_wait3A_1939] : memref<6x!tpu.dma_semaphore, #tpu.memory_space<semaphore_mem>> -> memref<1x!tpu.dma_semaphore, #tpu.memory_space<semaphore_mem>>
    %dma_wait3A_1947 = tpu.memref_squeeze %dma_wait3A_1946 : memref<1x!tpu.dma_semaphore, #tpu.memory_space<semaphore_mem>> -> memref<!tpu.dma_semaphore, #tpu.memory_space<semaphore_mem>>
    %dma_wait3A_1948 = arith.constant 0 : i32
    %dma_wait3A_1949 = tpu.memref_slice %arg4[%mul3A_1937, %dma_wait3A_1948] : memref<409600x128xf32, #tpu.memory_space<hbm>> -> memref<128x128xf32, #tpu.memory_space<hbm>>
    %dma_wait3A_1950 = arith.constant 0 : i32
    %dma_wait3A_1951 = arith.constant 0 : i32
    %dma_wait3A_1952 = tpu.memref_slice %arg7[%dma_wait3A_1938, %dma_wait3A_1950, %dma_wait3A_1951] : memref<6x128x128xf32, #tpu.memory_space<vmem>> -> memref<1x128x128xf32, #tpu.memory_space<vmem>>
    %dma_wait3A_1953 = tpu.memref_squeeze %dma_wait3A_1952 : memref<1x128x128xf32, #tpu.memory_space<vmem>> -> memref<128x128xf32, #tpu.memory_space<vmem>>
    tpu.wait_dma2 semaphore(%dma_wait3A_1947 : memref<!tpu.dma_semaphore, #tpu.memory_space<semaphore_mem>>) src(%dma_wait3A_1953 : memref<128x128xf32, #tpu.memory_space<vmem>>) dst(%dma_wait3A_1949 : memref<128x128xf32, #tpu.memory_space<hbm>>)
    %dma_start3A_1954 = arith.constant 99 : i32
    %dma_start3A_1955 = arith.constant 3 : i32
    %dma_start3A_1956 = arith.constant 3 : i32
    %dma_start3A_1957 = arith.constant 0 : i32
    %dma_start3A_1958 = arith.constant 0 : i32
    %dma_start3A_1959 = tpu.memref_slice %arg7[%dma_start3A_1955, %dma_start3A_1957, %dma_start3A_1958] : memref<6x128x128xf32, #tpu.memory_space<vmem>> -> memref<1x128x128xf32, #tpu.memory_space<vmem>>
    %dma_start3A_1960 = tpu.memref_squeeze %dma_start3A_1959 : memref<1x128x128xf32, #tpu.memory_space<vmem>> -> memref<128x128xf32, #tpu.memory_space<vmem>>
    %dma_start3A_1961 = arith.constant 0 : i32
    %dma_start3A_1962 = tpu.memref_slice %arg6[%dma_start3A_1954, %dma_start3A_1961] : memref<100x128xi32, #tpu.memory_space<vmem>> -> memref<1x128xi32, #tpu.memory_space<vmem>>
    %dma_start3A_1963 = tpu.memref_squeeze %dma_start3A_1962 : memref<1x128xi32, #tpu.memory_space<vmem>> -> memref<128xi32, #tpu.memory_space<vmem>>
    %dma_start3A_1964 = arith.constant 0 : i32
    %dma_start3A_1965 = arith.constant 0 : i32
    %dma_start3A_1966 = tpu.memref_slice %arg8[%dma_start3A_1964, %dma_start3A_1965] : memref<32x128xf32, #tpu.memory_space<vmem_shared>> -> memref<32x128xf32, #tpu.memory_space<vmem_shared>>
    %dma_start3A_1967 = tpu.memref_slice %arg9[%dma_start3A_1956] : memref<6x!tpu.dma_semaphore, #tpu.memory_space<semaphore_mem>> -> memref<1x!tpu.dma_semaphore, #tpu.memory_space<semaphore_mem>>
    %dma_start3A_1968 = tpu.memref_squeeze %dma_start3A_1967 : memref<1x!tpu.dma_semaphore, #tpu.memory_space<semaphore_mem>> -> memref<!tpu.dma_semaphore, #tpu.memory_space<semaphore_mem>>
    tpu.enqueue_indirect_dma source(%dma_start3A_1966 : memref<32x128xf32, #tpu.memory_space<vmem_shared>>) target(%dma_start3A_1960 : memref<128x128xf32, #tpu.memory_space<vmem>>) offsets(%dma_start3A_1963 : memref<128xi32, #tpu.memory_space<vmem>>) semaphore(%dma_start3A_1968 : memref<!tpu.dma_semaphore, #tpu.memory_space<semaphore_mem>>)
    %dma_wait3A_1969 = arith.constant 96 : i32
    %dma_wait3A_1970 = arith.constant 0 : i32
    %dma_wait3A_1971 = arith.constant 0 : i32
    %dma_wait3A_1972 = arith.constant 0 : i32
    %dma_wait3A_1973 = arith.constant 0 : i32
    %dma_wait3A_1974 = tpu.memref_slice %arg7[%dma_wait3A_1970, %dma_wait3A_1972, %dma_wait3A_1973] : memref<6x128x128xf32, #tpu.memory_space<vmem>> -> memref<1x128x128xf32, #tpu.memory_space<vmem>>
    %dma_wait3A_1975 = tpu.memref_squeeze %dma_wait3A_1974 : memref<1x128x128xf32, #tpu.memory_space<vmem>> -> memref<128x128xf32, #tpu.memory_space<vmem>>
    %dma_wait3A_1976 = arith.constant 0 : i32
    %dma_wait3A_1977 = tpu.memref_slice %arg6[%dma_wait3A_1969, %dma_wait3A_1976] : memref<100x128xi32, #tpu.memory_space<vmem>> -> memref<1x128xi32, #tpu.memory_space<vmem>>
    %dma_wait3A_1978 = tpu.memref_squeeze %dma_wait3A_1977 : memref<1x128xi32, #tpu.memory_space<vmem>> -> memref<128xi32, #tpu.memory_space<vmem>>
    %dma_wait3A_1979 = arith.constant 0 : i32
    %dma_wait3A_1980 = arith.constant 0 : i32
    %dma_wait3A_1981 = tpu.memref_slice %arg8[%dma_wait3A_1979, %dma_wait3A_1980] : memref<32x128xf32, #tpu.memory_space<vmem_shared>> -> memref<32x128xf32, #tpu.memory_space<vmem_shared>>
    %dma_wait3A_1982 = tpu.memref_slice %arg9[%dma_wait3A_1971] : memref<6x!tpu.dma_semaphore, #tpu.memory_space<semaphore_mem>> -> memref<1x!tpu.dma_semaphore, #tpu.memory_space<semaphore_mem>>
    %dma_wait3A_1983 = tpu.memref_squeeze %dma_wait3A_1982 : memref<1x!tpu.dma_semaphore, #tpu.memory_space<semaphore_mem>> -> memref<!tpu.dma_semaphore, #tpu.memory_space<semaphore_mem>>
    tpu.wait_indirect_dma semaphore(%dma_wait3A_1983 : memref<!tpu.dma_semaphore, #tpu.memory_space<semaphore_mem>>) src(%dma_wait3A_1981 : memref<32x128xf32, #tpu.memory_space<vmem_shared>>) dst(%dma_wait3A_1975 : memref<128x128xf32, #tpu.memory_space<vmem>>)
    %add3A_1984 = arith.constant 96 : i32
    %add3A_1985 = arith.addi %mul3A_2, %add3A_1984 : i32
    %mul3A_1986 = arith.constant 128 : i32
    %mul3A_1987 = arith.muli %add3A_1985, %mul3A_1986 : i32
    %dma_start3A_1988 = arith.constant 0 : i32
    %dma_start3A_1989 = arith.constant 0 : i32
    %dma_start3A_1990 = arith.constant 0 : i32
    %dma_start3A_1991 = arith.constant 0 : i32
    %dma_start3A_1992 = tpu.memref_slice %arg7[%dma_start3A_1988, %dma_start3A_1990, %dma_start3A_1991] : memref<6x128x128xf32, #tpu.memory_space<vmem>> -> memref<1x128x128xf32, #tpu.memory_space<vmem>>
    %dma_start3A_1993 = tpu.memref_squeeze %dma_start3A_1992 : memref<1x128x128xf32, #tpu.memory_space<vmem>> -> memref<128x128xf32, #tpu.memory_space<vmem>>
    %dma_start3A_1994 = arith.constant 0 : i32
    %dma_start3A_1995 = tpu.memref_slice %arg4[%mul3A_1987, %dma_start3A_1994] : memref<409600x128xf32, #tpu.memory_space<hbm>> -> memref<128x128xf32, #tpu.memory_space<hbm>>
    %dma_start3A_1996 = tpu.memref_slice %arg10[%dma_start3A_1989] : memref<6x!tpu.dma_semaphore, #tpu.memory_space<semaphore_mem>> -> memref<1x!tpu.dma_semaphore, #tpu.memory_space<semaphore_mem>>
    %dma_start3A_1997 = tpu.memref_squeeze %dma_start3A_1996 : memref<1x!tpu.dma_semaphore, #tpu.memory_space<semaphore_mem>> -> memref<!tpu.dma_semaphore, #tpu.memory_space<semaphore_mem>>
    %dma_start3A_1998 = arith.constant 0 : i32
    %dma_start3A_1999 = tpu.memref_slice %arg4[%mul3A_1987, %dma_start3A_1998] : memref<409600x128xf32, #tpu.memory_space<hbm>> -> memref<128x128xf32, #tpu.memory_space<hbm>>
    %dma_start3A_2000 = arith.constant 0 : i32
    %dma_start3A_2001 = arith.constant 0 : i32
    %dma_start3A_2002 = tpu.memref_slice %arg7[%dma_start3A_1988, %dma_start3A_2000, %dma_start3A_2001] : memref<6x128x128xf32, #tpu.memory_space<vmem>> -> memref<1x128x128xf32, #tpu.memory_space<vmem>>
    %dma_start3A_2003 = tpu.memref_squeeze %dma_start3A_2002 : memref<1x128x128xf32, #tpu.memory_space<vmem>> -> memref<128x128xf32, #tpu.memory_space<vmem>>
    tpu.enqueue_dma source(%dma_start3A_2003 : memref<128x128xf32, #tpu.memory_space<vmem>>) target(%dma_start3A_1999 : memref<128x128xf32, #tpu.memory_space<hbm>>) target_semaphore(%dma_start3A_1997 : memref<!tpu.dma_semaphore, #tpu.memory_space<semaphore_mem>>)
    %dma_wait3A_2004 = arith.constant 97 : i32
    %dma_wait3A_2005 = arith.constant 1 : i32
    %dma_wait3A_2006 = arith.constant 1 : i32
    %dma_wait3A_2007 = arith.constant 0 : i32
    %dma_wait3A_2008 = arith.constant 0 : i32
    %dma_wait3A_2009 = tpu.memref_slice %arg7[%dma_wait3A_2005, %dma_wait3A_2007, %dma_wait3A_2008] : memref<6x128x128xf32, #tpu.memory_space<vmem>> -> memref<1x128x128xf32, #tpu.memory_space<vmem>>
    %dma_wait3A_2010 = tpu.memref_squeeze %dma_wait3A_2009 : memref<1x128x128xf32, #tpu.memory_space<vmem>> -> memref<128x128xf32, #tpu.memory_space<vmem>>
    %dma_wait3A_2011 = arith.constant 0 : i32
    %dma_wait3A_2012 = tpu.memref_slice %arg6[%dma_wait3A_2004, %dma_wait3A_2011] : memref<100x128xi32, #tpu.memory_space<vmem>> -> memref<1x128xi32, #tpu.memory_space<vmem>>
    %dma_wait3A_2013 = tpu.memref_squeeze %dma_wait3A_2012 : memref<1x128xi32, #tpu.memory_space<vmem>> -> memref<128xi32, #tpu.memory_space<vmem>>
    %dma_wait3A_2014 = arith.constant 0 : i32
    %dma_wait3A_2015 = arith.constant 0 : i32
    %dma_wait3A_2016 = tpu.memref_slice %arg8[%dma_wait3A_2014, %dma_wait3A_2015] : memref<32x128xf32, #tpu.memory_space<vmem_shared>> -> memref<32x128xf32, #tpu.memory_space<vmem_shared>>
    %dma_wait3A_2017 = tpu.memref_slice %arg9[%dma_wait3A_2006] : memref<6x!tpu.dma_semaphore, #tpu.memory_space<semaphore_mem>> -> memref<1x!tpu.dma_semaphore, #tpu.memory_space<semaphore_mem>>
    %dma_wait3A_2018 = tpu.memref_squeeze %dma_wait3A_2017 : memref<1x!tpu.dma_semaphore, #tpu.memory_space<semaphore_mem>> -> memref<!tpu.dma_semaphore, #tpu.memory_space<semaphore_mem>>
    tpu.wait_indirect_dma semaphore(%dma_wait3A_2018 : memref<!tpu.dma_semaphore, #tpu.memory_space<semaphore_mem>>) src(%dma_wait3A_2016 : memref<32x128xf32, #tpu.memory_space<vmem_shared>>) dst(%dma_wait3A_2010 : memref<128x128xf32, #tpu.memory_space<vmem>>)
    %add3A_2019 = arith.constant 97 : i32
    %add3A_2020 = arith.addi %mul3A_2, %add3A_2019 : i32
    %mul3A_2021 = arith.constant 128 : i32
    %mul3A_2022 = arith.muli %add3A_2020, %mul3A_2021 : i32
    %dma_start3A_2023 = arith.constant 1 : i32
    %dma_start3A_2024 = arith.constant 1 : i32
    %dma_start3A_2025 = arith.constant 0 : i32
    %dma_start3A_2026 = arith.constant 0 : i32
    %dma_start3A_2027 = tpu.memref_slice %arg7[%dma_start3A_2023, %dma_start3A_2025, %dma_start3A_2026] : memref<6x128x128xf32, #tpu.memory_space<vmem>> -> memref<1x128x128xf32, #tpu.memory_space<vmem>>
    %dma_start3A_2028 = tpu.memref_squeeze %dma_start3A_2027 : memref<1x128x128xf32, #tpu.memory_space<vmem>> -> memref<128x128xf32, #tpu.memory_space<vmem>>
    %dma_start3A_2029 = arith.constant 0 : i32
    %dma_start3A_2030 = tpu.memref_slice %arg4[%mul3A_2022, %dma_start3A_2029] : memref<409600x128xf32, #tpu.memory_space<hbm>> -> memref<128x128xf32, #tpu.memory_space<hbm>>
    %dma_start3A_2031 = tpu.memref_slice %arg10[%dma_start3A_2024] : memref<6x!tpu.dma_semaphore, #tpu.memory_space<semaphore_mem>> -> memref<1x!tpu.dma_semaphore, #tpu.memory_space<semaphore_mem>>
    %dma_start3A_2032 = tpu.memref_squeeze %dma_start3A_2031 : memref<1x!tpu.dma_semaphore, #tpu.memory_space<semaphore_mem>> -> memref<!tpu.dma_semaphore, #tpu.memory_space<semaphore_mem>>
    %dma_start3A_2033 = arith.constant 0 : i32
    %dma_start3A_2034 = tpu.memref_slice %arg4[%mul3A_2022, %dma_start3A_2033] : memref<409600x128xf32, #tpu.memory_space<hbm>> -> memref<128x128xf32, #tpu.memory_space<hbm>>
    %dma_start3A_2035 = arith.constant 0 : i32
    %dma_start3A_2036 = arith.constant 0 : i32
    %dma_start3A_2037 = tpu.memref_slice %arg7[%dma_start3A_2023, %dma_start3A_2035, %dma_start3A_2036] : memref<6x128x128xf32, #tpu.memory_space<vmem>> -> memref<1x128x128xf32, #tpu.memory_space<vmem>>
    %dma_start3A_2038 = tpu.memref_squeeze %dma_start3A_2037 : memref<1x128x128xf32, #tpu.memory_space<vmem>> -> memref<128x128xf32, #tpu.memory_space<vmem>>
    tpu.enqueue_dma source(%dma_start3A_2038 : memref<128x128xf32, #tpu.memory_space<vmem>>) target(%dma_start3A_2034 : memref<128x128xf32, #tpu.memory_space<hbm>>) target_semaphore(%dma_start3A_2032 : memref<!tpu.dma_semaphore, #tpu.memory_space<semaphore_mem>>)
    %dma_wait3A_2039 = arith.constant 98 : i32
    %dma_wait3A_2040 = arith.constant 2 : i32
    %dma_wait3A_2041 = arith.constant 2 : i32
    %dma_wait3A_2042 = arith.constant 0 : i32
    %dma_wait3A_2043 = arith.constant 0 : i32
    %dma_wait3A_2044 = tpu.memref_slice %arg7[%dma_wait3A_2040, %dma_wait3A_2042, %dma_wait3A_2043] : memref<6x128x128xf32, #tpu.memory_space<vmem>> -> memref<1x128x128xf32, #tpu.memory_space<vmem>>
    %dma_wait3A_2045 = tpu.memref_squeeze %dma_wait3A_2044 : memref<1x128x128xf32, #tpu.memory_space<vmem>> -> memref<128x128xf32, #tpu.memory_space<vmem>>
    %dma_wait3A_2046 = arith.constant 0 : i32
    %dma_wait3A_2047 = tpu.memref_slice %arg6[%dma_wait3A_2039, %dma_wait3A_2046] : memref<100x128xi32, #tpu.memory_space<vmem>> -> memref<1x128xi32, #tpu.memory_space<vmem>>
    %dma_wait3A_2048 = tpu.memref_squeeze %dma_wait3A_2047 : memref<1x128xi32, #tpu.memory_space<vmem>> -> memref<128xi32, #tpu.memory_space<vmem>>
    %dma_wait3A_2049 = arith.constant 0 : i32
    %dma_wait3A_2050 = arith.constant 0 : i32
    %dma_wait3A_2051 = tpu.memref_slice %arg8[%dma_wait3A_2049, %dma_wait3A_2050] : memref<32x128xf32, #tpu.memory_space<vmem_shared>> -> memref<32x128xf32, #tpu.memory_space<vmem_shared>>
    %dma_wait3A_2052 = tpu.memref_slice %arg9[%dma_wait3A_2041] : memref<6x!tpu.dma_semaphore, #tpu.memory_space<semaphore_mem>> -> memref<1x!tpu.dma_semaphore, #tpu.memory_space<semaphore_mem>>
    %dma_wait3A_2053 = tpu.memref_squeeze %dma_wait3A_2052 : memref<1x!tpu.dma_semaphore, #tpu.memory_space<semaphore_mem>> -> memref<!tpu.dma_semaphore, #tpu.memory_space<semaphore_mem>>
    tpu.wait_indirect_dma semaphore(%dma_wait3A_2053 : memref<!tpu.dma_semaphore, #tpu.memory_space<semaphore_mem>>) src(%dma_wait3A_2051 : memref<32x128xf32, #tpu.memory_space<vmem_shared>>) dst(%dma_wait3A_2045 : memref<128x128xf32, #tpu.memory_space<vmem>>)
    %add3A_2054 = arith.constant 98 : i32
    %add3A_2055 = arith.addi %mul3A_2, %add3A_2054 : i32
    %mul3A_2056 = arith.constant 128 : i32
    %mul3A_2057 = arith.muli %add3A_2055, %mul3A_2056 : i32
    %dma_start3A_2058 = arith.constant 2 : i32
    %dma_start3A_2059 = arith.constant 2 : i32
    %dma_start3A_2060 = arith.constant 0 : i32
    %dma_start3A_2061 = arith.constant 0 : i32
    %dma_start3A_2062 = tpu.memref_slice %arg7[%dma_start3A_2058, %dma_start3A_2060, %dma_start3A_2061] : memref<6x128x128xf32, #tpu.memory_space<vmem>> -> memref<1x128x128xf32, #tpu.memory_space<vmem>>
    %dma_start3A_2063 = tpu.memref_squeeze %dma_start3A_2062 : memref<1x128x128xf32, #tpu.memory_space<vmem>> -> memref<128x128xf32, #tpu.memory_space<vmem>>
    %dma_start3A_2064 = arith.constant 0 : i32
    %dma_start3A_2065 = tpu.memref_slice %arg4[%mul3A_2057, %dma_start3A_2064] : memref<409600x128xf32, #tpu.memory_space<hbm>> -> memref<128x128xf32, #tpu.memory_space<hbm>>
    %dma_start3A_2066 = tpu.memref_slice %arg10[%dma_start3A_2059] : memref<6x!tpu.dma_semaphore, #tpu.memory_space<semaphore_mem>> -> memref<1x!tpu.dma_semaphore, #tpu.memory_space<semaphore_mem>>
    %dma_start3A_2067 = tpu.memref_squeeze %dma_start3A_2066 : memref<1x!tpu.dma_semaphore, #tpu.memory_space<semaphore_mem>> -> memref<!tpu.dma_semaphore, #tpu.memory_space<semaphore_mem>>
    %dma_start3A_2068 = arith.constant 0 : i32
    %dma_start3A_2069 = tpu.memref_slice %arg4[%mul3A_2057, %dma_start3A_2068] : memref<409600x128xf32, #tpu.memory_space<hbm>> -> memref<128x128xf32, #tpu.memory_space<hbm>>
    %dma_start3A_2070 = arith.constant 0 : i32
    %dma_start3A_2071 = arith.constant 0 : i32
    %dma_start3A_2072 = tpu.memref_slice %arg7[%dma_start3A_2058, %dma_start3A_2070, %dma_start3A_2071] : memref<6x128x128xf32, #tpu.memory_space<vmem>> -> memref<1x128x128xf32, #tpu.memory_space<vmem>>
    %dma_start3A_2073 = tpu.memref_squeeze %dma_start3A_2072 : memref<1x128x128xf32, #tpu.memory_space<vmem>> -> memref<128x128xf32, #tpu.memory_space<vmem>>
    tpu.enqueue_dma source(%dma_start3A_2073 : memref<128x128xf32, #tpu.memory_space<vmem>>) target(%dma_start3A_2069 : memref<128x128xf32, #tpu.memory_space<hbm>>) target_semaphore(%dma_start3A_2067 : memref<!tpu.dma_semaphore, #tpu.memory_space<semaphore_mem>>)
    %dma_wait3A_2074 = arith.constant 99 : i32
    %dma_wait3A_2075 = arith.constant 3 : i32
    %dma_wait3A_2076 = arith.constant 3 : i32
    %dma_wait3A_2077 = arith.constant 0 : i32
    %dma_wait3A_2078 = arith.constant 0 : i32
    %dma_wait3A_2079 = tpu.memref_slice %arg7[%dma_wait3A_2075, %dma_wait3A_2077, %dma_wait3A_2078] : memref<6x128x128xf32, #tpu.memory_space<vmem>> -> memref<1x128x128xf32, #tpu.memory_space<vmem>>
    %dma_wait3A_2080 = tpu.memref_squeeze %dma_wait3A_2079 : memref<1x128x128xf32, #tpu.memory_space<vmem>> -> memref<128x128xf32, #tpu.memory_space<vmem>>
    %dma_wait3A_2081 = arith.constant 0 : i32
    %dma_wait3A_2082 = tpu.memref_slice %arg6[%dma_wait3A_2074, %dma_wait3A_2081] : memref<100x128xi32, #tpu.memory_space<vmem>> -> memref<1x128xi32, #tpu.memory_space<vmem>>
    %dma_wait3A_2083 = tpu.memref_squeeze %dma_wait3A_2082 : memref<1x128xi32, #tpu.memory_space<vmem>> -> memref<128xi32, #tpu.memory_space<vmem>>
    %dma_wait3A_2084 = arith.constant 0 : i32
    %dma_wait3A_2085 = arith.constant 0 : i32
    %dma_wait3A_2086 = tpu.memref_slice %arg8[%dma_wait3A_2084, %dma_wait3A_2085] : memref<32x128xf32, #tpu.memory_space<vmem_shared>> -> memref<32x128xf32, #tpu.memory_space<vmem_shared>>
    %dma_wait3A_2087 = tpu.memref_slice %arg9[%dma_wait3A_2076] : memref<6x!tpu.dma_semaphore, #tpu.memory_space<semaphore_mem>> -> memref<1x!tpu.dma_semaphore, #tpu.memory_space<semaphore_mem>>
    %dma_wait3A_2088 = tpu.memref_squeeze %dma_wait3A_2087 : memref<1x!tpu.dma_semaphore, #tpu.memory_space<semaphore_mem>> -> memref<!tpu.dma_semaphore, #tpu.memory_space<semaphore_mem>>
    tpu.wait_indirect_dma semaphore(%dma_wait3A_2088 : memref<!tpu.dma_semaphore, #tpu.memory_space<semaphore_mem>>) src(%dma_wait3A_2086 : memref<32x128xf32, #tpu.memory_space<vmem_shared>>) dst(%dma_wait3A_2080 : memref<128x128xf32, #tpu.memory_space<vmem>>)
    %add3A_2089 = arith.constant 99 : i32
    %add3A_2090 = arith.addi %mul3A_2, %add3A_2089 : i32
    %mul3A_2091 = arith.constant 128 : i32
    %mul3A_2092 = arith.muli %add3A_2090, %mul3A_2091 : i32
    %dma_start3A_2093 = arith.constant 3 : i32
    %dma_start3A_2094 = arith.constant 3 : i32
    %dma_start3A_2095 = arith.constant 0 : i32
    %dma_start3A_2096 = arith.constant 0 : i32
    %dma_start3A_2097 = tpu.memref_slice %arg7[%dma_start3A_2093, %dma_start3A_2095, %dma_start3A_2096] : memref<6x128x128xf32, #tpu.memory_space<vmem>> -> memref<1x128x128xf32, #tpu.memory_space<vmem>>
    %dma_start3A_2098 = tpu.memref_squeeze %dma_start3A_2097 : memref<1x128x128xf32, #tpu.memory_space<vmem>> -> memref<128x128xf32, #tpu.memory_space<vmem>>
    %dma_start3A_2099 = arith.constant 0 : i32
    %dma_start3A_2100 = tpu.memref_slice %arg4[%mul3A_2092, %dma_start3A_2099] : memref<409600x128xf32, #tpu.memory_space<hbm>> -> memref<128x128xf32, #tpu.memory_space<hbm>>
    %dma_start3A_2101 = tpu.memref_slice %arg10[%dma_start3A_2094] : memref<6x!tpu.dma_semaphore, #tpu.memory_space<semaphore_mem>> -> memref<1x!tpu.dma_semaphore, #tpu.memory_space<semaphore_mem>>
    %dma_start3A_2102 = tpu.memref_squeeze %dma_start3A_2101 : memref<1x!tpu.dma_semaphore, #tpu.memory_space<semaphore_mem>> -> memref<!tpu.dma_semaphore, #tpu.memory_space<semaphore_mem>>
    %dma_start3A_2103 = arith.constant 0 : i32
    %dma_start3A_2104 = tpu.memref_slice %arg4[%mul3A_2092, %dma_start3A_2103] : memref<409600x128xf32, #tpu.memory_space<hbm>> -> memref<128x128xf32, #tpu.memory_space<hbm>>
    %dma_start3A_2105 = arith.constant 0 : i32
    %dma_start3A_2106 = arith.constant 0 : i32
    %dma_start3A_2107 = tpu.memref_slice %arg7[%dma_start3A_2093, %dma_start3A_2105, %dma_start3A_2106] : memref<6x128x128xf32, #tpu.memory_space<vmem>> -> memref<1x128x128xf32, #tpu.memory_space<vmem>>
    %dma_start3A_2108 = tpu.memref_squeeze %dma_start3A_2107 : memref<1x128x128xf32, #tpu.memory_space<vmem>> -> memref<128x128xf32, #tpu.memory_space<vmem>>
    tpu.enqueue_dma source(%dma_start3A_2108 : memref<128x128xf32, #tpu.memory_space<vmem>>) target(%dma_start3A_2104 : memref<128x128xf32, #tpu.memory_space<hbm>>) target_semaphore(%dma_start3A_2102 : memref<!tpu.dma_semaphore, #tpu.memory_space<semaphore_mem>>)
    %add3A_2109 = arith.constant 94 : i32
    %add3A_2110 = arith.addi %mul3A_2, %add3A_2109 : i32
    %mul3A_2111 = arith.constant 128 : i32
    %mul3A_2112 = arith.muli %add3A_2110, %mul3A_2111 : i32
    %dma_wait3A_2113 = arith.constant 4 : i32
    %dma_wait3A_2114 = arith.constant 4 : i32
    %dma_wait3A_2115 = arith.constant 0 : i32
    %dma_wait3A_2116 = arith.constant 0 : i32
    %dma_wait3A_2117 = tpu.memref_slice %arg7[%dma_wait3A_2113, %dma_wait3A_2115, %dma_wait3A_2116] : memref<6x128x128xf32, #tpu.memory_space<vmem>> -> memref<1x128x128xf32, #tpu.memory_space<vmem>>
    %dma_wait3A_2118 = tpu.memref_squeeze %dma_wait3A_2117 : memref<1x128x128xf32, #tpu.memory_space<vmem>> -> memref<128x128xf32, #tpu.memory_space<vmem>>
    %dma_wait3A_2119 = arith.constant 0 : i32
    %dma_wait3A_2120 = tpu.memref_slice %arg4[%mul3A_2112, %dma_wait3A_2119] : memref<409600x128xf32, #tpu.memory_space<hbm>> -> memref<128x128xf32, #tpu.memory_space<hbm>>
    %dma_wait3A_2121 = tpu.memref_slice %arg10[%dma_wait3A_2114] : memref<6x!tpu.dma_semaphore, #tpu.memory_space<semaphore_mem>> -> memref<1x!tpu.dma_semaphore, #tpu.memory_space<semaphore_mem>>
    %dma_wait3A_2122 = tpu.memref_squeeze %dma_wait3A_2121 : memref<1x!tpu.dma_semaphore, #tpu.memory_space<semaphore_mem>> -> memref<!tpu.dma_semaphore, #tpu.memory_space<semaphore_mem>>
    %dma_wait3A_2123 = arith.constant 0 : i32
    %dma_wait3A_2124 = tpu.memref_slice %arg4[%mul3A_2112, %dma_wait3A_2123] : memref<409600x128xf32, #tpu.memory_space<hbm>> -> memref<128x128xf32, #tpu.memory_space<hbm>>
    %dma_wait3A_2125 = arith.constant 0 : i32
    %dma_wait3A_2126 = arith.constant 0 : i32
    %dma_wait3A_2127 = tpu.memref_slice %arg7[%dma_wait3A_2113, %dma_wait3A_2125, %dma_wait3A_2126] : memref<6x128x128xf32, #tpu.memory_space<vmem>> -> memref<1x128x128xf32, #tpu.memory_space<vmem>>
    %dma_wait3A_2128 = tpu.memref_squeeze %dma_wait3A_2127 : memref<1x128x128xf32, #tpu.memory_space<vmem>> -> memref<128x128xf32, #tpu.memory_space<vmem>>
    tpu.wait_dma2 semaphore(%dma_wait3A_2122 : memref<!tpu.dma_semaphore, #tpu.memory_space<semaphore_mem>>) src(%dma_wait3A_2128 : memref<128x128xf32, #tpu.memory_space<vmem>>) dst(%dma_wait3A_2124 : memref<128x128xf32, #tpu.memory_space<hbm>>)
    %add3A_2129 = arith.constant 95 : i32
    %add3A_2130 = arith.addi %mul3A_2, %add3A_2129 : i32
    %mul3A_2131 = arith.constant 128 : i32
    %mul3A_2132 = arith.muli %add3A_2130, %mul3A_2131 : i32
    %dma_wait3A_2133 = arith.constant 5 : i32
    %dma_wait3A_2134 = arith.constant 5 : i32
    %dma_wait3A_2135 = arith.constant 0 : i32
    %dma_wait3A_2136 = arith.constant 0 : i32
    %dma_wait3A_2137 = tpu.memref_slice %arg7[%dma_wait3A_2133, %dma_wait3A_2135, %dma_wait3A_2136] : memref<6x128x128xf32, #tpu.memory_space<vmem>> -> memref<1x128x128xf32, #tpu.memory_space<vmem>>
    %dma_wait3A_2138 = tpu.memref_squeeze %dma_wait3A_2137 : memref<1x128x128xf32, #tpu.memory_space<vmem>> -> memref<128x128xf32, #tpu.memory_space<vmem>>
    %dma_wait3A_2139 = arith.constant 0 : i32
    %dma_wait3A_2140 = tpu.memref_slice %arg4[%mul3A_2132, %dma_wait3A_2139] : memref<409600x128xf32, #tpu.memory_space<hbm>> -> memref<128x128xf32, #tpu.memory_space<hbm>>
    %dma_wait3A_2141 = tpu.memref_slice %arg10[%dma_wait3A_2134] : memref<6x!tpu.dma_semaphore, #tpu.memory_space<semaphore_mem>> -> memref<1x!tpu.dma_semaphore, #tpu.memory_space<semaphore_mem>>
    %dma_wait3A_2142 = tpu.memref_squeeze %dma_wait3A_2141 : memref<1x!tpu.dma_semaphore, #tpu.memory_space<semaphore_mem>> -> memref<!tpu.dma_semaphore, #tpu.memory_space<semaphore_mem>>
    %dma_wait3A_2143 = arith.constant 0 : i32
    %dma_wait3A_2144 = tpu.memref_slice %arg4[%mul3A_2132, %dma_wait3A_2143] : memref<409600x128xf32, #tpu.memory_space<hbm>> -> memref<128x128xf32, #tpu.memory_space<hbm>>
    %dma_wait3A_2145 = arith.constant 0 : i32
    %dma_wait3A_2146 = arith.constant 0 : i32
    %dma_wait3A_2147 = tpu.memref_slice %arg7[%dma_wait3A_2133, %dma_wait3A_2145, %dma_wait3A_2146] : memref<6x128x128xf32, #tpu.memory_space<vmem>> -> memref<1x128x128xf32, #tpu.memory_space<vmem>>
    %dma_wait3A_2148 = tpu.memref_squeeze %dma_wait3A_2147 : memref<1x128x128xf32, #tpu.memory_space<vmem>> -> memref<128x128xf32, #tpu.memory_space<vmem>>
    tpu.wait_dma2 semaphore(%dma_wait3A_2142 : memref<!tpu.dma_semaphore, #tpu.memory_space<semaphore_mem>>) src(%dma_wait3A_2148 : memref<128x128xf32, #tpu.memory_space<vmem>>) dst(%dma_wait3A_2144 : memref<128x128xf32, #tpu.memory_space<hbm>>)
    %add3A_2149 = arith.constant 96 : i32
    %add3A_2150 = arith.addi %mul3A_2, %add3A_2149 : i32
    %mul3A_2151 = arith.constant 128 : i32
    %mul3A_2152 = arith.muli %add3A_2150, %mul3A_2151 : i32
    %dma_wait3A_2153 = arith.constant 0 : i32
    %dma_wait3A_2154 = arith.constant 0 : i32
    %dma_wait3A_2155 = arith.constant 0 : i32
    %dma_wait3A_2156 = arith.constant 0 : i32
    %dma_wait3A_2157 = tpu.memref_slice %arg7[%dma_wait3A_2153, %dma_wait3A_2155, %dma_wait3A_2156] : memref<6x128x128xf32, #tpu.memory_space<vmem>> -> memref<1x128x128xf32, #tpu.memory_space<vmem>>
    %dma_wait3A_2158 = tpu.memref_squeeze %dma_wait3A_2157 : memref<1x128x128xf32, #tpu.memory_space<vmem>> -> memref<128x128xf32, #tpu.memory_space<vmem>>
    %dma_wait3A_2159 = arith.constant 0 : i32
    %dma_wait3A_2160 = tpu.memref_slice %arg4[%mul3A_2152, %dma_wait3A_2159] : memref<409600x128xf32, #tpu.memory_space<hbm>> -> memref<128x128xf32, #tpu.memory_space<hbm>>
    %dma_wait3A_2161 = tpu.memref_slice %arg10[%dma_wait3A_2154] : memref<6x!tpu.dma_semaphore, #tpu.memory_space<semaphore_mem>> -> memref<1x!tpu.dma_semaphore, #tpu.memory_space<semaphore_mem>>
    %dma_wait3A_2162 = tpu.memref_squeeze %dma_wait3A_2161 : memref<1x!tpu.dma_semaphore, #tpu.memory_space<semaphore_mem>> -> memref<!tpu.dma_semaphore, #tpu.memory_space<semaphore_mem>>
    %dma_wait3A_2163 = arith.constant 0 : i32
    %dma_wait3A_2164 = tpu.memref_slice %arg4[%mul3A_2152, %dma_wait3A_2163] : memref<409600x128xf32, #tpu.memory_space<hbm>> -> memref<128x128xf32, #tpu.memory_space<hbm>>
    %dma_wait3A_2165 = arith.constant 0 : i32
    %dma_wait3A_2166 = arith.constant 0 : i32
    %dma_wait3A_2167 = tpu.memref_slice %arg7[%dma_wait3A_2153, %dma_wait3A_2165, %dma_wait3A_2166] : memref<6x128x128xf32, #tpu.memory_space<vmem>> -> memref<1x128x128xf32, #tpu.memory_space<vmem>>
    %dma_wait3A_2168 = tpu.memref_squeeze %dma_wait3A_2167 : memref<1x128x128xf32, #tpu.memory_space<vmem>> -> memref<128x128xf32, #tpu.memory_space<vmem>>
    tpu.wait_dma2 semaphore(%dma_wait3A_2162 : memref<!tpu.dma_semaphore, #tpu.memory_space<semaphore_mem>>) src(%dma_wait3A_2168 : memref<128x128xf32, #tpu.memory_space<vmem>>) dst(%dma_wait3A_2164 : memref<128x128xf32, #tpu.memory_space<hbm>>)
    %add3A_2169 = arith.constant 97 : i32
    %add3A_2170 = arith.addi %mul3A_2, %add3A_2169 : i32
    %mul3A_2171 = arith.constant 128 : i32
    %mul3A_2172 = arith.muli %add3A_2170, %mul3A_2171 : i32
    %dma_wait3A_2173 = arith.constant 1 : i32
    %dma_wait3A_2174 = arith.constant 1 : i32
    %dma_wait3A_2175 = arith.constant 0 : i32
    %dma_wait3A_2176 = arith.constant 0 : i32
    %dma_wait3A_2177 = tpu.memref_slice %arg7[%dma_wait3A_2173, %dma_wait3A_2175, %dma_wait3A_2176] : memref<6x128x128xf32, #tpu.memory_space<vmem>> -> memref<1x128x128xf32, #tpu.memory_space<vmem>>
    %dma_wait3A_2178 = tpu.memref_squeeze %dma_wait3A_2177 : memref<1x128x128xf32, #tpu.memory_space<vmem>> -> memref<128x128xf32, #tpu.memory_space<vmem>>
    %dma_wait3A_2179 = arith.constant 0 : i32
    %dma_wait3A_2180 = tpu.memref_slice %arg4[%mul3A_2172, %dma_wait3A_2179] : memref<409600x128xf32, #tpu.memory_space<hbm>> -> memref<128x128xf32, #tpu.memory_space<hbm>>
    %dma_wait3A_2181 = tpu.memref_slice %arg10[%dma_wait3A_2174] : memref<6x!tpu.dma_semaphore, #tpu.memory_space<semaphore_mem>> -> memref<1x!tpu.dma_semaphore, #tpu.memory_space<semaphore_mem>>
    %dma_wait3A_2182 = tpu.memref_squeeze %dma_wait3A_2181 : memref<1x!tpu.dma_semaphore, #tpu.memory_space<semaphore_mem>> -> memref<!tpu.dma_semaphore, #tpu.memory_space<semaphore_mem>>
    %dma_wait3A_2183 = arith.constant 0 : i32
    %dma_wait3A_2184 = tpu.memref_slice %arg4[%mul3A_2172, %dma_wait3A_2183] : memref<409600x128xf32, #tpu.memory_space<hbm>> -> memref<128x128xf32, #tpu.memory_space<hbm>>
    %dma_wait3A_2185 = arith.constant 0 : i32
    %dma_wait3A_2186 = arith.constant 0 : i32
    %dma_wait3A_2187 = tpu.memref_slice %arg7[%dma_wait3A_2173, %dma_wait3A_2185, %dma_wait3A_2186] : memref<6x128x128xf32, #tpu.memory_space<vmem>> -> memref<1x128x128xf32, #tpu.memory_space<vmem>>
    %dma_wait3A_2188 = tpu.memref_squeeze %dma_wait3A_2187 : memref<1x128x128xf32, #tpu.memory_space<vmem>> -> memref<128x128xf32, #tpu.memory_space<vmem>>
    tpu.wait_dma2 semaphore(%dma_wait3A_2182 : memref<!tpu.dma_semaphore, #tpu.memory_space<semaphore_mem>>) src(%dma_wait3A_2188 : memref<128x128xf32, #tpu.memory_space<vmem>>) dst(%dma_wait3A_2184 : memref<128x128xf32, #tpu.memory_space<hbm>>)
    %add3A_2189 = arith.constant 98 : i32
    %add3A_2190 = arith.addi %mul3A_2, %add3A_2189 : i32
    %mul3A_2191 = arith.constant 128 : i32
    %mul3A_2192 = arith.muli %add3A_2190, %mul3A_2191 : i32
    %dma_wait3A_2193 = arith.constant 2 : i32
    %dma_wait3A_2194 = arith.constant 2 : i32
    %dma_wait3A_2195 = arith.constant 0 : i32
    %dma_wait3A_2196 = arith.constant 0 : i32
    %dma_wait3A_2197 = tpu.memref_slice %arg7[%dma_wait3A_2193, %dma_wait3A_2195, %dma_wait3A_2196] : memref<6x128x128xf32, #tpu.memory_space<vmem>> -> memref<1x128x128xf32, #tpu.memory_space<vmem>>
    %dma_wait3A_2198 = tpu.memref_squeeze %dma_wait3A_2197 : memref<1x128x128xf32, #tpu.memory_space<vmem>> -> memref<128x128xf32, #tpu.memory_space<vmem>>
    %dma_wait3A_2199 = arith.constant 0 : i32
    %dma_wait3A_2200 = tpu.memref_slice %arg4[%mul3A_2192, %dma_wait3A_2199] : memref<409600x128xf32, #tpu.memory_space<hbm>> -> memref<128x128xf32, #tpu.memory_space<hbm>>
    %dma_wait3A_2201 = tpu.memref_slice %arg10[%dma_wait3A_2194] : memref<6x!tpu.dma_semaphore, #tpu.memory_space<semaphore_mem>> -> memref<1x!tpu.dma_semaphore, #tpu.memory_space<semaphore_mem>>
    %dma_wait3A_2202 = tpu.memref_squeeze %dma_wait3A_2201 : memref<1x!tpu.dma_semaphore, #tpu.memory_space<semaphore_mem>> -> memref<!tpu.dma_semaphore, #tpu.memory_space<semaphore_mem>>
    %dma_wait3A_2203 = arith.constant 0 : i32
    %dma_wait3A_2204 = tpu.memref_slice %arg4[%mul3A_2192, %dma_wait3A_2203] : memref<409600x128xf32, #tpu.memory_space<hbm>> -> memref<128x128xf32, #tpu.memory_space<hbm>>
    %dma_wait3A_2205 = arith.constant 0 : i32
    %dma_wait3A_2206 = arith.constant 0 : i32
    %dma_wait3A_2207 = tpu.memref_slice %arg7[%dma_wait3A_2193, %dma_wait3A_2205, %dma_wait3A_2206] : memref<6x128x128xf32, #tpu.memory_space<vmem>> -> memref<1x128x128xf32, #tpu.memory_space<vmem>>
    %dma_wait3A_2208 = tpu.memref_squeeze %dma_wait3A_2207 : memref<1x128x128xf32, #tpu.memory_space<vmem>> -> memref<128x128xf32, #tpu.memory_space<vmem>>
    tpu.wait_dma2 semaphore(%dma_wait3A_2202 : memref<!tpu.dma_semaphore, #tpu.memory_space<semaphore_mem>>) src(%dma_wait3A_2208 : memref<128x128xf32, #tpu.memory_space<vmem>>) dst(%dma_wait3A_2204 : memref<128x128xf32, #tpu.memory_space<hbm>>)
    %add3A_2209 = arith.constant 99 : i32
    %add3A_2210 = arith.addi %mul3A_2, %add3A_2209 : i32
    %mul3A_2211 = arith.constant 128 : i32
    %mul3A_2212 = arith.muli %add3A_2210, %mul3A_2211 : i32
    %dma_wait3A_2213 = arith.constant 3 : i32
    %dma_wait3A_2214 = arith.constant 3 : i32
    %dma_wait3A_2215 = arith.constant 0 : i32
    %dma_wait3A_2216 = arith.constant 0 : i32
    %dma_wait3A_2217 = tpu.memref_slice %arg7[%dma_wait3A_2213, %dma_wait3A_2215, %dma_wait3A_2216] : memref<6x128x128xf32, #tpu.memory_space<vmem>> -> memref<1x128x128xf32, #tpu.memory_space<vmem>>
    %dma_wait3A_2218 = tpu.memref_squeeze %dma_wait3A_2217 : memref<1x128x128xf32, #tpu.memory_space<vmem>> -> memref<128x128xf32, #tpu.memory_space<vmem>>
    %dma_wait3A_2219 = arith.constant 0 : i32
    %dma_wait3A_2220 = tpu.memref_slice %arg4[%mul3A_2212, %dma_wait3A_2219] : memref<409600x128xf32, #tpu.memory_space<hbm>> -> memref<128x128xf32, #tpu.memory_space<hbm>>
    %dma_wait3A_2221 = tpu.memref_slice %arg10[%dma_wait3A_2214] : memref<6x!tpu.dma_semaphore, #tpu.memory_space<semaphore_mem>> -> memref<1x!tpu.dma_semaphore, #tpu.memory_space<semaphore_mem>>
    %dma_wait3A_2222 = tpu.memref_squeeze %dma_wait3A_2221 : memref<1x!tpu.dma_semaphore, #tpu.memory_space<semaphore_mem>> -> memref<!tpu.dma_semaphore, #tpu.memory_space<semaphore_mem>>
    %dma_wait3A_2223 = arith.constant 0 : i32
    %dma_wait3A_2224 = tpu.memref_slice %arg4[%mul3A_2212, %dma_wait3A_2223] : memref<409600x128xf32, #tpu.memory_space<hbm>> -> memref<128x128xf32, #tpu.memory_space<hbm>>
    %dma_wait3A_2225 = arith.constant 0 : i32
    %dma_wait3A_2226 = arith.constant 0 : i32
    %dma_wait3A_2227 = tpu.memref_slice %arg7[%dma_wait3A_2213, %dma_wait3A_2225, %dma_wait3A_2226] : memref<6x128x128xf32, #tpu.memory_space<vmem>> -> memref<1x128x128xf32, #tpu.memory_space<vmem>>
    %dma_wait3A_2228 = tpu.memref_squeeze %dma_wait3A_2227 : memref<1x128x128xf32, #tpu.memory_space<vmem>> -> memref<128x128xf32, #tpu.memory_space<vmem>>
    tpu.wait_dma2 semaphore(%dma_wait3A_2222 : memref<!tpu.dma_semaphore, #tpu.memory_space<semaphore_mem>>) src(%dma_wait3A_2228 : memref<128x128xf32, #tpu.memory_space<vmem>>) dst(%dma_wait3A_2224 : memref<128x128xf32, #tpu.memory_space<hbm>>)
    return
  }
}

</mosaic_0001>

<sc_bundles>
// kernel: _rounding_embed.3.cloned.1.call-start
scs
__scs_entry_jumppad:
0x0: {  	(pc) =	sbr.rel $0x88, $3  }
0x1: {  	(tag) =	ssettag $0x0;
	lr =	simm.s32 $0x1  }
0x2: {  	[smem:$0x3F9F] =	sst lr;
	_ =	strace $0xD0000000  }
0x3: {  	_ = 	snop  }
0x4: {  	_ = 	snop  }
0x5: {  	_ = 	snop  }
0x6: {  	_ = 	snop  }
0x7: {  	_ = 	snop  }
__scs_overlays_trampoline_lowered:
0x8: {  	[smem:$0x3FAE] =	sst s0  }
0x9: {  	[smem:$0x3FAF] =	sst s1  }
0xa: {  	[smem:$0x3FB0] =	sst s2  }
0xb: {  	[smem:$0x3FB1] =	sst s3  }
0xc: {  	[smem:$0x3FB2] =	sst s4  }
0xd: {  	[smem:$0x3FB3] =	sst s5  }
0xe: {  	[smem:$0x3FB4] =	sst s6  }
0xf: {  	[smem:$0x3FB5] =	sst s7  }
0x10: {  	[smem:$0x3FB6] =	sst s8  }
0x11: {  	[smem:$0x3FB7] =	sst s9;
	s0 =	simm.s32 @!p0 $0x0  }
0x12: {  	s1 =	sld [smem:$0x3F9D];
	s0 =	simm.s32 @p0 $0x1  }
0x13: {  	[smem:$0x3FB8] =	sst s0;
	s0 =	simm.s32 @!p1 $0x0  }
0x14: {  	s2 =	sld [smem:$0x3F9C];
	s0 =	simm.s32 @p1 $0x1  }
0x15: {  	[smem:$0x3FB9] =	sst s0;
	s0 =	simm.s32 @!p2 $0x0  }
0x16: {  	s3 =	sld [smem:$0x3FDB];
	s0 =	simm.s32 @p2 $0x1  }
0x17: {  	s4 =	simm.s32 $0x1BF5;
	[smem:$0x3FBB] =	sst s0  }
0x18: {  	s0 =	sld [smem:$0x3F9E];
	_ =	swait.ge [sflag:s4], $0x0  }
0x19: {  	s7 =	sld [smem:$0x3F9F]  }
0x1a: {  	s8 =	sadd.s32 $0xFFFFE003, lr  }
0x1b: {  	s9 =	sadd.s32 $0xFFFFFEF7, lr;
	s5 =	simm.s32 $0xFFFFFFFF;
	p2 =	slt.u32 s8, $0xFFFFF086  }
0x1c: {  	p1 =	slt.u32 s9, $0xF7A;
	s5 =	simm.s32 @!p2 $0x0  }
0x1d: {  	s5 =	simm.s32 @p1 $0x1;
	p0 =	seq.s32 s7, s2  }
0x1e: {  	s7 =	smul.u32 @!p0 $0xF7A, s2;
	p2 =	seq.s32 @!p0 s5, $0x0  }
0x1f: {  	s9 =	smul.u32 $0xF7A, s1;
	s8 =	simm.s32 @!p0 $0x1BF5;
	p2 =	por !p2, p0  }
0x20: {  	[sflag:s8] =	ssyncset.s32 @!p0 $0xFFFFF086;
	s6 =	sadd.s32 @!p0 s3, s7;
	s7 =	simm.s32 @!p0 $0x108  }
0x21: {  	s3 =	sadd.s32 s3, s9;
	s6 =	sadd.s32 @!p0 $0x88, s6;
	s7 =	simm.s32 @p2 $0x1082  }
0x22: {  	[simem:s7], [sflag:s8] =	dma.local @!p0 [hbm:s6], $0xF7A  }
0x23: {  	s9 =	sor.u32 $0xD0000000, s2;
	s6 =	simm.s32 $0x108;
	_ =	swait.ge @!p0 [sflag:s8], $0x0  }
0x24: {  	s3 =	sadd.s32 $0x88, s3;
	s6 =	simm.s32 @!p1 $0x1082;
	[sflag:s4] =	ssyncset.s32 $0xFFFFF086  }
0x25: {  	[simem:s6], [sflag:s4] =	dma.local [hbm:s3], $0xF7A  }
0x26: {  	[smem:$0x3F9F] =	sst s1;
	(tag) =	ssettag s2;
	_ =	strace s9  }
0x27: {  	s1 =	sld [smem:$0x3FAF]  }
0x28: {  	s2 =	sld [smem:$0x3FB0]  }
0x29: {  	s4 =	sld [smem:$0x3FB2]  }
0x2a: {  	p0 =	seq.s32 s5, $0x0;
	s5 =	sld [smem:$0x3FB3]  }
0x2b: {  	s6 =	sld [smem:$0x3FB4]  }
0x2c: {  	s7 =	sld [smem:$0x3FB5]  }
0x2d: {  	s3 =	simm.s32 $0x108;
	s8 =	sld [smem:$0x3FB6]  }
0x2e: {  	s3 =	simm.s32 @!p0 $0x1082;
	s9 =	sld [smem:$0x3FB7]  }
0x2f: {  	lr =	sadd.s32 s0, s3;
	s0 =	sld [smem:$0x3FAE]  }
0x30: {  	s3 =	sld [smem:$0x3FB1]  }
0x31: {  	[smem:$0x3FBA] =	sst s10  }
0x32: {  	s10 =	sld [smem:$0x3FB8];
	_ =	sdelay $0x3  }
0x33: {  	p0 =	seq.s32 s10, $0x1;
	s10 =	sld [smem:$0x3FBA];
	_ =	sdelay $0x3  }
0x34: {  	[smem:$0x3FBA] =	sst s10  }
0x35: {  	s10 =	sld [smem:$0x3FB9];
	_ =	sdelay $0x3  }
0x36: {  	p1 =	seq.s32 s10, $0x1;
	s10 =	sld [smem:$0x3FBA];
	_ =	sdelay $0x3  }
0x37: {  	[smem:$0x3FBA] =	sst s10  }
0x38: {  	s10 =	sld [smem:$0x3FBB]  }
0x39: {  	_ = 	snop;
	(pc) =	sbr.ind lr, $3  }
0x3a: {  	_ = 	snop  }
0x3b: {  	_ = 	snop  }
0x3c: {  	p2 =	seq.s32 s10, $0x1;
	s10 =	sld [smem:$0x3FBA]  }
0x3d: {  	_ =	shalt  }
0x3e: {  	_ =	shalt  }
0x3f: {  	_ =	shalt  }
0x40: {  	_ =	shalt  }
0x41: {  	_ =	shalt  }
0x42: {  	_ =	shalt  }
0x43: {  	_ =	shalt  }
0x44: {  	_ =	shalt  }
0x45: {  	_ =	shalt  }
0x46: {  	_ =	shalt  }
0x47: {  	_ =	shalt  }
0x48: {  	_ =	shalt  }
0x49: {  	_ =	shalt  }
0x4a: {  	_ =	shalt  }
0x4b: {  	_ =	shalt  }
0x4c: {  	_ =	shalt  }
0x4d: {  	_ =	shalt  }
0x4e: {  	_ =	shalt  }
0x4f: {  	_ =	shalt  }
0x50: {  	_ =	shalt  }
0x51: {  	_ =	shalt  }
0x52: {  	_ =	shalt  }
0x53: {  	_ =	shalt  }
0x54: {  	_ =	shalt  }
0x55: {  	_ =	shalt  }
0x56: {  	_ =	shalt  }
0x57: {  	_ =	shalt  }
0x58: {  	_ =	shalt  }
0x59: {  	_ =	shalt  }
0x5a: {  	_ =	shalt  }
0x5b: {  	_ =	shalt  }
0x5c: {  	_ =	shalt  }
0x5d: {  	_ =	shalt  }
0x5e: {  	_ =	shalt  }
0x5f: {  	_ =	shalt  }
0x60: {  	_ =	shalt  }
0x61: {  	_ =	shalt  }
0x62: {  	_ =	shalt  }
0x63: {  	_ =	shalt  }
0x64: {  	_ =	shalt  }
0x65: {  	_ =	shalt  }
0x66: {  	_ =	shalt  }
0x67: {  	_ =	shalt  }
0x68: {  	_ =	shalt  }
0x69: {  	_ =	shalt  }
0x6a: {  	_ =	shalt  }
0x6b: {  	_ =	shalt  }
0x6c: {  	_ =	shalt  }
0x6d: {  	_ =	shalt  }
0x6e: {  	_ =	shalt  }
0x6f: {  	_ =	shalt  }
0x70: {  	_ =	shalt  }
0x71: {  	_ =	shalt  }
0x72: {  	_ =	shalt  }
0x73: {  	_ =	shalt  }
0x74: {  	_ =	shalt  }
0x75: {  	_ =	shalt  }
0x76: {  	_ =	shalt  }
0x77: {  	_ =	shalt  }
0x78: {  	_ =	shalt  }
0x79: {  	_ =	shalt  }
0x7a: {  	_ =	shalt  }
0x7b: {  	_ =	shalt  }
0x7c: {  	_ =	shalt  }
0x7d: {  	_ =	shalt  }
0x7e: {  	_ =	shalt  }
0x7f: {  	_ =	shalt  }
0x80: {  	_ =	shalt  }
0x81: {  	_ =	shalt  }
0x82: {  	_ =	shalt  }
0x83: {  	_ =	shalt  }
0x84: {  	_ =	shalt  }
0x85: {  	_ =	shalt  }
0x86: {  	_ =	shalt  }
0x87: {  	_ =	shalt  }
.Lfunc_end0:
.L_simem_size_0:
called_computation_lowered:
.L_overlay_start_0:
0x88: {  	s2 =	sld [smem:$0x3FD9]  }
0x89: {  	s3 =	sld [smem:$0x3FFE];
	_ =	sdelay $0x1  }
0x8a: {  	s1 =	srdreg.scid  }
0x8b: {  	s0 =	sand.u32 $0x1, s1  }
0x8c: {  	s18 =	sshll.u32 s0, $0xA;
	s2 =	sadd.s32 s3, s2  }
0x8d: {  	s2 =	sadd.s32 s2, s18  }
0x8e: {  	[smem:$0x3FC6] =	sst s2  }
0x8f: {  	_ = 	snop  }
0x90: {  	s2 =	sld [smem:$0x3FC9]  }
0x91: {  	s19 =	sld [smem:$0x3FC8]  }
0x92: {  	s4 =	sld [smem:$0x3FD0];
	(tm) =	ssettm $0x1  }
0x93: {  	s5 =	sld [smem:$0x3FFB];
	_ =	sdelay $0x3  }
0x94: {  	_ =	strace s5  }
0x95: {  	s5 =	sld [smem:$0x3FFC];
	_ =	sdelay $0x3  }
0x96: {  	_ =	strace s5  }
0x97: {  	s5 =	sld [smem:$0x3FFD];
	_ =	sdelay $0x3  }
0x98: {  	_ =	strace s5  }
0x99: {  	_ =	strace $0x8FFFFFFF  }
0x9a: {  	s20 =	sld [smem:$0x3FDB];
	_ =	sdelay $0x1  }
0x9b: {  	s6 =	simm.s32 $_scs_section_size  }
0x9c: {  	s7 =	simm.s32 $_size__tile_overlayer_lowered;
	s8 =	simm.s32 $_tile_overlayer_lowered  }
0x9d: {  	s23 =	simm.s32 $0x1BFF;
	s22 =	sshll.u32 s8, $0x1;
	s5 =	sadd.s32 s6, s20  }
0x9e: {  	s9 =	simm.s32 $0x0;
	s21 =	sshll.u32 s7, $0x1;
	s7 =	sadd.s32 s22, s5  }
0x9f: {  	[timem:s9], [sflag:s23] =	dma.local [hbm:s7], s21  }
0xa0: {  	_ =	swait.ge [sflag:s23], s21  }
0xa1: {  	s6 =	ssub.s32 $0x0, s21;
	[sflag:s23] =	ssyncset.done $0x0  }
0xa2: {  	[sflag:s23] =	ssyncadd.s32 s6;
	_ =	sdelay $0x1  }
0xa3: {  	s24 =	simm.s32 $0x1B8B  }
0xa4: {  	_ =	swait.ge [sflag:s24], $0x1  }
0xa5: {  	[sflag:s24] =	ssyncset.done $0x0  }
0xa6: {  	s25 =	simm.s32 $0x1B8E;
	[sflag:s24] =	ssyncadd.s32 $0xFFFFFFFF  }
0xa7: {  	s26 =	simm.s32 $execute0_lowered;
	[smem:$0x3FD2] =	sst s25  }
0xa8: {  	s6 =	sshll.u32 s26, $0x1;
	_ =	strace $0x80000046;
	[dreg:$0x1] =	wrdreg $0xFFFFFFFF  }
0xa9: {  	s28 =	simm.s32 $_size_execute0_lowered;
	s5 =	sadd.s32 s5, s6;
	[dreg:$0x0] =	wrdreg $0x0  }
0xaa: {  	s6 =	sshll.u32 s28, $0x1;
	[dreg:$0x2] =	wrdreg s5  }
0xab: {  	[dreg:$0x3] =	wrdreg s6  }
0xac: {  	[dreg:$0x4] =	wrdreg $0xC0  }
0xad: {  	_ =	task [dreg:s9], $0x5FFFF  }
0xae: {  	[dreg:$0x1] =	wrdreg $0xFFFFFFFF  }
0xaf: {  	[dreg:$0x0] =	wrdreg $0x60  }
0xb0: {  	[dreg:$0x2] =	wrdreg s2  }
0xb1: {  	[dreg:$0x3] =	wrdreg s19  }
0xb2: {  	[dreg:$0x4] =	wrdreg s4  }
0xb3: {  	[dreg:$0x5] =	wrdreg $0x1E6000  }
0xb4: {  	[dreg:$0x6] =	wrdreg $0x9  }
0xb5: {  	_ =	task.clear_ibuf [dreg:s9], $0x7FFFF;
	_ =	strace $0x90000046  }
0xb6: {  	s29 =	simm.s32 $0x9;
	_ =	strace $0x80000048  }
0xb7: {  	_ =	swait.ge [sflag:s29], $0x1  }
0xb8: {  	[sflag:s29] =	ssyncadd.s32 $0xFFFFFFFF  }
0xb9: {  	_ =	strace $0x90000048  }
0xba: {  	_ =	sfence  }
0xbb: {  	s30 =	sld [smem:$0x0];
	_ =	sdelay $0x2  }
0xbc: {  	s31 =	sshll.u32 s1, $0xD;
	s1 =	sshrl.u32 s1, $0x2  }
0xbd: {  	s3 =	sand.u32 $0x4000, s31;
	s1 =	sadd.s32 s1, s30  }
0xbe: {  	s0 =	sor.u32 s3, s0;
	s1 =	sshll.u32 s1, $0x11  }
0xbf: {  	s0 =	sor.u32 s1, s0  }
0xc0: {  	s0 =	sadd.s32 $0x8F2B, s0  }
0xc1: {  	[sflag:s0] =	ssyncadd.remote.s32 $0x1  }
0xc2: {  	_ =	sfence.sel $0xFFFF  }
0xc3: {  	[dreg:$0x0] =	wrdreg $0xFFFFFFFF;
	(pc) =	sbr.abs _section_cstart, $3  }
0xc4: {  	[dreg:$0x1] =	wrdreg $0xFFFFFFFF  }
0xc5: {  	_ =	task.clear_ibuf [dreg:s9], $0x2FFFF;
	_ =	strace $0x9FFFFFFF  }
0xc6: {  	(tm) =	ssettm $0x7FFFFFFF  }
0xc7: {  	_ =	shalt  }
tec
execute0_lowered:
.L_overlay_start_1:
0x0: {  	(tag) =	ssettag $0x1  }
0x1: {  	s0 =	rddreg [dreg:$0x0]  }
0x2: {  	s1 =	srdreg.scid;
	s2 =	stileid.u32  }
0x3: {  	s9 =	rddreg [dreg:$0x2];
	s1 =	sand.u32 $0x1, s1;
	s14 =	smul.u32 $0x64000, s2  }
0x4: {  	s3 =	rddreg [dreg:$0x3];
	s4 =	sshll.u32 s2, $0x1;
	s19 =	smul.u32 $0x64, s1  }
0x5: {  	s5 =	sor.u32 s1, s4;
	s6 =	ssub.s32 $0x2, s1;
	s1 =	smul.u32 $0x32000, s1  }
0x6: {  	s29 =	simm.s32 $0x12600;
	s4 =	simm.s32 $0x0;
	s7 =	smul.u32 $0x190000, s5  }
0x7: {  	s31 =	simm.s32 $0x16600;
	[smem:$0x7FF] =	sst s4;
	s5 =	smul.u32 $0x640, s5  }
0x8: {  	_ =	strace $0x80000047;
	s1 =	sadd.s32 s1, s14;
	s7 =	sshrl.u32 s7, $0x3  }
0x9: {  	s0 =	sadd.s32 s0, s5;
	[dreg:$0x5] =	wrdreg s1;
	s13 =	sadd.s32 s9, s7  }
0xa: {  	s28 =	simm.s32 $0x5;
	[dreg:$0x9] =	wrdreg s0;
	s7 =	sadd.s32 $0x2D000, s13  }
0xb: {  	s30 =	simm.s32 $0x6;
	s15 =	sadd.s32 $0x2D800, s13;
	[dreg:$0xa] =	wrdreg s7  }
0xc: {  	s10 =	simm.s32 $0x0;
	s17 =	sadd.s32 $0x2E000, s13;
	[dreg:$0xb] =	wrdreg s15  }
0xd: {  	s16 =	smul.u32 $0xC8, s2;
	s18 =	sadd.s32 $0x2E800, s13;
	[dreg:$0xc] =	wrdreg s17  }
0xe: {  	p0 =	sne.s32 s2, $0x0;
	s9 =	sadd.s32 $0x2F000, s13;
	[dreg:$0xd] =	wrdreg s18  }
0xf: {  	s2 =	simm.s32 $0x7;
	s20 =	sadd.s32 $0x2F800, s13;
	[dreg:$0xe] =	wrdreg s9  }
0x10: {  	s8 =	sshrl.u32 s6, $0x1;
	s21 =	sadd.s32 $0x30000, s13;
	[dreg:$0xf] =	wrdreg s20  }
0x11: {  	s6 =	ssub.s32 s6, s8;
	s22 =	sadd.s32 $0x30800, s13;
	[dreg:$0x10] =	wrdreg s21  }
0x12: {  	s8 =	simm.s32 $0xB;
	s23 =	sadd.s32 $0x31000, s13;
	[dreg:$0x11] =	wrdreg s22  }
0x13: {  	s1 =	simm.s32 $0x1;
	s0 =	sadd.s32 $0x31800, s13;
	[dreg:$0x12] =	wrdreg s23  }
0x14: {  	s5 =	simm.s32 $0x8;
	s7 =	sadd.s32 s19, s16;
	[dreg:$0x13] =	wrdreg s0  }
0x15: {  	s17 =	smax.u32 s6, $0x1;
	s18 =	sshrl.u32 @!p0 s3, $0x3;
	s19 =	simm.s32 $0xD  }
0x16: {  	s20 =	simm.s32 $0x80;
	s22 =	simm.s32 $0x6600;
	s15 =	sshll.u32 s7, $0xB  }
0x17: {  	s0 =	simm.s32 $0x1A600;
	s21 =	simm.s32 $0x2;
	s24 =	sor.u32 $0x1000, s15  }
0x18: {  	s23 =	simm.s32 $0x3;
	s25 =	sadd.s32 $0x2000, s15;
	[dreg:$0x6] =	wrdreg s24  }
0x19: {  	s6 =	simm.s32 $0x9;
	s26 =	sadd.s32 $0x2800, s15;
	[dreg:$0x7] =	wrdreg s25  }
0x1a: {  	s9 =	simm.s32 $0xC;
	s7 =	simm.s32 $0xA;
	[dreg:$0x8] =	wrdreg s26  }
0x1b: {  	s24 =	simm.s32 $0xA600;
	s26 =	simm.s32 $0xE600;
	s25 =	simm.s32 $0x4  }
.LBB2_1:
0x1c: {  	s11 =	simm.s32 @!p0 $0x1C0E;
	s12 =	rddreg [dreg:$0x1]  }
0x1d: {  	[spmem:s18], [sflag:s11] =	dma.local @!p0 [hbm:s12], $0x200  }
0x1e: {  	s11 =	simm.s32 @!p0 $0xE  }
0x1f: {  	_ =	swait.ge @!p0 [sflag:s11], $0x200  }
0x20: {  	[sflag:s11] =	ssyncset.done @!p0 $0x0  }
0x21: {  	s13 =	rddreg [dreg:$0x9];
	[sflag:s11] =	ssyncadd.s32 @!p0 $0xFFFFFE00  }
0x22: {  	[tilespmem:s4], [sflag:$0xD] =	stream.linear.gather [hbm4b:s13+s4], $0x3200, $0x38;
	[tilespmem:$0x1E700] =	vst v63  }
0x23: {  	_ =	swait.ge [sflag:s19], $0x3200  }
0x24: {  	[sflag:s19] =	ssyncset.done $0x0  }
0x25: {  	[sflag:s19] =	ssyncadd.s32 $0xFFFFCE00  }
0x26: {  	[bflag:$0x0] =	sbarrier.arrive $0xFFFF  }
0x27: {  	v0 =	vld [tilespmem:$0x0]  }
0x28: {  	v1 =	vld [tilespmem:$0x10]  }
0x29: {  	v2 =	vld [tilespmem:$0x20]  }
0x2a: {  	v3 =	vld [tilespmem:$0x30]  }
0x2b: {  	v4 =	vld [tilespmem:$0x40]  }
0x2c: {  	v5 =	vld [tilespmem:$0x50]  }
0x2d: {  	v6 =	vld [tilespmem:$0x60]  }
0x2e: {  	v7 =	vld [tilespmem:$0x70];
	_ =	sdelay $0x2  }
0x2f: {  	v0 =	vmax.f32 v0, $0.0e+00;
	v1 =	vmax.f32 v1, $0.0e+00  }
0x30: {  	v2 =	vmax.f32 v2, $0.0e+00;
	v3 =	vmax.f32 v3, $0.0e+00;
	v4 =	vmax.f32 v4, $0.0e+00  }
0x31: {  	v5 =	vmax.f32 v5, $0.0e+00;
	v6 =	vmax.f32 v6, $0.0e+00;
	v24 =	vmax.f32 v7, $0.0e+00  }
0x32: {  	v0 =	vmin.f32 v0, $9.843750000e-01;
	v1 =	vmin.f32 v1, $9.843750000e-01;
	v2 =	vmin.f32 v2, $9.843750000e-01  }
0x33: {  	v3 =	vmin.f32 v3, $9.843750000e-01;
	v4 =	vmin.f32 v4, $9.843750000e-01;
	v0 =	vmul.f32 $3.200000000e+01, v0  }
0x34: {  	v5 =	vmin.f32 v5, $9.843750000e-01;
	v1 =	vmul.f32 $3.200000000e+01, v1;
	v2 =	vmul.f32 $3.200000000e+01, v2  }
0x35: {  	v23 =	vmin.f32 v6, $9.843750000e-01;
	v3 =	vmul.f32 $3.200000000e+01, v3;
	v4 =	vmul.f32 $3.200000000e+01, v4  }
0x36: {  	v27 =	vmin.f32 v24, $9.843750000e-01;
	v22 =	vmul.f32 $3.200000000e+01, v5;
	v26 =	vmul.f32 $3.200000000e+01, v23  }
0x37: {  	v28 =	vmul.f32 $3.200000000e+01, v27;
	v0 =	vtrunc.f32 v0  }
0x38: {  	v1 =	vtrunc.f32 v1;
	v0 =	vcvt.f32.s32 v0  }
0x39: {  	v2 =	vtrunc.f32 v2;
	v1 =	vcvt.f32.s32 v1  }
0x3a: {  	v3 =	vtrunc.f32 v3;
	v2 =	vcvt.f32.s32 v2;
	[tilespmem:$0x3200] =	vst v0  }
0x3b: {  	v4 =	vtrunc.f32 v4;
	v3 =	vcvt.f32.s32 v3;
	[tilespmem:$0x3210] =	vst v1  }
0x3c: {  	v29 =	vtrunc.f32 v26;
	v25 =	vcvt.f32.s32 v4;
	[tilespmem:$0x3220] =	vst v2  }
0x3d: {  	v30 =	vcvt.f32.s32 v29;
	v0 =	vtrunc.f32 v22;
	[tilespmem:$0x3230] =	vst v3  }
0x3e: {  	[tilespmem:$0x3240] =	vst v25;
	v2 =	vtrunc.f32 v28;
	v0 =	vcvt.f32.s32 v0  }
0x3f: {  	[tilespmem:$0x3260] =	vst v30;
	v31 =	vcvt.f32.s32 v2  }
0x40: {  	[tilespmem:$0x3250] =	vst v0  }
0x41: {  	s14 =	simm.s32 $0x3200;
	[tilespmem:$0x3270] =	vst v31  }
0x42: {  	[tilespmem:s22], [sflag:$0x1] =	stream.indirect.gather [spmem:s3], $0x80, s14, s20, $0xb8;
	[tilespmem:$0x1E700] =	vst v63  }
0x43: {  	v32 =	vld [tilespmem:$0x80]  }
0x44: {  	v33 =	vld [tilespmem:$0x90]  }
0x45: {  	v34 =	vld [tilespmem:$0xA0]  }
0x46: {  	v35 =	vld [tilespmem:$0xB0]  }
0x47: {  	v36 =	vld [tilespmem:$0xC0]  }
0x48: {  	v37 =	vld [tilespmem:$0xD0]  }
0x49: {  	v38 =	vld [tilespmem:$0xE0]  }
0x4a: {  	v39 =	vld [tilespmem:$0xF0];
	_ =	sdelay $0x2  }
0x4b: {  	v0 =	vmax.f32 v32, $0.0e+00;
	v1 =	vmax.f32 v33, $0.0e+00  }
0x4c: {  	v2 =	vmax.f32 v34, $0.0e+00;
	v3 =	vmax.f32 v35, $0.0e+00;
	v4 =	vmax.f32 v36, $0.0e+00  }
0x4d: {  	v5 =	vmax.f32 v37, $0.0e+00;
	v6 =	vmax.f32 v38, $0.0e+00;
	v42 =	vmax.f32 v39, $0.0e+00  }
0x4e: {  	v0 =	vmin.f32 v0, $9.843750000e-01;
	v1 =	vmin.f32 v1, $9.843750000e-01;
	v2 =	vmin.f32 v2, $9.843750000e-01  }
0x4f: {  	v3 =	vmin.f32 v3, $9.843750000e-01;
	v4 =	vmin.f32 v4, $9.843750000e-01;
	v0 =	vmul.f32 $3.200000000e+01, v0  }
0x50: {  	v5 =	vmin.f32 v5, $9.843750000e-01;
	v1 =	vmul.f32 $3.200000000e+01, v1;
	v2 =	vmul.f32 $3.200000000e+01, v2  }
0x51: {  	v41 =	vmin.f32 v6, $9.843750000e-01;
	v3 =	vmul.f32 $3.200000000e+01, v3;
	v4 =	vmul.f32 $3.200000000e+01, v4  }
0x52: {  	v45 =	vmin.f32 v42, $9.843750000e-01;
	v40 =	vmul.f32 $3.200000000e+01, v5;
	v44 =	vmul.f32 $3.200000000e+01, v41  }
0x53: {  	v46 =	vmul.f32 $3.200000000e+01, v45;
	v0 =	vtrunc.f32 v0  }
0x54: {  	v1 =	vtrunc.f32 v1;
	v0 =	vcvt.f32.s32 v0  }
0x55: {  	v2 =	vtrunc.f32 v2;
	v1 =	vcvt.f32.s32 v1  }
0x56: {  	v3 =	vtrunc.f32 v3;
	v2 =	vcvt.f32.s32 v2;
	[tilespmem:$0x3280] =	vst v0  }
0x57: {  	v4 =	vtrunc.f32 v4;
	v3 =	vcvt.f32.s32 v3;
	[tilespmem:$0x3290] =	vst v1  }
0x58: {  	v47 =	vtrunc.f32 v44;
	v43 =	vcvt.f32.s32 v4;
	[tilespmem:$0x32A0] =	vst v2  }
0x59: {  	v48 =	vcvt.f32.s32 v47;
	v0 =	vtrunc.f32 v40;
	[tilespmem:$0x32B0] =	vst v3  }
0x5a: {  	[tilespmem:$0x32C0] =	vst v43;
	v2 =	vtrunc.f32 v46;
	v0 =	vcvt.f32.s32 v0  }
0x5b: {  	[tilespmem:$0x32E0] =	vst v48;
	v49 =	vcvt.f32.s32 v2  }
0x5c: {  	[tilespmem:$0x32D0] =	vst v0  }
0x5d: {  	s16 =	simm.s32 $0x3280;
	[tilespmem:$0x32F0] =	vst v49  }
0x5e: {  	[tilespmem:s24], [sflag:$0x2] =	stream.indirect.gather [spmem:s3], $0x80, s16, s20, $0xb8;
	[tilespmem:$0x1E700] =	vst v63  }
0x5f: {  	v50 =	vld [tilespmem:$0x100]  }
0x60: {  	v51 =	vld [tilespmem:$0x110]  }
0x61: {  	v52 =	vld [tilespmem:$0x120]  }
0x62: {  	v53 =	vld [tilespmem:$0x130]  }
0x63: {  	v54 =	vld [tilespmem:$0x140]  }
0x64: {  	v55 =	vld [tilespmem:$0x150]  }
0x65: {  	v56 =	vld [tilespmem:$0x160]  }
0x66: {  	v57 =	vld [tilespmem:$0x170];
	_ =	sdelay $0x2  }
0x67: {  	v0 =	vmax.f32 v50, $0.0e+00;
	v1 =	vmax.f32 v51, $0.0e+00  }
0x68: {  	v2 =	vmax.f32 v52, $0.0e+00;
	v3 =	vmax.f32 v53, $0.0e+00;
	v4 =	vmax.f32 v54, $0.0e+00  }
0x69: {  	v5 =	vmax.f32 v55, $0.0e+00;
	v6 =	vmax.f32 v56, $0.0e+00;
	v60 =	vmax.f32 v57, $0.0e+00  }
0x6a: {  	v0 =	vmin.f32 v0, $9.843750000e-01;
	v1 =	vmin.f32 v1, $9.843750000e-01;
	v2 =	vmin.f32 v2, $9.843750000e-01  }
0x6b: {  	v3 =	vmin.f32 v3, $9.843750000e-01;
	v4 =	vmin.f32 v4, $9.843750000e-01;
	v0 =	vmul.f32 $3.200000000e+01, v0  }
0x6c: {  	v5 =	vmin.f32 v5, $9.843750000e-01;
	v1 =	vmul.f32 $3.200000000e+01, v1;
	v2 =	vmul.f32 $3.200000000e+01, v2  }
0x6d: {  	v59 =	vmin.f32 v6, $9.843750000e-01;
	v3 =	vmul.f32 $3.200000000e+01, v3;
	v4 =	vmul.f32 $3.200000000e+01, v4  }
0x6e: {  	v63 =	vmin.f32 v60, $9.843750000e-01;
	v58 =	vmul.f32 $3.200000000e+01, v5;
	v62 =	vmul.f32 $3.200000000e+01, v59  }
0x6f: {  	v6 =	vmul.f32 $3.200000000e+01, v63;
	v0 =	vtrunc.f32 v0  }
0x70: {  	v1 =	vtrunc.f32 v1;
	v0 =	vcvt.f32.s32 v0  }
0x71: {  	v2 =	vtrunc.f32 v2;
	v1 =	vcvt.f32.s32 v1  }
0x72: {  	v3 =	vtrunc.f32 v3;
	v2 =	vcvt.f32.s32 v2;
	[tilespmem:$0x3300] =	vst v0  }
0x73: {  	v4 =	vtrunc.f32 v4;
	v3 =	vcvt.f32.s32 v3;
	[tilespmem:$0x3310] =	vst v1  }
0x74: {  	v7 =	vtrunc.f32 v62;
	v61 =	vcvt.f32.s32 v4;
	[tilespmem:$0x3320] =	vst v2  }
0x75: {  	v8 =	vcvt.f32.s32 v7;
	v0 =	vtrunc.f32 v58;
	[tilespmem:$0x3330] =	vst v3  }
0x76: {  	[tilespmem:$0x3340] =	vst v61;
	v2 =	vtrunc.f32 v6;
	v0 =	vcvt.f32.s32 v0  }
0x77: {  	[tilespmem:$0x3360] =	vst v8;
	v9 =	vcvt.f32.s32 v2  }
0x78: {  	[tilespmem:$0x3350] =	vst v0  }
0x79: {  	s12 =	simm.s32 $0x3300;
	[tilespmem:$0x3370] =	vst v9  }
0x7a: {  	[tilespmem:s26], [sflag:$0x3] =	stream.indirect.gather [spmem:s3], $0x80, s12, s20, $0xb8;
	[tilespmem:$0x1E700] =	vst v63  }
0x7b: {  	v10 =	vld [tilespmem:$0x180]  }
0x7c: {  	v11 =	vld [tilespmem:$0x190]  }
0x7d: {  	v12 =	vld [tilespmem:$0x1A0]  }
0x7e: {  	v13 =	vld [tilespmem:$0x1B0]  }
0x7f: {  	v14 =	vld [tilespmem:$0x1C0]  }
0x80: {  	v15 =	vld [tilespmem:$0x1D0]  }
0x81: {  	v16 =	vld [tilespmem:$0x1E0]  }
0x82: {  	v17 =	vld [tilespmem:$0x1F0];
	_ =	sdelay $0x2  }
0x83: {  	v0 =	vmax.f32 v10, $0.0e+00;
	v1 =	vmax.f32 v11, $0.0e+00  }
0x84: {  	v2 =	vmax.f32 v12, $0.0e+00;
	v3 =	vmax.f32 v13, $0.0e+00;
	v4 =	vmax.f32 v14, $0.0e+00  }
0x85: {  	v5 =	vmax.f32 v15, $0.0e+00;
	v6 =	vmax.f32 v16, $0.0e+00;
	v20 =	vmax.f32 v17, $0.0e+00  }
0x86: {  	v0 =	vmin.f32 v0, $9.843750000e-01;
	v1 =	vmin.f32 v1, $9.843750000e-01;
	v2 =	vmin.f32 v2, $9.843750000e-01  }
0x87: {  	v3 =	vmin.f32 v3, $9.843750000e-01;
	v4 =	vmin.f32 v4, $9.843750000e-01;
	v0 =	vmul.f32 $3.200000000e+01, v0  }
0x88: {  	v5 =	vmin.f32 v5, $9.843750000e-01;
	v1 =	vmul.f32 $3.200000000e+01, v1;
	v2 =	vmul.f32 $3.200000000e+01, v2  }
0x89: {  	v19 =	vmin.f32 v6, $9.843750000e-01;
	v3 =	vmul.f32 $3.200000000e+01, v3;
	v4 =	vmul.f32 $3.200000000e+01, v4  }
0x8a: {  	v23 =	vmin.f32 v20, $9.843750000e-01;
	v18 =	vmul.f32 $3.200000000e+01, v5;
	v22 =	vmul.f32 $3.200000000e+01, v19  }
0x8b: {  	v24 =	vmul.f32 $3.200000000e+01, v23;
	v0 =	vtrunc.f32 v0  }
0x8c: {  	v1 =	vtrunc.f32 v1;
	v0 =	vcvt.f32.s32 v0  }
0x8d: {  	v2 =	vtrunc.f32 v2;
	v1 =	vcvt.f32.s32 v1  }
0x8e: {  	v3 =	vtrunc.f32 v3;
	v2 =	vcvt.f32.s32 v2;
	[tilespmem:$0x3380] =	vst v0  }
0x8f: {  	v4 =	vtrunc.f32 v4;
	v3 =	vcvt.f32.s32 v3;
	[tilespmem:$0x3390] =	vst v1  }
0x90: {  	v25 =	vtrunc.f32 v22;
	v21 =	vcvt.f32.s32 v4;
	[tilespmem:$0x33A0] =	vst v2  }
0x91: {  	v26 =	vcvt.f32.s32 v25;
	v0 =	vtrunc.f32 v18;
	[tilespmem:$0x33B0] =	vst v3  }
0x92: {  	[tilespmem:$0x33C0] =	vst v21;
	v2 =	vtrunc.f32 v24;
	v0 =	vcvt.f32.s32 v0  }
0x93: {  	[tilespmem:$0x33E0] =	vst v26;
	v27 =	vcvt.f32.s32 v2  }
0x94: {  	[tilespmem:$0x33D0] =	vst v0  }
0x95: {  	s13 =	simm.s32 $0x3380;
	[tilespmem:$0x33F0] =	vst v27  }
0x96: {  	[tilespmem:s29], [sflag:$0x4] =	stream.indirect.gather [spmem:s3], $0x80, s13, s20, $0xb8;
	[tilespmem:$0x1E700] =	vst v63  }
0x97: {  	v28 =	vld [tilespmem:$0x200]  }
0x98: {  	v29 =	vld [tilespmem:$0x210]  }
0x99: {  	v30 =	vld [tilespmem:$0x220]  }
0x9a: {  	v31 =	vld [tilespmem:$0x230]  }
0x9b: {  	v32 =	vld [tilespmem:$0x240]  }
0x9c: {  	v33 =	vld [tilespmem:$0x250]  }
0x9d: {  	v34 =	vld [tilespmem:$0x260]  }
0x9e: {  	v35 =	vld [tilespmem:$0x270];
	_ =	sdelay $0x2  }
0x9f: {  	v0 =	vmax.f32 v28, $0.0e+00;
	v1 =	vmax.f32 v29, $0.0e+00  }
0xa0: {  	v2 =	vmax.f32 v30, $0.0e+00;
	v3 =	vmax.f32 v31, $0.0e+00;
	v4 =	vmax.f32 v32, $0.0e+00  }
0xa1: {  	v5 =	vmax.f32 v33, $0.0e+00;
	v6 =	vmax.f32 v34, $0.0e+00;
	v38 =	vmax.f32 v35, $0.0e+00  }
0xa2: {  	v0 =	vmin.f32 v0, $9.843750000e-01;
	v1 =	vmin.f32 v1, $9.843750000e-01;
	v2 =	vmin.f32 v2, $9.843750000e-01  }
0xa3: {  	v3 =	vmin.f32 v3, $9.843750000e-01;
	v4 =	vmin.f32 v4, $9.843750000e-01;
	v0 =	vmul.f32 $3.200000000e+01, v0  }
0xa4: {  	v5 =	vmin.f32 v5, $9.843750000e-01;
	v1 =	vmul.f32 $3.200000000e+01, v1;
	v2 =	vmul.f32 $3.200000000e+01, v2  }
0xa5: {  	v37 =	vmin.f32 v6, $9.843750000e-01;
	v3 =	vmul.f32 $3.200000000e+01, v3;
	v4 =	vmul.f32 $3.200000000e+01, v4  }
0xa6: {  	v41 =	vmin.f32 v38, $9.843750000e-01;
	v36 =	vmul.f32 $3.200000000e+01, v5;
	v40 =	vmul.f32 $3.200000000e+01, v37  }
0xa7: {  	v42 =	vmul.f32 $3.200000000e+01, v41;
	v0 =	vtrunc.f32 v0  }
0xa8: {  	v1 =	vtrunc.f32 v1;
	v0 =	vcvt.f32.s32 v0  }
0xa9: {  	v2 =	vtrunc.f32 v2;
	v1 =	vcvt.f32.s32 v1  }
0xaa: {  	v3 =	vtrunc.f32 v3;
	v2 =	vcvt.f32.s32 v2;
	[tilespmem:$0x3400] =	vst v0  }
0xab: {  	v4 =	vtrunc.f32 v4;
	v3 =	vcvt.f32.s32 v3;
	[tilespmem:$0x3410] =	vst v1  }
0xac: {  	v43 =	vtrunc.f32 v40;
	v39 =	vcvt.f32.s32 v4;
	[tilespmem:$0x3420] =	vst v2  }
0xad: {  	v44 =	vcvt.f32.s32 v43;
	v0 =	vtrunc.f32 v36;
	[tilespmem:$0x3430] =	vst v3  }
0xae: {  	[tilespmem:$0x3440] =	vst v39;
	v2 =	vtrunc.f32 v42;
	v0 =	vcvt.f32.s32 v0  }
0xaf: {  	[tilespmem:$0x3460] =	vst v44;
	v45 =	vcvt.f32.s32 v2  }
0xb0: {  	[tilespmem:$0x3450] =	vst v0  }
0xb1: {  	s14 =	simm.s32 $0x3400;
	[tilespmem:$0x3470] =	vst v45  }
0xb2: {  	[tilespmem:s31], [sflag:$0x5] =	stream.indirect.gather [spmem:s3], $0x80, s14, s20, $0xb8;
	[tilespmem:$0x1E700] =	vst v63  }
0xb3: {  	v46 =	vld [tilespmem:$0x280]  }
0xb4: {  	v47 =	vld [tilespmem:$0x290]  }
0xb5: {  	v48 =	vld [tilespmem:$0x2A0]  }
0xb6: {  	v49 =	vld [tilespmem:$0x2B0]  }
0xb7: {  	v50 =	vld [tilespmem:$0x2C0]  }
0xb8: {  	v51 =	vld [tilespmem:$0x2D0]  }
0xb9: {  	v52 =	vld [tilespmem:$0x2E0]  }
0xba: {  	v53 =	vld [tilespmem:$0x2F0];
	_ =	sdelay $0x2  }
0xbb: {  	v0 =	vmax.f32 v46, $0.0e+00;
	v1 =	vmax.f32 v47, $0.0e+00  }
0xbc: {  	v2 =	vmax.f32 v48, $0.0e+00;
	v3 =	vmax.f32 v49, $0.0e+00;
	v4 =	vmax.f32 v50, $0.0e+00  }
0xbd: {  	v5 =	vmax.f32 v51, $0.0e+00;
	v6 =	vmax.f32 v52, $0.0e+00;
	v56 =	vmax.f32 v53, $0.0e+00  }
0xbe: {  	v0 =	vmin.f32 v0, $9.843750000e-01;
	v1 =	vmin.f32 v1, $9.843750000e-01;
	v2 =	vmin.f32 v2, $9.843750000e-01  }
0xbf: {  	v3 =	vmin.f32 v3, $9.843750000e-01;
	v4 =	vmin.f32 v4, $9.843750000e-01;
	v0 =	vmul.f32 $3.200000000e+01, v0  }
0xc0: {  	v5 =	vmin.f32 v5, $9.843750000e-01;
	v1 =	vmul.f32 $3.200000000e+01, v1;
	v2 =	vmul.f32 $3.200000000e+01, v2  }
0xc1: {  	v55 =	vmin.f32 v6, $9.843750000e-01;
	v3 =	vmul.f32 $3.200000000e+01, v3;
	v4 =	vmul.f32 $3.200000000e+01, v4  }
0xc2: {  	v59 =	vmin.f32 v56, $9.843750000e-01;
	v54 =	vmul.f32 $3.200000000e+01, v5;
	v58 =	vmul.f32 $3.200000000e+01, v55  }
0xc3: {  	v60 =	vmul.f32 $3.200000000e+01, v59;
	v0 =	vtrunc.f32 v0  }
0xc4: {  	v1 =	vtrunc.f32 v1;
	v0 =	vcvt.f32.s32 v0  }
0xc5: {  	v2 =	vtrunc.f32 v2;
	v1 =	vcvt.f32.s32 v1  }
0xc6: {  	v3 =	vtrunc.f32 v3;
	v2 =	vcvt.f32.s32 v2;
	[tilespmem:$0x3480] =	vst v0  }
0xc7: {  	v4 =	vtrunc.f32 v4;
	v3 =	vcvt.f32.s32 v3;
	[tilespmem:$0x3490] =	vst v1  }
0xc8: {  	v61 =	vtrunc.f32 v58;
	v57 =	vcvt.f32.s32 v4;
	[tilespmem:$0x34A0] =	vst v2  }
0xc9: {  	v62 =	vcvt.f32.s32 v61;
	v0 =	vtrunc.f32 v54;
	[tilespmem:$0x34B0] =	vst v3  }
0xca: {  	[tilespmem:$0x34C0] =	vst v57;
	v2 =	vtrunc.f32 v60;
	v0 =	vcvt.f32.s32 v0  }
0xcb: {  	[tilespmem:$0x34E0] =	vst v62;
	v63 =	vcvt.f32.s32 v2  }
0xcc: {  	[tilespmem:$0x34D0] =	vst v0  }
0xcd: {  	s11 =	rddreg [dreg:$0x2];
	s16 =	simm.s32 $0x3480;
	s12 =	simm.s32 $0x0;
	[tilespmem:$0x34F0] =	vst v63  }
0xce: {  	[tilespmem:s0], [sflag:$0x6] =	stream.indirect.gather [spmem:s3], $0x80, s16, s20, $0xb8;
	[tilespmem:$0x1E700] =	vst v63  }
.LBB2_2:
0xcf: {  	s13 =	sshra.s32 s12, $0x2  }
0xd0: {  	v0 =	vld [tilespmem:s13+$0x300]  }
0xd1: {  	v1 =	vld [tilespmem:s13+$0x310]  }
0xd2: {  	v2 =	vld [tilespmem:s13+$0x320]  }
0xd3: {  	v3 =	vld [tilespmem:s13+$0x330]  }
0xd4: {  	v4 =	vld [tilespmem:s13+$0x340]  }
0xd5: {  	v5 =	vld [tilespmem:s13+$0x350]  }
0xd6: {  	v6 =	vld [tilespmem:s13+$0x360]  }
0xd7: {  	v7 =	vld [tilespmem:s13+$0x370]  }
0xd8: {  	v8 =	vld [tilespmem:s13+$0x380]  }
0xd9: {  	v9 =	vld [tilespmem:s13+$0x390]  }
0xda: {  	v10 =	vld [tilespmem:s13+$0x3A0]  }
0xdb: {  	v11 =	vld [tilespmem:s13+$0x3B0]  }
0xdc: {  	v12 =	vld [tilespmem:s13+$0x3C0]  }
0xdd: {  	v13 =	vld [tilespmem:s13+$0x3D0]  }
0xde: {  	v14 =	vld [tilespmem:s13+$0x3E0]  }
0xdf: {  	v15 =	vld [tilespmem:s13+$0x3F0]  }
0xe0: {  	v16 =	vld [tilespmem:s13+$0x400]  }
0xe1: {  	v17 =	vld [tilespmem:s13+$0x410]  }
0xe2: {  	v18 =	vld [tilespmem:s13+$0x420]  }
0xe3: {  	v19 =	vld [tilespmem:s13+$0x430]  }
0xe4: {  	v20 =	vld [tilespmem:s13+$0x440]  }
0xe5: {  	v21 =	vld [tilespmem:s13+$0x450];
	v0 =	vmax.f32 v0, $0.0e+00  }
0xe6: {  	v22 =	vld [tilespmem:s13+$0x460];
	v1 =	vmax.f32 v1, $0.0e+00;
	v2 =	vmax.f32 v2, $0.0e+00;
	v3 =	vmax.f32 v3, $0.0e+00  }
0xe7: {  	v23 =	vld [tilespmem:s13+$0x470];
	v4 =	vmax.f32 v4, $0.0e+00;
	v5 =	vmax.f32 v5, $0.0e+00;
	v6 =	vmax.f32 v6, $0.0e+00  }
0xe8: {  	v24 =	vld [tilespmem:s13+$0x480];
	v7 =	vmax.f32 v7, $0.0e+00;
	v8 =	vmax.f32 v8, $0.0e+00;
	v9 =	vmax.f32 v9, $0.0e+00  }
0xe9: {  	v10 =	vmax.f32 v10, $0.0e+00;
	v11 =	vmax.f32 v11, $0.0e+00;
	v12 =	vmax.f32 v12, $0.0e+00  }
0xea: {  	v13 =	vmax.f32 v13, $0.0e+00;
	v14 =	vmax.f32 v14, $0.0e+00;
	v15 =	vmax.f32 v15, $0.0e+00  }
0xeb: {  	v16 =	vmax.f32 v16, $0.0e+00;
	v17 =	vmax.f32 v17, $0.0e+00;
	v18 =	vmax.f32 v18, $0.0e+00  }
0xec: {  	v19 =	vmax.f32 v19, $0.0e+00;
	v20 =	vmax.f32 v20, $0.0e+00;
	v21 =	vmax.f32 v21, $0.0e+00  }
0xed: {  	v22 =	vmax.f32 v22, $0.0e+00;
	v23 =	vmax.f32 v23, $0.0e+00;
	v33 =	vmax.f32 v24, $0.0e+00  }
0xee: {  	v0 =	vmin.f32 v0, $9.843750000e-01;
	v1 =	vmin.f32 v1, $9.843750000e-01;
	v2 =	vmin.f32 v2, $9.843750000e-01  }
0xef: {  	v3 =	vmin.f32 v3, $9.843750000e-01;
	v4 =	vmin.f32 v4, $9.843750000e-01;
	v5 =	vmin.f32 v5, $9.843750000e-01  }
0xf0: {  	v6 =	vmin.f32 v6, $9.843750000e-01;
	v7 =	vmin.f32 v7, $9.843750000e-01;
	v8 =	vmin.f32 v8, $9.843750000e-01  }
0xf1: {  	v9 =	vmin.f32 v9, $9.843750000e-01;
	v10 =	vmin.f32 v10, $9.843750000e-01;
	v11 =	vmin.f32 v11, $9.843750000e-01  }
0xf2: {  	v12 =	vmin.f32 v12, $9.843750000e-01;
	v13 =	vmin.f32 v13, $9.843750000e-01;
	v0 =	vmul.f32 $3.200000000e+01, v0  }
0xf3: {  	v14 =	vmin.f32 v14, $9.843750000e-01;
	v1 =	vmul.f32 $3.200000000e+01, v1;
	v2 =	vmul.f32 $3.200000000e+01, v2  }
0xf4: {  	v15 =	vmin.f32 v15, $9.843750000e-01;
	v3 =	vmul.f32 $3.200000000e+01, v3;
	v4 =	vmul.f32 $3.200000000e+01, v4  }
0xf5: {  	v16 =	vmin.f32 v16, $9.843750000e-01;
	v5 =	vmul.f32 $3.200000000e+01, v5;
	v6 =	vmul.f32 $3.200000000e+01, v6  }
0xf6: {  	v17 =	vmin.f32 v17, $9.843750000e-01;
	v7 =	vmul.f32 $3.200000000e+01, v7;
	v8 =	vmul.f32 $3.200000000e+01, v8  }
0xf7: {  	v18 =	vmin.f32 v18, $9.843750000e-01;
	v9 =	vmul.f32 $3.200000000e+01, v9;
	v10 =	vmul.f32 $3.200000000e+01, v10  }
0xf8: {  	v19 =	vmin.f32 v19, $9.843750000e-01;
	v11 =	vmul.f32 $3.200000000e+01, v11;
	v12 =	vmul.f32 $3.200000000e+01, v12  }
0xf9: {  	v20 =	vmin.f32 v20, $9.843750000e-01;
	v13 =	vmul.f32 $3.200000000e+01, v13;
	v14 =	vmul.f32 $3.200000000e+01, v14  }
0xfa: {  	v21 =	vmin.f32 v21, $9.843750000e-01;
	v15 =	vmul.f32 $3.200000000e+01, v15;
	v16 =	vmul.f32 $3.200000000e+01, v16  }
0xfb: {  	v22 =	vmin.f32 v22, $9.843750000e-01;
	v17 =	vmul.f32 $3.200000000e+01, v17;
	v18 =	vmul.f32 $3.200000000e+01, v18  }
0xfc: {  	v23 =	vmin.f32 v23, $9.843750000e-01;
	v19 =	vmul.f32 $3.200000000e+01, v19;
	v20 =	vmul.f32 $3.200000000e+01, v20  }
0xfd: {  	v36 =	vmin.f32 v33, $9.843750000e-01;
	v21 =	vmul.f32 $3.200000000e+01, v21;
	v22 =	vmul.f32 $3.200000000e+01, v22  }
0xfe: {  	v32 =	vmul.f32 $3.200000000e+01, v23;
	v38 =	vmul.f32 $3.200000000e+01, v36  }
0xff: {  	v0 =	vtrunc.f32 v0;
	v1 =	vtrunc.f32 v1  }
0x100: {  	v2 =	vtrunc.f32 v2;
	v3 =	vtrunc.f32 v3  }
0x101: {  	v4 =	vtrunc.f32 v4;
	v5 =	vtrunc.f32 v5  }
0x102: {  	v6 =	vtrunc.f32 v6;
	v7 =	vtrunc.f32 v7  }
0x103: {  	v8 =	vtrunc.f32 v8;
	v9 =	vtrunc.f32 v9  }
0x104: {  	v10 =	vtrunc.f32 v10;
	v11 =	vtrunc.f32 v11  }
0x105: {  	v25 =	vld [tilespmem:s13+$0x490];
	v12 =	vtrunc.f32 v12;
	v13 =	vtrunc.f32 v13  }
0x106: {  	v26 =	vld [tilespmem:s13+$0x4A0];
	v14 =	vtrunc.f32 v14;
	v15 =	vtrunc.f32 v15  }
0x107: {  	v34 =	vld [tilespmem:s13+$0x4B0];
	v16 =	vtrunc.f32 v16;
	v17 =	vtrunc.f32 v17  }
0x108: {  	v39 =	vld [tilespmem:s13+$0x4C0];
	v18 =	vtrunc.f32 v18;
	v19 =	vtrunc.f32 v19  }
0x109: {  	v45 =	vld [tilespmem:s13+$0x4D0];
	v20 =	vtrunc.f32 v20;
	v31 =	vtrunc.f32 v21  }
0x10a: {  	v47 =	vld [tilespmem:s13+$0x4E0];
	v40 =	vmax.f32 v25, $0.0e+00;
	v35 =	vtrunc.f32 v22;
	v37 =	vtrunc.f32 v32  }
0x10b: {  	v49 =	vld [tilespmem:s13+$0x4F0];
	v42 =	vmax.f32 v26, $0.0e+00;
	v41 =	vtrunc.f32 v38;
	v0 =	vcvt.f32.s32 v0  }
0x10c: {  	v57 =	vld [tilespmem:s13+$0x540];
	v44 =	vmax.f32 v34, $0.0e+00;
	v1 =	vcvt.f32.s32 v1;
	v2 =	vcvt.f32.s32 v2  }
0x10d: {  	v28 =	vld [tilespmem:s13+$0x590];
	v48 =	vmax.f32 v39, $0.0e+00;
	v3 =	vcvt.f32.s32 v3;
	v4 =	vcvt.f32.s32 v4;
	[tilespmem:s13+$0x3500] =	vst v0  }
0x10e: {  	v51 =	vmax.f32 v45, $0.0e+00;
	v5 =	vcvt.f32.s32 v5;
	v6 =	vcvt.f32.s32 v6;
	[tilespmem:s13+$0x3510] =	vst v1  }
0x10f: {  	v30 =	vld [tilespmem:s13+$0x5A0];
	v52 =	vmax.f32 v47, $0.0e+00;
	v7 =	vcvt.f32.s32 v7;
	v8 =	vcvt.f32.s32 v8;
	[tilespmem:s13+$0x3520] =	vst v2  }
0x110: {  	v53 =	vmax.f32 v49, $0.0e+00;
	v9 =	vcvt.f32.s32 v9;
	v10 =	vcvt.f32.s32 v10;
	[tilespmem:s13+$0x3530] =	vst v3  }
0x111: {  	v62 =	vmax.f32 v57, $0.0e+00;
	v11 =	vcvt.f32.s32 v11;
	v12 =	vcvt.f32.s32 v12;
	[tilespmem:s13+$0x3540] =	vst v4  }
0x112: {  	v58 =	vld [tilespmem:s13+$0x550];
	v34 =	vmax.f32 v28, $0.0e+00;
	v13 =	vcvt.f32.s32 v13;
	v14 =	vcvt.f32.s32 v14;
	[tilespmem:s13+$0x3550] =	vst v5  }
0x113: {  	v50 =	vld [tilespmem:s13+$0x500];
	v43 =	vmin.f32 v42, $9.843750000e-01;
	v15 =	vcvt.f32.s32 v15;
	v16 =	vcvt.f32.s32 v16;
	[tilespmem:s13+$0x3560] =	vst v6  }
0x114: {  	v54 =	vld [tilespmem:s13+$0x510];
	v36 =	vmax.f32 v30, $0.0e+00;
	v17 =	vcvt.f32.s32 v17;
	v18 =	vcvt.f32.s32 v18;
	[tilespmem:s13+$0x3570] =	vst v7  }
0x115: {  	v55 =	vld [tilespmem:s13+$0x520];
	v38 =	vmin.f32 v36, $9.843750000e-01;
	v19 =	vcvt.f32.s32 v19;
	v20 =	vcvt.f32.s32 v20;
	[tilespmem:s13+$0x3580] =	vst v8  }
0x116: {  	v56 =	vld [tilespmem:s13+$0x530];
	v46 =	vmin.f32 v44, $9.843750000e-01;
	v42 =	vmul.f32 $3.200000000e+01, v38;
	v0 =	vcvt.f32.s32 v31;
	[tilespmem:s13+$0x3590] =	vst v9  }
0x117: {  	v33 =	vld [tilespmem:s13+$0x5C0];
	v23 =	vmax.f32 v58, $0.0e+00;
	v1 =	vcvt.f32.s32 v35;
	v2 =	vcvt.f32.s32 v37;
	[tilespmem:s13+$0x35A0] =	vst v10  }
0x118: {  	v44 =	vld [tilespmem:s13+$0x5E0];
	v3 =	vmin.f32 v40, $9.843750000e-01;
	v4 =	vcvt.f32.s32 v41;
	v5 =	vmul.f32 $3.200000000e+01, v43;
	[tilespmem:s13+$0x35B0] =	vst v11  }
0x119: {  	v47 =	vld [tilespmem:s13+$0x5F0];
	v6 =	vmul.f32 $3.200000000e+01, v46;
	v7 =	vmin.f32 v48, $9.843750000e-01;
	v9 =	vmin.f32 v51, $9.843750000e-01;
	[tilespmem:s13+$0x35C0] =	vst v12  }
0x11a: {  	v10 =	vmin.f32 v52, $9.843750000e-01;
	[tilespmem:s13+$0x35D0] =	vst v13;
	v11 =	vmin.f32 v53, $9.843750000e-01;
	v8 =	vmax.f32 v50, $0.0e+00  }
0x11b: {  	[tilespmem:s13+$0x35E0] =	vst v14;
	v12 =	vmax.f32 v54, $0.0e+00;
	v13 =	vmax.f32 v55, $0.0e+00;
	v14 =	vmax.f32 v56, $0.0e+00  }
0x11c: {  	[tilespmem:s13+$0x3630] =	vst v19;
	v19 =	vmin.f32 v62, $9.843750000e-01;
	v35 =	vmin.f32 v34, $9.843750000e-01;
	v46 =	vmax.f32 v33, $0.0e+00  }
0x11d: {  	v48 =	vtrunc.f32 v42;
	v52 =	vmax.f32 v44, $0.0e+00;
	v3 =	vmul.f32 $3.200000000e+01, v3  }
0x11e: {  	v55 =	vmax.f32 v47, $0.0e+00;
	v7 =	vmul.f32 $3.200000000e+01, v7;
	v9 =	vmul.f32 $3.200000000e+01, v9  }
0x11f: {  	v10 =	vmul.f32 $3.200000000e+01, v10;
	v11 =	vmul.f32 $3.200000000e+01, v11;
	v8 =	vmin.f32 v8, $9.843750000e-01  }
0x120: {  	v59 =	vld [tilespmem:s13+$0x560];
	v12 =	vmin.f32 v12, $9.843750000e-01;
	v13 =	vmin.f32 v13, $9.843750000e-01;
	v21 =	vmul.f32 $3.200000000e+01, v19  }
0x121: {  	[tilespmem:s13+$0x35F0] =	vst v15;
	v14 =	vmin.f32 v14, $9.843750000e-01;
	v37 =	vmul.f32 $3.200000000e+01, v35;
	v5 =	vtrunc.f32 v5  }
0x122: {  	[tilespmem:s13+$0x3600] =	vst v16;
	v49 =	vmin.f32 v46, $9.843750000e-01;
	v6 =	vtrunc.f32 v6;
	v8 =	vmul.f32 $3.200000000e+01, v8  }
0x123: {  	[tilespmem:s13+$0x3610] =	vst v17;
	v54 =	vmin.f32 v52, $9.843750000e-01;
	v12 =	vmul.f32 $3.200000000e+01, v12;
	v13 =	vmul.f32 $3.200000000e+01, v13  }
0x124: {  	[tilespmem:s13+$0x3620] =	vst v18;
	v58 =	vmin.f32 v55, $9.843750000e-01;
	v61 =	vmul.f32 $3.200000000e+01, v14;
	v50 =	vmul.f32 $3.200000000e+01, v49  }
0x125: {  	v25 =	vmax.f32 v59, $0.0e+00;
	[tilespmem:s13+$0x3640] =	vst v20;
	v57 =	vmul.f32 $3.200000000e+01, v54;
	v59 =	vmul.f32 $3.200000000e+01, v58  }
0x126: {  	[tilespmem:s13+$0x3650] =	vst v0;
	v3 =	vtrunc.f32 v3;
	v5 =	vcvt.f32.s32 v5  }
0x127: {  	[tilespmem:s13+$0x3660] =	vst v1;
	v6 =	vcvt.f32.s32 v6;
	v7 =	vtrunc.f32 v7  }
0x128: {  	v32 =	vld [tilespmem:s13+$0x5B0];
	[tilespmem:s13+$0x3670] =	vst v2;
	v9 =	vtrunc.f32 v9;
	v10 =	vtrunc.f32 v10  }
0x129: {  	[tilespmem:s13+$0x3680] =	vst v4;
	v4 =	vmin.f32 v23, $9.843750000e-01;
	v11 =	vtrunc.f32 v11;
	v24 =	vtrunc.f32 v21  }
0x12a: {  	v4 =	vmul.f32 $3.200000000e+01, v4;
	v3 =	vcvt.f32.s32 v3;
	[tilespmem:s13+$0x36A0] =	vst v5  }
0x12b: {  	v63 =	vld [tilespmem:s13+$0x570];
	v7 =	vcvt.f32.s32 v7;
	v9 =	vcvt.f32.s32 v9;
	[tilespmem:s13+$0x36B0] =	vst v6  }
0x12c: {  	v10 =	vcvt.f32.s32 v10;
	v11 =	vcvt.f32.s32 v11;
	[tilespmem:s13+$0x3690] =	vst v3  }
0x12d: {  	v39 =	vmax.f32 v32, $0.0e+00;
	v8 =	vtrunc.f32 v8;
	v60 =	vtrunc.f32 v12;
	[tilespmem:s13+$0x36C0] =	vst v7  }
0x12e: {  	v43 =	vmin.f32 v39, $9.843750000e-01;
	v18 =	vtrunc.f32 v13;
	v20 =	vtrunc.f32 v61;
	[tilespmem:s13+$0x36D0] =	vst v9  }
0x12f: {  	v45 =	vmul.f32 $3.200000000e+01, v43;
	v8 =	vcvt.f32.s32 v8;
	[tilespmem:s13+$0x36E0] =	vst v10  }
0x130: {  	v27 =	vmax.f32 v63, $0.0e+00;
	v22 =	vld [tilespmem:s13+$0x580];
	v62 =	vtrunc.f32 v59;
	v0 =	vcvt.f32.s32 v60;
	[tilespmem:s13+$0x36F0] =	vst v11  }
0x131: {  	v26 =	vmin.f32 v25, $9.843750000e-01;
	v1 =	vcvt.f32.s32 v18;
	v2 =	vcvt.f32.s32 v20;
	[tilespmem:s13+$0x3700] =	vst v8  }
0x132: {  	v29 =	vmin.f32 v27, $9.843750000e-01;
	v5 =	vmul.f32 $3.200000000e+01, v26;
	v4 =	vtrunc.f32 v4;
	[tilespmem:s13+$0x3710] =	vst v0  }
0x133: {  	v6 =	vmul.f32 $3.200000000e+01, v29;
	v63 =	vcvt.f32.s32 v62;
	[tilespmem:s13+$0x3720] =	vst v1  }
0x134: {  	v40 =	vld [tilespmem:s13+$0x5D0];
	v60 =	vtrunc.f32 v57;
	v3 =	vcvt.f32.s32 v24;
	[tilespmem:s13+$0x3730] =	vst v2  }
0x135: {  	v31 =	vmax.f32 v22, $0.0e+00;
	v4 =	vcvt.f32.s32 v4;
	v61 =	vcvt.f32.s32 v60;
	[tilespmem:s13+$0x37F0] =	vst v63  }
0x136: {  	v7 =	vmin.f32 v31, $9.843750000e-01;
	v5 =	vtrunc.f32 v5;
	v6 =	vtrunc.f32 v6;
	[tilespmem:s13+$0x3740] =	vst v3  }
0x137: {  	v7 =	vmul.f32 $3.200000000e+01, v7;
	v5 =	vcvt.f32.s32 v5;
	[tilespmem:s13+$0x3750] =	vst v4  }
0x138: {  	v0 =	vtrunc.f32 v37;
	v6 =	vcvt.f32.s32 v6;
	[tilespmem:s13+$0x37E0] =	vst v61  }
0x139: {  	v51 =	vmax.f32 v40, $0.0e+00;
	v2 =	vtrunc.f32 v45;
	v0 =	vcvt.f32.s32 v0;
	[tilespmem:s13+$0x3760] =	vst v5  }
0x13a: {  	v3 =	vcvt.f32.s32 v48;
	v2 =	vcvt.f32.s32 v2;
	[tilespmem:s13+$0x3770] =	vst v6;
	v5 =	vmin.f32 v51, $9.843750000e-01  }
0x13b: {  	v4 =	vtrunc.f32 v50;
	[tilespmem:s13+$0x3790] =	vst v0;
	v53 =	vmul.f32 $3.200000000e+01, v5  }
0x13c: {  	v7 =	vtrunc.f32 v7;
	v56 =	vcvt.f32.s32 v4;
	[tilespmem:s13+$0x37A0] =	vst v3  }
0x13d: {  	v41 =	vcvt.f32.s32 v7;
	[tilespmem:s13+$0x37B0] =	vst v2;
	v1 =	vtrunc.f32 v53  }
0x13e: {  	[tilespmem:s13+$0x37C0] =	vst v56;
	v1 =	vcvt.f32.s32 v1  }
0x13f: {  	[tilespmem:s13+$0x3780] =	vst v41  }
0x140: {  	[tilespmem:s13+$0x37D0] =	vst v1  }
0x141: {  	_ =	swait.ge [sflag:s1], $0x4000  }
0x142: {  	s14 =	rddreg [dreg:$0x5];
	[sflag:s1] =	ssyncset.done $0x0  }
0x143: {  	[sflag:s1] =	ssyncadd.s32 $0xFFFFC000;
	s14 =	sadd.s32 s11, s14  }
0x144: {  	[hbm4b:s14+s4] =	stream.linear.scatter [tilespmem:s22], [sflag:$0x7], $0x4000, $0x38;
	[tilespmem:$0x1E700] =	vst v63  }
0x145: {  	_ =	swait.ge [sflag:s21], $0x4000  }
0x146: {  	s14 =	sadd.s32 s11, s15;
	[sflag:s21] =	ssyncset.done $0x0  }
0x147: {  	s16 =	sadd.s32 $0x800, s14;
	[sflag:s21] =	ssyncadd.s32 $0xFFFFC000  }
0x148: {  	[hbm4b:s16+s4] =	stream.linear.scatter [tilespmem:s24], [sflag:$0x8], $0x4000, $0x38;
	[tilespmem:$0x1E700] =	vst v63  }
0x149: {  	_ =	swait.ge [sflag:s23], $0x4000  }
0x14a: {  	s16 =	rddreg [dreg:$0x6];
	[sflag:s23] =	ssyncset.done $0x0  }
0x14b: {  	[sflag:s23] =	ssyncadd.s32 $0xFFFFC000;
	s16 =	sadd.s32 s11, s16  }
0x14c: {  	[hbm4b:s16+s4] =	stream.linear.scatter [tilespmem:s26], [sflag:$0x9], $0x4000, $0x38;
	[tilespmem:$0x1E700] =	vst v63  }
0x14d: {  	_ =	swait.ge [sflag:s25], $0x4000  }
0x14e: {  	[sflag:s25] =	ssyncset.done $0x0  }
0x14f: {  	s14 =	sadd.s32 $0x1800, s14;
	[sflag:s25] =	ssyncadd.s32 $0xFFFFC000  }
0x150: {  	[hbm4b:s14+s4] =	stream.linear.scatter [tilespmem:s29], [sflag:$0xA], $0x4000, $0x38;
	[tilespmem:$0x1E700] =	vst v63  }
0x151: {  	_ =	swait.ge [sflag:s28], $0x4000  }
0x152: {  	s16 =	rddreg [dreg:$0x7];
	[sflag:s28] =	ssyncset.done $0x0  }
0x153: {  	[sflag:s28] =	ssyncadd.s32 $0xFFFFC000;
	s14 =	sadd.s32 s11, s16  }
0x154: {  	[hbm4b:s14+s4] =	stream.linear.scatter [tilespmem:s31], [sflag:$0xB], $0x4000, $0x38;
	[tilespmem:$0x1E700] =	vst v63  }
0x155: {  	_ =	swait.ge [sflag:s30], $0x4000  }
0x156: {  	s16 =	rddreg [dreg:$0x8];
	[sflag:s30] =	ssyncset.done $0x0  }
0x157: {  	[sflag:s30] =	ssyncadd.s32 $0xFFFFC000;
	s14 =	sadd.s32 s11, s16  }
0x158: {  	[hbm4b:s14+s4] =	stream.linear.scatter [tilespmem:s0], [sflag:$0xC], $0x4000, $0x38;
	[tilespmem:$0x1E700] =	vst v63  }
0x159: {  	_ =	swait.ge [sflag:s2], $0x4000  }
0x15a: {  	[sflag:s2] =	ssyncset.done $0x0  }
0x15b: {  	s16 =	sadd.s32 $0x3500, s13;
	[sflag:s2] =	ssyncadd.s32 $0xFFFFC000  }
0x15c: {  	[tilespmem:s22], [sflag:$0x1] =	stream.indirect.gather [spmem:s3], $0x80, s16, s20, $0xb8;
	[tilespmem:$0x1E700] =	vst v63  }
0x15d: {  	_ =	swait.ge [sflag:s5], $0x4000  }
0x15e: {  	[sflag:s5] =	ssyncset.done $0x0  }
0x15f: {  	s16 =	sadd.s32 $0x3580, s13;
	[sflag:s5] =	ssyncadd.s32 $0xFFFFC000  }
0x160: {  	[tilespmem:s24], [sflag:$0x2] =	stream.indirect.gather [spmem:s3], $0x80, s16, s20, $0xb8;
	[tilespmem:$0x1E700] =	vst v63  }
0x161: {  	_ =	swait.ge [sflag:s6], $0x4000  }
0x162: {  	[sflag:s6] =	ssyncset.done $0x0  }
0x163: {  	s16 =	sadd.s32 $0x3600, s13;
	[sflag:s6] =	ssyncadd.s32 $0xFFFFC000  }
0x164: {  	[tilespmem:s26], [sflag:$0x3] =	stream.indirect.gather [spmem:s3], $0x80, s16, s20, $0xb8;
	[tilespmem:$0x1E700] =	vst v63  }
0x165: {  	_ =	swait.ge [sflag:s7], $0x4000  }
0x166: {  	[sflag:s7] =	ssyncset.done $0x0  }
0x167: {  	s16 =	sadd.s32 $0x3680, s13;
	[sflag:s7] =	ssyncadd.s32 $0xFFFFC000  }
0x168: {  	[tilespmem:s29], [sflag:$0x4] =	stream.indirect.gather [spmem:s3], $0x80, s16, s20, $0xb8;
	[tilespmem:$0x1E700] =	vst v63  }
0x169: {  	_ =	swait.ge [sflag:s8], $0x4000  }
0x16a: {  	[sflag:s8] =	ssyncset.done $0x0  }
0x16b: {  	p1 =	sne.s32 s12, $0xA800;
	s16 =	sadd.s32 $0x3700, s13;
	[sflag:s8] =	ssyncadd.s32 $0xFFFFC000  }
0x16c: {  	[tilespmem:s31], [sflag:$0x5] =	stream.indirect.gather [spmem:s3], $0x80, s16, s20, $0xb8;
	[tilespmem:$0x1E700] =	vst v63  }
.Ltmp0:
0x16d: {  	_ = 	snop;
	(pc) =	sbr.rel @p1 .LBB2_2-.Ltmp0, $4  }
0x16e: {  	_ =	swait.ge [sflag:s9], $0x4000  }
0x16f: {  	s12 =	sadd.s32 $0xC00, s12;
	[sflag:s9] =	ssyncset.done $0x0  }
0x170: {  	s11 =	sadd.s32 $0x3000, s11;
	s13 =	sadd.s32 $0x3780, s13;
	[sflag:s9] =	ssyncadd.s32 $0xFFFFC000  }
0x171: {  	[tilespmem:s0], [sflag:$0x6] =	stream.indirect.gather [spmem:s3], $0x80, s13, s20, $0xb8;
	[tilespmem:$0x1E700] =	vst v63  }
0x172: {  	v0 =	vld [tilespmem:$0x3000]  }
0x173: {  	v1 =	vld [tilespmem:$0x3010]  }
0x174: {  	v2 =	vld [tilespmem:$0x3020]  }
0x175: {  	v3 =	vld [tilespmem:$0x3030]  }
0x176: {  	v4 =	vld [tilespmem:$0x3040]  }
0x177: {  	v5 =	vld [tilespmem:$0x3050]  }
0x178: {  	v6 =	vld [tilespmem:$0x3060]  }
0x179: {  	v7 =	vld [tilespmem:$0x3070]  }
0x17a: {  	v8 =	vld [tilespmem:$0x3080]  }
0x17b: {  	v9 =	vld [tilespmem:$0x3090]  }
0x17c: {  	v10 =	vld [tilespmem:$0x30A0]  }
0x17d: {  	v11 =	vld [tilespmem:$0x30B0]  }
0x17e: {  	v12 =	vld [tilespmem:$0x30C0]  }
0x17f: {  	v13 =	vld [tilespmem:$0x30D0]  }
0x180: {  	v14 =	vld [tilespmem:$0x30E0]  }
0x181: {  	v15 =	vld [tilespmem:$0x30F0]  }
0x182: {  	v16 =	vld [tilespmem:$0x3100]  }
0x183: {  	v18 =	vld [tilespmem:$0x3120]  }
0x184: {  	v19 =	vld [tilespmem:$0x3130]  }
0x185: {  	v29 =	vld [tilespmem:$0x3190];
	v0 =	vmax.f32 v0, $0.0e+00;
	v1 =	vmax.f32 v1, $0.0e+00  }
0x186: {  	v30 =	vld [tilespmem:$0x31A0];
	v2 =	vmax.f32 v2, $0.0e+00;
	v3 =	vmax.f32 v3, $0.0e+00;
	v4 =	vmax.f32 v4, $0.0e+00  }
0x187: {  	v31 =	vld [tilespmem:$0x31B0];
	v5 =	vmax.f32 v5, $0.0e+00;
	v6 =	vmax.f32 v6, $0.0e+00;
	v7 =	vmax.f32 v7, $0.0e+00  }
0x188: {  	v8 =	vmax.f32 v8, $0.0e+00;
	v9 =	vmax.f32 v9, $0.0e+00;
	v10 =	vmax.f32 v10, $0.0e+00  }
0x189: {  	v11 =	vmax.f32 v11, $0.0e+00;
	v12 =	vmax.f32 v12, $0.0e+00;
	v13 =	vmax.f32 v13, $0.0e+00  }
0x18a: {  	v14 =	vmax.f32 v14, $0.0e+00;
	v15 =	vmax.f32 v15, $0.0e+00;
	v16 =	vmax.f32 v16, $0.0e+00  }
0x18b: {  	v58 =	vmax.f32 v18, $0.0e+00;
	v61 =	vmax.f32 v19, $0.0e+00;
	v35 =	vmax.f32 v29, $0.0e+00  }
0x18c: {  	v38 =	vmax.f32 v30, $0.0e+00;
	v41 =	vmax.f32 v31, $0.0e+00;
	v0 =	vmin.f32 v0, $9.843750000e-01  }
0x18d: {  	v1 =	vmin.f32 v1, $9.843750000e-01;
	v2 =	vmin.f32 v2, $9.843750000e-01;
	v3 =	vmin.f32 v3, $9.843750000e-01  }
0x18e: {  	v4 =	vmin.f32 v4, $9.843750000e-01;
	v5 =	vmin.f32 v5, $9.843750000e-01;
	v6 =	vmin.f32 v6, $9.843750000e-01  }
0x18f: {  	v7 =	vmin.f32 v7, $9.843750000e-01;
	v8 =	vmin.f32 v8, $9.843750000e-01;
	v9 =	vmin.f32 v9, $9.843750000e-01  }
0x190: {  	v10 =	vmin.f32 v10, $9.843750000e-01;
	v11 =	vmin.f32 v11, $9.843750000e-01;
	v0 =	vmul.f32 $3.200000000e+01, v0  }
0x191: {  	v12 =	vmin.f32 v12, $9.843750000e-01;
	v1 =	vmul.f32 $3.200000000e+01, v1;
	v2 =	vmul.f32 $3.200000000e+01, v2  }
0x192: {  	v13 =	vmin.f32 v13, $9.843750000e-01;
	v3 =	vmul.f32 $3.200000000e+01, v3;
	v4 =	vmul.f32 $3.200000000e+01, v4  }
0x193: {  	v14 =	vmin.f32 v14, $9.843750000e-01;
	v5 =	vmul.f32 $3.200000000e+01, v5;
	v6 =	vmul.f32 $3.200000000e+01, v6  }
0x194: {  	v15 =	vmin.f32 v15, $9.843750000e-01;
	v7 =	vmul.f32 $3.200000000e+01, v7;
	v8 =	vmul.f32 $3.200000000e+01, v8  }
0x195: {  	v16 =	vmin.f32 v16, $9.843750000e-01;
	v9 =	vmul.f32 $3.200000000e+01, v9;
	v10 =	vmul.f32 $3.200000000e+01, v10  }
0x196: {  	v60 =	vmin.f32 v58, $9.843750000e-01;
	v11 =	vmul.f32 $3.200000000e+01, v11;
	v12 =	vmul.f32 $3.200000000e+01, v12  }
0x197: {  	v19 =	vmin.f32 v61, $9.843750000e-01;
	v13 =	vmul.f32 $3.200000000e+01, v13;
	v14 =	vmul.f32 $3.200000000e+01, v14  }
0x198: {  	v37 =	vmin.f32 v35, $9.843750000e-01;
	v15 =	vmul.f32 $3.200000000e+01, v15;
	v53 =	vmul.f32 $3.200000000e+01, v16  }
0x199: {  	v40 =	vmin.f32 v38, $9.843750000e-01;
	v63 =	vmul.f32 $3.200000000e+01, v60;
	v21 =	vmul.f32 $3.200000000e+01, v19  }
0x19a: {  	v44 =	vmin.f32 v41, $9.843750000e-01;
	v39 =	vmul.f32 $3.200000000e+01, v37;
	v43 =	vmul.f32 $3.200000000e+01, v40  }
0x19b: {  	v46 =	vmul.f32 $3.200000000e+01, v44;
	v0 =	vtrunc.f32 v0  }
0x19c: {  	v1 =	vtrunc.f32 v1;
	v2 =	vtrunc.f32 v2  }
0x19d: {  	v3 =	vtrunc.f32 v3;
	v4 =	vtrunc.f32 v4  }
0x19e: {  	v5 =	vtrunc.f32 v5;
	v6 =	vtrunc.f32 v6  }
0x19f: {  	v7 =	vtrunc.f32 v7;
	v8 =	vtrunc.f32 v8  }
0x1a0: {  	v9 =	vtrunc.f32 v9;
	v10 =	vtrunc.f32 v10  }
0x1a1: {  	v17 =	vld [tilespmem:$0x3110];
	v11 =	vtrunc.f32 v11;
	v12 =	vtrunc.f32 v12  }
0x1a2: {  	v54 =	vld [tilespmem:$0x3140];
	v13 =	vtrunc.f32 v13;
	v0 =	vcvt.f32.s32 v0  }
0x1a3: {  	v62 =	vld [tilespmem:$0x3150];
	v14 =	vtrunc.f32 v14;
	v1 =	vcvt.f32.s32 v1  }
0x1a4: {  	v45 =	vld [tilespmem:$0x31E0];
	v52 =	vtrunc.f32 v15;
	v2 =	vcvt.f32.s32 v2;
	[tilespmem:$0x6200] =	vst v0  }
0x1a5: {  	v57 =	vtrunc.f32 v53;
	v3 =	vcvt.f32.s32 v3;
	[tilespmem:$0x6210] =	vst v1  }
0x1a6: {  	v56 =	vmax.f32 v17, $0.0e+00;
	v4 =	vcvt.f32.s32 v4;
	v5 =	vcvt.f32.s32 v5;
	[tilespmem:$0x6220] =	vst v2  }
0x1a7: {  	v20 =	vld [tilespmem:$0x3160];
	v22 =	vmax.f32 v54, $0.0e+00;
	v6 =	vcvt.f32.s32 v6;
	v7 =	vcvt.f32.s32 v7;
	[tilespmem:$0x6230] =	vst v3  }
0x1a8: {  	v26 =	vmax.f32 v62, $0.0e+00;
	v8 =	vcvt.f32.s32 v8;
	v9 =	vcvt.f32.s32 v9;
	[tilespmem:$0x6240] =	vst v4  }
0x1a9: {  	v23 =	vld [tilespmem:$0x3170];
	v54 =	vmax.f32 v45, $0.0e+00;
	v10 =	vcvt.f32.s32 v10;
	v11 =	vcvt.f32.s32 v11;
	[tilespmem:$0x6250] =	vst v5  }
0x1aa: {  	v12 =	vcvt.f32.s32 v12;
	v55 =	vcvt.f32.s32 v14;
	v14 =	vmin.f32 v56, $9.843750000e-01;
	[tilespmem:$0x6260] =	vst v6  }
0x1ab: {  	v25 =	vld [tilespmem:$0x3180];
	v13 =	vcvt.f32.s32 v13;
	v56 =	vmin.f32 v54, $9.843750000e-01;
	v59 =	vmul.f32 $3.200000000e+01, v14;
	[tilespmem:$0x6270] =	vst v7  }
0x1ac: {  	v48 =	vld [tilespmem:$0x31F0];
	v27 =	vmax.f32 v20, $0.0e+00;
	v58 =	vmul.f32 $3.200000000e+01, v56;
	v0 =	vcvt.f32.s32 v52;
	[tilespmem:$0x6280] =	vst v8  }
0x1ad: {  	v24 =	vmin.f32 v22, $9.843750000e-01;
	v2 =	vcvt.f32.s32 v57;
	v4 =	vtrunc.f32 v63;
	[tilespmem:$0x6290] =	vst v9  }
0x1ae: {  	v28 =	vmax.f32 v23, $0.0e+00;
	v5 =	vtrunc.f32 v21;
	v6 =	vmul.f32 $3.200000000e+01, v24;
	[tilespmem:$0x62A0] =	vst v10  }
0x1af: {  	v8 =	vmin.f32 v26, $9.843750000e-01;
	v9 =	vmin.f32 v27, $9.843750000e-01;
	[tilespmem:$0x62B0] =	vst v11;
	v10 =	vmin.f32 v28, $9.843750000e-01  }
0x1b0: {  	[tilespmem:$0x62C0] =	vst v12;
	v7 =	vmax.f32 v25, $0.0e+00;
	v3 =	vtrunc.f32 v59;
	v4 =	vcvt.f32.s32 v4  }
0x1b1: {  	[tilespmem:$0x62D0] =	vst v13;
	v57 =	vmax.f32 v48, $0.0e+00;
	v5 =	vcvt.f32.s32 v5;
	v8 =	vmul.f32 $3.200000000e+01, v8  }
0x1b2: {  	[tilespmem:$0x62E0] =	vst v55;
	v9 =	vmul.f32 $3.200000000e+01, v9;
	v10 =	vmul.f32 $3.200000000e+01, v10;
	v7 =	vmin.f32 v7, $9.843750000e-01  }
0x1b3: {  	v33 =	vld [tilespmem:$0x31C0];
	v59 =	vmin.f32 v57, $9.843750000e-01;
	v3 =	vcvt.f32.s32 v3;
	v6 =	vtrunc.f32 v6;
	[tilespmem:$0x62F0] =	vst v0  }
0x1b4: {  	v7 =	vmul.f32 $3.200000000e+01, v7;
	[tilespmem:$0x6300] =	vst v2;
	v61 =	vmul.f32 $3.200000000e+01, v59  }
0x1b5: {  	v42 =	vld [tilespmem:$0x31D0];
	v6 =	vcvt.f32.s32 v6;
	v8 =	vtrunc.f32 v8;
	[tilespmem:$0x6320] =	vst v4  }
0x1b6: {  	v9 =	vtrunc.f32 v9;
	v32 =	vtrunc.f32 v10;
	[tilespmem:$0x6330] =	vst v5  }
0x1b7: {  	v4 =	vtrunc.f32 v43;
	v8 =	vcvt.f32.s32 v8;
	[tilespmem:$0x6310] =	vst v3  }
0x1b8: {  	v47 =	vmax.f32 v33, $0.0e+00;
	v5 =	vtrunc.f32 v46;
	v34 =	vcvt.f32.s32 v9;
	[tilespmem:$0x6340] =	vst v6  }
0x1b9: {  	v49 =	vmin.f32 v47, $9.843750000e-01;
	v1 =	vcvt.f32.s32 v32;
	v36 =	vtrunc.f32 v7;
	[tilespmem:$0x6350] =	vst v8  }
0x1ba: {  	v52 =	vmax.f32 v42, $0.0e+00;
	v3 =	vtrunc.f32 v39;
	v50 =	vcvt.f32.s32 v4;
	[tilespmem:$0x6360] =	vst v34  }
0x1bb: {  	v51 =	vcvt.f32.s32 v5;
	v5 =	vmin.f32 v52, $9.843750000e-01;
	v6 =	vmul.f32 $3.200000000e+01, v49;
	[tilespmem:$0x6370] =	vst v1  }
0x1bc: {  	v2 =	vcvt.f32.s32 v36;
	v55 =	vmul.f32 $3.200000000e+01, v5;
	[tilespmem:$0x63A0] =	vst v50  }
0x1bd: {  	v3 =	vcvt.f32.s32 v3;
	[tilespmem:$0x63B0] =	vst v51;
	v53 =	vtrunc.f32 v6  }
0x1be: {  	[tilespmem:$0x6380] =	vst v2;
	v60 =	vtrunc.f32 v55;
	v1 =	vcvt.f32.s32 v53  }
0x1bf: {  	[tilespmem:$0x6390] =	vst v3;
	v3 =	vtrunc.f32 v58;
	v0 =	vcvt.f32.s32 v60  }
0x1c0: {  	v2 =	vtrunc.f32 v61;
	v62 =	vcvt.f32.s32 v3;
	[tilespmem:$0x63C0] =	vst v1  }
0x1c1: {  	v63 =	vcvt.f32.s32 v2;
	[tilespmem:$0x63D0] =	vst v0  }
0x1c2: {  	[tilespmem:$0x63E0] =	vst v62  }
0x1c3: {  	[tilespmem:$0x63F0] =	vst v63  }
0x1c4: {  	_ =	swait.ge [sflag:s1], $0x4000  }
0x1c5: {  	[sflag:s1] =	ssyncset.done $0x0  }
0x1c6: {  	s11 =	rddreg [dreg:$0xa];
	[sflag:s1] =	ssyncadd.s32 $0xFFFFC000  }
0x1c7: {  	[hbm4b:s11+s4] =	stream.linear.scatter [tilespmem:s22], [sflag:$0x7], $0x4000, $0x38;
	[tilespmem:$0x1E700] =	vst v63  }
0x1c8: {  	_ =	swait.ge [sflag:s21], $0x4000  }
0x1c9: {  	[sflag:s21] =	ssyncset.done $0x0  }
0x1ca: {  	s16 =	rddreg [dreg:$0xb];
	[sflag:s21] =	ssyncadd.s32 $0xFFFFC000  }
0x1cb: {  	[hbm4b:s16+s4] =	stream.linear.scatter [tilespmem:s24], [sflag:$0x8], $0x4000, $0x38;
	[tilespmem:$0x1E700] =	vst v63  }
0x1cc: {  	_ =	swait.ge [sflag:s23], $0x4000  }
0x1cd: {  	[sflag:s23] =	ssyncset.done $0x0  }
0x1ce: {  	s12 =	rddreg [dreg:$0xc];
	[sflag:s23] =	ssyncadd.s32 $0xFFFFC000  }
0x1cf: {  	[hbm4b:s12+s4] =	stream.linear.scatter [tilespmem:s26], [sflag:$0x9], $0x4000, $0x38;
	[tilespmem:$0x1E700] =	vst v63  }
0x1d0: {  	_ =	swait.ge [sflag:s25], $0x4000  }
0x1d1: {  	[sflag:s25] =	ssyncset.done $0x0  }
0x1d2: {  	s13 =	rddreg [dreg:$0xd];
	[sflag:s25] =	ssyncadd.s32 $0xFFFFC000  }
0x1d3: {  	[hbm4b:s13+s4] =	stream.linear.scatter [tilespmem:s29], [sflag:$0xA], $0x4000, $0x38;
	[tilespmem:$0x1E700] =	vst v63  }
0x1d4: {  	_ =	swait.ge [sflag:s28], $0x4000  }
0x1d5: {  	[sflag:s28] =	ssyncset.done $0x0  }
0x1d6: {  	s14 =	rddreg [dreg:$0xe];
	[sflag:s28] =	ssyncadd.s32 $0xFFFFC000  }
0x1d7: {  	[hbm4b:s14+s4] =	stream.linear.scatter [tilespmem:s31], [sflag:$0xB], $0x4000, $0x38;
	[tilespmem:$0x1E700] =	vst v63  }
0x1d8: {  	_ =	swait.ge [sflag:s30], $0x4000  }
0x1d9: {  	[sflag:s30] =	ssyncset.done $0x0  }
0x1da: {  	s16 =	rddreg [dreg:$0xf];
	[sflag:s30] =	ssyncadd.s32 $0xFFFFC000  }
0x1db: {  	[hbm4b:s16+s4] =	stream.linear.scatter [tilespmem:s0], [sflag:$0xC], $0x4000, $0x38;
	[tilespmem:$0x1E700] =	vst v63  }
0x1dc: {  	_ =	swait.ge [sflag:s2], $0x4000  }
0x1dd: {  	[sflag:s2] =	ssyncset.done $0x0  }
0x1de: {  	s12 =	simm.s32 $0x6200;
	[sflag:s2] =	ssyncadd.s32 $0xFFFFC000  }
0x1df: {  	[tilespmem:s22], [sflag:$0x1] =	stream.indirect.gather [spmem:s3], $0x80, s12, s20, $0xb8;
	[tilespmem:$0x1E700] =	vst v63  }
0x1e0: {  	_ =	swait.ge [sflag:s5], $0x4000  }
0x1e1: {  	[sflag:s5] =	ssyncset.done $0x0  }
0x1e2: {  	s13 =	simm.s32 $0x6280;
	[sflag:s5] =	ssyncadd.s32 $0xFFFFC000  }
0x1e3: {  	[tilespmem:s24], [sflag:$0x2] =	stream.indirect.gather [spmem:s3], $0x80, s13, s20, $0xb8;
	[tilespmem:$0x1E700] =	vst v63  }
0x1e4: {  	_ =	swait.ge [sflag:s6], $0x4000  }
0x1e5: {  	[sflag:s6] =	ssyncset.done $0x0  }
0x1e6: {  	s14 =	simm.s32 $0x6300;
	[sflag:s6] =	ssyncadd.s32 $0xFFFFC000  }
0x1e7: {  	[tilespmem:s26], [sflag:$0x3] =	stream.indirect.gather [spmem:s3], $0x80, s14, s20, $0xb8;
	[tilespmem:$0x1E700] =	vst v63  }
0x1e8: {  	_ =	swait.ge [sflag:s7], $0x4000  }
0x1e9: {  	[sflag:s7] =	ssyncset.done $0x0  }
0x1ea: {  	s16 =	simm.s32 $0x6380;
	[sflag:s7] =	ssyncadd.s32 $0xFFFFC000  }
0x1eb: {  	[tilespmem:s29], [sflag:$0x4] =	stream.indirect.gather [spmem:s3], $0x80, s16, s20, $0xb8;
	[tilespmem:$0x1E700] =	vst v63  }
0x1ec: {  	_ =	swait.ge [sflag:s1], $0x4000  }
0x1ed: {  	[sflag:s1] =	ssyncset.done $0x0  }
0x1ee: {  	s12 =	rddreg [dreg:$0x10];
	[sflag:s1] =	ssyncadd.s32 $0xFFFFC000  }
0x1ef: {  	[hbm4b:s12+s4] =	stream.linear.scatter [tilespmem:s22], [sflag:$0x7], $0x4000, $0x38;
	[tilespmem:$0x1E700] =	vst v63  }
0x1f0: {  	_ =	swait.ge [sflag:s21], $0x4000  }
0x1f1: {  	[sflag:s21] =	ssyncset.done $0x0  }
0x1f2: {  	s13 =	rddreg [dreg:$0x11];
	[sflag:s21] =	ssyncadd.s32 $0xFFFFC000  }
0x1f3: {  	[hbm4b:s13+s4] =	stream.linear.scatter [tilespmem:s24], [sflag:$0x8], $0x4000, $0x38;
	[tilespmem:$0x1E700] =	vst v63  }
0x1f4: {  	_ =	swait.ge [sflag:s23], $0x4000  }
0x1f5: {  	[sflag:s23] =	ssyncset.done $0x0  }
0x1f6: {  	s14 =	rddreg [dreg:$0x12];
	[sflag:s23] =	ssyncadd.s32 $0xFFFFC000  }
0x1f7: {  	[hbm4b:s14+s4] =	stream.linear.scatter [tilespmem:s26], [sflag:$0x9], $0x4000, $0x38;
	[tilespmem:$0x1E700] =	vst v63  }
0x1f8: {  	_ =	swait.ge [sflag:s25], $0x4000  }
0x1f9: {  	[sflag:s25] =	ssyncset.done $0x0  }
0x1fa: {  	s16 =	rddreg [dreg:$0x13];
	[sflag:s25] =	ssyncadd.s32 $0xFFFFC000  }
0x1fb: {  	[hbm4b:s16+s4] =	stream.linear.scatter [tilespmem:s29], [sflag:$0xA], $0x4000, $0x38;
	[tilespmem:$0x1E700] =	vst v63  }
0x1fc: {  	_ =	swait.ge [sflag:s8], $0x4000  }
0x1fd: {  	[sflag:s8] =	ssyncset.done $0x0  }
0x1fe: {  	[sflag:s8] =	ssyncadd.s32 $0xFFFFC000  }
0x1ff: {  	_ =	swait.ge [sflag:s9], $0x4000  }
0x200: {  	[sflag:s9] =	ssyncset.done $0x0  }
0x201: {  	[sflag:s9] =	ssyncadd.s32 $0xFFFFC000  }
0x202: {  	_ =	swait.ge [sflag:s2], $0x4000  }
0x203: {  	[sflag:s2] =	ssyncset.done $0x0  }
0x204: {  	[sflag:s2] =	ssyncadd.s32 $0xFFFFC000  }
0x205: {  	_ =	swait.ge [sflag:s5], $0x4000  }
0x206: {  	[sflag:s5] =	ssyncset.done $0x0  }
0x207: {  	s10 =	sadd.s32 $0x1, s10;
	[sflag:s5] =	ssyncadd.s32 $0xFFFFC000  }
0x208: {  	p1 =	sne.s32 s10, s17;
	_ =	swait.ge [sflag:s6], $0x4000  }
.Ltmp1:
0x209: {  	[sflag:s6] =	ssyncset.done $0x0;
	(pc) =	sbr.rel @p1 .LBB2_1-.Ltmp1, $4  }
0x20a: {  	[sflag:s6] =	ssyncadd.s32 $0xFFFFC000  }
0x20b: {  	_ =	swait.ge [sflag:s7], $0x4000  }
0x20c: {  	[sflag:s7] =	ssyncset.done $0x0  }
0x20d: {  	[sflag:s7] =	ssyncadd.s32 $0xFFFFC000  }
0x20e: {  	_ =	sfence.sel $0x180000  }
0x20f: {  	[bflag:$0x0] =	sbarrier.arrive $0xFFFF  }
0x210: {  	_ =	strace $0x90000047  }
0x211: {  	[bflag:$0x2] =	sbarrier.arrive $0xFFFF  }
0x212: {  	s0 =	rddreg [dreg:$0x4]  }
0x213: {  	s0 =	sadd.s32 @!p0 $0x100000, s0  }
0x214: {  	[sflag:s0] =	ssyncadd.tile.s32 @!p0 $0x1;
	_ =	shalt  }
.Lfunc_end2:
_tile_overlayer_lowered:
.L_overlay_start_2:
0x215: {  	(tag) =	ssettag $0x2  }
0x216: {  	s0 =	rddreg [dreg:$0x0];
	s2 =	stileid.u32  }
0x217: {  	s1 =	rddreg [dreg:$0x1];
	p0 =	sne.s32 s2, $0x0  }
0x218: {  	s3 =	rddreg [dreg:$0x2];
	[bflag:$0x3] =	sbarrier.arrive $0xFFFF;
	s2 =	simm.s32 @!p0 $0x1C0E  }
0x219: {  	[timem:s3], [sflag:s2] =	dma.local @!p0 [hbm:s0], s1  }
0x21a: {  	s0 =	simm.s32 @!p0 $0xE  }
0x21b: {  	_ =	swait.ge @!p0 [sflag:s0], s1  }
0x21c: {  	s1 =	ssub.s32 @!p0 $0x0, s1;
	[sflag:s0] =	ssyncset.done @!p0 $0x0  }
0x21d: {  	[sflag:s0] =	ssyncadd.s32 @!p0 s1  }
0x21e: {  	[bflag:$0x3] =	sbarrier.arrive $0xFFFF  }
0x21f: {  	_ =	shalt  }

</sc_bundles>
